<compile_context>
chip_gen: v7x
topology: tpu7x:2x2x1
jax: 0.10.2.dev20260603
libtpu: 0.0.44.dev20260713+nightly
codegen_flags: <defaults>
</compile_context>

<pallas_src>
import jax
import jax.numpy as jnp
from jax import lax
from jax.experimental import pallas as pl
from jax.experimental.pallas import tpu as pltpu
from jax.experimental.pallas import tpu_sc as plsc

_N = 320000
_G = 10000
_GP = 10240
_NC = 2
_NS = 16
_NW = _NC * _NS
_R = _N // _NW
_CH = 128
_NCH = _R // _CH
_TAIL = _R - _NCH * _CH
_D = 6
_STRIPE = _GP // _NS
_ACC = _GP + 16


def _sc_body(xflat, batch, part_out,
             ids_v, idx_v, col_v, tcol_v, acc_v, acc_n, shr_v, shr_n, red_v,
             sem0, sem1, sem2, sem3, sem4, sem5, semt, semi):
    sems = (sem0, sem1, sem2, sem3, sem4, sem5)
    cid = lax.axis_index("c")
    sid = lax.axis_index("s")
    base = (cid * _NS + sid) * _R

    ids_cp = pltpu.make_async_copy(batch.at[pl.ds(base, _R)], ids_v.at[pl.ds(0, _R)], semi)
    ids_cp.start()

    iota = lax.iota(jnp.int32, 16)
    for k in range(_CH // 16):
        idx_v[pl.ds(k * 16, 16)] = (iota + k * 16) * 128

    def _chunk_src(c):
        return xflat.at[pl.ds((base + c * _CH) * 128, _CH * 128)].at[idx_v]

    tail_cp = pltpu.make_async_copy(
        xflat.at[pl.ds((base + _NCH * _CH) * 128, _TAIL * 128)].at[idx_v.at[pl.ds(0, _TAIL)]],
        tcol_v, semt)
    tail_cp.start()

    zero = jnp.zeros((16,), jnp.float32)

    def _zero(j, carry):
        acc_v[pl.ds(j * 16, 16)] = zero
        acc_n[pl.ds(j * 16, 16)] = zero
        return carry

    lax.fori_loop(0, _ACC // 16, _zero, 0, unroll=8)

    def _chunk_copy(c, slot):
        return pltpu.make_async_copy(
            _chunk_src(c), col_v.at[pl.ds(slot * _CH, _CH)], sems[slot])

    for s in range(_D):
        _chunk_copy(s, s).start()

    ids_cp.wait()

    not_last = iota < 15
    is_last = iota >= 15
    p1c = (iota + 1).astype(jnp.float32)
    np1c = -p1c

    def _accum16(pos_ids, pos_col, vals_ref):
        ids = ids_v[pl.ds(pos_ids, 16)]
        idsn = ids_v[pl.ds(pos_ids + 1, 16)]
        vals = vals_ref[pl.ds(pos_col, 16)]
        c = plsc.cumsum(vals)
        m = ids != idsn
        mp = m | is_last
        mm = m & not_last
        plsc.addupdate_scatter(acc_v, [ids], c, mask=mp)
        plsc.addupdate_scatter(acc_v, [idsn], -c, mask=mm)
        plsc.addupdate_scatter(acc_n, [ids], p1c, mask=mp)
        plsc.addupdate_scatter(acc_n, [idsn], np1c, mask=mm)

    def _round(i, carry):
        c0 = i * _D
        for s in range(_D):
            c = c0 + s
            _chunk_copy(c, s).wait()
            for k in range(_CH // 16):
                _accum16(c * _CH + k * 16, s * _CH + k * 16, col_v)

            @pl.when(c + _D < _NCH)
            def _f():
                _chunk_copy(c + _D, s).start()
        return carry

    lax.fori_loop(0, _NCH // _D, _round, 0)

    tail_cp.wait()
    _accum16(_NCH * _CH, 0, tcol_v)

    pltpu.sync_copy(acc_v.at[pl.ds(0, _GP)], shr_v.at[sid])
    pltpu.sync_copy(acc_n.at[pl.ds(0, _GP)], shr_n.at[sid])
    plsc.subcore_barrier()

    off = sid * _STRIPE

    def _stripe_reduce(shr, acc):
        pltpu.sync_copy(shr.at[:, pl.ds(off, _STRIPE)], red_v)

        def _red(g, carry):
            s = red_v[0, pl.ds(g * 16, 16)]
            for r in range(1, _NS):
                s = s + red_v[r, pl.ds(g * 16, 16)]
            acc[pl.ds(g * 16, 16)] = s
            return carry

        lax.fori_loop(0, _STRIPE // 16, _red, 0, unroll=4)

    _stripe_reduce(shr_v, acc_v)
    _stripe_reduce(shr_n, acc_n)
    out_off = cid * _GP + off
    pltpu.sync_copy(acc_v.at[pl.ds(0, _STRIPE)], part_out.at[pl.ds(out_off, _STRIPE)])
    pltpu.sync_copy(acc_n.at[pl.ds(0, _STRIPE)], part_out.at[pl.ds(2 * _GP + out_off, _STRIPE)])


_sc_call = pl.kernel(
    _sc_body,
    out_type=jax.ShapeDtypeStruct((2 * _NC * _GP,), jnp.float32),
    mesh=plsc.VectorSubcoreMesh(core_axis_name="c", subcore_axis_name="s"),
    compiler_params=pltpu.CompilerParams(needs_layout_passes=False,
                                         skip_device_barrier=True),
    scratch_types=[
        pltpu.VMEM((_R + 16,), jnp.int32),
        pltpu.VMEM((_CH,), jnp.int32),
        pltpu.VMEM((_D * _CH,), jnp.float32),
        pltpu.VMEM((_TAIL,), jnp.float32),
        pltpu.VMEM((_ACC,), jnp.float32),
        pltpu.VMEM((_ACC,), jnp.float32),
        pltpu.VMEM_SHARED((_NS, _GP), jnp.float32),
        pltpu.VMEM_SHARED((_NS, _GP), jnp.float32),
        pltpu.VMEM((_NS, _STRIPE), jnp.float32),
        pltpu.SemaphoreType.DMA,
        pltpu.SemaphoreType.DMA,
        pltpu.SemaphoreType.DMA,
        pltpu.SemaphoreType.DMA,
        pltpu.SemaphoreType.DMA,
        pltpu.SemaphoreType.DMA,
        pltpu.SemaphoreType.DMA,
        pltpu.SemaphoreType.DMA,
    ],
)


def _merge_body(p_ref, o_ref):
    o_ref[...] = (p_ref[0] + p_ref[1]) / (p_ref[2] + p_ref[3])


def kernel(x, batch):
    xflat = x.reshape(-1)
    ids = batch.astype(jnp.int32)
    parts = _sc_call(xflat, ids)
    means = pl.pallas_call(
        _merge_body,
        out_shape=jax.ShapeDtypeStruct((_GP // 128, 128), jnp.float32),
    )(parts.reshape(2 * _NC, _GP // 128, 128))
    return means.reshape(_GP)[:_G][:, None]

# --- scband reference (transcript-rebuilt; emitter-appended) ---
"""Pipeline reference for scband-batch-only-model-60919816127158 (READ-ONLY COPY).

The authoritative reference and input builder live on the scoring server;
editing this copy changes nothing except your own understanding.
"""

import jax, jax.numpy as jnp
import numpy as np


def setup_inputs(seed: int = 0) -> dict:
    key = jax.random.key(seed)
    kx, kb = jax.random.split(key)
    x = jax.random.normal(kx, (320000, 128), dtype=jnp.float32)
    batch = jnp.sort(jax.random.randint(kb, (320000,), 0, 10000, dtype=jnp.int64))
    return {"x": x, "batch": batch}


def reference(x, batch):
    # Faithful to _BatchOnlyModel.forward: per-graph mean of the first feature column.
    # Original loops over graphs computing x[b == idx, 0].mean(); here expressed as
    # segment_sum / segment_count which is mathematically identical.
    if batch.size > 0:
        n_graphs = 10000
    else:
        n_graphs = 1
    col = x[:, 0]
    sums = jax.ops.segment_sum(col, batch, num_segments=n_graphs)
    counts = jax.ops.segment_sum(jnp.ones((x.shape[0],), dtype=x.dtype), batch, num_segments=n_graphs)
    out = (sums / counts)[:, None]
    return out

if __name__ == "__main__":
    import jax
    _d = setup_inputs()
    print(jax.jit(kernel)(*tuple(_d.values())))

</pallas_src>

<mosaic_0001>
#map = affine_map<(d0, d1) -> (0)>
module attributes {stable_mosaic.version = 14 : i64} {
  func.func @_sc_body(%arg0: i32, %arg1: i32, %arg2: memref<40960000xf32, #tpu.memory_space<hbm>>, %arg3: memref<320000xi32, #tpu.memory_space<hbm>>, %arg4: memref<40960xf32, #tpu.memory_space<hbm>>, %arg5: memref<10016xi32, #tpu.memory_space<vmem>>, %arg6: memref<128xi32, #tpu.memory_space<vmem>>, %arg7: memref<768xf32, #tpu.memory_space<vmem>>, %arg8: memref<16xf32, #tpu.memory_space<vmem>>, %arg9: memref<10256xf32, #tpu.memory_space<vmem>>, %arg10: memref<10256xf32, #tpu.memory_space<vmem>>, %arg11: memref<16x10240xf32, #tpu.memory_space<vmem_shared>>, %arg12: memref<16x10240xf32, #tpu.memory_space<vmem_shared>>, %arg13: memref<16x640xf32, #tpu.memory_space<vmem>>, %arg14: memref<!tpu.dma_semaphore, #tpu.memory_space<semaphore_mem>>, %arg15: memref<!tpu.dma_semaphore, #tpu.memory_space<semaphore_mem>>, %arg16: memref<!tpu.dma_semaphore, #tpu.memory_space<semaphore_mem>>, %arg17: memref<!tpu.dma_semaphore, #tpu.memory_space<semaphore_mem>>, %arg18: memref<!tpu.dma_semaphore, #tpu.memory_space<semaphore_mem>>, %arg19: memref<!tpu.dma_semaphore, #tpu.memory_space<semaphore_mem>>, %arg20: memref<!tpu.dma_semaphore, #tpu.memory_space<semaphore_mem>>, %arg21: memref<!tpu.dma_semaphore, #tpu.memory_space<semaphore_mem>>) attributes {dimension_semantics = [#tpu.dimension_semantics<core_parallel>, #tpu.dimension_semantics<subcore_parallel>], iteration_bounds = array<i64: 2, 16>, scalar_prefetch = 0 : i64, scratch_operands = 17 : i64, tpu.core_type = #tpu.core_type<sc_vector_subcore>, window_params = [{transform_indices = #map}, {transform_indices = #map}, {transform_indices = #map}]} {
    %mul3A = arith.constant 16 : i32
    %mul3A_0 = arith.muli %arg0, %mul3A : i32
    %add3A = arith.addi %mul3A_0, %arg1 : i32
    %mul3A_1 = arith.constant 10000 : i32
    %mul3A_2 = arith.muli %add3A, %mul3A_1 : i32
    %dma_start3A = arith.constant 0 : i32
    %dma_start3A_3 = tpu.memref_slice %arg5[%dma_start3A] : memref<10016xi32, #tpu.memory_space<vmem>> -> memref<10000xi32, #tpu.memory_space<vmem>>
    %dma_start3A_4 = tpu.memref_slice %arg3[%mul3A_2] : memref<320000xi32, #tpu.memory_space<hbm>> -> memref<10000xi32, #tpu.memory_space<hbm>>
    %dma_start3A_5 = arith.constant 0 : i32
    %dma_start3A_6 = tpu.memref_slice %arg5[%dma_start3A_5] : memref<10016xi32, #tpu.memory_space<vmem>> -> memref<10000xi32, #tpu.memory_space<vmem>>
    %dma_start3A_7 = tpu.memref_slice %arg3[%mul3A_2] : memref<320000xi32, #tpu.memory_space<hbm>> -> memref<10000xi32, #tpu.memory_space<hbm>>
    tpu.enqueue_dma source(%dma_start3A_7 : memref<10000xi32, #tpu.memory_space<hbm>>) target(%dma_start3A_6 : memref<10000xi32, #tpu.memory_space<vmem>>) target_semaphore(%arg21 : memref<!tpu.dma_semaphore, #tpu.memory_space<semaphore_mem>>)
    %iota3A = tpu.iota {dimensions = array<i32: 0>} : vector<16xi32>
    %add3A_8 = arith.constant 0 : i32
    %add3A_9 = vector.broadcast %add3A_8 : i32 to vector<16xi32>
    %add3A_10 = arith.addi %iota3A, %add3A_9 : vector<16xi32>
    %mul3A_11 = arith.constant 128 : i32
    %mul3A_12 = vector.broadcast %mul3A_11 : i32 to vector<16xi32>
    %mul3A_13 = arith.muli %add3A_10, %mul3A_12 : vector<16xi32>
    %swap3A = arith.constant 0 : index
    %swap3A_14 = tpu.vector_load %arg6[%swap3A] {strides = array<i32>} : memref<128xi32, #tpu.memory_space<vmem>>, vector<16xi32>,
    tpu.vector_store %arg6[%swap3A], %mul3A_13 {strides = array<i32>} : memref<128xi32, #tpu.memory_space<vmem>>, vector<16xi32>,
    %add3A_15 = arith.constant 16 : i32
    %add3A_16 = vector.broadcast %add3A_15 : i32 to vector<16xi32>
    %add3A_17 = arith.addi %iota3A, %add3A_16 : vector<16xi32>
    %mul3A_18 = arith.constant 128 : i32
    %mul3A_19 = vector.broadcast %mul3A_18 : i32 to vector<16xi32>
    %mul3A_20 = arith.muli %add3A_17, %mul3A_19 : vector<16xi32>
    %swap3A_21 = arith.constant 16 : index
    %swap3A_22 = tpu.vector_load %arg6[%swap3A_21] {strides = array<i32>} : memref<128xi32, #tpu.memory_space<vmem>>, vector<16xi32>,
    tpu.vector_store %arg6[%swap3A_21], %mul3A_20 {strides = array<i32>} : memref<128xi32, #tpu.memory_space<vmem>>, vector<16xi32>,
    %add3A_23 = arith.constant 32 : i32
    %add3A_24 = vector.broadcast %add3A_23 : i32 to vector<16xi32>
    %add3A_25 = arith.addi %iota3A, %add3A_24 : vector<16xi32>
    %mul3A_26 = arith.constant 128 : i32
    %mul3A_27 = vector.broadcast %mul3A_26 : i32 to vector<16xi32>
    %mul3A_28 = arith.muli %add3A_25, %mul3A_27 : vector<16xi32>
    %swap3A_29 = arith.constant 32 : index
    %swap3A_30 = tpu.vector_load %arg6[%swap3A_29] {strides = array<i32>} : memref<128xi32, #tpu.memory_space<vmem>>, vector<16xi32>,
    tpu.vector_store %arg6[%swap3A_29], %mul3A_28 {strides = array<i32>} : memref<128xi32, #tpu.memory_space<vmem>>, vector<16xi32>,
    %add3A_31 = arith.constant 48 : i32
    %add3A_32 = vector.broadcast %add3A_31 : i32 to vector<16xi32>
    %add3A_33 = arith.addi %iota3A, %add3A_32 : vector<16xi32>
    %mul3A_34 = arith.constant 128 : i32
    %mul3A_35 = vector.broadcast %mul3A_34 : i32 to vector<16xi32>
    %mul3A_36 = arith.muli %add3A_33, %mul3A_35 : vector<16xi32>
    %swap3A_37 = arith.constant 48 : index
    %swap3A_38 = tpu.vector_load %arg6[%swap3A_37] {strides = array<i32>} : memref<128xi32, #tpu.memory_space<vmem>>, vector<16xi32>,
    tpu.vector_store %arg6[%swap3A_37], %mul3A_36 {strides = array<i32>} : memref<128xi32, #tpu.memory_space<vmem>>, vector<16xi32>,
    %add3A_39 = arith.constant 64 : i32
    %add3A_40 = vector.broadcast %add3A_39 : i32 to vector<16xi32>
    %add3A_41 = arith.addi %iota3A, %add3A_40 : vector<16xi32>
    %mul3A_42 = arith.constant 128 : i32
    %mul3A_43 = vector.broadcast %mul3A_42 : i32 to vector<16xi32>
    %mul3A_44 = arith.muli %add3A_41, %mul3A_43 : vector<16xi32>
    %swap3A_45 = arith.constant 64 : index
    %swap3A_46 = tpu.vector_load %arg6[%swap3A_45] {strides = array<i32>} : memref<128xi32, #tpu.memory_space<vmem>>, vector<16xi32>,
    tpu.vector_store %arg6[%swap3A_45], %mul3A_44 {strides = array<i32>} : memref<128xi32, #tpu.memory_space<vmem>>, vector<16xi32>,
    %add3A_47 = arith.constant 80 : i32
    %add3A_48 = vector.broadcast %add3A_47 : i32 to vector<16xi32>
    %add3A_49 = arith.addi %iota3A, %add3A_48 : vector<16xi32>
    %mul3A_50 = arith.constant 128 : i32
    %mul3A_51 = vector.broadcast %mul3A_50 : i32 to vector<16xi32>
    %mul3A_52 = arith.muli %add3A_49, %mul3A_51 : vector<16xi32>
    %swap3A_53 = arith.constant 80 : index
    %swap3A_54 = tpu.vector_load %arg6[%swap3A_53] {strides = array<i32>} : memref<128xi32, #tpu.memory_space<vmem>>, vector<16xi32>,
    tpu.vector_store %arg6[%swap3A_53], %mul3A_52 {strides = array<i32>} : memref<128xi32, #tpu.memory_space<vmem>>, vector<16xi32>,
    %add3A_55 = arith.constant 96 : i32
    %add3A_56 = vector.broadcast %add3A_55 : i32 to vector<16xi32>
    %add3A_57 = arith.addi %iota3A, %add3A_56 : vector<16xi32>
    %mul3A_58 = arith.constant 128 : i32
    %mul3A_59 = vector.broadcast %mul3A_58 : i32 to vector<16xi32>
    %mul3A_60 = arith.muli %add3A_57, %mul3A_59 : vector<16xi32>
    %swap3A_61 = arith.constant 96 : index
    %swap3A_62 = tpu.vector_load %arg6[%swap3A_61] {strides = array<i32>} : memref<128xi32, #tpu.memory_space<vmem>>, vector<16xi32>,
    tpu.vector_store %arg6[%swap3A_61], %mul3A_60 {strides = array<i32>} : memref<128xi32, #tpu.memory_space<vmem>>, vector<16xi32>,
    %add3A_63 = arith.constant 112 : i32
    %add3A_64 = vector.broadcast %add3A_63 : i32 to vector<16xi32>
    %add3A_65 = arith.addi %iota3A, %add3A_64 : vector<16xi32>
    %mul3A_66 = arith.constant 128 : i32
    %mul3A_67 = vector.broadcast %mul3A_66 : i32 to vector<16xi32>
    %mul3A_68 = arith.muli %add3A_65, %mul3A_67 : vector<16xi32>
    %swap3A_69 = arith.constant 112 : index
    %swap3A_70 = tpu.vector_load %arg6[%swap3A_69] {strides = array<i32>} : memref<128xi32, #tpu.memory_space<vmem>>, vector<16xi32>,
    tpu.vector_store %arg6[%swap3A_69], %mul3A_68 {strides = array<i32>} : memref<128xi32, #tpu.memory_space<vmem>>, vector<16xi32>,
    %add3A_71 = arith.constant 9984 : i32
    %add3A_72 = arith.addi %mul3A_2, %add3A_71 : i32
    %mul3A_73 = arith.constant 128 : i32
    %mul3A_74 = arith.muli %add3A_72, %mul3A_73 : i32
    %dma_start3A_75 = arith.constant 0 : i32
    %dma_start3A_76 = tpu.memref_slice %arg6[%dma_start3A_75] : memref<128xi32, #tpu.memory_space<vmem>> -> memref<16xi32, #tpu.memory_space<vmem>>
    %dma_start3A_77 = tpu.memref_slice %arg2[%mul3A_74] : memref<40960000xf32, #tpu.memory_space<hbm>> -> memref<2048xf32, #tpu.memory_space<hbm>>
    %dma_start3A_78 = arith.constant 0 : i32
    %dma_start3A_79 = tpu.memref_slice %dma_start3A_77[%dma_start3A_78] : memref<2048xf32, #tpu.memory_space<hbm>> -> memref<2048xf32, #tpu.memory_space<hbm>>
    tpu.enqueue_indirect_dma source(%dma_start3A_79 : memref<2048xf32, #tpu.memory_space<hbm>>) target(%arg8 : memref<16xf32, #tpu.memory_space<vmem>>) offsets(%dma_start3A_76 : memref<16xi32, #tpu.memory_space<vmem>>) semaphore(%arg20 : memref<!tpu.dma_semaphore, #tpu.memory_space<semaphore_mem>>)
    %broadcast_in_dim3A = arith.constant 0.000000e+00 : f32
    %broadcast_in_dim3A_80 = vector.broadcast %broadcast_in_dim3A : f32 to vector<16xf32>
    %scan3A = arith.constant 0 : i32
    %scan3A_81 = arith.constant 0 : i32
    %scan3A_82 = arith.constant 640 : i32
    %scan3A_83 = arith.addi %scan3A_81, %scan3A_82 : i32
    %scan3A_84 = arith.constant 8 : i32
    scf.for %scan3A_204 = %scan3A_81 to %scan3A_83 step %scan3A_84  : i32 {
      %mul3A_205 = arith.constant 16 : i32
      %mul3A_206 = arith.muli %scan3A_204, %mul3A_205 : i32
      %swap3A_207 = arith.index_cast %mul3A_206 : i32 to index
      %swap3A_208 = tpu.vector_load %arg9[%swap3A_207] {strides = array<i32>} : memref<10256xf32, #tpu.memory_space<vmem>>, vector<16xf32>,
      tpu.vector_store %arg9[%swap3A_207], %broadcast_in_dim3A_80 {strides = array<i32>} : memref<10256xf32, #tpu.memory_space<vmem>>, vector<16xf32>,
      %mul3A_209 = arith.constant 16 : i32
      %mul3A_210 = arith.muli %scan3A_204, %mul3A_209 : i32
      %swap3A_211 = arith.index_cast %mul3A_210 : i32 to index
      %swap3A_212 = tpu.vector_load %arg10[%swap3A_211] {strides = array<i32>} : memref<10256xf32, #tpu.memory_space<vmem>>, vector<16xf32>,
      tpu.vector_store %arg10[%swap3A_211], %broadcast_in_dim3A_80 {strides = array<i32>} : memref<10256xf32, #tpu.memory_space<vmem>>, vector<16xf32>,
      %scan3A_213 = arith.constant 1 : i32
      %scan3A_214 = arith.addi %scan3A_204, %scan3A_213 : i32
      %mul3A_215 = arith.constant 16 : i32
      %mul3A_216 = arith.muli %scan3A_214, %mul3A_215 : i32
      %swap3A_217 = arith.index_cast %mul3A_216 : i32 to index
      %swap3A_218 = tpu.vector_load %arg9[%swap3A_217] {strides = array<i32>} : memref<10256xf32, #tpu.memory_space<vmem>>, vector<16xf32>,
      tpu.vector_store %arg9[%swap3A_217], %broadcast_in_dim3A_80 {strides = array<i32>} : memref<10256xf32, #tpu.memory_space<vmem>>, vector<16xf32>,
      %mul3A_219 = arith.constant 16 : i32
      %mul3A_220 = arith.muli %scan3A_214, %mul3A_219 : i32
      %swap3A_221 = arith.index_cast %mul3A_220 : i32 to index
      %swap3A_222 = tpu.vector_load %arg10[%swap3A_221] {strides = array<i32>} : memref<10256xf32, #tpu.memory_space<vmem>>, vector<16xf32>,
      tpu.vector_store %arg10[%swap3A_221], %broadcast_in_dim3A_80 {strides = array<i32>} : memref<10256xf32, #tpu.memory_space<vmem>>, vector<16xf32>,
      %scan3A_223 = arith.constant 2 : i32
      %scan3A_224 = arith.addi %scan3A_204, %scan3A_223 : i32
      %mul3A_225 = arith.constant 16 : i32
      %mul3A_226 = arith.muli %scan3A_224, %mul3A_225 : i32
      %swap3A_227 = arith.index_cast %mul3A_226 : i32 to index
      %swap3A_228 = tpu.vector_load %arg9[%swap3A_227] {strides = array<i32>} : memref<10256xf32, #tpu.memory_space<vmem>>, vector<16xf32>,
      tpu.vector_store %arg9[%swap3A_227], %broadcast_in_dim3A_80 {strides = array<i32>} : memref<10256xf32, #tpu.memory_space<vmem>>, vector<16xf32>,
      %mul3A_229 = arith.constant 16 : i32
      %mul3A_230 = arith.muli %scan3A_224, %mul3A_229 : i32
      %swap3A_231 = arith.index_cast %mul3A_230 : i32 to index
      %swap3A_232 = tpu.vector_load %arg10[%swap3A_231] {strides = array<i32>} : memref<10256xf32, #tpu.memory_space<vmem>>, vector<16xf32>,
      tpu.vector_store %arg10[%swap3A_231], %broadcast_in_dim3A_80 {strides = array<i32>} : memref<10256xf32, #tpu.memory_space<vmem>>, vector<16xf32>,
      %scan3A_233 = arith.constant 3 : i32
      %scan3A_234 = arith.addi %scan3A_204, %scan3A_233 : i32
      %mul3A_235 = arith.constant 16 : i32
      %mul3A_236 = arith.muli %scan3A_234, %mul3A_235 : i32
      %swap3A_237 = arith.index_cast %mul3A_236 : i32 to index
      %swap3A_238 = tpu.vector_load %arg9[%swap3A_237] {strides = array<i32>} : memref<10256xf32, #tpu.memory_space<vmem>>, vector<16xf32>,
      tpu.vector_store %arg9[%swap3A_237], %broadcast_in_dim3A_80 {strides = array<i32>} : memref<10256xf32, #tpu.memory_space<vmem>>, vector<16xf32>,
      %mul3A_239 = arith.constant 16 : i32
      %mul3A_240 = arith.muli %scan3A_234, %mul3A_239 : i32
      %swap3A_241 = arith.index_cast %mul3A_240 : i32 to index
      %swap3A_242 = tpu.vector_load %arg10[%swap3A_241] {strides = array<i32>} : memref<10256xf32, #tpu.memory_space<vmem>>, vector<16xf32>,
      tpu.vector_store %arg10[%swap3A_241], %broadcast_in_dim3A_80 {strides = array<i32>} : memref<10256xf32, #tpu.memory_space<vmem>>, vector<16xf32>,
      %scan3A_243 = arith.constant 4 : i32
      %scan3A_244 = arith.addi %scan3A_204, %scan3A_243 : i32
      %mul3A_245 = arith.constant 16 : i32
      %mul3A_246 = arith.muli %scan3A_244, %mul3A_245 : i32
      %swap3A_247 = arith.index_cast %mul3A_246 : i32 to index
      %swap3A_248 = tpu.vector_load %arg9[%swap3A_247] {strides = array<i32>} : memref<10256xf32, #tpu.memory_space<vmem>>, vector<16xf32>,
      tpu.vector_store %arg9[%swap3A_247], %broadcast_in_dim3A_80 {strides = array<i32>} : memref<10256xf32, #tpu.memory_space<vmem>>, vector<16xf32>,
      %mul3A_249 = arith.constant 16 : i32
      %mul3A_250 = arith.muli %scan3A_244, %mul3A_249 : i32
      %swap3A_251 = arith.index_cast %mul3A_250 : i32 to index
      %swap3A_252 = tpu.vector_load %arg10[%swap3A_251] {strides = array<i32>} : memref<10256xf32, #tpu.memory_space<vmem>>, vector<16xf32>,
      tpu.vector_store %arg10[%swap3A_251], %broadcast_in_dim3A_80 {strides = array<i32>} : memref<10256xf32, #tpu.memory_space<vmem>>, vector<16xf32>,
      %scan3A_253 = arith.constant 5 : i32
      %scan3A_254 = arith.addi %scan3A_204, %scan3A_253 : i32
      %mul3A_255 = arith.constant 16 : i32
      %mul3A_256 = arith.muli %scan3A_254, %mul3A_255 : i32
      %swap3A_257 = arith.index_cast %mul3A_256 : i32 to index
      %swap3A_258 = tpu.vector_load %arg9[%swap3A_257] {strides = array<i32>} : memref<10256xf32, #tpu.memory_space<vmem>>, vector<16xf32>,
      tpu.vector_store %arg9[%swap3A_257], %broadcast_in_dim3A_80 {strides = array<i32>} : memref<10256xf32, #tpu.memory_space<vmem>>, vector<16xf32>,
      %mul3A_259 = arith.constant 16 : i32
      %mul3A_260 = arith.muli %scan3A_254, %mul3A_259 : i32
      %swap3A_261 = arith.index_cast %mul3A_260 : i32 to index
      %swap3A_262 = tpu.vector_load %arg10[%swap3A_261] {strides = array<i32>} : memref<10256xf32, #tpu.memory_space<vmem>>, vector<16xf32>,
      tpu.vector_store %arg10[%swap3A_261], %broadcast_in_dim3A_80 {strides = array<i32>} : memref<10256xf32, #tpu.memory_space<vmem>>, vector<16xf32>,
      %scan3A_263 = arith.constant 6 : i32
      %scan3A_264 = arith.addi %scan3A_204, %scan3A_263 : i32
      %mul3A_265 = arith.constant 16 : i32
      %mul3A_266 = arith.muli %scan3A_264, %mul3A_265 : i32
      %swap3A_267 = arith.index_cast %mul3A_266 : i32 to index
      %swap3A_268 = tpu.vector_load %arg9[%swap3A_267] {strides = array<i32>} : memref<10256xf32, #tpu.memory_space<vmem>>, vector<16xf32>,
      tpu.vector_store %arg9[%swap3A_267], %broadcast_in_dim3A_80 {strides = array<i32>} : memref<10256xf32, #tpu.memory_space<vmem>>, vector<16xf32>,
      %mul3A_269 = arith.constant 16 : i32
      %mul3A_270 = arith.muli %scan3A_264, %mul3A_269 : i32
      %swap3A_271 = arith.index_cast %mul3A_270 : i32 to index
      %swap3A_272 = tpu.vector_load %arg10[%swap3A_271] {strides = array<i32>} : memref<10256xf32, #tpu.memory_space<vmem>>, vector<16xf32>,
      tpu.vector_store %arg10[%swap3A_271], %broadcast_in_dim3A_80 {strides = array<i32>} : memref<10256xf32, #tpu.memory_space<vmem>>, vector<16xf32>,
      %scan3A_273 = arith.constant 7 : i32
      %scan3A_274 = arith.addi %scan3A_204, %scan3A_273 : i32
      %mul3A_275 = arith.constant 16 : i32
      %mul3A_276 = arith.muli %scan3A_274, %mul3A_275 : i32
      %swap3A_277 = arith.index_cast %mul3A_276 : i32 to index
      %swap3A_278 = tpu.vector_load %arg9[%swap3A_277] {strides = array<i32>} : memref<10256xf32, #tpu.memory_space<vmem>>, vector<16xf32>,
      tpu.vector_store %arg9[%swap3A_277], %broadcast_in_dim3A_80 {strides = array<i32>} : memref<10256xf32, #tpu.memory_space<vmem>>, vector<16xf32>,
      %mul3A_279 = arith.constant 16 : i32
      %mul3A_280 = arith.muli %scan3A_274, %mul3A_279 : i32
      %swap3A_281 = arith.index_cast %mul3A_280 : i32 to index
      %swap3A_282 = tpu.vector_load %arg10[%swap3A_281] {strides = array<i32>} : memref<10256xf32, #tpu.memory_space<vmem>>, vector<16xf32>,
      tpu.vector_store %arg10[%swap3A_281], %broadcast_in_dim3A_80 {strides = array<i32>} : memref<10256xf32, #tpu.memory_space<vmem>>, vector<16xf32>,
    }
    %scan3A_85 = arith.constant 640 : i32
    %scan3A_86 = arith.addi %scan3A_81, %scan3A_85 : i32
    %mul3A_87 = arith.constant 16 : i32
    %mul3A_88 = arith.muli %scan3A_86, %mul3A_87 : i32
    %swap3A_89 = arith.index_cast %mul3A_88 : i32 to index
    %swap3A_90 = tpu.vector_load %arg9[%swap3A_89] {strides = array<i32>} : memref<10256xf32, #tpu.memory_space<vmem>>, vector<16xf32>,
    tpu.vector_store %arg9[%swap3A_89], %broadcast_in_dim3A_80 {strides = array<i32>} : memref<10256xf32, #tpu.memory_space<vmem>>, vector<16xf32>,
    %mul3A_91 = arith.constant 16 : i32
    %mul3A_92 = arith.muli %scan3A_86, %mul3A_91 : i32
    %swap3A_93 = arith.index_cast %mul3A_92 : i32 to index
    %swap3A_94 = tpu.vector_load %arg10[%swap3A_93] {strides = array<i32>} : memref<10256xf32, #tpu.memory_space<vmem>>, vector<16xf32>,
    tpu.vector_store %arg10[%swap3A_93], %broadcast_in_dim3A_80 {strides = array<i32>} : memref<10256xf32, #tpu.memory_space<vmem>>, vector<16xf32>,
    %scan3A_95 = arith.constant 641 : i32
    %add3A_96 = arith.constant 0 : i32
    %add3A_97 = arith.addi %mul3A_2, %add3A_96 : i32
    %mul3A_98 = arith.constant 128 : i32
    %mul3A_99 = arith.muli %add3A_97, %mul3A_98 : i32
    %dma_start3A_100 = arith.constant 0 : i32
    %dma_start3A_101 = tpu.memref_slice %arg7[%dma_start3A_100] : memref<768xf32, #tpu.memory_space<vmem>> -> memref<128xf32, #tpu.memory_space<vmem>>
    %dma_start3A_102 = tpu.memref_slice %arg2[%mul3A_99] : memref<40960000xf32, #tpu.memory_space<hbm>> -> memref<16384xf32, #tpu.memory_space<hbm>>
    %dma_start3A_103 = arith.constant 0 : i32
    %dma_start3A_104 = tpu.memref_slice %dma_start3A_102[%dma_start3A_103] : memref<16384xf32, #tpu.memory_space<hbm>> -> memref<16384xf32, #tpu.memory_space<hbm>>
    tpu.enqueue_indirect_dma source(%dma_start3A_104 : memref<16384xf32, #tpu.memory_space<hbm>>) target(%dma_start3A_101 : memref<128xf32, #tpu.memory_space<vmem>>) offsets(%arg6 : memref<128xi32, #tpu.memory_space<vmem>>) semaphore(%arg14 : memref<!tpu.dma_semaphore, #tpu.memory_space<semaphore_mem>>)
    %add3A_105 = arith.constant 128 : i32
    %add3A_106 = arith.addi %mul3A_2, %add3A_105 : i32
    %mul3A_107 = arith.constant 128 : i32
    %mul3A_108 = arith.muli %add3A_106, %mul3A_107 : i32
    %dma_start3A_109 = arith.constant 128 : i32
    %dma_start3A_110 = tpu.memref_slice %arg7[%dma_start3A_109] : memref<768xf32, #tpu.memory_space<vmem>> -> memref<128xf32, #tpu.memory_space<vmem>>
    %dma_start3A_111 = tpu.memref_slice %arg2[%mul3A_108] : memref<40960000xf32, #tpu.memory_space<hbm>> -> memref<16384xf32, #tpu.memory_space<hbm>>
    %dma_start3A_112 = arith.constant 0 : i32
    %dma_start3A_113 = tpu.memref_slice %dma_start3A_111[%dma_start3A_112] : memref<16384xf32, #tpu.memory_space<hbm>> -> memref<16384xf32, #tpu.memory_space<hbm>>
    tpu.enqueue_indirect_dma source(%dma_start3A_113 : memref<16384xf32, #tpu.memory_space<hbm>>) target(%dma_start3A_110 : memref<128xf32, #tpu.memory_space<vmem>>) offsets(%arg6 : memref<128xi32, #tpu.memory_space<vmem>>) semaphore(%arg15 : memref<!tpu.dma_semaphore, #tpu.memory_space<semaphore_mem>>)
    %add3A_114 = arith.constant 256 : i32
    %add3A_115 = arith.addi %mul3A_2, %add3A_114 : i32
    %mul3A_116 = arith.constant 128 : i32
    %mul3A_117 = arith.muli %add3A_115, %mul3A_116 : i32
    %dma_start3A_118 = arith.constant 256 : i32
    %dma_start3A_119 = tpu.memref_slice %arg7[%dma_start3A_118] : memref<768xf32, #tpu.memory_space<vmem>> -> memref<128xf32, #tpu.memory_space<vmem>>
    %dma_start3A_120 = tpu.memref_slice %arg2[%mul3A_117] : memref<40960000xf32, #tpu.memory_space<hbm>> -> memref<16384xf32, #tpu.memory_space<hbm>>
    %dma_start3A_121 = arith.constant 0 : i32
    %dma_start3A_122 = tpu.memref_slice %dma_start3A_120[%dma_start3A_121] : memref<16384xf32, #tpu.memory_space<hbm>> -> memref<16384xf32, #tpu.memory_space<hbm>>
    tpu.enqueue_indirect_dma source(%dma_start3A_122 : memref<16384xf32, #tpu.memory_space<hbm>>) target(%dma_start3A_119 : memref<128xf32, #tpu.memory_space<vmem>>) offsets(%arg6 : memref<128xi32, #tpu.memory_space<vmem>>) semaphore(%arg16 : memref<!tpu.dma_semaphore, #tpu.memory_space<semaphore_mem>>)
    %add3A_123 = arith.constant 384 : i32
    %add3A_124 = arith.addi %mul3A_2, %add3A_123 : i32
    %mul3A_125 = arith.constant 128 : i32
    %mul3A_126 = arith.muli %add3A_124, %mul3A_125 : i32
    %dma_start3A_127 = arith.constant 384 : i32
    %dma_start3A_128 = tpu.memref_slice %arg7[%dma_start3A_127] : memref<768xf32, #tpu.memory_space<vmem>> -> memref<128xf32, #tpu.memory_space<vmem>>
    %dma_start3A_129 = tpu.memref_slice %arg2[%mul3A_126] : memref<40960000xf32, #tpu.memory_space<hbm>> -> memref<16384xf32, #tpu.memory_space<hbm>>
    %dma_start3A_130 = arith.constant 0 : i32
    %dma_start3A_131 = tpu.memref_slice %dma_start3A_129[%dma_start3A_130] : memref<16384xf32, #tpu.memory_space<hbm>> -> memref<16384xf32, #tpu.memory_space<hbm>>
    tpu.enqueue_indirect_dma source(%dma_start3A_131 : memref<16384xf32, #tpu.memory_space<hbm>>) target(%dma_start3A_128 : memref<128xf32, #tpu.memory_space<vmem>>) offsets(%arg6 : memref<128xi32, #tpu.memory_space<vmem>>) semaphore(%arg17 : memref<!tpu.dma_semaphore, #tpu.memory_space<semaphore_mem>>)
    %add3A_132 = arith.constant 512 : i32
    %add3A_133 = arith.addi %mul3A_2, %add3A_132 : i32
    %mul3A_134 = arith.constant 128 : i32
    %mul3A_135 = arith.muli %add3A_133, %mul3A_134 : i32
    %dma_start3A_136 = arith.constant 512 : i32
    %dma_start3A_137 = tpu.memref_slice %arg7[%dma_start3A_136] : memref<768xf32, #tpu.memory_space<vmem>> -> memref<128xf32, #tpu.memory_space<vmem>>
    %dma_start3A_138 = tpu.memref_slice %arg2[%mul3A_135] : memref<40960000xf32, #tpu.memory_space<hbm>> -> memref<16384xf32, #tpu.memory_space<hbm>>
    %dma_start3A_139 = arith.constant 0 : i32
    %dma_start3A_140 = tpu.memref_slice %dma_start3A_138[%dma_start3A_139] : memref<16384xf32, #tpu.memory_space<hbm>> -> memref<16384xf32, #tpu.memory_space<hbm>>
    tpu.enqueue_indirect_dma source(%dma_start3A_140 : memref<16384xf32, #tpu.memory_space<hbm>>) target(%dma_start3A_137 : memref<128xf32, #tpu.memory_space<vmem>>) offsets(%arg6 : memref<128xi32, #tpu.memory_space<vmem>>) semaphore(%arg18 : memref<!tpu.dma_semaphore, #tpu.memory_space<semaphore_mem>>)
    %add3A_141 = arith.constant 640 : i32
    %add3A_142 = arith.addi %mul3A_2, %add3A_141 : i32
    %mul3A_143 = arith.constant 128 : i32
    %mul3A_144 = arith.muli %add3A_142, %mul3A_143 : i32
    %dma_start3A_145 = arith.constant 640 : i32
    %dma_start3A_146 = tpu.memref_slice %arg7[%dma_start3A_145] : memref<768xf32, #tpu.memory_space<vmem>> -> memref<128xf32, #tpu.memory_space<vmem>>
    %dma_start3A_147 = tpu.memref_slice %arg2[%mul3A_144] : memref<40960000xf32, #tpu.memory_space<hbm>> -> memref<16384xf32, #tpu.memory_space<hbm>>
    %dma_start3A_148 = arith.constant 0 : i32
    %dma_start3A_149 = tpu.memref_slice %dma_start3A_147[%dma_start3A_148] : memref<16384xf32, #tpu.memory_space<hbm>> -> memref<16384xf32, #tpu.memory_space<hbm>>
    tpu.enqueue_indirect_dma source(%dma_start3A_149 : memref<16384xf32, #tpu.memory_space<hbm>>) target(%dma_start3A_146 : memref<128xf32, #tpu.memory_space<vmem>>) offsets(%arg6 : memref<128xi32, #tpu.memory_space<vmem>>) semaphore(%arg19 : memref<!tpu.dma_semaphore, #tpu.memory_space<semaphore_mem>>)
    %dma_wait3A = arith.constant 0 : i32
    %dma_wait3A_150 = tpu.memref_slice %arg5[%dma_wait3A] : memref<10016xi32, #tpu.memory_space<vmem>> -> memref<10000xi32, #tpu.memory_space<vmem>>
    %dma_wait3A_151 = tpu.memref_slice %arg3[%mul3A_2] : memref<320000xi32, #tpu.memory_space<hbm>> -> memref<10000xi32, #tpu.memory_space<hbm>>
    %dma_wait3A_152 = arith.constant 0 : i32
    %dma_wait3A_153 = tpu.memref_slice %arg5[%dma_wait3A_152] : memref<10016xi32, #tpu.memory_space<vmem>> -> memref<10000xi32, #tpu.memory_space<vmem>>
    %dma_wait3A_154 = tpu.memref_slice %arg3[%mul3A_2] : memref<320000xi32, #tpu.memory_space<hbm>> -> memref<10000xi32, #tpu.memory_space<hbm>>
    tpu.wait_dma2 semaphore(%arg21 : memref<!tpu.dma_semaphore, #tpu.memory_space<semaphore_mem>>) src(%dma_wait3A_154 : memref<10000xi32, #tpu.memory_space<hbm>>) dst(%dma_wait3A_153 : memref<10000xi32, #tpu.memory_space<vmem>>)
    %lt3A = arith.constant 15 : i32
    %lt3A_155 = vector.broadcast %lt3A : i32 to vector<16xi32>
    %lt3A_156 = arith.cmpi slt, %iota3A, %lt3A_155 : vector<16xi32>
    %ge3A = arith.constant 15 : i32
    %ge3A_157 = vector.broadcast %ge3A : i32 to vector<16xi32>
    %ge3A_158 = arith.cmpi sge, %iota3A, %ge3A_157 : vector<16xi32>
    %add3A_159 = arith.constant 1 : i32
    %add3A_160 = vector.broadcast %add3A_159 : i32 to vector<16xi32>
    %add3A_161 = arith.addi %iota3A, %add3A_160 : vector<16xi32>
    %convert_element_type3A = arith.sitofp %add3A_161 : vector<16xi32> to vector<16xf32>
    %neg3A = arith.constant 0.000000e+00 : f32
    %neg3A_162 = vector.broadcast %neg3A : f32 to vector<16xf32>
    %neg3A_163 = arith.subf %neg3A_162, %convert_element_type3A : vector<16xf32>
    %scan3A_164 = arith.constant 0 : i32
    %scan3A_165 = arith.constant 0 : i32
    %scan3A_166 = arith.constant 13 : i32
    %scan3A_167 = arith.addi %scan3A_165, %scan3A_166 : i32
    %scan3A_168 = arith.constant 1 : i32
    scf.for %scan3A_204 = %scan3A_165 to %scan3A_167 step %scan3A_168  : i32 {
      %mul3A_205 = arith.constant 6 : i32
      %mul3A_206 = arith.muli %scan3A_204, %mul3A_205 : i32
      %add3A_207 = arith.constant 0 : i32
      %add3A_208 = arith.addi %mul3A_206, %add3A_207 : i32
      %mul3A_209 = arith.constant 128 : i32
      %mul3A_210 = arith.muli %add3A_208, %mul3A_209 : i32
      %add3A_211 = arith.addi %mul3A_2, %mul3A_210 : i32
      %mul3A_212 = arith.constant 128 : i32
      %mul3A_213 = arith.muli %add3A_211, %mul3A_212 : i32
      %dma_wait3A_214 = arith.constant 0 : i32
      %dma_wait3A_215 = tpu.memref_slice %arg7[%dma_wait3A_214] : memref<768xf32, #tpu.memory_space<vmem>> -> memref<128xf32, #tpu.memory_space<vmem>>
      %dma_wait3A_216 = tpu.memref_slice %arg2[%mul3A_213] : memref<40960000xf32, #tpu.memory_space<hbm>> -> memref<16384xf32, #tpu.memory_space<hbm>>
      %dma_wait3A_217 = arith.constant 0 : i32
      %dma_wait3A_218 = tpu.memref_slice %dma_wait3A_216[%dma_wait3A_217] : memref<16384xf32, #tpu.memory_space<hbm>> -> memref<16384xf32, #tpu.memory_space<hbm>>
      tpu.wait_indirect_dma semaphore(%arg14 : memref<!tpu.dma_semaphore, #tpu.memory_space<semaphore_mem>>) src(%dma_wait3A_218 : memref<16384xf32, #tpu.memory_space<hbm>>) dst(%dma_wait3A_215 : memref<128xf32, #tpu.memory_space<vmem>>)
      %mul3A_219 = arith.constant 128 : i32
      %mul3A_220 = arith.muli %add3A_208, %mul3A_219 : i32
      %add3A_221 = arith.constant 0 : i32
      %add3A_222 = arith.addi %mul3A_220, %add3A_221 : i32
      %get3A_223 = arith.index_cast %add3A_222 : i32 to index
      %get3A_224 = tpu.vector_load %arg5[%get3A_223] {strides = array<i32>} : memref<10016xi32, #tpu.memory_space<vmem>>, vector<16xi32>,
      %add3A_225 = arith.constant 1 : i32
      %add3A_226 = arith.addi %add3A_222, %add3A_225 : i32
      %get3A_227 = arith.index_cast %add3A_226 : i32 to index
      %get3A_228 = tpu.vector_load %arg5[%get3A_227] {strides = array<i32>} : memref<10016xi32, #tpu.memory_space<vmem>>, vector<16xi32>,
      %get3A_229 = arith.constant 0 : index
      %get3A_230 = tpu.vector_load %arg7[%get3A_229] {strides = array<i32>} : memref<768xf32, #tpu.memory_space<vmem>>, vector<16xf32>,
      %broadcast_in_dim3A_231 = arith.constant true
      %broadcast_in_dim3A_232 = vector.broadcast %broadcast_in_dim3A_231 : i1 to vector<16xi1>
      %masked_cumsum3A_233 = tpu.scan <sum>, %get3A_230 masked %broadcast_in_dim3A_232 : vector<16xf32>, vector<16xi1> -> vector<16xf32>
      %ne3A_234 = arith.cmpi ne, %get3A_224, %get3A_228 : vector<16xi32>
      %or3A_235 = arith.ori %ne3A_234, %ge3A_158 : vector<16xi1>
      %and3A_236 = arith.andi %ne3A_234, %lt3A_156 : vector<16xi1>
      tpu.vector_store_idx %arg9[%get3A_224], %masked_cumsum3A_233 masked %or3A_235 {add = true} : memref<10256xf32, #tpu.memory_space<vmem>>[vector<16xi32>], vector<16xf32>, vector<16xi1>
      %neg3A_237 = arith.constant 0.000000e+00 : f32
      %neg3A_238 = vector.broadcast %neg3A_237 : f32 to vector<16xf32>
      %neg3A_239 = arith.subf %neg3A_238, %masked_cumsum3A_233 : vector<16xf32>
      tpu.vector_store_idx %arg9[%get3A_228], %neg3A_239 masked %and3A_236 {add = true} : memref<10256xf32, #tpu.memory_space<vmem>>[vector<16xi32>], vector<16xf32>, vector<16xi1>
      tpu.vector_store_idx %arg10[%get3A_224], %convert_element_type3A masked %or3A_235 {add = true} : memref<10256xf32, #tpu.memory_space<vmem>>[vector<16xi32>], vector<16xf32>, vector<16xi1>
      tpu.vector_store_idx %arg10[%get3A_228], %neg3A_163 masked %and3A_236 {add = true} : memref<10256xf32, #tpu.memory_space<vmem>>[vector<16xi32>], vector<16xf32>, vector<16xi1>
      %mul3A_240 = arith.constant 128 : i32
      %mul3A_241 = arith.muli %add3A_208, %mul3A_240 : i32
      %add3A_242 = arith.constant 16 : i32
      %add3A_243 = arith.addi %mul3A_241, %add3A_242 : i32
      %get3A_244 = arith.index_cast %add3A_243 : i32 to index
      %get3A_245 = tpu.vector_load %arg5[%get3A_244] {strides = array<i32>} : memref<10016xi32, #tpu.memory_space<vmem>>, vector<16xi32>,
      %add3A_246 = arith.constant 1 : i32
      %add3A_247 = arith.addi %add3A_243, %add3A_246 : i32
      %get3A_248 = arith.index_cast %add3A_247 : i32 to index
      %get3A_249 = tpu.vector_load %arg5[%get3A_248] {strides = array<i32>} : memref<10016xi32, #tpu.memory_space<vmem>>, vector<16xi32>,
      %get3A_250 = arith.constant 16 : index
      %get3A_251 = tpu.vector_load %arg7[%get3A_250] {strides = array<i32>} : memref<768xf32, #tpu.memory_space<vmem>>, vector<16xf32>,
      %broadcast_in_dim3A_252 = arith.constant true
      %broadcast_in_dim3A_253 = vector.broadcast %broadcast_in_dim3A_252 : i1 to vector<16xi1>
      %masked_cumsum3A_254 = tpu.scan <sum>, %get3A_251 masked %broadcast_in_dim3A_253 : vector<16xf32>, vector<16xi1> -> vector<16xf32>
      %ne3A_255 = arith.cmpi ne, %get3A_245, %get3A_249 : vector<16xi32>
      %or3A_256 = arith.ori %ne3A_255, %ge3A_158 : vector<16xi1>
      %and3A_257 = arith.andi %ne3A_255, %lt3A_156 : vector<16xi1>
      tpu.vector_store_idx %arg9[%get3A_245], %masked_cumsum3A_254 masked %or3A_256 {add = true} : memref<10256xf32, #tpu.memory_space<vmem>>[vector<16xi32>], vector<16xf32>, vector<16xi1>
      %neg3A_258 = arith.constant 0.000000e+00 : f32
      %neg3A_259 = vector.broadcast %neg3A_258 : f32 to vector<16xf32>
      %neg3A_260 = arith.subf %neg3A_259, %masked_cumsum3A_254 : vector<16xf32>
      tpu.vector_store_idx %arg9[%get3A_249], %neg3A_260 masked %and3A_257 {add = true} : memref<10256xf32, #tpu.memory_space<vmem>>[vector<16xi32>], vector<16xf32>, vector<16xi1>
      tpu.vector_store_idx %arg10[%get3A_245], %convert_element_type3A masked %or3A_256 {add = true} : memref<10256xf32, #tpu.memory_space<vmem>>[vector<16xi32>], vector<16xf32>, vector<16xi1>
      tpu.vector_store_idx %arg10[%get3A_249], %neg3A_163 masked %and3A_257 {add = true} : memref<10256xf32, #tpu.memory_space<vmem>>[vector<16xi32>], vector<16xf32>, vector<16xi1>
      %mul3A_261 = arith.constant 128 : i32
      %mul3A_262 = arith.muli %add3A_208, %mul3A_261 : i32
      %add3A_263 = arith.constant 32 : i32
      %add3A_264 = arith.addi %mul3A_262, %add3A_263 : i32
      %get3A_265 = arith.index_cast %add3A_264 : i32 to index
      %get3A_266 = tpu.vector_load %arg5[%get3A_265] {strides = array<i32>} : memref<10016xi32, #tpu.memory_space<vmem>>, vector<16xi32>,
      %add3A_267 = arith.constant 1 : i32
      %add3A_268 = arith.addi %add3A_264, %add3A_267 : i32
      %get3A_269 = arith.index_cast %add3A_268 : i32 to index
      %get3A_270 = tpu.vector_load %arg5[%get3A_269] {strides = array<i32>} : memref<10016xi32, #tpu.memory_space<vmem>>, vector<16xi32>,
      %get3A_271 = arith.constant 32 : index
      %get3A_272 = tpu.vector_load %arg7[%get3A_271] {strides = array<i32>} : memref<768xf32, #tpu.memory_space<vmem>>, vector<16xf32>,
      %broadcast_in_dim3A_273 = arith.constant true
      %broadcast_in_dim3A_274 = vector.broadcast %broadcast_in_dim3A_273 : i1 to vector<16xi1>
      %masked_cumsum3A_275 = tpu.scan <sum>, %get3A_272 masked %broadcast_in_dim3A_274 : vector<16xf32>, vector<16xi1> -> vector<16xf32>
      %ne3A_276 = arith.cmpi ne, %get3A_266, %get3A_270 : vector<16xi32>
      %or3A_277 = arith.ori %ne3A_276, %ge3A_158 : vector<16xi1>
      %and3A_278 = arith.andi %ne3A_276, %lt3A_156 : vector<16xi1>
      tpu.vector_store_idx %arg9[%get3A_266], %masked_cumsum3A_275 masked %or3A_277 {add = true} : memref<10256xf32, #tpu.memory_space<vmem>>[vector<16xi32>], vector<16xf32>, vector<16xi1>
      %neg3A_279 = arith.constant 0.000000e+00 : f32
      %neg3A_280 = vector.broadcast %neg3A_279 : f32 to vector<16xf32>
      %neg3A_281 = arith.subf %neg3A_280, %masked_cumsum3A_275 : vector<16xf32>
      tpu.vector_store_idx %arg9[%get3A_270], %neg3A_281 masked %and3A_278 {add = true} : memref<10256xf32, #tpu.memory_space<vmem>>[vector<16xi32>], vector<16xf32>, vector<16xi1>
      tpu.vector_store_idx %arg10[%get3A_266], %convert_element_type3A masked %or3A_277 {add = true} : memref<10256xf32, #tpu.memory_space<vmem>>[vector<16xi32>], vector<16xf32>, vector<16xi1>
      tpu.vector_store_idx %arg10[%get3A_270], %neg3A_163 masked %and3A_278 {add = true} : memref<10256xf32, #tpu.memory_space<vmem>>[vector<16xi32>], vector<16xf32>, vector<16xi1>
      %mul3A_282 = arith.constant 128 : i32
      %mul3A_283 = arith.muli %add3A_208, %mul3A_282 : i32
      %add3A_284 = arith.constant 48 : i32
      %add3A_285 = arith.addi %mul3A_283, %add3A_284 : i32
      %get3A_286 = arith.index_cast %add3A_285 : i32 to index
      %get3A_287 = tpu.vector_load %arg5[%get3A_286] {strides = array<i32>} : memref<10016xi32, #tpu.memory_space<vmem>>, vector<16xi32>,
      %add3A_288 = arith.constant 1 : i32
      %add3A_289 = arith.addi %add3A_285, %add3A_288 : i32
      %get3A_290 = arith.index_cast %add3A_289 : i32 to index
      %get3A_291 = tpu.vector_load %arg5[%get3A_290] {strides = array<i32>} : memref<10016xi32, #tpu.memory_space<vmem>>, vector<16xi32>,
      %get3A_292 = arith.constant 48 : index
      %get3A_293 = tpu.vector_load %arg7[%get3A_292] {strides = array<i32>} : memref<768xf32, #tpu.memory_space<vmem>>, vector<16xf32>,
      %broadcast_in_dim3A_294 = arith.constant true
      %broadcast_in_dim3A_295 = vector.broadcast %broadcast_in_dim3A_294 : i1 to vector<16xi1>
      %masked_cumsum3A_296 = tpu.scan <sum>, %get3A_293 masked %broadcast_in_dim3A_295 : vector<16xf32>, vector<16xi1> -> vector<16xf32>
      %ne3A_297 = arith.cmpi ne, %get3A_287, %get3A_291 : vector<16xi32>
      %or3A_298 = arith.ori %ne3A_297, %ge3A_158 : vector<16xi1>
      %and3A_299 = arith.andi %ne3A_297, %lt3A_156 : vector<16xi1>
      tpu.vector_store_idx %arg9[%get3A_287], %masked_cumsum3A_296 masked %or3A_298 {add = true} : memref<10256xf32, #tpu.memory_space<vmem>>[vector<16xi32>], vector<16xf32>, vector<16xi1>
      %neg3A_300 = arith.constant 0.000000e+00 : f32
      %neg3A_301 = vector.broadcast %neg3A_300 : f32 to vector<16xf32>
      %neg3A_302 = arith.subf %neg3A_301, %masked_cumsum3A_296 : vector<16xf32>
      tpu.vector_store_idx %arg9[%get3A_291], %neg3A_302 masked %and3A_299 {add = true} : memref<10256xf32, #tpu.memory_space<vmem>>[vector<16xi32>], vector<16xf32>, vector<16xi1>
      tpu.vector_store_idx %arg10[%get3A_287], %convert_element_type3A masked %or3A_298 {add = true} : memref<10256xf32, #tpu.memory_space<vmem>>[vector<16xi32>], vector<16xf32>, vector<16xi1>
      tpu.vector_store_idx %arg10[%get3A_291], %neg3A_163 masked %and3A_299 {add = true} : memref<10256xf32, #tpu.memory_space<vmem>>[vector<16xi32>], vector<16xf32>, vector<16xi1>
      %mul3A_303 = arith.constant 128 : i32
      %mul3A_304 = arith.muli %add3A_208, %mul3A_303 : i32
      %add3A_305 = arith.constant 64 : i32
      %add3A_306 = arith.addi %mul3A_304, %add3A_305 : i32
      %get3A_307 = arith.index_cast %add3A_306 : i32 to index
      %get3A_308 = tpu.vector_load %arg5[%get3A_307] {strides = array<i32>} : memref<10016xi32, #tpu.memory_space<vmem>>, vector<16xi32>,
      %add3A_309 = arith.constant 1 : i32
      %add3A_310 = arith.addi %add3A_306, %add3A_309 : i32
      %get3A_311 = arith.index_cast %add3A_310 : i32 to index
      %get3A_312 = tpu.vector_load %arg5[%get3A_311] {strides = array<i32>} : memref<10016xi32, #tpu.memory_space<vmem>>, vector<16xi32>,
      %get3A_313 = arith.constant 64 : index
      %get3A_314 = tpu.vector_load %arg7[%get3A_313] {strides = array<i32>} : memref<768xf32, #tpu.memory_space<vmem>>, vector<16xf32>,
      %broadcast_in_dim3A_315 = arith.constant true
      %broadcast_in_dim3A_316 = vector.broadcast %broadcast_in_dim3A_315 : i1 to vector<16xi1>
      %masked_cumsum3A_317 = tpu.scan <sum>, %get3A_314 masked %broadcast_in_dim3A_316 : vector<16xf32>, vector<16xi1> -> vector<16xf32>
      %ne3A_318 = arith.cmpi ne, %get3A_308, %get3A_312 : vector<16xi32>
      %or3A_319 = arith.ori %ne3A_318, %ge3A_158 : vector<16xi1>
      %and3A_320 = arith.andi %ne3A_318, %lt3A_156 : vector<16xi1>
      tpu.vector_store_idx %arg9[%get3A_308], %masked_cumsum3A_317 masked %or3A_319 {add = true} : memref<10256xf32, #tpu.memory_space<vmem>>[vector<16xi32>], vector<16xf32>, vector<16xi1>
      %neg3A_321 = arith.constant 0.000000e+00 : f32
      %neg3A_322 = vector.broadcast %neg3A_321 : f32 to vector<16xf32>
      %neg3A_323 = arith.subf %neg3A_322, %masked_cumsum3A_317 : vector<16xf32>
      tpu.vector_store_idx %arg9[%get3A_312], %neg3A_323 masked %and3A_320 {add = true} : memref<10256xf32, #tpu.memory_space<vmem>>[vector<16xi32>], vector<16xf32>, vector<16xi1>
      tpu.vector_store_idx %arg10[%get3A_308], %convert_element_type3A masked %or3A_319 {add = true} : memref<10256xf32, #tpu.memory_space<vmem>>[vector<16xi32>], vector<16xf32>, vector<16xi1>
      tpu.vector_store_idx %arg10[%get3A_312], %neg3A_163 masked %and3A_320 {add = true} : memref<10256xf32, #tpu.memory_space<vmem>>[vector<16xi32>], vector<16xf32>, vector<16xi1>
      %mul3A_324 = arith.constant 128 : i32
      %mul3A_325 = arith.muli %add3A_208, %mul3A_324 : i32
      %add3A_326 = arith.constant 80 : i32
      %add3A_327 = arith.addi %mul3A_325, %add3A_326 : i32
      %get3A_328 = arith.index_cast %add3A_327 : i32 to index
      %get3A_329 = tpu.vector_load %arg5[%get3A_328] {strides = array<i32>} : memref<10016xi32, #tpu.memory_space<vmem>>, vector<16xi32>,
      %add3A_330 = arith.constant 1 : i32
      %add3A_331 = arith.addi %add3A_327, %add3A_330 : i32
      %get3A_332 = arith.index_cast %add3A_331 : i32 to index
      %get3A_333 = tpu.vector_load %arg5[%get3A_332] {strides = array<i32>} : memref<10016xi32, #tpu.memory_space<vmem>>, vector<16xi32>,
      %get3A_334 = arith.constant 80 : index
      %get3A_335 = tpu.vector_load %arg7[%get3A_334] {strides = array<i32>} : memref<768xf32, #tpu.memory_space<vmem>>, vector<16xf32>,
      %broadcast_in_dim3A_336 = arith.constant true
      %broadcast_in_dim3A_337 = vector.broadcast %broadcast_in_dim3A_336 : i1 to vector<16xi1>
      %masked_cumsum3A_338 = tpu.scan <sum>, %get3A_335 masked %broadcast_in_dim3A_337 : vector<16xf32>, vector<16xi1> -> vector<16xf32>
      %ne3A_339 = arith.cmpi ne, %get3A_329, %get3A_333 : vector<16xi32>
      %or3A_340 = arith.ori %ne3A_339, %ge3A_158 : vector<16xi1>
      %and3A_341 = arith.andi %ne3A_339, %lt3A_156 : vector<16xi1>
      tpu.vector_store_idx %arg9[%get3A_329], %masked_cumsum3A_338 masked %or3A_340 {add = true} : memref<10256xf32, #tpu.memory_space<vmem>>[vector<16xi32>], vector<16xf32>, vector<16xi1>
      %neg3A_342 = arith.constant 0.000000e+00 : f32
      %neg3A_343 = vector.broadcast %neg3A_342 : f32 to vector<16xf32>
      %neg3A_344 = arith.subf %neg3A_343, %masked_cumsum3A_338 : vector<16xf32>
      tpu.vector_store_idx %arg9[%get3A_333], %neg3A_344 masked %and3A_341 {add = true} : memref<10256xf32, #tpu.memory_space<vmem>>[vector<16xi32>], vector<16xf32>, vector<16xi1>
      tpu.vector_store_idx %arg10[%get3A_329], %convert_element_type3A masked %or3A_340 {add = true} : memref<10256xf32, #tpu.memory_space<vmem>>[vector<16xi32>], vector<16xf32>, vector<16xi1>
      tpu.vector_store_idx %arg10[%get3A_333], %neg3A_163 masked %and3A_341 {add = true} : memref<10256xf32, #tpu.memory_space<vmem>>[vector<16xi32>], vector<16xf32>, vector<16xi1>
      %mul3A_345 = arith.constant 128 : i32
      %mul3A_346 = arith.muli %add3A_208, %mul3A_345 : i32
      %add3A_347 = arith.constant 96 : i32
      %add3A_348 = arith.addi %mul3A_346, %add3A_347 : i32
      %get3A_349 = arith.index_cast %add3A_348 : i32 to index
      %get3A_350 = tpu.vector_load %arg5[%get3A_349] {strides = array<i32>} : memref<10016xi32, #tpu.memory_space<vmem>>, vector<16xi32>,
      %add3A_351 = arith.constant 1 : i32
      %add3A_352 = arith.addi %add3A_348, %add3A_351 : i32
      %get3A_353 = arith.index_cast %add3A_352 : i32 to index
      %get3A_354 = tpu.vector_load %arg5[%get3A_353] {strides = array<i32>} : memref<10016xi32, #tpu.memory_space<vmem>>, vector<16xi32>,
      %get3A_355 = arith.constant 96 : index
      %get3A_356 = tpu.vector_load %arg7[%get3A_355] {strides = array<i32>} : memref<768xf32, #tpu.memory_space<vmem>>, vector<16xf32>,
      %broadcast_in_dim3A_357 = arith.constant true
      %broadcast_in_dim3A_358 = vector.broadcast %broadcast_in_dim3A_357 : i1 to vector<16xi1>
      %masked_cumsum3A_359 = tpu.scan <sum>, %get3A_356 masked %broadcast_in_dim3A_358 : vector<16xf32>, vector<16xi1> -> vector<16xf32>
      %ne3A_360 = arith.cmpi ne, %get3A_350, %get3A_354 : vector<16xi32>
      %or3A_361 = arith.ori %ne3A_360, %ge3A_158 : vector<16xi1>
      %and3A_362 = arith.andi %ne3A_360, %lt3A_156 : vector<16xi1>
      tpu.vector_store_idx %arg9[%get3A_350], %masked_cumsum3A_359 masked %or3A_361 {add = true} : memref<10256xf32, #tpu.memory_space<vmem>>[vector<16xi32>], vector<16xf32>, vector<16xi1>
      %neg3A_363 = arith.constant 0.000000e+00 : f32
      %neg3A_364 = vector.broadcast %neg3A_363 : f32 to vector<16xf32>
      %neg3A_365 = arith.subf %neg3A_364, %masked_cumsum3A_359 : vector<16xf32>
      tpu.vector_store_idx %arg9[%get3A_354], %neg3A_365 masked %and3A_362 {add = true} : memref<10256xf32, #tpu.memory_space<vmem>>[vector<16xi32>], vector<16xf32>, vector<16xi1>
      tpu.vector_store_idx %arg10[%get3A_350], %convert_element_type3A masked %or3A_361 {add = true} : memref<10256xf32, #tpu.memory_space<vmem>>[vector<16xi32>], vector<16xf32>, vector<16xi1>
      tpu.vector_store_idx %arg10[%get3A_354], %neg3A_163 masked %and3A_362 {add = true} : memref<10256xf32, #tpu.memory_space<vmem>>[vector<16xi32>], vector<16xf32>, vector<16xi1>
      %mul3A_366 = arith.constant 128 : i32
      %mul3A_367 = arith.muli %add3A_208, %mul3A_366 : i32
      %add3A_368 = arith.constant 112 : i32
      %add3A_369 = arith.addi %mul3A_367, %add3A_368 : i32
      %get3A_370 = arith.index_cast %add3A_369 : i32 to index
      %get3A_371 = tpu.vector_load %arg5[%get3A_370] {strides = array<i32>} : memref<10016xi32, #tpu.memory_space<vmem>>, vector<16xi32>,
      %add3A_372 = arith.constant 1 : i32
      %add3A_373 = arith.addi %add3A_369, %add3A_372 : i32
      %get3A_374 = arith.index_cast %add3A_373 : i32 to index
      %get3A_375 = tpu.vector_load %arg5[%get3A_374] {strides = array<i32>} : memref<10016xi32, #tpu.memory_space<vmem>>, vector<16xi32>,
      %get3A_376 = arith.constant 112 : index
      %get3A_377 = tpu.vector_load %arg7[%get3A_376] {strides = array<i32>} : memref<768xf32, #tpu.memory_space<vmem>>, vector<16xf32>,
      %broadcast_in_dim3A_378 = arith.constant true
      %broadcast_in_dim3A_379 = vector.broadcast %broadcast_in_dim3A_378 : i1 to vector<16xi1>
      %masked_cumsum3A_380 = tpu.scan <sum>, %get3A_377 masked %broadcast_in_dim3A_379 : vector<16xf32>, vector<16xi1> -> vector<16xf32>
      %ne3A_381 = arith.cmpi ne, %get3A_371, %get3A_375 : vector<16xi32>
      %or3A_382 = arith.ori %ne3A_381, %ge3A_158 : vector<16xi1>
      %and3A_383 = arith.andi %ne3A_381, %lt3A_156 : vector<16xi1>
      tpu.vector_store_idx %arg9[%get3A_371], %masked_cumsum3A_380 masked %or3A_382 {add = true} : memref<10256xf32, #tpu.memory_space<vmem>>[vector<16xi32>], vector<16xf32>, vector<16xi1>
      %neg3A_384 = arith.constant 0.000000e+00 : f32
      %neg3A_385 = vector.broadcast %neg3A_384 : f32 to vector<16xf32>
      %neg3A_386 = arith.subf %neg3A_385, %masked_cumsum3A_380 : vector<16xf32>
      tpu.vector_store_idx %arg9[%get3A_375], %neg3A_386 masked %and3A_383 {add = true} : memref<10256xf32, #tpu.memory_space<vmem>>[vector<16xi32>], vector<16xf32>, vector<16xi1>
      tpu.vector_store_idx %arg10[%get3A_371], %convert_element_type3A masked %or3A_382 {add = true} : memref<10256xf32, #tpu.memory_space<vmem>>[vector<16xi32>], vector<16xf32>, vector<16xi1>
      tpu.vector_store_idx %arg10[%get3A_375], %neg3A_163 masked %and3A_383 {add = true} : memref<10256xf32, #tpu.memory_space<vmem>>[vector<16xi32>], vector<16xf32>, vector<16xi1>
      %add3A_387 = arith.constant 6 : i32
      %add3A_388 = arith.addi %add3A_208, %add3A_387 : i32
      %lt3A_389 = arith.constant 78 : i32
      %lt3A_390 = arith.cmpi slt, %add3A_388, %lt3A_389 : i32
      %convert_element_type3A_391 = arith.extui %lt3A_390 : i1 to i32
      %cond3A = arith.constant 0 : i32
      %cond3A_392 = arith.cmpi ne, %convert_element_type3A_391, %cond3A : i32
      scf.if %cond3A_392 {
        %add3A_1328 = arith.constant 6 : i32
        %add3A_1329 = arith.addi %add3A_208, %add3A_1328 : i32
        %mul3A_1330 = arith.constant 128 : i32
        %mul3A_1331 = arith.muli %add3A_1329, %mul3A_1330 : i32
        %add3A_1332 = arith.addi %mul3A_2, %mul3A_1331 : i32
        %mul3A_1333 = arith.constant 128 : i32
        %mul3A_1334 = arith.muli %add3A_1332, %mul3A_1333 : i32
        %dma_start3A_1335 = arith.constant 0 : i32
        %dma_start3A_1336 = tpu.memref_slice %arg7[%dma_start3A_1335] : memref<768xf32, #tpu.memory_space<vmem>> -> memref<128xf32, #tpu.memory_space<vmem>>
        %dma_start3A_1337 = tpu.memref_slice %arg2[%mul3A_1334] : memref<40960000xf32, #tpu.memory_space<hbm>> -> memref<16384xf32, #tpu.memory_space<hbm>>
        %dma_start3A_1338 = arith.constant 0 : i32
        %dma_start3A_1339 = tpu.memref_slice %dma_start3A_1337[%dma_start3A_1338] : memref<16384xf32, #tpu.memory_space<hbm>> -> memref<16384xf32, #tpu.memory_space<hbm>>
        tpu.enqueue_indirect_dma source(%dma_start3A_1339 : memref<16384xf32, #tpu.memory_space<hbm>>) target(%dma_start3A_1336 : memref<128xf32, #tpu.memory_space<vmem>>) offsets(%arg6 : memref<128xi32, #tpu.memory_space<vmem>>) semaphore(%arg14 : memref<!tpu.dma_semaphore, #tpu.memory_space<semaphore_mem>>)
      } else {
      }
      %add3A_393 = arith.constant 1 : i32
      %add3A_394 = arith.addi %mul3A_206, %add3A_393 : i32
      %mul3A_395 = arith.constant 128 : i32
      %mul3A_396 = arith.muli %add3A_394, %mul3A_395 : i32
      %add3A_397 = arith.addi %mul3A_2, %mul3A_396 : i32
      %mul3A_398 = arith.constant 128 : i32
      %mul3A_399 = arith.muli %add3A_397, %mul3A_398 : i32
      %dma_wait3A_400 = arith.constant 128 : i32
      %dma_wait3A_401 = tpu.memref_slice %arg7[%dma_wait3A_400] : memref<768xf32, #tpu.memory_space<vmem>> -> memref<128xf32, #tpu.memory_space<vmem>>
      %dma_wait3A_402 = tpu.memref_slice %arg2[%mul3A_399] : memref<40960000xf32, #tpu.memory_space<hbm>> -> memref<16384xf32, #tpu.memory_space<hbm>>
      %dma_wait3A_403 = arith.constant 0 : i32
      %dma_wait3A_404 = tpu.memref_slice %dma_wait3A_402[%dma_wait3A_403] : memref<16384xf32, #tpu.memory_space<hbm>> -> memref<16384xf32, #tpu.memory_space<hbm>>
      tpu.wait_indirect_dma semaphore(%arg15 : memref<!tpu.dma_semaphore, #tpu.memory_space<semaphore_mem>>) src(%dma_wait3A_404 : memref<16384xf32, #tpu.memory_space<hbm>>) dst(%dma_wait3A_401 : memref<128xf32, #tpu.memory_space<vmem>>)
      %mul3A_405 = arith.constant 128 : i32
      %mul3A_406 = arith.muli %add3A_394, %mul3A_405 : i32
      %add3A_407 = arith.constant 0 : i32
      %add3A_408 = arith.addi %mul3A_406, %add3A_407 : i32
      %get3A_409 = arith.index_cast %add3A_408 : i32 to index
      %get3A_410 = tpu.vector_load %arg5[%get3A_409] {strides = array<i32>} : memref<10016xi32, #tpu.memory_space<vmem>>, vector<16xi32>,
      %add3A_411 = arith.constant 1 : i32
      %add3A_412 = arith.addi %add3A_408, %add3A_411 : i32
      %get3A_413 = arith.index_cast %add3A_412 : i32 to index
      %get3A_414 = tpu.vector_load %arg5[%get3A_413] {strides = array<i32>} : memref<10016xi32, #tpu.memory_space<vmem>>, vector<16xi32>,
      %get3A_415 = arith.constant 128 : index
      %get3A_416 = tpu.vector_load %arg7[%get3A_415] {strides = array<i32>} : memref<768xf32, #tpu.memory_space<vmem>>, vector<16xf32>,
      %broadcast_in_dim3A_417 = arith.constant true
      %broadcast_in_dim3A_418 = vector.broadcast %broadcast_in_dim3A_417 : i1 to vector<16xi1>
      %masked_cumsum3A_419 = tpu.scan <sum>, %get3A_416 masked %broadcast_in_dim3A_418 : vector<16xf32>, vector<16xi1> -> vector<16xf32>
      %ne3A_420 = arith.cmpi ne, %get3A_410, %get3A_414 : vector<16xi32>
      %or3A_421 = arith.ori %ne3A_420, %ge3A_158 : vector<16xi1>
      %and3A_422 = arith.andi %ne3A_420, %lt3A_156 : vector<16xi1>
      tpu.vector_store_idx %arg9[%get3A_410], %masked_cumsum3A_419 masked %or3A_421 {add = true} : memref<10256xf32, #tpu.memory_space<vmem>>[vector<16xi32>], vector<16xf32>, vector<16xi1>
      %neg3A_423 = arith.constant 0.000000e+00 : f32
      %neg3A_424 = vector.broadcast %neg3A_423 : f32 to vector<16xf32>
      %neg3A_425 = arith.subf %neg3A_424, %masked_cumsum3A_419 : vector<16xf32>
      tpu.vector_store_idx %arg9[%get3A_414], %neg3A_425 masked %and3A_422 {add = true} : memref<10256xf32, #tpu.memory_space<vmem>>[vector<16xi32>], vector<16xf32>, vector<16xi1>
      tpu.vector_store_idx %arg10[%get3A_410], %convert_element_type3A masked %or3A_421 {add = true} : memref<10256xf32, #tpu.memory_space<vmem>>[vector<16xi32>], vector<16xf32>, vector<16xi1>
      tpu.vector_store_idx %arg10[%get3A_414], %neg3A_163 masked %and3A_422 {add = true} : memref<10256xf32, #tpu.memory_space<vmem>>[vector<16xi32>], vector<16xf32>, vector<16xi1>
      %mul3A_426 = arith.constant 128 : i32
      %mul3A_427 = arith.muli %add3A_394, %mul3A_426 : i32
      %add3A_428 = arith.constant 16 : i32
      %add3A_429 = arith.addi %mul3A_427, %add3A_428 : i32
      %get3A_430 = arith.index_cast %add3A_429 : i32 to index
      %get3A_431 = tpu.vector_load %arg5[%get3A_430] {strides = array<i32>} : memref<10016xi32, #tpu.memory_space<vmem>>, vector<16xi32>,
      %add3A_432 = arith.constant 1 : i32
      %add3A_433 = arith.addi %add3A_429, %add3A_432 : i32
      %get3A_434 = arith.index_cast %add3A_433 : i32 to index
      %get3A_435 = tpu.vector_load %arg5[%get3A_434] {strides = array<i32>} : memref<10016xi32, #tpu.memory_space<vmem>>, vector<16xi32>,
      %get3A_436 = arith.constant 144 : index
      %get3A_437 = tpu.vector_load %arg7[%get3A_436] {strides = array<i32>} : memref<768xf32, #tpu.memory_space<vmem>>, vector<16xf32>,
      %broadcast_in_dim3A_438 = arith.constant true
      %broadcast_in_dim3A_439 = vector.broadcast %broadcast_in_dim3A_438 : i1 to vector<16xi1>
      %masked_cumsum3A_440 = tpu.scan <sum>, %get3A_437 masked %broadcast_in_dim3A_439 : vector<16xf32>, vector<16xi1> -> vector<16xf32>
      %ne3A_441 = arith.cmpi ne, %get3A_431, %get3A_435 : vector<16xi32>
      %or3A_442 = arith.ori %ne3A_441, %ge3A_158 : vector<16xi1>
      %and3A_443 = arith.andi %ne3A_441, %lt3A_156 : vector<16xi1>
      tpu.vector_store_idx %arg9[%get3A_431], %masked_cumsum3A_440 masked %or3A_442 {add = true} : memref<10256xf32, #tpu.memory_space<vmem>>[vector<16xi32>], vector<16xf32>, vector<16xi1>
      %neg3A_444 = arith.constant 0.000000e+00 : f32
      %neg3A_445 = vector.broadcast %neg3A_444 : f32 to vector<16xf32>
      %neg3A_446 = arith.subf %neg3A_445, %masked_cumsum3A_440 : vector<16xf32>
      tpu.vector_store_idx %arg9[%get3A_435], %neg3A_446 masked %and3A_443 {add = true} : memref<10256xf32, #tpu.memory_space<vmem>>[vector<16xi32>], vector<16xf32>, vector<16xi1>
      tpu.vector_store_idx %arg10[%get3A_431], %convert_element_type3A masked %or3A_442 {add = true} : memref<10256xf32, #tpu.memory_space<vmem>>[vector<16xi32>], vector<16xf32>, vector<16xi1>
      tpu.vector_store_idx %arg10[%get3A_435], %neg3A_163 masked %and3A_443 {add = true} : memref<10256xf32, #tpu.memory_space<vmem>>[vector<16xi32>], vector<16xf32>, vector<16xi1>
      %mul3A_447 = arith.constant 128 : i32
      %mul3A_448 = arith.muli %add3A_394, %mul3A_447 : i32
      %add3A_449 = arith.constant 32 : i32
      %add3A_450 = arith.addi %mul3A_448, %add3A_449 : i32
      %get3A_451 = arith.index_cast %add3A_450 : i32 to index
      %get3A_452 = tpu.vector_load %arg5[%get3A_451] {strides = array<i32>} : memref<10016xi32, #tpu.memory_space<vmem>>, vector<16xi32>,
      %add3A_453 = arith.constant 1 : i32
      %add3A_454 = arith.addi %add3A_450, %add3A_453 : i32
      %get3A_455 = arith.index_cast %add3A_454 : i32 to index
      %get3A_456 = tpu.vector_load %arg5[%get3A_455] {strides = array<i32>} : memref<10016xi32, #tpu.memory_space<vmem>>, vector<16xi32>,
      %get3A_457 = arith.constant 160 : index
      %get3A_458 = tpu.vector_load %arg7[%get3A_457] {strides = array<i32>} : memref<768xf32, #tpu.memory_space<vmem>>, vector<16xf32>,
      %broadcast_in_dim3A_459 = arith.constant true
      %broadcast_in_dim3A_460 = vector.broadcast %broadcast_in_dim3A_459 : i1 to vector<16xi1>
      %masked_cumsum3A_461 = tpu.scan <sum>, %get3A_458 masked %broadcast_in_dim3A_460 : vector<16xf32>, vector<16xi1> -> vector<16xf32>
      %ne3A_462 = arith.cmpi ne, %get3A_452, %get3A_456 : vector<16xi32>
      %or3A_463 = arith.ori %ne3A_462, %ge3A_158 : vector<16xi1>
      %and3A_464 = arith.andi %ne3A_462, %lt3A_156 : vector<16xi1>
      tpu.vector_store_idx %arg9[%get3A_452], %masked_cumsum3A_461 masked %or3A_463 {add = true} : memref<10256xf32, #tpu.memory_space<vmem>>[vector<16xi32>], vector<16xf32>, vector<16xi1>
      %neg3A_465 = arith.constant 0.000000e+00 : f32
      %neg3A_466 = vector.broadcast %neg3A_465 : f32 to vector<16xf32>
      %neg3A_467 = arith.subf %neg3A_466, %masked_cumsum3A_461 : vector<16xf32>
      tpu.vector_store_idx %arg9[%get3A_456], %neg3A_467 masked %and3A_464 {add = true} : memref<10256xf32, #tpu.memory_space<vmem>>[vector<16xi32>], vector<16xf32>, vector<16xi1>
      tpu.vector_store_idx %arg10[%get3A_452], %convert_element_type3A masked %or3A_463 {add = true} : memref<10256xf32, #tpu.memory_space<vmem>>[vector<16xi32>], vector<16xf32>, vector<16xi1>
      tpu.vector_store_idx %arg10[%get3A_456], %neg3A_163 masked %and3A_464 {add = true} : memref<10256xf32, #tpu.memory_space<vmem>>[vector<16xi32>], vector<16xf32>, vector<16xi1>
      %mul3A_468 = arith.constant 128 : i32
      %mul3A_469 = arith.muli %add3A_394, %mul3A_468 : i32
      %add3A_470 = arith.constant 48 : i32
      %add3A_471 = arith.addi %mul3A_469, %add3A_470 : i32
      %get3A_472 = arith.index_cast %add3A_471 : i32 to index
      %get3A_473 = tpu.vector_load %arg5[%get3A_472] {strides = array<i32>} : memref<10016xi32, #tpu.memory_space<vmem>>, vector<16xi32>,
      %add3A_474 = arith.constant 1 : i32
      %add3A_475 = arith.addi %add3A_471, %add3A_474 : i32
      %get3A_476 = arith.index_cast %add3A_475 : i32 to index
      %get3A_477 = tpu.vector_load %arg5[%get3A_476] {strides = array<i32>} : memref<10016xi32, #tpu.memory_space<vmem>>, vector<16xi32>,
      %get3A_478 = arith.constant 176 : index
      %get3A_479 = tpu.vector_load %arg7[%get3A_478] {strides = array<i32>} : memref<768xf32, #tpu.memory_space<vmem>>, vector<16xf32>,
      %broadcast_in_dim3A_480 = arith.constant true
      %broadcast_in_dim3A_481 = vector.broadcast %broadcast_in_dim3A_480 : i1 to vector<16xi1>
      %masked_cumsum3A_482 = tpu.scan <sum>, %get3A_479 masked %broadcast_in_dim3A_481 : vector<16xf32>, vector<16xi1> -> vector<16xf32>
      %ne3A_483 = arith.cmpi ne, %get3A_473, %get3A_477 : vector<16xi32>
      %or3A_484 = arith.ori %ne3A_483, %ge3A_158 : vector<16xi1>
      %and3A_485 = arith.andi %ne3A_483, %lt3A_156 : vector<16xi1>
      tpu.vector_store_idx %arg9[%get3A_473], %masked_cumsum3A_482 masked %or3A_484 {add = true} : memref<10256xf32, #tpu.memory_space<vmem>>[vector<16xi32>], vector<16xf32>, vector<16xi1>
      %neg3A_486 = arith.constant 0.000000e+00 : f32
      %neg3A_487 = vector.broadcast %neg3A_486 : f32 to vector<16xf32>
      %neg3A_488 = arith.subf %neg3A_487, %masked_cumsum3A_482 : vector<16xf32>
      tpu.vector_store_idx %arg9[%get3A_477], %neg3A_488 masked %and3A_485 {add = true} : memref<10256xf32, #tpu.memory_space<vmem>>[vector<16xi32>], vector<16xf32>, vector<16xi1>
      tpu.vector_store_idx %arg10[%get3A_473], %convert_element_type3A masked %or3A_484 {add = true} : memref<10256xf32, #tpu.memory_space<vmem>>[vector<16xi32>], vector<16xf32>, vector<16xi1>
      tpu.vector_store_idx %arg10[%get3A_477], %neg3A_163 masked %and3A_485 {add = true} : memref<10256xf32, #tpu.memory_space<vmem>>[vector<16xi32>], vector<16xf32>, vector<16xi1>
      %mul3A_489 = arith.constant 128 : i32
      %mul3A_490 = arith.muli %add3A_394, %mul3A_489 : i32
      %add3A_491 = arith.constant 64 : i32
      %add3A_492 = arith.addi %mul3A_490, %add3A_491 : i32
      %get3A_493 = arith.index_cast %add3A_492 : i32 to index
      %get3A_494 = tpu.vector_load %arg5[%get3A_493] {strides = array<i32>} : memref<10016xi32, #tpu.memory_space<vmem>>, vector<16xi32>,
      %add3A_495 = arith.constant 1 : i32
      %add3A_496 = arith.addi %add3A_492, %add3A_495 : i32
      %get3A_497 = arith.index_cast %add3A_496 : i32 to index
      %get3A_498 = tpu.vector_load %arg5[%get3A_497] {strides = array<i32>} : memref<10016xi32, #tpu.memory_space<vmem>>, vector<16xi32>,
      %get3A_499 = arith.constant 192 : index
      %get3A_500 = tpu.vector_load %arg7[%get3A_499] {strides = array<i32>} : memref<768xf32, #tpu.memory_space<vmem>>, vector<16xf32>,
      %broadcast_in_dim3A_501 = arith.constant true
      %broadcast_in_dim3A_502 = vector.broadcast %broadcast_in_dim3A_501 : i1 to vector<16xi1>
      %masked_cumsum3A_503 = tpu.scan <sum>, %get3A_500 masked %broadcast_in_dim3A_502 : vector<16xf32>, vector<16xi1> -> vector<16xf32>
      %ne3A_504 = arith.cmpi ne, %get3A_494, %get3A_498 : vector<16xi32>
      %or3A_505 = arith.ori %ne3A_504, %ge3A_158 : vector<16xi1>
      %and3A_506 = arith.andi %ne3A_504, %lt3A_156 : vector<16xi1>
      tpu.vector_store_idx %arg9[%get3A_494], %masked_cumsum3A_503 masked %or3A_505 {add = true} : memref<10256xf32, #tpu.memory_space<vmem>>[vector<16xi32>], vector<16xf32>, vector<16xi1>
      %neg3A_507 = arith.constant 0.000000e+00 : f32
      %neg3A_508 = vector.broadcast %neg3A_507 : f32 to vector<16xf32>
      %neg3A_509 = arith.subf %neg3A_508, %masked_cumsum3A_503 : vector<16xf32>
      tpu.vector_store_idx %arg9[%get3A_498], %neg3A_509 masked %and3A_506 {add = true} : memref<10256xf32, #tpu.memory_space<vmem>>[vector<16xi32>], vector<16xf32>, vector<16xi1>
      tpu.vector_store_idx %arg10[%get3A_494], %convert_element_type3A masked %or3A_505 {add = true} : memref<10256xf32, #tpu.memory_space<vmem>>[vector<16xi32>], vector<16xf32>, vector<16xi1>
      tpu.vector_store_idx %arg10[%get3A_498], %neg3A_163 masked %and3A_506 {add = true} : memref<10256xf32, #tpu.memory_space<vmem>>[vector<16xi32>], vector<16xf32>, vector<16xi1>
      %mul3A_510 = arith.constant 128 : i32
      %mul3A_511 = arith.muli %add3A_394, %mul3A_510 : i32
      %add3A_512 = arith.constant 80 : i32
      %add3A_513 = arith.addi %mul3A_511, %add3A_512 : i32
      %get3A_514 = arith.index_cast %add3A_513 : i32 to index
      %get3A_515 = tpu.vector_load %arg5[%get3A_514] {strides = array<i32>} : memref<10016xi32, #tpu.memory_space<vmem>>, vector<16xi32>,
      %add3A_516 = arith.constant 1 : i32
      %add3A_517 = arith.addi %add3A_513, %add3A_516 : i32
      %get3A_518 = arith.index_cast %add3A_517 : i32 to index
      %get3A_519 = tpu.vector_load %arg5[%get3A_518] {strides = array<i32>} : memref<10016xi32, #tpu.memory_space<vmem>>, vector<16xi32>,
      %get3A_520 = arith.constant 208 : index
      %get3A_521 = tpu.vector_load %arg7[%get3A_520] {strides = array<i32>} : memref<768xf32, #tpu.memory_space<vmem>>, vector<16xf32>,
      %broadcast_in_dim3A_522 = arith.constant true
      %broadcast_in_dim3A_523 = vector.broadcast %broadcast_in_dim3A_522 : i1 to vector<16xi1>
      %masked_cumsum3A_524 = tpu.scan <sum>, %get3A_521 masked %broadcast_in_dim3A_523 : vector<16xf32>, vector<16xi1> -> vector<16xf32>
      %ne3A_525 = arith.cmpi ne, %get3A_515, %get3A_519 : vector<16xi32>
      %or3A_526 = arith.ori %ne3A_525, %ge3A_158 : vector<16xi1>
      %and3A_527 = arith.andi %ne3A_525, %lt3A_156 : vector<16xi1>
      tpu.vector_store_idx %arg9[%get3A_515], %masked_cumsum3A_524 masked %or3A_526 {add = true} : memref<10256xf32, #tpu.memory_space<vmem>>[vector<16xi32>], vector<16xf32>, vector<16xi1>
      %neg3A_528 = arith.constant 0.000000e+00 : f32
      %neg3A_529 = vector.broadcast %neg3A_528 : f32 to vector<16xf32>
      %neg3A_530 = arith.subf %neg3A_529, %masked_cumsum3A_524 : vector<16xf32>
      tpu.vector_store_idx %arg9[%get3A_519], %neg3A_530 masked %and3A_527 {add = true} : memref<10256xf32, #tpu.memory_space<vmem>>[vector<16xi32>], vector<16xf32>, vector<16xi1>
      tpu.vector_store_idx %arg10[%get3A_515], %convert_element_type3A masked %or3A_526 {add = true} : memref<10256xf32, #tpu.memory_space<vmem>>[vector<16xi32>], vector<16xf32>, vector<16xi1>
      tpu.vector_store_idx %arg10[%get3A_519], %neg3A_163 masked %and3A_527 {add = true} : memref<10256xf32, #tpu.memory_space<vmem>>[vector<16xi32>], vector<16xf32>, vector<16xi1>
      %mul3A_531 = arith.constant 128 : i32
      %mul3A_532 = arith.muli %add3A_394, %mul3A_531 : i32
      %add3A_533 = arith.constant 96 : i32
      %add3A_534 = arith.addi %mul3A_532, %add3A_533 : i32
      %get3A_535 = arith.index_cast %add3A_534 : i32 to index
      %get3A_536 = tpu.vector_load %arg5[%get3A_535] {strides = array<i32>} : memref<10016xi32, #tpu.memory_space<vmem>>, vector<16xi32>,
      %add3A_537 = arith.constant 1 : i32
      %add3A_538 = arith.addi %add3A_534, %add3A_537 : i32
      %get3A_539 = arith.index_cast %add3A_538 : i32 to index
      %get3A_540 = tpu.vector_load %arg5[%get3A_539] {strides = array<i32>} : memref<10016xi32, #tpu.memory_space<vmem>>, vector<16xi32>,
      %get3A_541 = arith.constant 224 : index
      %get3A_542 = tpu.vector_load %arg7[%get3A_541] {strides = array<i32>} : memref<768xf32, #tpu.memory_space<vmem>>, vector<16xf32>,
      %broadcast_in_dim3A_543 = arith.constant true
      %broadcast_in_dim3A_544 = vector.broadcast %broadcast_in_dim3A_543 : i1 to vector<16xi1>
      %masked_cumsum3A_545 = tpu.scan <sum>, %get3A_542 masked %broadcast_in_dim3A_544 : vector<16xf32>, vector<16xi1> -> vector<16xf32>
      %ne3A_546 = arith.cmpi ne, %get3A_536, %get3A_540 : vector<16xi32>
      %or3A_547 = arith.ori %ne3A_546, %ge3A_158 : vector<16xi1>
      %and3A_548 = arith.andi %ne3A_546, %lt3A_156 : vector<16xi1>
      tpu.vector_store_idx %arg9[%get3A_536], %masked_cumsum3A_545 masked %or3A_547 {add = true} : memref<10256xf32, #tpu.memory_space<vmem>>[vector<16xi32>], vector<16xf32>, vector<16xi1>
      %neg3A_549 = arith.constant 0.000000e+00 : f32
      %neg3A_550 = vector.broadcast %neg3A_549 : f32 to vector<16xf32>
      %neg3A_551 = arith.subf %neg3A_550, %masked_cumsum3A_545 : vector<16xf32>
      tpu.vector_store_idx %arg9[%get3A_540], %neg3A_551 masked %and3A_548 {add = true} : memref<10256xf32, #tpu.memory_space<vmem>>[vector<16xi32>], vector<16xf32>, vector<16xi1>
      tpu.vector_store_idx %arg10[%get3A_536], %convert_element_type3A masked %or3A_547 {add = true} : memref<10256xf32, #tpu.memory_space<vmem>>[vector<16xi32>], vector<16xf32>, vector<16xi1>
      tpu.vector_store_idx %arg10[%get3A_540], %neg3A_163 masked %and3A_548 {add = true} : memref<10256xf32, #tpu.memory_space<vmem>>[vector<16xi32>], vector<16xf32>, vector<16xi1>
      %mul3A_552 = arith.constant 128 : i32
      %mul3A_553 = arith.muli %add3A_394, %mul3A_552 : i32
      %add3A_554 = arith.constant 112 : i32
      %add3A_555 = arith.addi %mul3A_553, %add3A_554 : i32
      %get3A_556 = arith.index_cast %add3A_555 : i32 to index
      %get3A_557 = tpu.vector_load %arg5[%get3A_556] {strides = array<i32>} : memref<10016xi32, #tpu.memory_space<vmem>>, vector<16xi32>,
      %add3A_558 = arith.constant 1 : i32
      %add3A_559 = arith.addi %add3A_555, %add3A_558 : i32
      %get3A_560 = arith.index_cast %add3A_559 : i32 to index
      %get3A_561 = tpu.vector_load %arg5[%get3A_560] {strides = array<i32>} : memref<10016xi32, #tpu.memory_space<vmem>>, vector<16xi32>,
      %get3A_562 = arith.constant 240 : index
      %get3A_563 = tpu.vector_load %arg7[%get3A_562] {strides = array<i32>} : memref<768xf32, #tpu.memory_space<vmem>>, vector<16xf32>,
      %broadcast_in_dim3A_564 = arith.constant true
      %broadcast_in_dim3A_565 = vector.broadcast %broadcast_in_dim3A_564 : i1 to vector<16xi1>
      %masked_cumsum3A_566 = tpu.scan <sum>, %get3A_563 masked %broadcast_in_dim3A_565 : vector<16xf32>, vector<16xi1> -> vector<16xf32>
      %ne3A_567 = arith.cmpi ne, %get3A_557, %get3A_561 : vector<16xi32>
      %or3A_568 = arith.ori %ne3A_567, %ge3A_158 : vector<16xi1>
      %and3A_569 = arith.andi %ne3A_567, %lt3A_156 : vector<16xi1>
      tpu.vector_store_idx %arg9[%get3A_557], %masked_cumsum3A_566 masked %or3A_568 {add = true} : memref<10256xf32, #tpu.memory_space<vmem>>[vector<16xi32>], vector<16xf32>, vector<16xi1>
      %neg3A_570 = arith.constant 0.000000e+00 : f32
      %neg3A_571 = vector.broadcast %neg3A_570 : f32 to vector<16xf32>
      %neg3A_572 = arith.subf %neg3A_571, %masked_cumsum3A_566 : vector<16xf32>
      tpu.vector_store_idx %arg9[%get3A_561], %neg3A_572 masked %and3A_569 {add = true} : memref<10256xf32, #tpu.memory_space<vmem>>[vector<16xi32>], vector<16xf32>, vector<16xi1>
      tpu.vector_store_idx %arg10[%get3A_557], %convert_element_type3A masked %or3A_568 {add = true} : memref<10256xf32, #tpu.memory_space<vmem>>[vector<16xi32>], vector<16xf32>, vector<16xi1>
      tpu.vector_store_idx %arg10[%get3A_561], %neg3A_163 masked %and3A_569 {add = true} : memref<10256xf32, #tpu.memory_space<vmem>>[vector<16xi32>], vector<16xf32>, vector<16xi1>
      %add3A_573 = arith.constant 6 : i32
      %add3A_574 = arith.addi %add3A_394, %add3A_573 : i32
      %lt3A_575 = arith.constant 78 : i32
      %lt3A_576 = arith.cmpi slt, %add3A_574, %lt3A_575 : i32
      %convert_element_type3A_577 = arith.extui %lt3A_576 : i1 to i32
      %cond3A_578 = arith.constant 0 : i32
      %cond3A_579 = arith.cmpi ne, %convert_element_type3A_577, %cond3A_578 : i32
      scf.if %cond3A_579 {
        %add3A_1328 = arith.constant 6 : i32
        %add3A_1329 = arith.addi %add3A_394, %add3A_1328 : i32
        %mul3A_1330 = arith.constant 128 : i32
        %mul3A_1331 = arith.muli %add3A_1329, %mul3A_1330 : i32
        %add3A_1332 = arith.addi %mul3A_2, %mul3A_1331 : i32
        %mul3A_1333 = arith.constant 128 : i32
        %mul3A_1334 = arith.muli %add3A_1332, %mul3A_1333 : i32
        %dma_start3A_1335 = arith.constant 128 : i32
        %dma_start3A_1336 = tpu.memref_slice %arg7[%dma_start3A_1335] : memref<768xf32, #tpu.memory_space<vmem>> -> memref<128xf32, #tpu.memory_space<vmem>>
        %dma_start3A_1337 = tpu.memref_slice %arg2[%mul3A_1334] : memref<40960000xf32, #tpu.memory_space<hbm>> -> memref<16384xf32, #tpu.memory_space<hbm>>
        %dma_start3A_1338 = arith.constant 0 : i32
        %dma_start3A_1339 = tpu.memref_slice %dma_start3A_1337[%dma_start3A_1338] : memref<16384xf32, #tpu.memory_space<hbm>> -> memref<16384xf32, #tpu.memory_space<hbm>>
        tpu.enqueue_indirect_dma source(%dma_start3A_1339 : memref<16384xf32, #tpu.memory_space<hbm>>) target(%dma_start3A_1336 : memref<128xf32, #tpu.memory_space<vmem>>) offsets(%arg6 : memref<128xi32, #tpu.memory_space<vmem>>) semaphore(%arg15 : memref<!tpu.dma_semaphore, #tpu.memory_space<semaphore_mem>>)
      } else {
      }
      %add3A_580 = arith.constant 2 : i32
      %add3A_581 = arith.addi %mul3A_206, %add3A_580 : i32
      %mul3A_582 = arith.constant 128 : i32
      %mul3A_583 = arith.muli %add3A_581, %mul3A_582 : i32
      %add3A_584 = arith.addi %mul3A_2, %mul3A_583 : i32
      %mul3A_585 = arith.constant 128 : i32
      %mul3A_586 = arith.muli %add3A_584, %mul3A_585 : i32
      %dma_wait3A_587 = arith.constant 256 : i32
      %dma_wait3A_588 = tpu.memref_slice %arg7[%dma_wait3A_587] : memref<768xf32, #tpu.memory_space<vmem>> -> memref<128xf32, #tpu.memory_space<vmem>>
      %dma_wait3A_589 = tpu.memref_slice %arg2[%mul3A_586] : memref<40960000xf32, #tpu.memory_space<hbm>> -> memref<16384xf32, #tpu.memory_space<hbm>>
      %dma_wait3A_590 = arith.constant 0 : i32
      %dma_wait3A_591 = tpu.memref_slice %dma_wait3A_589[%dma_wait3A_590] : memref<16384xf32, #tpu.memory_space<hbm>> -> memref<16384xf32, #tpu.memory_space<hbm>>
      tpu.wait_indirect_dma semaphore(%arg16 : memref<!tpu.dma_semaphore, #tpu.memory_space<semaphore_mem>>) src(%dma_wait3A_591 : memref<16384xf32, #tpu.memory_space<hbm>>) dst(%dma_wait3A_588 : memref<128xf32, #tpu.memory_space<vmem>>)
      %mul3A_592 = arith.constant 128 : i32
      %mul3A_593 = arith.muli %add3A_581, %mul3A_592 : i32
      %add3A_594 = arith.constant 0 : i32
      %add3A_595 = arith.addi %mul3A_593, %add3A_594 : i32
      %get3A_596 = arith.index_cast %add3A_595 : i32 to index
      %get3A_597 = tpu.vector_load %arg5[%get3A_596] {strides = array<i32>} : memref<10016xi32, #tpu.memory_space<vmem>>, vector<16xi32>,
      %add3A_598 = arith.constant 1 : i32
      %add3A_599 = arith.addi %add3A_595, %add3A_598 : i32
      %get3A_600 = arith.index_cast %add3A_599 : i32 to index
      %get3A_601 = tpu.vector_load %arg5[%get3A_600] {strides = array<i32>} : memref<10016xi32, #tpu.memory_space<vmem>>, vector<16xi32>,
      %get3A_602 = arith.constant 256 : index
      %get3A_603 = tpu.vector_load %arg7[%get3A_602] {strides = array<i32>} : memref<768xf32, #tpu.memory_space<vmem>>, vector<16xf32>,
      %broadcast_in_dim3A_604 = arith.constant true
      %broadcast_in_dim3A_605 = vector.broadcast %broadcast_in_dim3A_604 : i1 to vector<16xi1>
      %masked_cumsum3A_606 = tpu.scan <sum>, %get3A_603 masked %broadcast_in_dim3A_605 : vector<16xf32>, vector<16xi1> -> vector<16xf32>
      %ne3A_607 = arith.cmpi ne, %get3A_597, %get3A_601 : vector<16xi32>
      %or3A_608 = arith.ori %ne3A_607, %ge3A_158 : vector<16xi1>
      %and3A_609 = arith.andi %ne3A_607, %lt3A_156 : vector<16xi1>
      tpu.vector_store_idx %arg9[%get3A_597], %masked_cumsum3A_606 masked %or3A_608 {add = true} : memref<10256xf32, #tpu.memory_space<vmem>>[vector<16xi32>], vector<16xf32>, vector<16xi1>
      %neg3A_610 = arith.constant 0.000000e+00 : f32
      %neg3A_611 = vector.broadcast %neg3A_610 : f32 to vector<16xf32>
      %neg3A_612 = arith.subf %neg3A_611, %masked_cumsum3A_606 : vector<16xf32>
      tpu.vector_store_idx %arg9[%get3A_601], %neg3A_612 masked %and3A_609 {add = true} : memref<10256xf32, #tpu.memory_space<vmem>>[vector<16xi32>], vector<16xf32>, vector<16xi1>
      tpu.vector_store_idx %arg10[%get3A_597], %convert_element_type3A masked %or3A_608 {add = true} : memref<10256xf32, #tpu.memory_space<vmem>>[vector<16xi32>], vector<16xf32>, vector<16xi1>
      tpu.vector_store_idx %arg10[%get3A_601], %neg3A_163 masked %and3A_609 {add = true} : memref<10256xf32, #tpu.memory_space<vmem>>[vector<16xi32>], vector<16xf32>, vector<16xi1>
      %mul3A_613 = arith.constant 128 : i32
      %mul3A_614 = arith.muli %add3A_581, %mul3A_613 : i32
      %add3A_615 = arith.constant 16 : i32
      %add3A_616 = arith.addi %mul3A_614, %add3A_615 : i32
      %get3A_617 = arith.index_cast %add3A_616 : i32 to index
      %get3A_618 = tpu.vector_load %arg5[%get3A_617] {strides = array<i32>} : memref<10016xi32, #tpu.memory_space<vmem>>, vector<16xi32>,
      %add3A_619 = arith.constant 1 : i32
      %add3A_620 = arith.addi %add3A_616, %add3A_619 : i32
      %get3A_621 = arith.index_cast %add3A_620 : i32 to index
      %get3A_622 = tpu.vector_load %arg5[%get3A_621] {strides = array<i32>} : memref<10016xi32, #tpu.memory_space<vmem>>, vector<16xi32>,
      %get3A_623 = arith.constant 272 : index
      %get3A_624 = tpu.vector_load %arg7[%get3A_623] {strides = array<i32>} : memref<768xf32, #tpu.memory_space<vmem>>, vector<16xf32>,
      %broadcast_in_dim3A_625 = arith.constant true
      %broadcast_in_dim3A_626 = vector.broadcast %broadcast_in_dim3A_625 : i1 to vector<16xi1>
      %masked_cumsum3A_627 = tpu.scan <sum>, %get3A_624 masked %broadcast_in_dim3A_626 : vector<16xf32>, vector<16xi1> -> vector<16xf32>
      %ne3A_628 = arith.cmpi ne, %get3A_618, %get3A_622 : vector<16xi32>
      %or3A_629 = arith.ori %ne3A_628, %ge3A_158 : vector<16xi1>
      %and3A_630 = arith.andi %ne3A_628, %lt3A_156 : vector<16xi1>
      tpu.vector_store_idx %arg9[%get3A_618], %masked_cumsum3A_627 masked %or3A_629 {add = true} : memref<10256xf32, #tpu.memory_space<vmem>>[vector<16xi32>], vector<16xf32>, vector<16xi1>
      %neg3A_631 = arith.constant 0.000000e+00 : f32
      %neg3A_632 = vector.broadcast %neg3A_631 : f32 to vector<16xf32>
      %neg3A_633 = arith.subf %neg3A_632, %masked_cumsum3A_627 : vector<16xf32>
      tpu.vector_store_idx %arg9[%get3A_622], %neg3A_633 masked %and3A_630 {add = true} : memref<10256xf32, #tpu.memory_space<vmem>>[vector<16xi32>], vector<16xf32>, vector<16xi1>
      tpu.vector_store_idx %arg10[%get3A_618], %convert_element_type3A masked %or3A_629 {add = true} : memref<10256xf32, #tpu.memory_space<vmem>>[vector<16xi32>], vector<16xf32>, vector<16xi1>
      tpu.vector_store_idx %arg10[%get3A_622], %neg3A_163 masked %and3A_630 {add = true} : memref<10256xf32, #tpu.memory_space<vmem>>[vector<16xi32>], vector<16xf32>, vector<16xi1>
      %mul3A_634 = arith.constant 128 : i32
      %mul3A_635 = arith.muli %add3A_581, %mul3A_634 : i32
      %add3A_636 = arith.constant 32 : i32
      %add3A_637 = arith.addi %mul3A_635, %add3A_636 : i32
      %get3A_638 = arith.index_cast %add3A_637 : i32 to index
      %get3A_639 = tpu.vector_load %arg5[%get3A_638] {strides = array<i32>} : memref<10016xi32, #tpu.memory_space<vmem>>, vector<16xi32>,
      %add3A_640 = arith.constant 1 : i32
      %add3A_641 = arith.addi %add3A_637, %add3A_640 : i32
      %get3A_642 = arith.index_cast %add3A_641 : i32 to index
      %get3A_643 = tpu.vector_load %arg5[%get3A_642] {strides = array<i32>} : memref<10016xi32, #tpu.memory_space<vmem>>, vector<16xi32>,
      %get3A_644 = arith.constant 288 : index
      %get3A_645 = tpu.vector_load %arg7[%get3A_644] {strides = array<i32>} : memref<768xf32, #tpu.memory_space<vmem>>, vector<16xf32>,
      %broadcast_in_dim3A_646 = arith.constant true
      %broadcast_in_dim3A_647 = vector.broadcast %broadcast_in_dim3A_646 : i1 to vector<16xi1>
      %masked_cumsum3A_648 = tpu.scan <sum>, %get3A_645 masked %broadcast_in_dim3A_647 : vector<16xf32>, vector<16xi1> -> vector<16xf32>
      %ne3A_649 = arith.cmpi ne, %get3A_639, %get3A_643 : vector<16xi32>
      %or3A_650 = arith.ori %ne3A_649, %ge3A_158 : vector<16xi1>
      %and3A_651 = arith.andi %ne3A_649, %lt3A_156 : vector<16xi1>
      tpu.vector_store_idx %arg9[%get3A_639], %masked_cumsum3A_648 masked %or3A_650 {add = true} : memref<10256xf32, #tpu.memory_space<vmem>>[vector<16xi32>], vector<16xf32>, vector<16xi1>
      %neg3A_652 = arith.constant 0.000000e+00 : f32
      %neg3A_653 = vector.broadcast %neg3A_652 : f32 to vector<16xf32>
      %neg3A_654 = arith.subf %neg3A_653, %masked_cumsum3A_648 : vector<16xf32>
      tpu.vector_store_idx %arg9[%get3A_643], %neg3A_654 masked %and3A_651 {add = true} : memref<10256xf32, #tpu.memory_space<vmem>>[vector<16xi32>], vector<16xf32>, vector<16xi1>
      tpu.vector_store_idx %arg10[%get3A_639], %convert_element_type3A masked %or3A_650 {add = true} : memref<10256xf32, #tpu.memory_space<vmem>>[vector<16xi32>], vector<16xf32>, vector<16xi1>
      tpu.vector_store_idx %arg10[%get3A_643], %neg3A_163 masked %and3A_651 {add = true} : memref<10256xf32, #tpu.memory_space<vmem>>[vector<16xi32>], vector<16xf32>, vector<16xi1>
      %mul3A_655 = arith.constant 128 : i32
      %mul3A_656 = arith.muli %add3A_581, %mul3A_655 : i32
      %add3A_657 = arith.constant 48 : i32
      %add3A_658 = arith.addi %mul3A_656, %add3A_657 : i32
      %get3A_659 = arith.index_cast %add3A_658 : i32 to index
      %get3A_660 = tpu.vector_load %arg5[%get3A_659] {strides = array<i32>} : memref<10016xi32, #tpu.memory_space<vmem>>, vector<16xi32>,
      %add3A_661 = arith.constant 1 : i32
      %add3A_662 = arith.addi %add3A_658, %add3A_661 : i32
      %get3A_663 = arith.index_cast %add3A_662 : i32 to index
      %get3A_664 = tpu.vector_load %arg5[%get3A_663] {strides = array<i32>} : memref<10016xi32, #tpu.memory_space<vmem>>, vector<16xi32>,
      %get3A_665 = arith.constant 304 : index
      %get3A_666 = tpu.vector_load %arg7[%get3A_665] {strides = array<i32>} : memref<768xf32, #tpu.memory_space<vmem>>, vector<16xf32>,
      %broadcast_in_dim3A_667 = arith.constant true
      %broadcast_in_dim3A_668 = vector.broadcast %broadcast_in_dim3A_667 : i1 to vector<16xi1>
      %masked_cumsum3A_669 = tpu.scan <sum>, %get3A_666 masked %broadcast_in_dim3A_668 : vector<16xf32>, vector<16xi1> -> vector<16xf32>
      %ne3A_670 = arith.cmpi ne, %get3A_660, %get3A_664 : vector<16xi32>
      %or3A_671 = arith.ori %ne3A_670, %ge3A_158 : vector<16xi1>
      %and3A_672 = arith.andi %ne3A_670, %lt3A_156 : vector<16xi1>
      tpu.vector_store_idx %arg9[%get3A_660], %masked_cumsum3A_669 masked %or3A_671 {add = true} : memref<10256xf32, #tpu.memory_space<vmem>>[vector<16xi32>], vector<16xf32>, vector<16xi1>
      %neg3A_673 = arith.constant 0.000000e+00 : f32
      %neg3A_674 = vector.broadcast %neg3A_673 : f32 to vector<16xf32>
      %neg3A_675 = arith.subf %neg3A_674, %masked_cumsum3A_669 : vector<16xf32>
      tpu.vector_store_idx %arg9[%get3A_664], %neg3A_675 masked %and3A_672 {add = true} : memref<10256xf32, #tpu.memory_space<vmem>>[vector<16xi32>], vector<16xf32>, vector<16xi1>
      tpu.vector_store_idx %arg10[%get3A_660], %convert_element_type3A masked %or3A_671 {add = true} : memref<10256xf32, #tpu.memory_space<vmem>>[vector<16xi32>], vector<16xf32>, vector<16xi1>
      tpu.vector_store_idx %arg10[%get3A_664], %neg3A_163 masked %and3A_672 {add = true} : memref<10256xf32, #tpu.memory_space<vmem>>[vector<16xi32>], vector<16xf32>, vector<16xi1>
      %mul3A_676 = arith.constant 128 : i32
      %mul3A_677 = arith.muli %add3A_581, %mul3A_676 : i32
      %add3A_678 = arith.constant 64 : i32
      %add3A_679 = arith.addi %mul3A_677, %add3A_678 : i32
      %get3A_680 = arith.index_cast %add3A_679 : i32 to index
      %get3A_681 = tpu.vector_load %arg5[%get3A_680] {strides = array<i32>} : memref<10016xi32, #tpu.memory_space<vmem>>, vector<16xi32>,
      %add3A_682 = arith.constant 1 : i32
      %add3A_683 = arith.addi %add3A_679, %add3A_682 : i32
      %get3A_684 = arith.index_cast %add3A_683 : i32 to index
      %get3A_685 = tpu.vector_load %arg5[%get3A_684] {strides = array<i32>} : memref<10016xi32, #tpu.memory_space<vmem>>, vector<16xi32>,
      %get3A_686 = arith.constant 320 : index
      %get3A_687 = tpu.vector_load %arg7[%get3A_686] {strides = array<i32>} : memref<768xf32, #tpu.memory_space<vmem>>, vector<16xf32>,
      %broadcast_in_dim3A_688 = arith.constant true
      %broadcast_in_dim3A_689 = vector.broadcast %broadcast_in_dim3A_688 : i1 to vector<16xi1>
      %masked_cumsum3A_690 = tpu.scan <sum>, %get3A_687 masked %broadcast_in_dim3A_689 : vector<16xf32>, vector<16xi1> -> vector<16xf32>
      %ne3A_691 = arith.cmpi ne, %get3A_681, %get3A_685 : vector<16xi32>
      %or3A_692 = arith.ori %ne3A_691, %ge3A_158 : vector<16xi1>
      %and3A_693 = arith.andi %ne3A_691, %lt3A_156 : vector<16xi1>
      tpu.vector_store_idx %arg9[%get3A_681], %masked_cumsum3A_690 masked %or3A_692 {add = true} : memref<10256xf32, #tpu.memory_space<vmem>>[vector<16xi32>], vector<16xf32>, vector<16xi1>
      %neg3A_694 = arith.constant 0.000000e+00 : f32
      %neg3A_695 = vector.broadcast %neg3A_694 : f32 to vector<16xf32>
      %neg3A_696 = arith.subf %neg3A_695, %masked_cumsum3A_690 : vector<16xf32>
      tpu.vector_store_idx %arg9[%get3A_685], %neg3A_696 masked %and3A_693 {add = true} : memref<10256xf32, #tpu.memory_space<vmem>>[vector<16xi32>], vector<16xf32>, vector<16xi1>
      tpu.vector_store_idx %arg10[%get3A_681], %convert_element_type3A masked %or3A_692 {add = true} : memref<10256xf32, #tpu.memory_space<vmem>>[vector<16xi32>], vector<16xf32>, vector<16xi1>
      tpu.vector_store_idx %arg10[%get3A_685], %neg3A_163 masked %and3A_693 {add = true} : memref<10256xf32, #tpu.memory_space<vmem>>[vector<16xi32>], vector<16xf32>, vector<16xi1>
      %mul3A_697 = arith.constant 128 : i32
      %mul3A_698 = arith.muli %add3A_581, %mul3A_697 : i32
      %add3A_699 = arith.constant 80 : i32
      %add3A_700 = arith.addi %mul3A_698, %add3A_699 : i32
      %get3A_701 = arith.index_cast %add3A_700 : i32 to index
      %get3A_702 = tpu.vector_load %arg5[%get3A_701] {strides = array<i32>} : memref<10016xi32, #tpu.memory_space<vmem>>, vector<16xi32>,
      %add3A_703 = arith.constant 1 : i32
      %add3A_704 = arith.addi %add3A_700, %add3A_703 : i32
      %get3A_705 = arith.index_cast %add3A_704 : i32 to index
      %get3A_706 = tpu.vector_load %arg5[%get3A_705] {strides = array<i32>} : memref<10016xi32, #tpu.memory_space<vmem>>, vector<16xi32>,
      %get3A_707 = arith.constant 336 : index
      %get3A_708 = tpu.vector_load %arg7[%get3A_707] {strides = array<i32>} : memref<768xf32, #tpu.memory_space<vmem>>, vector<16xf32>,
      %broadcast_in_dim3A_709 = arith.constant true
      %broadcast_in_dim3A_710 = vector.broadcast %broadcast_in_dim3A_709 : i1 to vector<16xi1>
      %masked_cumsum3A_711 = tpu.scan <sum>, %get3A_708 masked %broadcast_in_dim3A_710 : vector<16xf32>, vector<16xi1> -> vector<16xf32>
      %ne3A_712 = arith.cmpi ne, %get3A_702, %get3A_706 : vector<16xi32>
      %or3A_713 = arith.ori %ne3A_712, %ge3A_158 : vector<16xi1>
      %and3A_714 = arith.andi %ne3A_712, %lt3A_156 : vector<16xi1>
      tpu.vector_store_idx %arg9[%get3A_702], %masked_cumsum3A_711 masked %or3A_713 {add = true} : memref<10256xf32, #tpu.memory_space<vmem>>[vector<16xi32>], vector<16xf32>, vector<16xi1>
      %neg3A_715 = arith.constant 0.000000e+00 : f32
      %neg3A_716 = vector.broadcast %neg3A_715 : f32 to vector<16xf32>
      %neg3A_717 = arith.subf %neg3A_716, %masked_cumsum3A_711 : vector<16xf32>
      tpu.vector_store_idx %arg9[%get3A_706], %neg3A_717 masked %and3A_714 {add = true} : memref<10256xf32, #tpu.memory_space<vmem>>[vector<16xi32>], vector<16xf32>, vector<16xi1>
      tpu.vector_store_idx %arg10[%get3A_702], %convert_element_type3A masked %or3A_713 {add = true} : memref<10256xf32, #tpu.memory_space<vmem>>[vector<16xi32>], vector<16xf32>, vector<16xi1>
      tpu.vector_store_idx %arg10[%get3A_706], %neg3A_163 masked %and3A_714 {add = true} : memref<10256xf32, #tpu.memory_space<vmem>>[vector<16xi32>], vector<16xf32>, vector<16xi1>
      %mul3A_718 = arith.constant 128 : i32
      %mul3A_719 = arith.muli %add3A_581, %mul3A_718 : i32
      %add3A_720 = arith.constant 96 : i32
      %add3A_721 = arith.addi %mul3A_719, %add3A_720 : i32
      %get3A_722 = arith.index_cast %add3A_721 : i32 to index
      %get3A_723 = tpu.vector_load %arg5[%get3A_722] {strides = array<i32>} : memref<10016xi32, #tpu.memory_space<vmem>>, vector<16xi32>,
      %add3A_724 = arith.constant 1 : i32
      %add3A_725 = arith.addi %add3A_721, %add3A_724 : i32
      %get3A_726 = arith.index_cast %add3A_725 : i32 to index
      %get3A_727 = tpu.vector_load %arg5[%get3A_726] {strides = array<i32>} : memref<10016xi32, #tpu.memory_space<vmem>>, vector<16xi32>,
      %get3A_728 = arith.constant 352 : index
      %get3A_729 = tpu.vector_load %arg7[%get3A_728] {strides = array<i32>} : memref<768xf32, #tpu.memory_space<vmem>>, vector<16xf32>,
      %broadcast_in_dim3A_730 = arith.constant true
      %broadcast_in_dim3A_731 = vector.broadcast %broadcast_in_dim3A_730 : i1 to vector<16xi1>
      %masked_cumsum3A_732 = tpu.scan <sum>, %get3A_729 masked %broadcast_in_dim3A_731 : vector<16xf32>, vector<16xi1> -> vector<16xf32>
      %ne3A_733 = arith.cmpi ne, %get3A_723, %get3A_727 : vector<16xi32>
      %or3A_734 = arith.ori %ne3A_733, %ge3A_158 : vector<16xi1>
      %and3A_735 = arith.andi %ne3A_733, %lt3A_156 : vector<16xi1>
      tpu.vector_store_idx %arg9[%get3A_723], %masked_cumsum3A_732 masked %or3A_734 {add = true} : memref<10256xf32, #tpu.memory_space<vmem>>[vector<16xi32>], vector<16xf32>, vector<16xi1>
      %neg3A_736 = arith.constant 0.000000e+00 : f32
      %neg3A_737 = vector.broadcast %neg3A_736 : f32 to vector<16xf32>
      %neg3A_738 = arith.subf %neg3A_737, %masked_cumsum3A_732 : vector<16xf32>
      tpu.vector_store_idx %arg9[%get3A_727], %neg3A_738 masked %and3A_735 {add = true} : memref<10256xf32, #tpu.memory_space<vmem>>[vector<16xi32>], vector<16xf32>, vector<16xi1>
      tpu.vector_store_idx %arg10[%get3A_723], %convert_element_type3A masked %or3A_734 {add = true} : memref<10256xf32, #tpu.memory_space<vmem>>[vector<16xi32>], vector<16xf32>, vector<16xi1>
      tpu.vector_store_idx %arg10[%get3A_727], %neg3A_163 masked %and3A_735 {add = true} : memref<10256xf32, #tpu.memory_space<vmem>>[vector<16xi32>], vector<16xf32>, vector<16xi1>
      %mul3A_739 = arith.constant 128 : i32
      %mul3A_740 = arith.muli %add3A_581, %mul3A_739 : i32
      %add3A_741 = arith.constant 112 : i32
      %add3A_742 = arith.addi %mul3A_740, %add3A_741 : i32
      %get3A_743 = arith.index_cast %add3A_742 : i32 to index
      %get3A_744 = tpu.vector_load %arg5[%get3A_743] {strides = array<i32>} : memref<10016xi32, #tpu.memory_space<vmem>>, vector<16xi32>,
      %add3A_745 = arith.constant 1 : i32
      %add3A_746 = arith.addi %add3A_742, %add3A_745 : i32
      %get3A_747 = arith.index_cast %add3A_746 : i32 to index
      %get3A_748 = tpu.vector_load %arg5[%get3A_747] {strides = array<i32>} : memref<10016xi32, #tpu.memory_space<vmem>>, vector<16xi32>,
      %get3A_749 = arith.constant 368 : index
      %get3A_750 = tpu.vector_load %arg7[%get3A_749] {strides = array<i32>} : memref<768xf32, #tpu.memory_space<vmem>>, vector<16xf32>,
      %broadcast_in_dim3A_751 = arith.constant true
      %broadcast_in_dim3A_752 = vector.broadcast %broadcast_in_dim3A_751 : i1 to vector<16xi1>
      %masked_cumsum3A_753 = tpu.scan <sum>, %get3A_750 masked %broadcast_in_dim3A_752 : vector<16xf32>, vector<16xi1> -> vector<16xf32>
      %ne3A_754 = arith.cmpi ne, %get3A_744, %get3A_748 : vector<16xi32>
      %or3A_755 = arith.ori %ne3A_754, %ge3A_158 : vector<16xi1>
      %and3A_756 = arith.andi %ne3A_754, %lt3A_156 : vector<16xi1>
      tpu.vector_store_idx %arg9[%get3A_744], %masked_cumsum3A_753 masked %or3A_755 {add = true} : memref<10256xf32, #tpu.memory_space<vmem>>[vector<16xi32>], vector<16xf32>, vector<16xi1>
      %neg3A_757 = arith.constant 0.000000e+00 : f32
      %neg3A_758 = vector.broadcast %neg3A_757 : f32 to vector<16xf32>
      %neg3A_759 = arith.subf %neg3A_758, %masked_cumsum3A_753 : vector<16xf32>
      tpu.vector_store_idx %arg9[%get3A_748], %neg3A_759 masked %and3A_756 {add = true} : memref<10256xf32, #tpu.memory_space<vmem>>[vector<16xi32>], vector<16xf32>, vector<16xi1>
      tpu.vector_store_idx %arg10[%get3A_744], %convert_element_type3A masked %or3A_755 {add = true} : memref<10256xf32, #tpu.memory_space<vmem>>[vector<16xi32>], vector<16xf32>, vector<16xi1>
      tpu.vector_store_idx %arg10[%get3A_748], %neg3A_163 masked %and3A_756 {add = true} : memref<10256xf32, #tpu.memory_space<vmem>>[vector<16xi32>], vector<16xf32>, vector<16xi1>
      %add3A_760 = arith.constant 6 : i32
      %add3A_761 = arith.addi %add3A_581, %add3A_760 : i32
      %lt3A_762 = arith.constant 78 : i32
      %lt3A_763 = arith.cmpi slt, %add3A_761, %lt3A_762 : i32
      %convert_element_type3A_764 = arith.extui %lt3A_763 : i1 to i32
      %cond3A_765 = arith.constant 0 : i32
      %cond3A_766 = arith.cmpi ne, %convert_element_type3A_764, %cond3A_765 : i32
      scf.if %cond3A_766 {
        %add3A_1328 = arith.constant 6 : i32
        %add3A_1329 = arith.addi %add3A_581, %add3A_1328 : i32
        %mul3A_1330 = arith.constant 128 : i32
        %mul3A_1331 = arith.muli %add3A_1329, %mul3A_1330 : i32
        %add3A_1332 = arith.addi %mul3A_2, %mul3A_1331 : i32
        %mul3A_1333 = arith.constant 128 : i32
        %mul3A_1334 = arith.muli %add3A_1332, %mul3A_1333 : i32
        %dma_start3A_1335 = arith.constant 256 : i32
        %dma_start3A_1336 = tpu.memref_slice %arg7[%dma_start3A_1335] : memref<768xf32, #tpu.memory_space<vmem>> -> memref<128xf32, #tpu.memory_space<vmem>>
        %dma_start3A_1337 = tpu.memref_slice %arg2[%mul3A_1334] : memref<40960000xf32, #tpu.memory_space<hbm>> -> memref<16384xf32, #tpu.memory_space<hbm>>
        %dma_start3A_1338 = arith.constant 0 : i32
        %dma_start3A_1339 = tpu.memref_slice %dma_start3A_1337[%dma_start3A_1338] : memref<16384xf32, #tpu.memory_space<hbm>> -> memref<16384xf32, #tpu.memory_space<hbm>>
        tpu.enqueue_indirect_dma source(%dma_start3A_1339 : memref<16384xf32, #tpu.memory_space<hbm>>) target(%dma_start3A_1336 : memref<128xf32, #tpu.memory_space<vmem>>) offsets(%arg6 : memref<128xi32, #tpu.memory_space<vmem>>) semaphore(%arg16 : memref<!tpu.dma_semaphore, #tpu.memory_space<semaphore_mem>>)
      } else {
      }
      %add3A_767 = arith.constant 3 : i32
      %add3A_768 = arith.addi %mul3A_206, %add3A_767 : i32
      %mul3A_769 = arith.constant 128 : i32
      %mul3A_770 = arith.muli %add3A_768, %mul3A_769 : i32
      %add3A_771 = arith.addi %mul3A_2, %mul3A_770 : i32
      %mul3A_772 = arith.constant 128 : i32
      %mul3A_773 = arith.muli %add3A_771, %mul3A_772 : i32
      %dma_wait3A_774 = arith.constant 384 : i32
      %dma_wait3A_775 = tpu.memref_slice %arg7[%dma_wait3A_774] : memref<768xf32, #tpu.memory_space<vmem>> -> memref<128xf32, #tpu.memory_space<vmem>>
      %dma_wait3A_776 = tpu.memref_slice %arg2[%mul3A_773] : memref<40960000xf32, #tpu.memory_space<hbm>> -> memref<16384xf32, #tpu.memory_space<hbm>>
      %dma_wait3A_777 = arith.constant 0 : i32
      %dma_wait3A_778 = tpu.memref_slice %dma_wait3A_776[%dma_wait3A_777] : memref<16384xf32, #tpu.memory_space<hbm>> -> memref<16384xf32, #tpu.memory_space<hbm>>
      tpu.wait_indirect_dma semaphore(%arg17 : memref<!tpu.dma_semaphore, #tpu.memory_space<semaphore_mem>>) src(%dma_wait3A_778 : memref<16384xf32, #tpu.memory_space<hbm>>) dst(%dma_wait3A_775 : memref<128xf32, #tpu.memory_space<vmem>>)
      %mul3A_779 = arith.constant 128 : i32
      %mul3A_780 = arith.muli %add3A_768, %mul3A_779 : i32
      %add3A_781 = arith.constant 0 : i32
      %add3A_782 = arith.addi %mul3A_780, %add3A_781 : i32
      %get3A_783 = arith.index_cast %add3A_782 : i32 to index
      %get3A_784 = tpu.vector_load %arg5[%get3A_783] {strides = array<i32>} : memref<10016xi32, #tpu.memory_space<vmem>>, vector<16xi32>,
      %add3A_785 = arith.constant 1 : i32
      %add3A_786 = arith.addi %add3A_782, %add3A_785 : i32
      %get3A_787 = arith.index_cast %add3A_786 : i32 to index
      %get3A_788 = tpu.vector_load %arg5[%get3A_787] {strides = array<i32>} : memref<10016xi32, #tpu.memory_space<vmem>>, vector<16xi32>,
      %get3A_789 = arith.constant 384 : index
      %get3A_790 = tpu.vector_load %arg7[%get3A_789] {strides = array<i32>} : memref<768xf32, #tpu.memory_space<vmem>>, vector<16xf32>,
      %broadcast_in_dim3A_791 = arith.constant true
      %broadcast_in_dim3A_792 = vector.broadcast %broadcast_in_dim3A_791 : i1 to vector<16xi1>
      %masked_cumsum3A_793 = tpu.scan <sum>, %get3A_790 masked %broadcast_in_dim3A_792 : vector<16xf32>, vector<16xi1> -> vector<16xf32>
      %ne3A_794 = arith.cmpi ne, %get3A_784, %get3A_788 : vector<16xi32>
      %or3A_795 = arith.ori %ne3A_794, %ge3A_158 : vector<16xi1>
      %and3A_796 = arith.andi %ne3A_794, %lt3A_156 : vector<16xi1>
      tpu.vector_store_idx %arg9[%get3A_784], %masked_cumsum3A_793 masked %or3A_795 {add = true} : memref<10256xf32, #tpu.memory_space<vmem>>[vector<16xi32>], vector<16xf32>, vector<16xi1>
      %neg3A_797 = arith.constant 0.000000e+00 : f32
      %neg3A_798 = vector.broadcast %neg3A_797 : f32 to vector<16xf32>
      %neg3A_799 = arith.subf %neg3A_798, %masked_cumsum3A_793 : vector<16xf32>
      tpu.vector_store_idx %arg9[%get3A_788], %neg3A_799 masked %and3A_796 {add = true} : memref<10256xf32, #tpu.memory_space<vmem>>[vector<16xi32>], vector<16xf32>, vector<16xi1>
      tpu.vector_store_idx %arg10[%get3A_784], %convert_element_type3A masked %or3A_795 {add = true} : memref<10256xf32, #tpu.memory_space<vmem>>[vector<16xi32>], vector<16xf32>, vector<16xi1>
      tpu.vector_store_idx %arg10[%get3A_788], %neg3A_163 masked %and3A_796 {add = true} : memref<10256xf32, #tpu.memory_space<vmem>>[vector<16xi32>], vector<16xf32>, vector<16xi1>
      %mul3A_800 = arith.constant 128 : i32
      %mul3A_801 = arith.muli %add3A_768, %mul3A_800 : i32
      %add3A_802 = arith.constant 16 : i32
      %add3A_803 = arith.addi %mul3A_801, %add3A_802 : i32
      %get3A_804 = arith.index_cast %add3A_803 : i32 to index
      %get3A_805 = tpu.vector_load %arg5[%get3A_804] {strides = array<i32>} : memref<10016xi32, #tpu.memory_space<vmem>>, vector<16xi32>,
      %add3A_806 = arith.constant 1 : i32
      %add3A_807 = arith.addi %add3A_803, %add3A_806 : i32
      %get3A_808 = arith.index_cast %add3A_807 : i32 to index
      %get3A_809 = tpu.vector_load %arg5[%get3A_808] {strides = array<i32>} : memref<10016xi32, #tpu.memory_space<vmem>>, vector<16xi32>,
      %get3A_810 = arith.constant 400 : index
      %get3A_811 = tpu.vector_load %arg7[%get3A_810] {strides = array<i32>} : memref<768xf32, #tpu.memory_space<vmem>>, vector<16xf32>,
      %broadcast_in_dim3A_812 = arith.constant true
      %broadcast_in_dim3A_813 = vector.broadcast %broadcast_in_dim3A_812 : i1 to vector<16xi1>
      %masked_cumsum3A_814 = tpu.scan <sum>, %get3A_811 masked %broadcast_in_dim3A_813 : vector<16xf32>, vector<16xi1> -> vector<16xf32>
      %ne3A_815 = arith.cmpi ne, %get3A_805, %get3A_809 : vector<16xi32>
      %or3A_816 = arith.ori %ne3A_815, %ge3A_158 : vector<16xi1>
      %and3A_817 = arith.andi %ne3A_815, %lt3A_156 : vector<16xi1>
      tpu.vector_store_idx %arg9[%get3A_805], %masked_cumsum3A_814 masked %or3A_816 {add = true} : memref<10256xf32, #tpu.memory_space<vmem>>[vector<16xi32>], vector<16xf32>, vector<16xi1>
      %neg3A_818 = arith.constant 0.000000e+00 : f32
      %neg3A_819 = vector.broadcast %neg3A_818 : f32 to vector<16xf32>
      %neg3A_820 = arith.subf %neg3A_819, %masked_cumsum3A_814 : vector<16xf32>
      tpu.vector_store_idx %arg9[%get3A_809], %neg3A_820 masked %and3A_817 {add = true} : memref<10256xf32, #tpu.memory_space<vmem>>[vector<16xi32>], vector<16xf32>, vector<16xi1>
      tpu.vector_store_idx %arg10[%get3A_805], %convert_element_type3A masked %or3A_816 {add = true} : memref<10256xf32, #tpu.memory_space<vmem>>[vector<16xi32>], vector<16xf32>, vector<16xi1>
      tpu.vector_store_idx %arg10[%get3A_809], %neg3A_163 masked %and3A_817 {add = true} : memref<10256xf32, #tpu.memory_space<vmem>>[vector<16xi32>], vector<16xf32>, vector<16xi1>
      %mul3A_821 = arith.constant 128 : i32
      %mul3A_822 = arith.muli %add3A_768, %mul3A_821 : i32
      %add3A_823 = arith.constant 32 : i32
      %add3A_824 = arith.addi %mul3A_822, %add3A_823 : i32
      %get3A_825 = arith.index_cast %add3A_824 : i32 to index
      %get3A_826 = tpu.vector_load %arg5[%get3A_825] {strides = array<i32>} : memref<10016xi32, #tpu.memory_space<vmem>>, vector<16xi32>,
      %add3A_827 = arith.constant 1 : i32
      %add3A_828 = arith.addi %add3A_824, %add3A_827 : i32
      %get3A_829 = arith.index_cast %add3A_828 : i32 to index
      %get3A_830 = tpu.vector_load %arg5[%get3A_829] {strides = array<i32>} : memref<10016xi32, #tpu.memory_space<vmem>>, vector<16xi32>,
      %get3A_831 = arith.constant 416 : index
      %get3A_832 = tpu.vector_load %arg7[%get3A_831] {strides = array<i32>} : memref<768xf32, #tpu.memory_space<vmem>>, vector<16xf32>,
      %broadcast_in_dim3A_833 = arith.constant true
      %broadcast_in_dim3A_834 = vector.broadcast %broadcast_in_dim3A_833 : i1 to vector<16xi1>
      %masked_cumsum3A_835 = tpu.scan <sum>, %get3A_832 masked %broadcast_in_dim3A_834 : vector<16xf32>, vector<16xi1> -> vector<16xf32>
      %ne3A_836 = arith.cmpi ne, %get3A_826, %get3A_830 : vector<16xi32>
      %or3A_837 = arith.ori %ne3A_836, %ge3A_158 : vector<16xi1>
      %and3A_838 = arith.andi %ne3A_836, %lt3A_156 : vector<16xi1>
      tpu.vector_store_idx %arg9[%get3A_826], %masked_cumsum3A_835 masked %or3A_837 {add = true} : memref<10256xf32, #tpu.memory_space<vmem>>[vector<16xi32>], vector<16xf32>, vector<16xi1>
      %neg3A_839 = arith.constant 0.000000e+00 : f32
      %neg3A_840 = vector.broadcast %neg3A_839 : f32 to vector<16xf32>
      %neg3A_841 = arith.subf %neg3A_840, %masked_cumsum3A_835 : vector<16xf32>
      tpu.vector_store_idx %arg9[%get3A_830], %neg3A_841 masked %and3A_838 {add = true} : memref<10256xf32, #tpu.memory_space<vmem>>[vector<16xi32>], vector<16xf32>, vector<16xi1>
      tpu.vector_store_idx %arg10[%get3A_826], %convert_element_type3A masked %or3A_837 {add = true} : memref<10256xf32, #tpu.memory_space<vmem>>[vector<16xi32>], vector<16xf32>, vector<16xi1>
      tpu.vector_store_idx %arg10[%get3A_830], %neg3A_163 masked %and3A_838 {add = true} : memref<10256xf32, #tpu.memory_space<vmem>>[vector<16xi32>], vector<16xf32>, vector<16xi1>
      %mul3A_842 = arith.constant 128 : i32
      %mul3A_843 = arith.muli %add3A_768, %mul3A_842 : i32
      %add3A_844 = arith.constant 48 : i32
      %add3A_845 = arith.addi %mul3A_843, %add3A_844 : i32
      %get3A_846 = arith.index_cast %add3A_845 : i32 to index
      %get3A_847 = tpu.vector_load %arg5[%get3A_846] {strides = array<i32>} : memref<10016xi32, #tpu.memory_space<vmem>>, vector<16xi32>,
      %add3A_848 = arith.constant 1 : i32
      %add3A_849 = arith.addi %add3A_845, %add3A_848 : i32
      %get3A_850 = arith.index_cast %add3A_849 : i32 to index
      %get3A_851 = tpu.vector_load %arg5[%get3A_850] {strides = array<i32>} : memref<10016xi32, #tpu.memory_space<vmem>>, vector<16xi32>,
      %get3A_852 = arith.constant 432 : index
      %get3A_853 = tpu.vector_load %arg7[%get3A_852] {strides = array<i32>} : memref<768xf32, #tpu.memory_space<vmem>>, vector<16xf32>,
      %broadcast_in_dim3A_854 = arith.constant true
      %broadcast_in_dim3A_855 = vector.broadcast %broadcast_in_dim3A_854 : i1 to vector<16xi1>
      %masked_cumsum3A_856 = tpu.scan <sum>, %get3A_853 masked %broadcast_in_dim3A_855 : vector<16xf32>, vector<16xi1> -> vector<16xf32>
      %ne3A_857 = arith.cmpi ne, %get3A_847, %get3A_851 : vector<16xi32>
      %or3A_858 = arith.ori %ne3A_857, %ge3A_158 : vector<16xi1>
      %and3A_859 = arith.andi %ne3A_857, %lt3A_156 : vector<16xi1>
      tpu.vector_store_idx %arg9[%get3A_847], %masked_cumsum3A_856 masked %or3A_858 {add = true} : memref<10256xf32, #tpu.memory_space<vmem>>[vector<16xi32>], vector<16xf32>, vector<16xi1>
      %neg3A_860 = arith.constant 0.000000e+00 : f32
      %neg3A_861 = vector.broadcast %neg3A_860 : f32 to vector<16xf32>
      %neg3A_862 = arith.subf %neg3A_861, %masked_cumsum3A_856 : vector<16xf32>
      tpu.vector_store_idx %arg9[%get3A_851], %neg3A_862 masked %and3A_859 {add = true} : memref<10256xf32, #tpu.memory_space<vmem>>[vector<16xi32>], vector<16xf32>, vector<16xi1>
      tpu.vector_store_idx %arg10[%get3A_847], %convert_element_type3A masked %or3A_858 {add = true} : memref<10256xf32, #tpu.memory_space<vmem>>[vector<16xi32>], vector<16xf32>, vector<16xi1>
      tpu.vector_store_idx %arg10[%get3A_851], %neg3A_163 masked %and3A_859 {add = true} : memref<10256xf32, #tpu.memory_space<vmem>>[vector<16xi32>], vector<16xf32>, vector<16xi1>
      %mul3A_863 = arith.constant 128 : i32
      %mul3A_864 = arith.muli %add3A_768, %mul3A_863 : i32
      %add3A_865 = arith.constant 64 : i32
      %add3A_866 = arith.addi %mul3A_864, %add3A_865 : i32
      %get3A_867 = arith.index_cast %add3A_866 : i32 to index
      %get3A_868 = tpu.vector_load %arg5[%get3A_867] {strides = array<i32>} : memref<10016xi32, #tpu.memory_space<vmem>>, vector<16xi32>,
      %add3A_869 = arith.constant 1 : i32
      %add3A_870 = arith.addi %add3A_866, %add3A_869 : i32
      %get3A_871 = arith.index_cast %add3A_870 : i32 to index
      %get3A_872 = tpu.vector_load %arg5[%get3A_871] {strides = array<i32>} : memref<10016xi32, #tpu.memory_space<vmem>>, vector<16xi32>,
      %get3A_873 = arith.constant 448 : index
      %get3A_874 = tpu.vector_load %arg7[%get3A_873] {strides = array<i32>} : memref<768xf32, #tpu.memory_space<vmem>>, vector<16xf32>,
      %broadcast_in_dim3A_875 = arith.constant true
      %broadcast_in_dim3A_876 = vector.broadcast %broadcast_in_dim3A_875 : i1 to vector<16xi1>
      %masked_cumsum3A_877 = tpu.scan <sum>, %get3A_874 masked %broadcast_in_dim3A_876 : vector<16xf32>, vector<16xi1> -> vector<16xf32>
      %ne3A_878 = arith.cmpi ne, %get3A_868, %get3A_872 : vector<16xi32>
      %or3A_879 = arith.ori %ne3A_878, %ge3A_158 : vector<16xi1>
      %and3A_880 = arith.andi %ne3A_878, %lt3A_156 : vector<16xi1>
      tpu.vector_store_idx %arg9[%get3A_868], %masked_cumsum3A_877 masked %or3A_879 {add = true} : memref<10256xf32, #tpu.memory_space<vmem>>[vector<16xi32>], vector<16xf32>, vector<16xi1>
      %neg3A_881 = arith.constant 0.000000e+00 : f32
      %neg3A_882 = vector.broadcast %neg3A_881 : f32 to vector<16xf32>
      %neg3A_883 = arith.subf %neg3A_882, %masked_cumsum3A_877 : vector<16xf32>
      tpu.vector_store_idx %arg9[%get3A_872], %neg3A_883 masked %and3A_880 {add = true} : memref<10256xf32, #tpu.memory_space<vmem>>[vector<16xi32>], vector<16xf32>, vector<16xi1>
      tpu.vector_store_idx %arg10[%get3A_868], %convert_element_type3A masked %or3A_879 {add = true} : memref<10256xf32, #tpu.memory_space<vmem>>[vector<16xi32>], vector<16xf32>, vector<16xi1>
      tpu.vector_store_idx %arg10[%get3A_872], %neg3A_163 masked %and3A_880 {add = true} : memref<10256xf32, #tpu.memory_space<vmem>>[vector<16xi32>], vector<16xf32>, vector<16xi1>
      %mul3A_884 = arith.constant 128 : i32
      %mul3A_885 = arith.muli %add3A_768, %mul3A_884 : i32
      %add3A_886 = arith.constant 80 : i32
      %add3A_887 = arith.addi %mul3A_885, %add3A_886 : i32
      %get3A_888 = arith.index_cast %add3A_887 : i32 to index
      %get3A_889 = tpu.vector_load %arg5[%get3A_888] {strides = array<i32>} : memref<10016xi32, #tpu.memory_space<vmem>>, vector<16xi32>,
      %add3A_890 = arith.constant 1 : i32
      %add3A_891 = arith.addi %add3A_887, %add3A_890 : i32
      %get3A_892 = arith.index_cast %add3A_891 : i32 to index
      %get3A_893 = tpu.vector_load %arg5[%get3A_892] {strides = array<i32>} : memref<10016xi32, #tpu.memory_space<vmem>>, vector<16xi32>,
      %get3A_894 = arith.constant 464 : index
      %get3A_895 = tpu.vector_load %arg7[%get3A_894] {strides = array<i32>} : memref<768xf32, #tpu.memory_space<vmem>>, vector<16xf32>,
      %broadcast_in_dim3A_896 = arith.constant true
      %broadcast_in_dim3A_897 = vector.broadcast %broadcast_in_dim3A_896 : i1 to vector<16xi1>
      %masked_cumsum3A_898 = tpu.scan <sum>, %get3A_895 masked %broadcast_in_dim3A_897 : vector<16xf32>, vector<16xi1> -> vector<16xf32>
      %ne3A_899 = arith.cmpi ne, %get3A_889, %get3A_893 : vector<16xi32>
      %or3A_900 = arith.ori %ne3A_899, %ge3A_158 : vector<16xi1>
      %and3A_901 = arith.andi %ne3A_899, %lt3A_156 : vector<16xi1>
      tpu.vector_store_idx %arg9[%get3A_889], %masked_cumsum3A_898 masked %or3A_900 {add = true} : memref<10256xf32, #tpu.memory_space<vmem>>[vector<16xi32>], vector<16xf32>, vector<16xi1>
      %neg3A_902 = arith.constant 0.000000e+00 : f32
      %neg3A_903 = vector.broadcast %neg3A_902 : f32 to vector<16xf32>
      %neg3A_904 = arith.subf %neg3A_903, %masked_cumsum3A_898 : vector<16xf32>
      tpu.vector_store_idx %arg9[%get3A_893], %neg3A_904 masked %and3A_901 {add = true} : memref<10256xf32, #tpu.memory_space<vmem>>[vector<16xi32>], vector<16xf32>, vector<16xi1>
      tpu.vector_store_idx %arg10[%get3A_889], %convert_element_type3A masked %or3A_900 {add = true} : memref<10256xf32, #tpu.memory_space<vmem>>[vector<16xi32>], vector<16xf32>, vector<16xi1>
      tpu.vector_store_idx %arg10[%get3A_893], %neg3A_163 masked %and3A_901 {add = true} : memref<10256xf32, #tpu.memory_space<vmem>>[vector<16xi32>], vector<16xf32>, vector<16xi1>
      %mul3A_905 = arith.constant 128 : i32
      %mul3A_906 = arith.muli %add3A_768, %mul3A_905 : i32
      %add3A_907 = arith.constant 96 : i32
      %add3A_908 = arith.addi %mul3A_906, %add3A_907 : i32
      %get3A_909 = arith.index_cast %add3A_908 : i32 to index
      %get3A_910 = tpu.vector_load %arg5[%get3A_909] {strides = array<i32>} : memref<10016xi32, #tpu.memory_space<vmem>>, vector<16xi32>,
      %add3A_911 = arith.constant 1 : i32
      %add3A_912 = arith.addi %add3A_908, %add3A_911 : i32
      %get3A_913 = arith.index_cast %add3A_912 : i32 to index
      %get3A_914 = tpu.vector_load %arg5[%get3A_913] {strides = array<i32>} : memref<10016xi32, #tpu.memory_space<vmem>>, vector<16xi32>,
      %get3A_915 = arith.constant 480 : index
      %get3A_916 = tpu.vector_load %arg7[%get3A_915] {strides = array<i32>} : memref<768xf32, #tpu.memory_space<vmem>>, vector<16xf32>,
      %broadcast_in_dim3A_917 = arith.constant true
      %broadcast_in_dim3A_918 = vector.broadcast %broadcast_in_dim3A_917 : i1 to vector<16xi1>
      %masked_cumsum3A_919 = tpu.scan <sum>, %get3A_916 masked %broadcast_in_dim3A_918 : vector<16xf32>, vector<16xi1> -> vector<16xf32>
      %ne3A_920 = arith.cmpi ne, %get3A_910, %get3A_914 : vector<16xi32>
      %or3A_921 = arith.ori %ne3A_920, %ge3A_158 : vector<16xi1>
      %and3A_922 = arith.andi %ne3A_920, %lt3A_156 : vector<16xi1>
      tpu.vector_store_idx %arg9[%get3A_910], %masked_cumsum3A_919 masked %or3A_921 {add = true} : memref<10256xf32, #tpu.memory_space<vmem>>[vector<16xi32>], vector<16xf32>, vector<16xi1>
      %neg3A_923 = arith.constant 0.000000e+00 : f32
      %neg3A_924 = vector.broadcast %neg3A_923 : f32 to vector<16xf32>
      %neg3A_925 = arith.subf %neg3A_924, %masked_cumsum3A_919 : vector<16xf32>
      tpu.vector_store_idx %arg9[%get3A_914], %neg3A_925 masked %and3A_922 {add = true} : memref<10256xf32, #tpu.memory_space<vmem>>[vector<16xi32>], vector<16xf32>, vector<16xi1>
      tpu.vector_store_idx %arg10[%get3A_910], %convert_element_type3A masked %or3A_921 {add = true} : memref<10256xf32, #tpu.memory_space<vmem>>[vector<16xi32>], vector<16xf32>, vector<16xi1>
      tpu.vector_store_idx %arg10[%get3A_914], %neg3A_163 masked %and3A_922 {add = true} : memref<10256xf32, #tpu.memory_space<vmem>>[vector<16xi32>], vector<16xf32>, vector<16xi1>
      %mul3A_926 = arith.constant 128 : i32
      %mul3A_927 = arith.muli %add3A_768, %mul3A_926 : i32
      %add3A_928 = arith.constant 112 : i32
      %add3A_929 = arith.addi %mul3A_927, %add3A_928 : i32
      %get3A_930 = arith.index_cast %add3A_929 : i32 to index
      %get3A_931 = tpu.vector_load %arg5[%get3A_930] {strides = array<i32>} : memref<10016xi32, #tpu.memory_space<vmem>>, vector<16xi32>,
      %add3A_932 = arith.constant 1 : i32
      %add3A_933 = arith.addi %add3A_929, %add3A_932 : i32
      %get3A_934 = arith.index_cast %add3A_933 : i32 to index
      %get3A_935 = tpu.vector_load %arg5[%get3A_934] {strides = array<i32>} : memref<10016xi32, #tpu.memory_space<vmem>>, vector<16xi32>,
      %get3A_936 = arith.constant 496 : index
      %get3A_937 = tpu.vector_load %arg7[%get3A_936] {strides = array<i32>} : memref<768xf32, #tpu.memory_space<vmem>>, vector<16xf32>,
      %broadcast_in_dim3A_938 = arith.constant true
      %broadcast_in_dim3A_939 = vector.broadcast %broadcast_in_dim3A_938 : i1 to vector<16xi1>
      %masked_cumsum3A_940 = tpu.scan <sum>, %get3A_937 masked %broadcast_in_dim3A_939 : vector<16xf32>, vector<16xi1> -> vector<16xf32>
      %ne3A_941 = arith.cmpi ne, %get3A_931, %get3A_935 : vector<16xi32>
      %or3A_942 = arith.ori %ne3A_941, %ge3A_158 : vector<16xi1>
      %and3A_943 = arith.andi %ne3A_941, %lt3A_156 : vector<16xi1>
      tpu.vector_store_idx %arg9[%get3A_931], %masked_cumsum3A_940 masked %or3A_942 {add = true} : memref<10256xf32, #tpu.memory_space<vmem>>[vector<16xi32>], vector<16xf32>, vector<16xi1>
      %neg3A_944 = arith.constant 0.000000e+00 : f32
      %neg3A_945 = vector.broadcast %neg3A_944 : f32 to vector<16xf32>
      %neg3A_946 = arith.subf %neg3A_945, %masked_cumsum3A_940 : vector<16xf32>
      tpu.vector_store_idx %arg9[%get3A_935], %neg3A_946 masked %and3A_943 {add = true} : memref<10256xf32, #tpu.memory_space<vmem>>[vector<16xi32>], vector<16xf32>, vector<16xi1>
      tpu.vector_store_idx %arg10[%get3A_931], %convert_element_type3A masked %or3A_942 {add = true} : memref<10256xf32, #tpu.memory_space<vmem>>[vector<16xi32>], vector<16xf32>, vector<16xi1>
      tpu.vector_store_idx %arg10[%get3A_935], %neg3A_163 masked %and3A_943 {add = true} : memref<10256xf32, #tpu.memory_space<vmem>>[vector<16xi32>], vector<16xf32>, vector<16xi1>
      %add3A_947 = arith.constant 6 : i32
      %add3A_948 = arith.addi %add3A_768, %add3A_947 : i32
      %lt3A_949 = arith.constant 78 : i32
      %lt3A_950 = arith.cmpi slt, %add3A_948, %lt3A_949 : i32
      %convert_element_type3A_951 = arith.extui %lt3A_950 : i1 to i32
      %cond3A_952 = arith.constant 0 : i32
      %cond3A_953 = arith.cmpi ne, %convert_element_type3A_951, %cond3A_952 : i32
      scf.if %cond3A_953 {
        %add3A_1328 = arith.constant 6 : i32
        %add3A_1329 = arith.addi %add3A_768, %add3A_1328 : i32
        %mul3A_1330 = arith.constant 128 : i32
        %mul3A_1331 = arith.muli %add3A_1329, %mul3A_1330 : i32
        %add3A_1332 = arith.addi %mul3A_2, %mul3A_1331 : i32
        %mul3A_1333 = arith.constant 128 : i32
        %mul3A_1334 = arith.muli %add3A_1332, %mul3A_1333 : i32
        %dma_start3A_1335 = arith.constant 384 : i32
        %dma_start3A_1336 = tpu.memref_slice %arg7[%dma_start3A_1335] : memref<768xf32, #tpu.memory_space<vmem>> -> memref<128xf32, #tpu.memory_space<vmem>>
        %dma_start3A_1337 = tpu.memref_slice %arg2[%mul3A_1334] : memref<40960000xf32, #tpu.memory_space<hbm>> -> memref<16384xf32, #tpu.memory_space<hbm>>
        %dma_start3A_1338 = arith.constant 0 : i32
        %dma_start3A_1339 = tpu.memref_slice %dma_start3A_1337[%dma_start3A_1338] : memref<16384xf32, #tpu.memory_space<hbm>> -> memref<16384xf32, #tpu.memory_space<hbm>>
        tpu.enqueue_indirect_dma source(%dma_start3A_1339 : memref<16384xf32, #tpu.memory_space<hbm>>) target(%dma_start3A_1336 : memref<128xf32, #tpu.memory_space<vmem>>) offsets(%arg6 : memref<128xi32, #tpu.memory_space<vmem>>) semaphore(%arg17 : memref<!tpu.dma_semaphore, #tpu.memory_space<semaphore_mem>>)
      } else {
      }
      %add3A_954 = arith.constant 4 : i32
      %add3A_955 = arith.addi %mul3A_206, %add3A_954 : i32
      %mul3A_956 = arith.constant 128 : i32
      %mul3A_957 = arith.muli %add3A_955, %mul3A_956 : i32
      %add3A_958 = arith.addi %mul3A_2, %mul3A_957 : i32
      %mul3A_959 = arith.constant 128 : i32
      %mul3A_960 = arith.muli %add3A_958, %mul3A_959 : i32
      %dma_wait3A_961 = arith.constant 512 : i32
      %dma_wait3A_962 = tpu.memref_slice %arg7[%dma_wait3A_961] : memref<768xf32, #tpu.memory_space<vmem>> -> memref<128xf32, #tpu.memory_space<vmem>>
      %dma_wait3A_963 = tpu.memref_slice %arg2[%mul3A_960] : memref<40960000xf32, #tpu.memory_space<hbm>> -> memref<16384xf32, #tpu.memory_space<hbm>>
      %dma_wait3A_964 = arith.constant 0 : i32
      %dma_wait3A_965 = tpu.memref_slice %dma_wait3A_963[%dma_wait3A_964] : memref<16384xf32, #tpu.memory_space<hbm>> -> memref<16384xf32, #tpu.memory_space<hbm>>
      tpu.wait_indirect_dma semaphore(%arg18 : memref<!tpu.dma_semaphore, #tpu.memory_space<semaphore_mem>>) src(%dma_wait3A_965 : memref<16384xf32, #tpu.memory_space<hbm>>) dst(%dma_wait3A_962 : memref<128xf32, #tpu.memory_space<vmem>>)
      %mul3A_966 = arith.constant 128 : i32
      %mul3A_967 = arith.muli %add3A_955, %mul3A_966 : i32
      %add3A_968 = arith.constant 0 : i32
      %add3A_969 = arith.addi %mul3A_967, %add3A_968 : i32
      %get3A_970 = arith.index_cast %add3A_969 : i32 to index
      %get3A_971 = tpu.vector_load %arg5[%get3A_970] {strides = array<i32>} : memref<10016xi32, #tpu.memory_space<vmem>>, vector<16xi32>,
      %add3A_972 = arith.constant 1 : i32
      %add3A_973 = arith.addi %add3A_969, %add3A_972 : i32
      %get3A_974 = arith.index_cast %add3A_973 : i32 to index
      %get3A_975 = tpu.vector_load %arg5[%get3A_974] {strides = array<i32>} : memref<10016xi32, #tpu.memory_space<vmem>>, vector<16xi32>,
      %get3A_976 = arith.constant 512 : index
      %get3A_977 = tpu.vector_load %arg7[%get3A_976] {strides = array<i32>} : memref<768xf32, #tpu.memory_space<vmem>>, vector<16xf32>,
      %broadcast_in_dim3A_978 = arith.constant true
      %broadcast_in_dim3A_979 = vector.broadcast %broadcast_in_dim3A_978 : i1 to vector<16xi1>
      %masked_cumsum3A_980 = tpu.scan <sum>, %get3A_977 masked %broadcast_in_dim3A_979 : vector<16xf32>, vector<16xi1> -> vector<16xf32>
      %ne3A_981 = arith.cmpi ne, %get3A_971, %get3A_975 : vector<16xi32>
      %or3A_982 = arith.ori %ne3A_981, %ge3A_158 : vector<16xi1>
      %and3A_983 = arith.andi %ne3A_981, %lt3A_156 : vector<16xi1>
      tpu.vector_store_idx %arg9[%get3A_971], %masked_cumsum3A_980 masked %or3A_982 {add = true} : memref<10256xf32, #tpu.memory_space<vmem>>[vector<16xi32>], vector<16xf32>, vector<16xi1>
      %neg3A_984 = arith.constant 0.000000e+00 : f32
      %neg3A_985 = vector.broadcast %neg3A_984 : f32 to vector<16xf32>
      %neg3A_986 = arith.subf %neg3A_985, %masked_cumsum3A_980 : vector<16xf32>
      tpu.vector_store_idx %arg9[%get3A_975], %neg3A_986 masked %and3A_983 {add = true} : memref<10256xf32, #tpu.memory_space<vmem>>[vector<16xi32>], vector<16xf32>, vector<16xi1>
      tpu.vector_store_idx %arg10[%get3A_971], %convert_element_type3A masked %or3A_982 {add = true} : memref<10256xf32, #tpu.memory_space<vmem>>[vector<16xi32>], vector<16xf32>, vector<16xi1>
      tpu.vector_store_idx %arg10[%get3A_975], %neg3A_163 masked %and3A_983 {add = true} : memref<10256xf32, #tpu.memory_space<vmem>>[vector<16xi32>], vector<16xf32>, vector<16xi1>
      %mul3A_987 = arith.constant 128 : i32
      %mul3A_988 = arith.muli %add3A_955, %mul3A_987 : i32
      %add3A_989 = arith.constant 16 : i32
      %add3A_990 = arith.addi %mul3A_988, %add3A_989 : i32
      %get3A_991 = arith.index_cast %add3A_990 : i32 to index
      %get3A_992 = tpu.vector_load %arg5[%get3A_991] {strides = array<i32>} : memref<10016xi32, #tpu.memory_space<vmem>>, vector<16xi32>,
      %add3A_993 = arith.constant 1 : i32
      %add3A_994 = arith.addi %add3A_990, %add3A_993 : i32
      %get3A_995 = arith.index_cast %add3A_994 : i32 to index
      %get3A_996 = tpu.vector_load %arg5[%get3A_995] {strides = array<i32>} : memref<10016xi32, #tpu.memory_space<vmem>>, vector<16xi32>,
      %get3A_997 = arith.constant 528 : index
      %get3A_998 = tpu.vector_load %arg7[%get3A_997] {strides = array<i32>} : memref<768xf32, #tpu.memory_space<vmem>>, vector<16xf32>,
      %broadcast_in_dim3A_999 = arith.constant true
      %broadcast_in_dim3A_1000 = vector.broadcast %broadcast_in_dim3A_999 : i1 to vector<16xi1>
      %masked_cumsum3A_1001 = tpu.scan <sum>, %get3A_998 masked %broadcast_in_dim3A_1000 : vector<16xf32>, vector<16xi1> -> vector<16xf32>
      %ne3A_1002 = arith.cmpi ne, %get3A_992, %get3A_996 : vector<16xi32>
      %or3A_1003 = arith.ori %ne3A_1002, %ge3A_158 : vector<16xi1>
      %and3A_1004 = arith.andi %ne3A_1002, %lt3A_156 : vector<16xi1>
      tpu.vector_store_idx %arg9[%get3A_992], %masked_cumsum3A_1001 masked %or3A_1003 {add = true} : memref<10256xf32, #tpu.memory_space<vmem>>[vector<16xi32>], vector<16xf32>, vector<16xi1>
      %neg3A_1005 = arith.constant 0.000000e+00 : f32
      %neg3A_1006 = vector.broadcast %neg3A_1005 : f32 to vector<16xf32>
      %neg3A_1007 = arith.subf %neg3A_1006, %masked_cumsum3A_1001 : vector<16xf32>
      tpu.vector_store_idx %arg9[%get3A_996], %neg3A_1007 masked %and3A_1004 {add = true} : memref<10256xf32, #tpu.memory_space<vmem>>[vector<16xi32>], vector<16xf32>, vector<16xi1>
      tpu.vector_store_idx %arg10[%get3A_992], %convert_element_type3A masked %or3A_1003 {add = true} : memref<10256xf32, #tpu.memory_space<vmem>>[vector<16xi32>], vector<16xf32>, vector<16xi1>
      tpu.vector_store_idx %arg10[%get3A_996], %neg3A_163 masked %and3A_1004 {add = true} : memref<10256xf32, #tpu.memory_space<vmem>>[vector<16xi32>], vector<16xf32>, vector<16xi1>
      %mul3A_1008 = arith.constant 128 : i32
      %mul3A_1009 = arith.muli %add3A_955, %mul3A_1008 : i32
      %add3A_1010 = arith.constant 32 : i32
      %add3A_1011 = arith.addi %mul3A_1009, %add3A_1010 : i32
      %get3A_1012 = arith.index_cast %add3A_1011 : i32 to index
      %get3A_1013 = tpu.vector_load %arg5[%get3A_1012] {strides = array<i32>} : memref<10016xi32, #tpu.memory_space<vmem>>, vector<16xi32>,
      %add3A_1014 = arith.constant 1 : i32
      %add3A_1015 = arith.addi %add3A_1011, %add3A_1014 : i32
      %get3A_1016 = arith.index_cast %add3A_1015 : i32 to index
      %get3A_1017 = tpu.vector_load %arg5[%get3A_1016] {strides = array<i32>} : memref<10016xi32, #tpu.memory_space<vmem>>, vector<16xi32>,
      %get3A_1018 = arith.constant 544 : index
      %get3A_1019 = tpu.vector_load %arg7[%get3A_1018] {strides = array<i32>} : memref<768xf32, #tpu.memory_space<vmem>>, vector<16xf32>,
      %broadcast_in_dim3A_1020 = arith.constant true
      %broadcast_in_dim3A_1021 = vector.broadcast %broadcast_in_dim3A_1020 : i1 to vector<16xi1>
      %masked_cumsum3A_1022 = tpu.scan <sum>, %get3A_1019 masked %broadcast_in_dim3A_1021 : vector<16xf32>, vector<16xi1> -> vector<16xf32>
      %ne3A_1023 = arith.cmpi ne, %get3A_1013, %get3A_1017 : vector<16xi32>
      %or3A_1024 = arith.ori %ne3A_1023, %ge3A_158 : vector<16xi1>
      %and3A_1025 = arith.andi %ne3A_1023, %lt3A_156 : vector<16xi1>
      tpu.vector_store_idx %arg9[%get3A_1013], %masked_cumsum3A_1022 masked %or3A_1024 {add = true} : memref<10256xf32, #tpu.memory_space<vmem>>[vector<16xi32>], vector<16xf32>, vector<16xi1>
      %neg3A_1026 = arith.constant 0.000000e+00 : f32
      %neg3A_1027 = vector.broadcast %neg3A_1026 : f32 to vector<16xf32>
      %neg3A_1028 = arith.subf %neg3A_1027, %masked_cumsum3A_1022 : vector<16xf32>
      tpu.vector_store_idx %arg9[%get3A_1017], %neg3A_1028 masked %and3A_1025 {add = true} : memref<10256xf32, #tpu.memory_space<vmem>>[vector<16xi32>], vector<16xf32>, vector<16xi1>
      tpu.vector_store_idx %arg10[%get3A_1013], %convert_element_type3A masked %or3A_1024 {add = true} : memref<10256xf32, #tpu.memory_space<vmem>>[vector<16xi32>], vector<16xf32>, vector<16xi1>
      tpu.vector_store_idx %arg10[%get3A_1017], %neg3A_163 masked %and3A_1025 {add = true} : memref<10256xf32, #tpu.memory_space<vmem>>[vector<16xi32>], vector<16xf32>, vector<16xi1>
      %mul3A_1029 = arith.constant 128 : i32
      %mul3A_1030 = arith.muli %add3A_955, %mul3A_1029 : i32
      %add3A_1031 = arith.constant 48 : i32
      %add3A_1032 = arith.addi %mul3A_1030, %add3A_1031 : i32
      %get3A_1033 = arith.index_cast %add3A_1032 : i32 to index
      %get3A_1034 = tpu.vector_load %arg5[%get3A_1033] {strides = array<i32>} : memref<10016xi32, #tpu.memory_space<vmem>>, vector<16xi32>,
      %add3A_1035 = arith.constant 1 : i32
      %add3A_1036 = arith.addi %add3A_1032, %add3A_1035 : i32
      %get3A_1037 = arith.index_cast %add3A_1036 : i32 to index
      %get3A_1038 = tpu.vector_load %arg5[%get3A_1037] {strides = array<i32>} : memref<10016xi32, #tpu.memory_space<vmem>>, vector<16xi32>,
      %get3A_1039 = arith.constant 560 : index
      %get3A_1040 = tpu.vector_load %arg7[%get3A_1039] {strides = array<i32>} : memref<768xf32, #tpu.memory_space<vmem>>, vector<16xf32>,
      %broadcast_in_dim3A_1041 = arith.constant true
      %broadcast_in_dim3A_1042 = vector.broadcast %broadcast_in_dim3A_1041 : i1 to vector<16xi1>
      %masked_cumsum3A_1043 = tpu.scan <sum>, %get3A_1040 masked %broadcast_in_dim3A_1042 : vector<16xf32>, vector<16xi1> -> vector<16xf32>
      %ne3A_1044 = arith.cmpi ne, %get3A_1034, %get3A_1038 : vector<16xi32>
      %or3A_1045 = arith.ori %ne3A_1044, %ge3A_158 : vector<16xi1>
      %and3A_1046 = arith.andi %ne3A_1044, %lt3A_156 : vector<16xi1>
      tpu.vector_store_idx %arg9[%get3A_1034], %masked_cumsum3A_1043 masked %or3A_1045 {add = true} : memref<10256xf32, #tpu.memory_space<vmem>>[vector<16xi32>], vector<16xf32>, vector<16xi1>
      %neg3A_1047 = arith.constant 0.000000e+00 : f32
      %neg3A_1048 = vector.broadcast %neg3A_1047 : f32 to vector<16xf32>
      %neg3A_1049 = arith.subf %neg3A_1048, %masked_cumsum3A_1043 : vector<16xf32>
      tpu.vector_store_idx %arg9[%get3A_1038], %neg3A_1049 masked %and3A_1046 {add = true} : memref<10256xf32, #tpu.memory_space<vmem>>[vector<16xi32>], vector<16xf32>, vector<16xi1>
      tpu.vector_store_idx %arg10[%get3A_1034], %convert_element_type3A masked %or3A_1045 {add = true} : memref<10256xf32, #tpu.memory_space<vmem>>[vector<16xi32>], vector<16xf32>, vector<16xi1>
      tpu.vector_store_idx %arg10[%get3A_1038], %neg3A_163 masked %and3A_1046 {add = true} : memref<10256xf32, #tpu.memory_space<vmem>>[vector<16xi32>], vector<16xf32>, vector<16xi1>
      %mul3A_1050 = arith.constant 128 : i32
      %mul3A_1051 = arith.muli %add3A_955, %mul3A_1050 : i32
      %add3A_1052 = arith.constant 64 : i32
      %add3A_1053 = arith.addi %mul3A_1051, %add3A_1052 : i32
      %get3A_1054 = arith.index_cast %add3A_1053 : i32 to index
      %get3A_1055 = tpu.vector_load %arg5[%get3A_1054] {strides = array<i32>} : memref<10016xi32, #tpu.memory_space<vmem>>, vector<16xi32>,
      %add3A_1056 = arith.constant 1 : i32
      %add3A_1057 = arith.addi %add3A_1053, %add3A_1056 : i32
      %get3A_1058 = arith.index_cast %add3A_1057 : i32 to index
      %get3A_1059 = tpu.vector_load %arg5[%get3A_1058] {strides = array<i32>} : memref<10016xi32, #tpu.memory_space<vmem>>, vector<16xi32>,
      %get3A_1060 = arith.constant 576 : index
      %get3A_1061 = tpu.vector_load %arg7[%get3A_1060] {strides = array<i32>} : memref<768xf32, #tpu.memory_space<vmem>>, vector<16xf32>,
      %broadcast_in_dim3A_1062 = arith.constant true
      %broadcast_in_dim3A_1063 = vector.broadcast %broadcast_in_dim3A_1062 : i1 to vector<16xi1>
      %masked_cumsum3A_1064 = tpu.scan <sum>, %get3A_1061 masked %broadcast_in_dim3A_1063 : vector<16xf32>, vector<16xi1> -> vector<16xf32>
      %ne3A_1065 = arith.cmpi ne, %get3A_1055, %get3A_1059 : vector<16xi32>
      %or3A_1066 = arith.ori %ne3A_1065, %ge3A_158 : vector<16xi1>
      %and3A_1067 = arith.andi %ne3A_1065, %lt3A_156 : vector<16xi1>
      tpu.vector_store_idx %arg9[%get3A_1055], %masked_cumsum3A_1064 masked %or3A_1066 {add = true} : memref<10256xf32, #tpu.memory_space<vmem>>[vector<16xi32>], vector<16xf32>, vector<16xi1>
      %neg3A_1068 = arith.constant 0.000000e+00 : f32
      %neg3A_1069 = vector.broadcast %neg3A_1068 : f32 to vector<16xf32>
      %neg3A_1070 = arith.subf %neg3A_1069, %masked_cumsum3A_1064 : vector<16xf32>
      tpu.vector_store_idx %arg9[%get3A_1059], %neg3A_1070 masked %and3A_1067 {add = true} : memref<10256xf32, #tpu.memory_space<vmem>>[vector<16xi32>], vector<16xf32>, vector<16xi1>
      tpu.vector_store_idx %arg10[%get3A_1055], %convert_element_type3A masked %or3A_1066 {add = true} : memref<10256xf32, #tpu.memory_space<vmem>>[vector<16xi32>], vector<16xf32>, vector<16xi1>
      tpu.vector_store_idx %arg10[%get3A_1059], %neg3A_163 masked %and3A_1067 {add = true} : memref<10256xf32, #tpu.memory_space<vmem>>[vector<16xi32>], vector<16xf32>, vector<16xi1>
      %mul3A_1071 = arith.constant 128 : i32
      %mul3A_1072 = arith.muli %add3A_955, %mul3A_1071 : i32
      %add3A_1073 = arith.constant 80 : i32
      %add3A_1074 = arith.addi %mul3A_1072, %add3A_1073 : i32
      %get3A_1075 = arith.index_cast %add3A_1074 : i32 to index
      %get3A_1076 = tpu.vector_load %arg5[%get3A_1075] {strides = array<i32>} : memref<10016xi32, #tpu.memory_space<vmem>>, vector<16xi32>,
      %add3A_1077 = arith.constant 1 : i32
      %add3A_1078 = arith.addi %add3A_1074, %add3A_1077 : i32
      %get3A_1079 = arith.index_cast %add3A_1078 : i32 to index
      %get3A_1080 = tpu.vector_load %arg5[%get3A_1079] {strides = array<i32>} : memref<10016xi32, #tpu.memory_space<vmem>>, vector<16xi32>,
      %get3A_1081 = arith.constant 592 : index
      %get3A_1082 = tpu.vector_load %arg7[%get3A_1081] {strides = array<i32>} : memref<768xf32, #tpu.memory_space<vmem>>, vector<16xf32>,
      %broadcast_in_dim3A_1083 = arith.constant true
      %broadcast_in_dim3A_1084 = vector.broadcast %broadcast_in_dim3A_1083 : i1 to vector<16xi1>
      %masked_cumsum3A_1085 = tpu.scan <sum>, %get3A_1082 masked %broadcast_in_dim3A_1084 : vector<16xf32>, vector<16xi1> -> vector<16xf32>
      %ne3A_1086 = arith.cmpi ne, %get3A_1076, %get3A_1080 : vector<16xi32>
      %or3A_1087 = arith.ori %ne3A_1086, %ge3A_158 : vector<16xi1>
      %and3A_1088 = arith.andi %ne3A_1086, %lt3A_156 : vector<16xi1>
      tpu.vector_store_idx %arg9[%get3A_1076], %masked_cumsum3A_1085 masked %or3A_1087 {add = true} : memref<10256xf32, #tpu.memory_space<vmem>>[vector<16xi32>], vector<16xf32>, vector<16xi1>
      %neg3A_1089 = arith.constant 0.000000e+00 : f32
      %neg3A_1090 = vector.broadcast %neg3A_1089 : f32 to vector<16xf32>
      %neg3A_1091 = arith.subf %neg3A_1090, %masked_cumsum3A_1085 : vector<16xf32>
      tpu.vector_store_idx %arg9[%get3A_1080], %neg3A_1091 masked %and3A_1088 {add = true} : memref<10256xf32, #tpu.memory_space<vmem>>[vector<16xi32>], vector<16xf32>, vector<16xi1>
      tpu.vector_store_idx %arg10[%get3A_1076], %convert_element_type3A masked %or3A_1087 {add = true} : memref<10256xf32, #tpu.memory_space<vmem>>[vector<16xi32>], vector<16xf32>, vector<16xi1>
      tpu.vector_store_idx %arg10[%get3A_1080], %neg3A_163 masked %and3A_1088 {add = true} : memref<10256xf32, #tpu.memory_space<vmem>>[vector<16xi32>], vector<16xf32>, vector<16xi1>
      %mul3A_1092 = arith.constant 128 : i32
      %mul3A_1093 = arith.muli %add3A_955, %mul3A_1092 : i32
      %add3A_1094 = arith.constant 96 : i32
      %add3A_1095 = arith.addi %mul3A_1093, %add3A_1094 : i32
      %get3A_1096 = arith.index_cast %add3A_1095 : i32 to index
      %get3A_1097 = tpu.vector_load %arg5[%get3A_1096] {strides = array<i32>} : memref<10016xi32, #tpu.memory_space<vmem>>, vector<16xi32>,
      %add3A_1098 = arith.constant 1 : i32
      %add3A_1099 = arith.addi %add3A_1095, %add3A_1098 : i32
      %get3A_1100 = arith.index_cast %add3A_1099 : i32 to index
      %get3A_1101 = tpu.vector_load %arg5[%get3A_1100] {strides = array<i32>} : memref<10016xi32, #tpu.memory_space<vmem>>, vector<16xi32>,
      %get3A_1102 = arith.constant 608 : index
      %get3A_1103 = tpu.vector_load %arg7[%get3A_1102] {strides = array<i32>} : memref<768xf32, #tpu.memory_space<vmem>>, vector<16xf32>,
      %broadcast_in_dim3A_1104 = arith.constant true
      %broadcast_in_dim3A_1105 = vector.broadcast %broadcast_in_dim3A_1104 : i1 to vector<16xi1>
      %masked_cumsum3A_1106 = tpu.scan <sum>, %get3A_1103 masked %broadcast_in_dim3A_1105 : vector<16xf32>, vector<16xi1> -> vector<16xf32>
      %ne3A_1107 = arith.cmpi ne, %get3A_1097, %get3A_1101 : vector<16xi32>
      %or3A_1108 = arith.ori %ne3A_1107, %ge3A_158 : vector<16xi1>
      %and3A_1109 = arith.andi %ne3A_1107, %lt3A_156 : vector<16xi1>
      tpu.vector_store_idx %arg9[%get3A_1097], %masked_cumsum3A_1106 masked %or3A_1108 {add = true} : memref<10256xf32, #tpu.memory_space<vmem>>[vector<16xi32>], vector<16xf32>, vector<16xi1>
      %neg3A_1110 = arith.constant 0.000000e+00 : f32
      %neg3A_1111 = vector.broadcast %neg3A_1110 : f32 to vector<16xf32>
      %neg3A_1112 = arith.subf %neg3A_1111, %masked_cumsum3A_1106 : vector<16xf32>
      tpu.vector_store_idx %arg9[%get3A_1101], %neg3A_1112 masked %and3A_1109 {add = true} : memref<10256xf32, #tpu.memory_space<vmem>>[vector<16xi32>], vector<16xf32>, vector<16xi1>
      tpu.vector_store_idx %arg10[%get3A_1097], %convert_element_type3A masked %or3A_1108 {add = true} : memref<10256xf32, #tpu.memory_space<vmem>>[vector<16xi32>], vector<16xf32>, vector<16xi1>
      tpu.vector_store_idx %arg10[%get3A_1101], %neg3A_163 masked %and3A_1109 {add = true} : memref<10256xf32, #tpu.memory_space<vmem>>[vector<16xi32>], vector<16xf32>, vector<16xi1>
      %mul3A_1113 = arith.constant 128 : i32
      %mul3A_1114 = arith.muli %add3A_955, %mul3A_1113 : i32
      %add3A_1115 = arith.constant 112 : i32
      %add3A_1116 = arith.addi %mul3A_1114, %add3A_1115 : i32
      %get3A_1117 = arith.index_cast %add3A_1116 : i32 to index
      %get3A_1118 = tpu.vector_load %arg5[%get3A_1117] {strides = array<i32>} : memref<10016xi32, #tpu.memory_space<vmem>>, vector<16xi32>,
      %add3A_1119 = arith.constant 1 : i32
      %add3A_1120 = arith.addi %add3A_1116, %add3A_1119 : i32
      %get3A_1121 = arith.index_cast %add3A_1120 : i32 to index
      %get3A_1122 = tpu.vector_load %arg5[%get3A_1121] {strides = array<i32>} : memref<10016xi32, #tpu.memory_space<vmem>>, vector<16xi32>,
      %get3A_1123 = arith.constant 624 : index
      %get3A_1124 = tpu.vector_load %arg7[%get3A_1123] {strides = array<i32>} : memref<768xf32, #tpu.memory_space<vmem>>, vector<16xf32>,
      %broadcast_in_dim3A_1125 = arith.constant true
      %broadcast_in_dim3A_1126 = vector.broadcast %broadcast_in_dim3A_1125 : i1 to vector<16xi1>
      %masked_cumsum3A_1127 = tpu.scan <sum>, %get3A_1124 masked %broadcast_in_dim3A_1126 : vector<16xf32>, vector<16xi1> -> vector<16xf32>
      %ne3A_1128 = arith.cmpi ne, %get3A_1118, %get3A_1122 : vector<16xi32>
      %or3A_1129 = arith.ori %ne3A_1128, %ge3A_158 : vector<16xi1>
      %and3A_1130 = arith.andi %ne3A_1128, %lt3A_156 : vector<16xi1>
      tpu.vector_store_idx %arg9[%get3A_1118], %masked_cumsum3A_1127 masked %or3A_1129 {add = true} : memref<10256xf32, #tpu.memory_space<vmem>>[vector<16xi32>], vector<16xf32>, vector<16xi1>
      %neg3A_1131 = arith.constant 0.000000e+00 : f32
      %neg3A_1132 = vector.broadcast %neg3A_1131 : f32 to vector<16xf32>
      %neg3A_1133 = arith.subf %neg3A_1132, %masked_cumsum3A_1127 : vector<16xf32>
      tpu.vector_store_idx %arg9[%get3A_1122], %neg3A_1133 masked %and3A_1130 {add = true} : memref<10256xf32, #tpu.memory_space<vmem>>[vector<16xi32>], vector<16xf32>, vector<16xi1>
      tpu.vector_store_idx %arg10[%get3A_1118], %convert_element_type3A masked %or3A_1129 {add = true} : memref<10256xf32, #tpu.memory_space<vmem>>[vector<16xi32>], vector<16xf32>, vector<16xi1>
      tpu.vector_store_idx %arg10[%get3A_1122], %neg3A_163 masked %and3A_1130 {add = true} : memref<10256xf32, #tpu.memory_space<vmem>>[vector<16xi32>], vector<16xf32>, vector<16xi1>
      %add3A_1134 = arith.constant 6 : i32
      %add3A_1135 = arith.addi %add3A_955, %add3A_1134 : i32
      %lt3A_1136 = arith.constant 78 : i32
      %lt3A_1137 = arith.cmpi slt, %add3A_1135, %lt3A_1136 : i32
      %convert_element_type3A_1138 = arith.extui %lt3A_1137 : i1 to i32
      %cond3A_1139 = arith.constant 0 : i32
      %cond3A_1140 = arith.cmpi ne, %convert_element_type3A_1138, %cond3A_1139 : i32
      scf.if %cond3A_1140 {
        %add3A_1328 = arith.constant 6 : i32
        %add3A_1329 = arith.addi %add3A_955, %add3A_1328 : i32
        %mul3A_1330 = arith.constant 128 : i32
        %mul3A_1331 = arith.muli %add3A_1329, %mul3A_1330 : i32
        %add3A_1332 = arith.addi %mul3A_2, %mul3A_1331 : i32
        %mul3A_1333 = arith.constant 128 : i32
        %mul3A_1334 = arith.muli %add3A_1332, %mul3A_1333 : i32
        %dma_start3A_1335 = arith.constant 512 : i32
        %dma_start3A_1336 = tpu.memref_slice %arg7[%dma_start3A_1335] : memref<768xf32, #tpu.memory_space<vmem>> -> memref<128xf32, #tpu.memory_space<vmem>>
        %dma_start3A_1337 = tpu.memref_slice %arg2[%mul3A_1334] : memref<40960000xf32, #tpu.memory_space<hbm>> -> memref<16384xf32, #tpu.memory_space<hbm>>
        %dma_start3A_1338 = arith.constant 0 : i32
        %dma_start3A_1339 = tpu.memref_slice %dma_start3A_1337[%dma_start3A_1338] : memref<16384xf32, #tpu.memory_space<hbm>> -> memref<16384xf32, #tpu.memory_space<hbm>>
        tpu.enqueue_indirect_dma source(%dma_start3A_1339 : memref<16384xf32, #tpu.memory_space<hbm>>) target(%dma_start3A_1336 : memref<128xf32, #tpu.memory_space<vmem>>) offsets(%arg6 : memref<128xi32, #tpu.memory_space<vmem>>) semaphore(%arg18 : memref<!tpu.dma_semaphore, #tpu.memory_space<semaphore_mem>>)
      } else {
      }
      %add3A_1141 = arith.constant 5 : i32
      %add3A_1142 = arith.addi %mul3A_206, %add3A_1141 : i32
      %mul3A_1143 = arith.constant 128 : i32
      %mul3A_1144 = arith.muli %add3A_1142, %mul3A_1143 : i32
      %add3A_1145 = arith.addi %mul3A_2, %mul3A_1144 : i32
      %mul3A_1146 = arith.constant 128 : i32
      %mul3A_1147 = arith.muli %add3A_1145, %mul3A_1146 : i32
      %dma_wait3A_1148 = arith.constant 640 : i32
      %dma_wait3A_1149 = tpu.memref_slice %arg7[%dma_wait3A_1148] : memref<768xf32, #tpu.memory_space<vmem>> -> memref<128xf32, #tpu.memory_space<vmem>>
      %dma_wait3A_1150 = tpu.memref_slice %arg2[%mul3A_1147] : memref<40960000xf32, #tpu.memory_space<hbm>> -> memref<16384xf32, #tpu.memory_space<hbm>>
      %dma_wait3A_1151 = arith.constant 0 : i32
      %dma_wait3A_1152 = tpu.memref_slice %dma_wait3A_1150[%dma_wait3A_1151] : memref<16384xf32, #tpu.memory_space<hbm>> -> memref<16384xf32, #tpu.memory_space<hbm>>
      tpu.wait_indirect_dma semaphore(%arg19 : memref<!tpu.dma_semaphore, #tpu.memory_space<semaphore_mem>>) src(%dma_wait3A_1152 : memref<16384xf32, #tpu.memory_space<hbm>>) dst(%dma_wait3A_1149 : memref<128xf32, #tpu.memory_space<vmem>>)
      %mul3A_1153 = arith.constant 128 : i32
      %mul3A_1154 = arith.muli %add3A_1142, %mul3A_1153 : i32
      %add3A_1155 = arith.constant 0 : i32
      %add3A_1156 = arith.addi %mul3A_1154, %add3A_1155 : i32
      %get3A_1157 = arith.index_cast %add3A_1156 : i32 to index
      %get3A_1158 = tpu.vector_load %arg5[%get3A_1157] {strides = array<i32>} : memref<10016xi32, #tpu.memory_space<vmem>>, vector<16xi32>,
      %add3A_1159 = arith.constant 1 : i32
      %add3A_1160 = arith.addi %add3A_1156, %add3A_1159 : i32
      %get3A_1161 = arith.index_cast %add3A_1160 : i32 to index
      %get3A_1162 = tpu.vector_load %arg5[%get3A_1161] {strides = array<i32>} : memref<10016xi32, #tpu.memory_space<vmem>>, vector<16xi32>,
      %get3A_1163 = arith.constant 640 : index
      %get3A_1164 = tpu.vector_load %arg7[%get3A_1163] {strides = array<i32>} : memref<768xf32, #tpu.memory_space<vmem>>, vector<16xf32>,
      %broadcast_in_dim3A_1165 = arith.constant true
      %broadcast_in_dim3A_1166 = vector.broadcast %broadcast_in_dim3A_1165 : i1 to vector<16xi1>
      %masked_cumsum3A_1167 = tpu.scan <sum>, %get3A_1164 masked %broadcast_in_dim3A_1166 : vector<16xf32>, vector<16xi1> -> vector<16xf32>
      %ne3A_1168 = arith.cmpi ne, %get3A_1158, %get3A_1162 : vector<16xi32>
      %or3A_1169 = arith.ori %ne3A_1168, %ge3A_158 : vector<16xi1>
      %and3A_1170 = arith.andi %ne3A_1168, %lt3A_156 : vector<16xi1>
      tpu.vector_store_idx %arg9[%get3A_1158], %masked_cumsum3A_1167 masked %or3A_1169 {add = true} : memref<10256xf32, #tpu.memory_space<vmem>>[vector<16xi32>], vector<16xf32>, vector<16xi1>
      %neg3A_1171 = arith.constant 0.000000e+00 : f32
      %neg3A_1172 = vector.broadcast %neg3A_1171 : f32 to vector<16xf32>
      %neg3A_1173 = arith.subf %neg3A_1172, %masked_cumsum3A_1167 : vector<16xf32>
      tpu.vector_store_idx %arg9[%get3A_1162], %neg3A_1173 masked %and3A_1170 {add = true} : memref<10256xf32, #tpu.memory_space<vmem>>[vector<16xi32>], vector<16xf32>, vector<16xi1>
      tpu.vector_store_idx %arg10[%get3A_1158], %convert_element_type3A masked %or3A_1169 {add = true} : memref<10256xf32, #tpu.memory_space<vmem>>[vector<16xi32>], vector<16xf32>, vector<16xi1>
      tpu.vector_store_idx %arg10[%get3A_1162], %neg3A_163 masked %and3A_1170 {add = true} : memref<10256xf32, #tpu.memory_space<vmem>>[vector<16xi32>], vector<16xf32>, vector<16xi1>
      %mul3A_1174 = arith.constant 128 : i32
      %mul3A_1175 = arith.muli %add3A_1142, %mul3A_1174 : i32
      %add3A_1176 = arith.constant 16 : i32
      %add3A_1177 = arith.addi %mul3A_1175, %add3A_1176 : i32
      %get3A_1178 = arith.index_cast %add3A_1177 : i32 to index
      %get3A_1179 = tpu.vector_load %arg5[%get3A_1178] {strides = array<i32>} : memref<10016xi32, #tpu.memory_space<vmem>>, vector<16xi32>,
      %add3A_1180 = arith.constant 1 : i32
      %add3A_1181 = arith.addi %add3A_1177, %add3A_1180 : i32
      %get3A_1182 = arith.index_cast %add3A_1181 : i32 to index
      %get3A_1183 = tpu.vector_load %arg5[%get3A_1182] {strides = array<i32>} : memref<10016xi32, #tpu.memory_space<vmem>>, vector<16xi32>,
      %get3A_1184 = arith.constant 656 : index
      %get3A_1185 = tpu.vector_load %arg7[%get3A_1184] {strides = array<i32>} : memref<768xf32, #tpu.memory_space<vmem>>, vector<16xf32>,
      %broadcast_in_dim3A_1186 = arith.constant true
      %broadcast_in_dim3A_1187 = vector.broadcast %broadcast_in_dim3A_1186 : i1 to vector<16xi1>
      %masked_cumsum3A_1188 = tpu.scan <sum>, %get3A_1185 masked %broadcast_in_dim3A_1187 : vector<16xf32>, vector<16xi1> -> vector<16xf32>
      %ne3A_1189 = arith.cmpi ne, %get3A_1179, %get3A_1183 : vector<16xi32>
      %or3A_1190 = arith.ori %ne3A_1189, %ge3A_158 : vector<16xi1>
      %and3A_1191 = arith.andi %ne3A_1189, %lt3A_156 : vector<16xi1>
      tpu.vector_store_idx %arg9[%get3A_1179], %masked_cumsum3A_1188 masked %or3A_1190 {add = true} : memref<10256xf32, #tpu.memory_space<vmem>>[vector<16xi32>], vector<16xf32>, vector<16xi1>
      %neg3A_1192 = arith.constant 0.000000e+00 : f32
      %neg3A_1193 = vector.broadcast %neg3A_1192 : f32 to vector<16xf32>
      %neg3A_1194 = arith.subf %neg3A_1193, %masked_cumsum3A_1188 : vector<16xf32>
      tpu.vector_store_idx %arg9[%get3A_1183], %neg3A_1194 masked %and3A_1191 {add = true} : memref<10256xf32, #tpu.memory_space<vmem>>[vector<16xi32>], vector<16xf32>, vector<16xi1>
      tpu.vector_store_idx %arg10[%get3A_1179], %convert_element_type3A masked %or3A_1190 {add = true} : memref<10256xf32, #tpu.memory_space<vmem>>[vector<16xi32>], vector<16xf32>, vector<16xi1>
      tpu.vector_store_idx %arg10[%get3A_1183], %neg3A_163 masked %and3A_1191 {add = true} : memref<10256xf32, #tpu.memory_space<vmem>>[vector<16xi32>], vector<16xf32>, vector<16xi1>
      %mul3A_1195 = arith.constant 128 : i32
      %mul3A_1196 = arith.muli %add3A_1142, %mul3A_1195 : i32
      %add3A_1197 = arith.constant 32 : i32
      %add3A_1198 = arith.addi %mul3A_1196, %add3A_1197 : i32
      %get3A_1199 = arith.index_cast %add3A_1198 : i32 to index
      %get3A_1200 = tpu.vector_load %arg5[%get3A_1199] {strides = array<i32>} : memref<10016xi32, #tpu.memory_space<vmem>>, vector<16xi32>,
      %add3A_1201 = arith.constant 1 : i32
      %add3A_1202 = arith.addi %add3A_1198, %add3A_1201 : i32
      %get3A_1203 = arith.index_cast %add3A_1202 : i32 to index
      %get3A_1204 = tpu.vector_load %arg5[%get3A_1203] {strides = array<i32>} : memref<10016xi32, #tpu.memory_space<vmem>>, vector<16xi32>,
      %get3A_1205 = arith.constant 672 : index
      %get3A_1206 = tpu.vector_load %arg7[%get3A_1205] {strides = array<i32>} : memref<768xf32, #tpu.memory_space<vmem>>, vector<16xf32>,
      %broadcast_in_dim3A_1207 = arith.constant true
      %broadcast_in_dim3A_1208 = vector.broadcast %broadcast_in_dim3A_1207 : i1 to vector<16xi1>
      %masked_cumsum3A_1209 = tpu.scan <sum>, %get3A_1206 masked %broadcast_in_dim3A_1208 : vector<16xf32>, vector<16xi1> -> vector<16xf32>
      %ne3A_1210 = arith.cmpi ne, %get3A_1200, %get3A_1204 : vector<16xi32>
      %or3A_1211 = arith.ori %ne3A_1210, %ge3A_158 : vector<16xi1>
      %and3A_1212 = arith.andi %ne3A_1210, %lt3A_156 : vector<16xi1>
      tpu.vector_store_idx %arg9[%get3A_1200], %masked_cumsum3A_1209 masked %or3A_1211 {add = true} : memref<10256xf32, #tpu.memory_space<vmem>>[vector<16xi32>], vector<16xf32>, vector<16xi1>
      %neg3A_1213 = arith.constant 0.000000e+00 : f32
      %neg3A_1214 = vector.broadcast %neg3A_1213 : f32 to vector<16xf32>
      %neg3A_1215 = arith.subf %neg3A_1214, %masked_cumsum3A_1209 : vector<16xf32>
      tpu.vector_store_idx %arg9[%get3A_1204], %neg3A_1215 masked %and3A_1212 {add = true} : memref<10256xf32, #tpu.memory_space<vmem>>[vector<16xi32>], vector<16xf32>, vector<16xi1>
      tpu.vector_store_idx %arg10[%get3A_1200], %convert_element_type3A masked %or3A_1211 {add = true} : memref<10256xf32, #tpu.memory_space<vmem>>[vector<16xi32>], vector<16xf32>, vector<16xi1>
      tpu.vector_store_idx %arg10[%get3A_1204], %neg3A_163 masked %and3A_1212 {add = true} : memref<10256xf32, #tpu.memory_space<vmem>>[vector<16xi32>], vector<16xf32>, vector<16xi1>
      %mul3A_1216 = arith.constant 128 : i32
      %mul3A_1217 = arith.muli %add3A_1142, %mul3A_1216 : i32
      %add3A_1218 = arith.constant 48 : i32
      %add3A_1219 = arith.addi %mul3A_1217, %add3A_1218 : i32
      %get3A_1220 = arith.index_cast %add3A_1219 : i32 to index
      %get3A_1221 = tpu.vector_load %arg5[%get3A_1220] {strides = array<i32>} : memref<10016xi32, #tpu.memory_space<vmem>>, vector<16xi32>,
      %add3A_1222 = arith.constant 1 : i32
      %add3A_1223 = arith.addi %add3A_1219, %add3A_1222 : i32
      %get3A_1224 = arith.index_cast %add3A_1223 : i32 to index
      %get3A_1225 = tpu.vector_load %arg5[%get3A_1224] {strides = array<i32>} : memref<10016xi32, #tpu.memory_space<vmem>>, vector<16xi32>,
      %get3A_1226 = arith.constant 688 : index
      %get3A_1227 = tpu.vector_load %arg7[%get3A_1226] {strides = array<i32>} : memref<768xf32, #tpu.memory_space<vmem>>, vector<16xf32>,
      %broadcast_in_dim3A_1228 = arith.constant true
      %broadcast_in_dim3A_1229 = vector.broadcast %broadcast_in_dim3A_1228 : i1 to vector<16xi1>
      %masked_cumsum3A_1230 = tpu.scan <sum>, %get3A_1227 masked %broadcast_in_dim3A_1229 : vector<16xf32>, vector<16xi1> -> vector<16xf32>
      %ne3A_1231 = arith.cmpi ne, %get3A_1221, %get3A_1225 : vector<16xi32>
      %or3A_1232 = arith.ori %ne3A_1231, %ge3A_158 : vector<16xi1>
      %and3A_1233 = arith.andi %ne3A_1231, %lt3A_156 : vector<16xi1>
      tpu.vector_store_idx %arg9[%get3A_1221], %masked_cumsum3A_1230 masked %or3A_1232 {add = true} : memref<10256xf32, #tpu.memory_space<vmem>>[vector<16xi32>], vector<16xf32>, vector<16xi1>
      %neg3A_1234 = arith.constant 0.000000e+00 : f32
      %neg3A_1235 = vector.broadcast %neg3A_1234 : f32 to vector<16xf32>
      %neg3A_1236 = arith.subf %neg3A_1235, %masked_cumsum3A_1230 : vector<16xf32>
      tpu.vector_store_idx %arg9[%get3A_1225], %neg3A_1236 masked %and3A_1233 {add = true} : memref<10256xf32, #tpu.memory_space<vmem>>[vector<16xi32>], vector<16xf32>, vector<16xi1>
      tpu.vector_store_idx %arg10[%get3A_1221], %convert_element_type3A masked %or3A_1232 {add = true} : memref<10256xf32, #tpu.memory_space<vmem>>[vector<16xi32>], vector<16xf32>, vector<16xi1>
      tpu.vector_store_idx %arg10[%get3A_1225], %neg3A_163 masked %and3A_1233 {add = true} : memref<10256xf32, #tpu.memory_space<vmem>>[vector<16xi32>], vector<16xf32>, vector<16xi1>
      %mul3A_1237 = arith.constant 128 : i32
      %mul3A_1238 = arith.muli %add3A_1142, %mul3A_1237 : i32
      %add3A_1239 = arith.constant 64 : i32
      %add3A_1240 = arith.addi %mul3A_1238, %add3A_1239 : i32
      %get3A_1241 = arith.index_cast %add3A_1240 : i32 to index
      %get3A_1242 = tpu.vector_load %arg5[%get3A_1241] {strides = array<i32>} : memref<10016xi32, #tpu.memory_space<vmem>>, vector<16xi32>,
      %add3A_1243 = arith.constant 1 : i32
      %add3A_1244 = arith.addi %add3A_1240, %add3A_1243 : i32
      %get3A_1245 = arith.index_cast %add3A_1244 : i32 to index
      %get3A_1246 = tpu.vector_load %arg5[%get3A_1245] {strides = array<i32>} : memref<10016xi32, #tpu.memory_space<vmem>>, vector<16xi32>,
      %get3A_1247 = arith.constant 704 : index
      %get3A_1248 = tpu.vector_load %arg7[%get3A_1247] {strides = array<i32>} : memref<768xf32, #tpu.memory_space<vmem>>, vector<16xf32>,
      %broadcast_in_dim3A_1249 = arith.constant true
      %broadcast_in_dim3A_1250 = vector.broadcast %broadcast_in_dim3A_1249 : i1 to vector<16xi1>
      %masked_cumsum3A_1251 = tpu.scan <sum>, %get3A_1248 masked %broadcast_in_dim3A_1250 : vector<16xf32>, vector<16xi1> -> vector<16xf32>
      %ne3A_1252 = arith.cmpi ne, %get3A_1242, %get3A_1246 : vector<16xi32>
      %or3A_1253 = arith.ori %ne3A_1252, %ge3A_158 : vector<16xi1>
      %and3A_1254 = arith.andi %ne3A_1252, %lt3A_156 : vector<16xi1>
      tpu.vector_store_idx %arg9[%get3A_1242], %masked_cumsum3A_1251 masked %or3A_1253 {add = true} : memref<10256xf32, #tpu.memory_space<vmem>>[vector<16xi32>], vector<16xf32>, vector<16xi1>
      %neg3A_1255 = arith.constant 0.000000e+00 : f32
      %neg3A_1256 = vector.broadcast %neg3A_1255 : f32 to vector<16xf32>
      %neg3A_1257 = arith.subf %neg3A_1256, %masked_cumsum3A_1251 : vector<16xf32>
      tpu.vector_store_idx %arg9[%get3A_1246], %neg3A_1257 masked %and3A_1254 {add = true} : memref<10256xf32, #tpu.memory_space<vmem>>[vector<16xi32>], vector<16xf32>, vector<16xi1>
      tpu.vector_store_idx %arg10[%get3A_1242], %convert_element_type3A masked %or3A_1253 {add = true} : memref<10256xf32, #tpu.memory_space<vmem>>[vector<16xi32>], vector<16xf32>, vector<16xi1>
      tpu.vector_store_idx %arg10[%get3A_1246], %neg3A_163 masked %and3A_1254 {add = true} : memref<10256xf32, #tpu.memory_space<vmem>>[vector<16xi32>], vector<16xf32>, vector<16xi1>
      %mul3A_1258 = arith.constant 128 : i32
      %mul3A_1259 = arith.muli %add3A_1142, %mul3A_1258 : i32
      %add3A_1260 = arith.constant 80 : i32
      %add3A_1261 = arith.addi %mul3A_1259, %add3A_1260 : i32
      %get3A_1262 = arith.index_cast %add3A_1261 : i32 to index
      %get3A_1263 = tpu.vector_load %arg5[%get3A_1262] {strides = array<i32>} : memref<10016xi32, #tpu.memory_space<vmem>>, vector<16xi32>,
      %add3A_1264 = arith.constant 1 : i32
      %add3A_1265 = arith.addi %add3A_1261, %add3A_1264 : i32
      %get3A_1266 = arith.index_cast %add3A_1265 : i32 to index
      %get3A_1267 = tpu.vector_load %arg5[%get3A_1266] {strides = array<i32>} : memref<10016xi32, #tpu.memory_space<vmem>>, vector<16xi32>,
      %get3A_1268 = arith.constant 720 : index
      %get3A_1269 = tpu.vector_load %arg7[%get3A_1268] {strides = array<i32>} : memref<768xf32, #tpu.memory_space<vmem>>, vector<16xf32>,
      %broadcast_in_dim3A_1270 = arith.constant true
      %broadcast_in_dim3A_1271 = vector.broadcast %broadcast_in_dim3A_1270 : i1 to vector<16xi1>
      %masked_cumsum3A_1272 = tpu.scan <sum>, %get3A_1269 masked %broadcast_in_dim3A_1271 : vector<16xf32>, vector<16xi1> -> vector<16xf32>
      %ne3A_1273 = arith.cmpi ne, %get3A_1263, %get3A_1267 : vector<16xi32>
      %or3A_1274 = arith.ori %ne3A_1273, %ge3A_158 : vector<16xi1>
      %and3A_1275 = arith.andi %ne3A_1273, %lt3A_156 : vector<16xi1>
      tpu.vector_store_idx %arg9[%get3A_1263], %masked_cumsum3A_1272 masked %or3A_1274 {add = true} : memref<10256xf32, #tpu.memory_space<vmem>>[vector<16xi32>], vector<16xf32>, vector<16xi1>
      %neg3A_1276 = arith.constant 0.000000e+00 : f32
      %neg3A_1277 = vector.broadcast %neg3A_1276 : f32 to vector<16xf32>
      %neg3A_1278 = arith.subf %neg3A_1277, %masked_cumsum3A_1272 : vector<16xf32>
      tpu.vector_store_idx %arg9[%get3A_1267], %neg3A_1278 masked %and3A_1275 {add = true} : memref<10256xf32, #tpu.memory_space<vmem>>[vector<16xi32>], vector<16xf32>, vector<16xi1>
      tpu.vector_store_idx %arg10[%get3A_1263], %convert_element_type3A masked %or3A_1274 {add = true} : memref<10256xf32, #tpu.memory_space<vmem>>[vector<16xi32>], vector<16xf32>, vector<16xi1>
      tpu.vector_store_idx %arg10[%get3A_1267], %neg3A_163 masked %and3A_1275 {add = true} : memref<10256xf32, #tpu.memory_space<vmem>>[vector<16xi32>], vector<16xf32>, vector<16xi1>
      %mul3A_1279 = arith.constant 128 : i32
      %mul3A_1280 = arith.muli %add3A_1142, %mul3A_1279 : i32
      %add3A_1281 = arith.constant 96 : i32
      %add3A_1282 = arith.addi %mul3A_1280, %add3A_1281 : i32
      %get3A_1283 = arith.index_cast %add3A_1282 : i32 to index
      %get3A_1284 = tpu.vector_load %arg5[%get3A_1283] {strides = array<i32>} : memref<10016xi32, #tpu.memory_space<vmem>>, vector<16xi32>,
      %add3A_1285 = arith.constant 1 : i32
      %add3A_1286 = arith.addi %add3A_1282, %add3A_1285 : i32
      %get3A_1287 = arith.index_cast %add3A_1286 : i32 to index
      %get3A_1288 = tpu.vector_load %arg5[%get3A_1287] {strides = array<i32>} : memref<10016xi32, #tpu.memory_space<vmem>>, vector<16xi32>,
      %get3A_1289 = arith.constant 736 : index
      %get3A_1290 = tpu.vector_load %arg7[%get3A_1289] {strides = array<i32>} : memref<768xf32, #tpu.memory_space<vmem>>, vector<16xf32>,
      %broadcast_in_dim3A_1291 = arith.constant true
      %broadcast_in_dim3A_1292 = vector.broadcast %broadcast_in_dim3A_1291 : i1 to vector<16xi1>
      %masked_cumsum3A_1293 = tpu.scan <sum>, %get3A_1290 masked %broadcast_in_dim3A_1292 : vector<16xf32>, vector<16xi1> -> vector<16xf32>
      %ne3A_1294 = arith.cmpi ne, %get3A_1284, %get3A_1288 : vector<16xi32>
      %or3A_1295 = arith.ori %ne3A_1294, %ge3A_158 : vector<16xi1>
      %and3A_1296 = arith.andi %ne3A_1294, %lt3A_156 : vector<16xi1>
      tpu.vector_store_idx %arg9[%get3A_1284], %masked_cumsum3A_1293 masked %or3A_1295 {add = true} : memref<10256xf32, #tpu.memory_space<vmem>>[vector<16xi32>], vector<16xf32>, vector<16xi1>
      %neg3A_1297 = arith.constant 0.000000e+00 : f32
      %neg3A_1298 = vector.broadcast %neg3A_1297 : f32 to vector<16xf32>
      %neg3A_1299 = arith.subf %neg3A_1298, %masked_cumsum3A_1293 : vector<16xf32>
      tpu.vector_store_idx %arg9[%get3A_1288], %neg3A_1299 masked %and3A_1296 {add = true} : memref<10256xf32, #tpu.memory_space<vmem>>[vector<16xi32>], vector<16xf32>, vector<16xi1>
      tpu.vector_store_idx %arg10[%get3A_1284], %convert_element_type3A masked %or3A_1295 {add = true} : memref<10256xf32, #tpu.memory_space<vmem>>[vector<16xi32>], vector<16xf32>, vector<16xi1>
      tpu.vector_store_idx %arg10[%get3A_1288], %neg3A_163 masked %and3A_1296 {add = true} : memref<10256xf32, #tpu.memory_space<vmem>>[vector<16xi32>], vector<16xf32>, vector<16xi1>
      %mul3A_1300 = arith.constant 128 : i32
      %mul3A_1301 = arith.muli %add3A_1142, %mul3A_1300 : i32
      %add3A_1302 = arith.constant 112 : i32
      %add3A_1303 = arith.addi %mul3A_1301, %add3A_1302 : i32
      %get3A_1304 = arith.index_cast %add3A_1303 : i32 to index
      %get3A_1305 = tpu.vector_load %arg5[%get3A_1304] {strides = array<i32>} : memref<10016xi32, #tpu.memory_space<vmem>>, vector<16xi32>,
      %add3A_1306 = arith.constant 1 : i32
      %add3A_1307 = arith.addi %add3A_1303, %add3A_1306 : i32
      %get3A_1308 = arith.index_cast %add3A_1307 : i32 to index
      %get3A_1309 = tpu.vector_load %arg5[%get3A_1308] {strides = array<i32>} : memref<10016xi32, #tpu.memory_space<vmem>>, vector<16xi32>,
      %get3A_1310 = arith.constant 752 : index
      %get3A_1311 = tpu.vector_load %arg7[%get3A_1310] {strides = array<i32>} : memref<768xf32, #tpu.memory_space<vmem>>, vector<16xf32>,
      %broadcast_in_dim3A_1312 = arith.constant true
      %broadcast_in_dim3A_1313 = vector.broadcast %broadcast_in_dim3A_1312 : i1 to vector<16xi1>
      %masked_cumsum3A_1314 = tpu.scan <sum>, %get3A_1311 masked %broadcast_in_dim3A_1313 : vector<16xf32>, vector<16xi1> -> vector<16xf32>
      %ne3A_1315 = arith.cmpi ne, %get3A_1305, %get3A_1309 : vector<16xi32>
      %or3A_1316 = arith.ori %ne3A_1315, %ge3A_158 : vector<16xi1>
      %and3A_1317 = arith.andi %ne3A_1315, %lt3A_156 : vector<16xi1>
      tpu.vector_store_idx %arg9[%get3A_1305], %masked_cumsum3A_1314 masked %or3A_1316 {add = true} : memref<10256xf32, #tpu.memory_space<vmem>>[vector<16xi32>], vector<16xf32>, vector<16xi1>
      %neg3A_1318 = arith.constant 0.000000e+00 : f32
      %neg3A_1319 = vector.broadcast %neg3A_1318 : f32 to vector<16xf32>
      %neg3A_1320 = arith.subf %neg3A_1319, %masked_cumsum3A_1314 : vector<16xf32>
      tpu.vector_store_idx %arg9[%get3A_1309], %neg3A_1320 masked %and3A_1317 {add = true} : memref<10256xf32, #tpu.memory_space<vmem>>[vector<16xi32>], vector<16xf32>, vector<16xi1>
      tpu.vector_store_idx %arg10[%get3A_1305], %convert_element_type3A masked %or3A_1316 {add = true} : memref<10256xf32, #tpu.memory_space<vmem>>[vector<16xi32>], vector<16xf32>, vector<16xi1>
      tpu.vector_store_idx %arg10[%get3A_1309], %neg3A_163 masked %and3A_1317 {add = true} : memref<10256xf32, #tpu.memory_space<vmem>>[vector<16xi32>], vector<16xf32>, vector<16xi1>
      %add3A_1321 = arith.constant 6 : i32
      %add3A_1322 = arith.addi %add3A_1142, %add3A_1321 : i32
      %lt3A_1323 = arith.constant 78 : i32
      %lt3A_1324 = arith.cmpi slt, %add3A_1322, %lt3A_1323 : i32
      %convert_element_type3A_1325 = arith.extui %lt3A_1324 : i1 to i32
      %cond3A_1326 = arith.constant 0 : i32
      %cond3A_1327 = arith.cmpi ne, %convert_element_type3A_1325, %cond3A_1326 : i32
      scf.if %cond3A_1327 {
        %add3A_1328 = arith.constant 6 : i32
        %add3A_1329 = arith.addi %add3A_1142, %add3A_1328 : i32
        %mul3A_1330 = arith.constant 128 : i32
        %mul3A_1331 = arith.muli %add3A_1329, %mul3A_1330 : i32
        %add3A_1332 = arith.addi %mul3A_2, %mul3A_1331 : i32
        %mul3A_1333 = arith.constant 128 : i32
        %mul3A_1334 = arith.muli %add3A_1332, %mul3A_1333 : i32
        %dma_start3A_1335 = arith.constant 640 : i32
        %dma_start3A_1336 = tpu.memref_slice %arg7[%dma_start3A_1335] : memref<768xf32, #tpu.memory_space<vmem>> -> memref<128xf32, #tpu.memory_space<vmem>>
        %dma_start3A_1337 = tpu.memref_slice %arg2[%mul3A_1334] : memref<40960000xf32, #tpu.memory_space<hbm>> -> memref<16384xf32, #tpu.memory_space<hbm>>
        %dma_start3A_1338 = arith.constant 0 : i32
        %dma_start3A_1339 = tpu.memref_slice %dma_start3A_1337[%dma_start3A_1338] : memref<16384xf32, #tpu.memory_space<hbm>> -> memref<16384xf32, #tpu.memory_space<hbm>>
        tpu.enqueue_indirect_dma source(%dma_start3A_1339 : memref<16384xf32, #tpu.memory_space<hbm>>) target(%dma_start3A_1336 : memref<128xf32, #tpu.memory_space<vmem>>) offsets(%arg6 : memref<128xi32, #tpu.memory_space<vmem>>) semaphore(%arg19 : memref<!tpu.dma_semaphore, #tpu.memory_space<semaphore_mem>>)
      } else {
      }
    }
    %scan3A_169 = arith.constant 13 : i32
    %dma_wait3A_170 = arith.constant 0 : i32
    %dma_wait3A_171 = tpu.memref_slice %arg6[%dma_wait3A_170] : memref<128xi32, #tpu.memory_space<vmem>> -> memref<16xi32, #tpu.memory_space<vmem>>
    %dma_wait3A_172 = tpu.memref_slice %arg2[%mul3A_74] : memref<40960000xf32, #tpu.memory_space<hbm>> -> memref<2048xf32, #tpu.memory_space<hbm>>
    %dma_wait3A_173 = arith.constant 0 : i32
    %dma_wait3A_174 = tpu.memref_slice %dma_wait3A_172[%dma_wait3A_173] : memref<2048xf32, #tpu.memory_space<hbm>> -> memref<2048xf32, #tpu.memory_space<hbm>>
    tpu.wait_indirect_dma semaphore(%arg20 : memref<!tpu.dma_semaphore, #tpu.memory_space<semaphore_mem>>) src(%dma_wait3A_174 : memref<2048xf32, #tpu.memory_space<hbm>>) dst(%arg8 : memref<16xf32, #tpu.memory_space<vmem>>)
    %get3A = arith.constant 9984 : index
    %get3A_175 = tpu.vector_load %arg5[%get3A] {strides = array<i32>} : memref<10016xi32, #tpu.memory_space<vmem>>, vector<16xi32>,
    %get3A_176 = arith.constant 9985 : index
    %get3A_177 = tpu.vector_load %arg5[%get3A_176] {strides = array<i32>} : memref<10016xi32, #tpu.memory_space<vmem>>, vector<16xi32>,
    %get3A_178 = arith.constant 0 : index
    %get3A_179 = tpu.vector_load %arg8[%get3A_178] {strides = array<i32>} : memref<16xf32, #tpu.memory_space<vmem>>, vector<16xf32>,
    %broadcast_in_dim3A_180 = arith.constant true
    %broadcast_in_dim3A_181 = vector.broadcast %broadcast_in_dim3A_180 : i1 to vector<16xi1>
    %masked_cumsum3A = tpu.scan <sum>, %get3A_179 masked %broadcast_in_dim3A_181 : vector<16xf32>, vector<16xi1> -> vector<16xf32>
    %ne3A = arith.cmpi ne, %get3A_175, %get3A_177 : vector<16xi32>
    %or3A = arith.ori %ne3A, %ge3A_158 : vector<16xi1>
    %and3A = arith.andi %ne3A, %lt3A_156 : vector<16xi1>
    tpu.vector_store_idx %arg9[%get3A_175], %masked_cumsum3A masked %or3A {add = true} : memref<10256xf32, #tpu.memory_space<vmem>>[vector<16xi32>], vector<16xf32>, vector<16xi1>
    %neg3A_182 = arith.constant 0.000000e+00 : f32
    %neg3A_183 = vector.broadcast %neg3A_182 : f32 to vector<16xf32>
    %neg3A_184 = arith.subf %neg3A_183, %masked_cumsum3A : vector<16xf32>
    tpu.vector_store_idx %arg9[%get3A_177], %neg3A_184 masked %and3A {add = true} : memref<10256xf32, #tpu.memory_space<vmem>>[vector<16xi32>], vector<16xf32>, vector<16xi1>
    tpu.vector_store_idx %arg10[%get3A_175], %convert_element_type3A masked %or3A {add = true} : memref<10256xf32, #tpu.memory_space<vmem>>[vector<16xi32>], vector<16xf32>, vector<16xi1>
    tpu.vector_store_idx %arg10[%get3A_177], %neg3A_163 masked %and3A {add = true} : memref<10256xf32, #tpu.memory_space<vmem>>[vector<16xi32>], vector<16xf32>, vector<16xi1>
    "tpu.region"() ({
      %run_scoped3A = tpu.sem_alloc : memref<!tpu.dma_semaphore, #tpu.memory_space<semaphore_mem>>
      %dma_start3A_204 = arith.constant 0 : i32
      %dma_start3A_205 = tpu.memref_slice %arg9[%dma_start3A_204] : memref<10256xf32, #tpu.memory_space<vmem>> -> memref<10240xf32, #tpu.memory_space<vmem>>
      %dma_start3A_206 = arith.constant 0 : i32
      %dma_start3A_207 = tpu.memref_slice %arg11[%arg1, %dma_start3A_206] : memref<16x10240xf32, #tpu.memory_space<vmem_shared>> -> memref<1x10240xf32, #tpu.memory_space<vmem_shared>>
      %dma_start3A_208 = tpu.memref_squeeze %dma_start3A_207 : memref<1x10240xf32, #tpu.memory_space<vmem_shared>> -> memref<10240xf32, #tpu.memory_space<vmem_shared>>
      %dma_start3A_209 = arith.constant 0 : i32
      %dma_start3A_210 = tpu.memref_slice %arg11[%arg1, %dma_start3A_209] : memref<16x10240xf32, #tpu.memory_space<vmem_shared>> -> memref<1x10240xf32, #tpu.memory_space<vmem_shared>>
      %dma_start3A_211 = tpu.memref_squeeze %dma_start3A_210 : memref<1x10240xf32, #tpu.memory_space<vmem_shared>> -> memref<10240xf32, #tpu.memory_space<vmem_shared>>
      %dma_start3A_212 = arith.constant 0 : i32
      %dma_start3A_213 = tpu.memref_slice %arg9[%dma_start3A_212] : memref<10256xf32, #tpu.memory_space<vmem>> -> memref<10240xf32, #tpu.memory_space<vmem>>
      tpu.enqueue_dma source(%dma_start3A_213 : memref<10240xf32, #tpu.memory_space<vmem>>) target(%dma_start3A_211 : memref<10240xf32, #tpu.memory_space<vmem_shared>>) target_semaphore(%run_scoped3A : memref<!tpu.dma_semaphore, #tpu.memory_space<semaphore_mem>>)
      %dma_wait3A_214 = arith.constant 0 : i32
      %dma_wait3A_215 = tpu.memref_slice %arg9[%dma_wait3A_214] : memref<10256xf32, #tpu.memory_space<vmem>> -> memref<10240xf32, #tpu.memory_space<vmem>>
      %dma_wait3A_216 = arith.constant 0 : i32
      %dma_wait3A_217 = tpu.memref_slice %arg11[%arg1, %dma_wait3A_216] : memref<16x10240xf32, #tpu.memory_space<vmem_shared>> -> memref<1x10240xf32, #tpu.memory_space<vmem_shared>>
      %dma_wait3A_218 = tpu.memref_squeeze %dma_wait3A_217 : memref<1x10240xf32, #tpu.memory_space<vmem_shared>> -> memref<10240xf32, #tpu.memory_space<vmem_shared>>
      %dma_wait3A_219 = arith.constant 0 : i32
      %dma_wait3A_220 = tpu.memref_slice %arg11[%arg1, %dma_wait3A_219] : memref<16x10240xf32, #tpu.memory_space<vmem_shared>> -> memref<1x10240xf32, #tpu.memory_space<vmem_shared>>
      %dma_wait3A_221 = tpu.memref_squeeze %dma_wait3A_220 : memref<1x10240xf32, #tpu.memory_space<vmem_shared>> -> memref<10240xf32, #tpu.memory_space<vmem_shared>>
      %dma_wait3A_222 = arith.constant 0 : i32
      %dma_wait3A_223 = tpu.memref_slice %arg9[%dma_wait3A_222] : memref<10256xf32, #tpu.memory_space<vmem>> -> memref<10240xf32, #tpu.memory_space<vmem>>
      tpu.wait_dma2 semaphore(%run_scoped3A : memref<!tpu.dma_semaphore, #tpu.memory_space<semaphore_mem>>) src(%dma_wait3A_223 : memref<10240xf32, #tpu.memory_space<vmem>>) dst(%dma_wait3A_221 : memref<10240xf32, #tpu.memory_space<vmem_shared>>)
      tpu.yield
    }) : () -> ()
    "tpu.region"() ({
      %run_scoped3A = tpu.sem_alloc : memref<!tpu.dma_semaphore, #tpu.memory_space<semaphore_mem>>
      %dma_start3A_204 = arith.constant 0 : i32
      %dma_start3A_205 = tpu.memref_slice %arg10[%dma_start3A_204] : memref<10256xf32, #tpu.memory_space<vmem>> -> memref<10240xf32, #tpu.memory_space<vmem>>
      %dma_start3A_206 = arith.constant 0 : i32
      %dma_start3A_207 = tpu.memref_slice %arg12[%arg1, %dma_start3A_206] : memref<16x10240xf32, #tpu.memory_space<vmem_shared>> -> memref<1x10240xf32, #tpu.memory_space<vmem_shared>>
      %dma_start3A_208 = tpu.memref_squeeze %dma_start3A_207 : memref<1x10240xf32, #tpu.memory_space<vmem_shared>> -> memref<10240xf32, #tpu.memory_space<vmem_shared>>
      %dma_start3A_209 = arith.constant 0 : i32
      %dma_start3A_210 = tpu.memref_slice %arg12[%arg1, %dma_start3A_209] : memref<16x10240xf32, #tpu.memory_space<vmem_shared>> -> memref<1x10240xf32, #tpu.memory_space<vmem_shared>>
      %dma_start3A_211 = tpu.memref_squeeze %dma_start3A_210 : memref<1x10240xf32, #tpu.memory_space<vmem_shared>> -> memref<10240xf32, #tpu.memory_space<vmem_shared>>
      %dma_start3A_212 = arith.constant 0 : i32
      %dma_start3A_213 = tpu.memref_slice %arg10[%dma_start3A_212] : memref<10256xf32, #tpu.memory_space<vmem>> -> memref<10240xf32, #tpu.memory_space<vmem>>
      tpu.enqueue_dma source(%dma_start3A_213 : memref<10240xf32, #tpu.memory_space<vmem>>) target(%dma_start3A_211 : memref<10240xf32, #tpu.memory_space<vmem_shared>>) target_semaphore(%run_scoped3A : memref<!tpu.dma_semaphore, #tpu.memory_space<semaphore_mem>>)
      %dma_wait3A_214 = arith.constant 0 : i32
      %dma_wait3A_215 = tpu.memref_slice %arg10[%dma_wait3A_214] : memref<10256xf32, #tpu.memory_space<vmem>> -> memref<10240xf32, #tpu.memory_space<vmem>>
      %dma_wait3A_216 = arith.constant 0 : i32
      %dma_wait3A_217 = tpu.memref_slice %arg12[%arg1, %dma_wait3A_216] : memref<16x10240xf32, #tpu.memory_space<vmem_shared>> -> memref<1x10240xf32, #tpu.memory_space<vmem_shared>>
      %dma_wait3A_218 = tpu.memref_squeeze %dma_wait3A_217 : memref<1x10240xf32, #tpu.memory_space<vmem_shared>> -> memref<10240xf32, #tpu.memory_space<vmem_shared>>
      %dma_wait3A_219 = arith.constant 0 : i32
      %dma_wait3A_220 = tpu.memref_slice %arg12[%arg1, %dma_wait3A_219] : memref<16x10240xf32, #tpu.memory_space<vmem_shared>> -> memref<1x10240xf32, #tpu.memory_space<vmem_shared>>
      %dma_wait3A_221 = tpu.memref_squeeze %dma_wait3A_220 : memref<1x10240xf32, #tpu.memory_space<vmem_shared>> -> memref<10240xf32, #tpu.memory_space<vmem_shared>>
      %dma_wait3A_222 = arith.constant 0 : i32
      %dma_wait3A_223 = tpu.memref_slice %arg10[%dma_wait3A_222] : memref<10256xf32, #tpu.memory_space<vmem>> -> memref<10240xf32, #tpu.memory_space<vmem>>
      tpu.wait_dma2 semaphore(%run_scoped3A : memref<!tpu.dma_semaphore, #tpu.memory_space<semaphore_mem>>) src(%dma_wait3A_223 : memref<10240xf32, #tpu.memory_space<vmem>>) dst(%dma_wait3A_221 : memref<10240xf32, #tpu.memory_space<vmem_shared>>)
      tpu.yield
    }) : () -> ()
    %barrier3A = arith.constant 0 : index
    tpu.barrier barrier_id(%barrier3A)
    %mul3A_185 = arith.constant 640 : i32
    %mul3A_186 = arith.muli %arg1, %mul3A_185 : i32
    "tpu.region"() ({
      %run_scoped3A = tpu.sem_alloc : memref<!tpu.dma_semaphore, #tpu.memory_space<semaphore_mem>>
      %dma_start3A_204 = arith.constant 0 : i32
      %dma_start3A_205 = tpu.memref_slice %arg11[%dma_start3A_204, %mul3A_186] : memref<16x10240xf32, #tpu.memory_space<vmem_shared>> -> memref<16x640xf32, #tpu.memory_space<vmem_shared>>
      %dma_start3A_206 = arith.constant 0 : i32
      %dma_start3A_207 = tpu.memref_slice %arg11[%dma_start3A_206, %mul3A_186] : memref<16x10240xf32, #tpu.memory_space<vmem_shared>> -> memref<16x640xf32, #tpu.memory_space<vmem_shared>>
      tpu.enqueue_dma source(%dma_start3A_207 : memref<16x640xf32, #tpu.memory_space<vmem_shared>>) target(%arg13 : memref<16x640xf32, #tpu.memory_space<vmem>>) target_semaphore(%run_scoped3A : memref<!tpu.dma_semaphore, #tpu.memory_space<semaphore_mem>>)
      %dma_wait3A_208 = arith.constant 0 : i32
      %dma_wait3A_209 = tpu.memref_slice %arg11[%dma_wait3A_208, %mul3A_186] : memref<16x10240xf32, #tpu.memory_space<vmem_shared>> -> memref<16x640xf32, #tpu.memory_space<vmem_shared>>
      %dma_wait3A_210 = arith.constant 0 : i32
      %dma_wait3A_211 = tpu.memref_slice %arg11[%dma_wait3A_210, %mul3A_186] : memref<16x10240xf32, #tpu.memory_space<vmem_shared>> -> memref<16x640xf32, #tpu.memory_space<vmem_shared>>
      tpu.wait_dma2 semaphore(%run_scoped3A : memref<!tpu.dma_semaphore, #tpu.memory_space<semaphore_mem>>) src(%dma_wait3A_211 : memref<16x640xf32, #tpu.memory_space<vmem_shared>>) dst(%arg13 : memref<16x640xf32, #tpu.memory_space<vmem>>)
      tpu.yield
    }) : () -> ()
    %scan3A_187 = arith.constant 0 : i32
    %scan3A_188 = arith.constant 0 : i32
    %scan3A_189 = arith.constant 40 : i32
    %scan3A_190 = arith.addi %scan3A_188, %scan3A_189 : i32
    %scan3A_191 = arith.constant 4 : i32
    scf.for %scan3A_204 = %scan3A_188 to %scan3A_190 step %scan3A_191  : i32 {
      %mul3A_205 = arith.constant 16 : i32
      %mul3A_206 = arith.muli %scan3A_204, %mul3A_205 : i32
      %get3A_207 = arith.constant 0 : i32
      %get3A_208 = arith.index_cast %get3A_207 : i32 to index
      %get3A_209 = arith.index_cast %mul3A_206 : i32 to index
      %get3A_210 = tpu.vector_load %arg13[%get3A_208, %get3A_209] {strides = array<i32>} : memref<16x640xf32, #tpu.memory_space<vmem>>, vector<16xf32>,
      %mul3A_211 = arith.constant 16 : i32
      %mul3A_212 = arith.muli %scan3A_204, %mul3A_211 : i32
      %get3A_213 = arith.constant 1 : i32
      %get3A_214 = arith.index_cast %get3A_213 : i32 to index
      %get3A_215 = arith.index_cast %mul3A_212 : i32 to index
      %get3A_216 = tpu.vector_load %arg13[%get3A_214, %get3A_215] {strides = array<i32>} : memref<16x640xf32, #tpu.memory_space<vmem>>, vector<16xf32>,
      %add3A_217 = arith.addf %get3A_210, %get3A_216 : vector<16xf32>
      %mul3A_218 = arith.constant 16 : i32
      %mul3A_219 = arith.muli %scan3A_204, %mul3A_218 : i32
      %get3A_220 = arith.constant 2 : i32
      %get3A_221 = arith.index_cast %get3A_220 : i32 to index
      %get3A_222 = arith.index_cast %mul3A_219 : i32 to index
      %get3A_223 = tpu.vector_load %arg13[%get3A_221, %get3A_222] {strides = array<i32>} : memref<16x640xf32, #tpu.memory_space<vmem>>, vector<16xf32>,
      %add3A_224 = arith.addf %add3A_217, %get3A_223 : vector<16xf32>
      %mul3A_225 = arith.constant 16 : i32
      %mul3A_226 = arith.muli %scan3A_204, %mul3A_225 : i32
      %get3A_227 = arith.constant 3 : i32
      %get3A_228 = arith.index_cast %get3A_227 : i32 to index
      %get3A_229 = arith.index_cast %mul3A_226 : i32 to index
      %get3A_230 = tpu.vector_load %arg13[%get3A_228, %get3A_229] {strides = array<i32>} : memref<16x640xf32, #tpu.memory_space<vmem>>, vector<16xf32>,
      %add3A_231 = arith.addf %add3A_224, %get3A_230 : vector<16xf32>
      %mul3A_232 = arith.constant 16 : i32
      %mul3A_233 = arith.muli %scan3A_204, %mul3A_232 : i32
      %get3A_234 = arith.constant 4 : i32
      %get3A_235 = arith.index_cast %get3A_234 : i32 to index
      %get3A_236 = arith.index_cast %mul3A_233 : i32 to index
      %get3A_237 = tpu.vector_load %arg13[%get3A_235, %get3A_236] {strides = array<i32>} : memref<16x640xf32, #tpu.memory_space<vmem>>, vector<16xf32>,
      %add3A_238 = arith.addf %add3A_231, %get3A_237 : vector<16xf32>
      %mul3A_239 = arith.constant 16 : i32
      %mul3A_240 = arith.muli %scan3A_204, %mul3A_239 : i32
      %get3A_241 = arith.constant 5 : i32
      %get3A_242 = arith.index_cast %get3A_241 : i32 to index
      %get3A_243 = arith.index_cast %mul3A_240 : i32 to index
      %get3A_244 = tpu.vector_load %arg13[%get3A_242, %get3A_243] {strides = array<i32>} : memref<16x640xf32, #tpu.memory_space<vmem>>, vector<16xf32>,
      %add3A_245 = arith.addf %add3A_238, %get3A_244 : vector<16xf32>
      %mul3A_246 = arith.constant 16 : i32
      %mul3A_247 = arith.muli %scan3A_204, %mul3A_246 : i32
      %get3A_248 = arith.constant 6 : i32
      %get3A_249 = arith.index_cast %get3A_248 : i32 to index
      %get3A_250 = arith.index_cast %mul3A_247 : i32 to index
      %get3A_251 = tpu.vector_load %arg13[%get3A_249, %get3A_250] {strides = array<i32>} : memref<16x640xf32, #tpu.memory_space<vmem>>, vector<16xf32>,
      %add3A_252 = arith.addf %add3A_245, %get3A_251 : vector<16xf32>
      %mul3A_253 = arith.constant 16 : i32
      %mul3A_254 = arith.muli %scan3A_204, %mul3A_253 : i32
      %get3A_255 = arith.constant 7 : i32
      %get3A_256 = arith.index_cast %get3A_255 : i32 to index
      %get3A_257 = arith.index_cast %mul3A_254 : i32 to index
      %get3A_258 = tpu.vector_load %arg13[%get3A_256, %get3A_257] {strides = array<i32>} : memref<16x640xf32, #tpu.memory_space<vmem>>, vector<16xf32>,
      %add3A_259 = arith.addf %add3A_252, %get3A_258 : vector<16xf32>
      %mul3A_260 = arith.constant 16 : i32
      %mul3A_261 = arith.muli %scan3A_204, %mul3A_260 : i32
      %get3A_262 = arith.constant 8 : i32
      %get3A_263 = arith.index_cast %get3A_262 : i32 to index
      %get3A_264 = arith.index_cast %mul3A_261 : i32 to index
      %get3A_265 = tpu.vector_load %arg13[%get3A_263, %get3A_264] {strides = array<i32>} : memref<16x640xf32, #tpu.memory_space<vmem>>, vector<16xf32>,
      %add3A_266 = arith.addf %add3A_259, %get3A_265 : vector<16xf32>
      %mul3A_267 = arith.constant 16 : i32
      %mul3A_268 = arith.muli %scan3A_204, %mul3A_267 : i32
      %get3A_269 = arith.constant 9 : i32
      %get3A_270 = arith.index_cast %get3A_269 : i32 to index
      %get3A_271 = arith.index_cast %mul3A_268 : i32 to index
      %get3A_272 = tpu.vector_load %arg13[%get3A_270, %get3A_271] {strides = array<i32>} : memref<16x640xf32, #tpu.memory_space<vmem>>, vector<16xf32>,
      %add3A_273 = arith.addf %add3A_266, %get3A_272 : vector<16xf32>
      %mul3A_274 = arith.constant 16 : i32
      %mul3A_275 = arith.muli %scan3A_204, %mul3A_274 : i32
      %get3A_276 = arith.constant 10 : i32
      %get3A_277 = arith.index_cast %get3A_276 : i32 to index
      %get3A_278 = arith.index_cast %mul3A_275 : i32 to index
      %get3A_279 = tpu.vector_load %arg13[%get3A_277, %get3A_278] {strides = array<i32>} : memref<16x640xf32, #tpu.memory_space<vmem>>, vector<16xf32>,
      %add3A_280 = arith.addf %add3A_273, %get3A_279 : vector<16xf32>
      %mul3A_281 = arith.constant 16 : i32
      %mul3A_282 = arith.muli %scan3A_204, %mul3A_281 : i32
      %get3A_283 = arith.constant 11 : i32
      %get3A_284 = arith.index_cast %get3A_283 : i32 to index
      %get3A_285 = arith.index_cast %mul3A_282 : i32 to index
      %get3A_286 = tpu.vector_load %arg13[%get3A_284, %get3A_285] {strides = array<i32>} : memref<16x640xf32, #tpu.memory_space<vmem>>, vector<16xf32>,
      %add3A_287 = arith.addf %add3A_280, %get3A_286 : vector<16xf32>
      %mul3A_288 = arith.constant 16 : i32
      %mul3A_289 = arith.muli %scan3A_204, %mul3A_288 : i32
      %get3A_290 = arith.constant 12 : i32
      %get3A_291 = arith.index_cast %get3A_290 : i32 to index
      %get3A_292 = arith.index_cast %mul3A_289 : i32 to index
      %get3A_293 = tpu.vector_load %arg13[%get3A_291, %get3A_292] {strides = array<i32>} : memref<16x640xf32, #tpu.memory_space<vmem>>, vector<16xf32>,
      %add3A_294 = arith.addf %add3A_287, %get3A_293 : vector<16xf32>
      %mul3A_295 = arith.constant 16 : i32
      %mul3A_296 = arith.muli %scan3A_204, %mul3A_295 : i32
      %get3A_297 = arith.constant 13 : i32
      %get3A_298 = arith.index_cast %get3A_297 : i32 to index
      %get3A_299 = arith.index_cast %mul3A_296 : i32 to index
      %get3A_300 = tpu.vector_load %arg13[%get3A_298, %get3A_299] {strides = array<i32>} : memref<16x640xf32, #tpu.memory_space<vmem>>, vector<16xf32>,
      %add3A_301 = arith.addf %add3A_294, %get3A_300 : vector<16xf32>
      %mul3A_302 = arith.constant 16 : i32
      %mul3A_303 = arith.muli %scan3A_204, %mul3A_302 : i32
      %get3A_304 = arith.constant 14 : i32
      %get3A_305 = arith.index_cast %get3A_304 : i32 to index
      %get3A_306 = arith.index_cast %mul3A_303 : i32 to index
      %get3A_307 = tpu.vector_load %arg13[%get3A_305, %get3A_306] {strides = array<i32>} : memref<16x640xf32, #tpu.memory_space<vmem>>, vector<16xf32>,
      %add3A_308 = arith.addf %add3A_301, %get3A_307 : vector<16xf32>
      %mul3A_309 = arith.constant 16 : i32
      %mul3A_310 = arith.muli %scan3A_204, %mul3A_309 : i32
      %get3A_311 = arith.constant 15 : i32
      %get3A_312 = arith.index_cast %get3A_311 : i32 to index
      %get3A_313 = arith.index_cast %mul3A_310 : i32 to index
      %get3A_314 = tpu.vector_load %arg13[%get3A_312, %get3A_313] {strides = array<i32>} : memref<16x640xf32, #tpu.memory_space<vmem>>, vector<16xf32>,
      %add3A_315 = arith.addf %add3A_308, %get3A_314 : vector<16xf32>
      %mul3A_316 = arith.constant 16 : i32
      %mul3A_317 = arith.muli %scan3A_204, %mul3A_316 : i32
      %swap3A_318 = arith.index_cast %mul3A_317 : i32 to index
      %swap3A_319 = tpu.vector_load %arg9[%swap3A_318] {strides = array<i32>} : memref<10256xf32, #tpu.memory_space<vmem>>, vector<16xf32>,
      tpu.vector_store %arg9[%swap3A_318], %add3A_315 {strides = array<i32>} : memref<10256xf32, #tpu.memory_space<vmem>>, vector<16xf32>,
      %scan3A_320 = arith.constant 1 : i32
      %scan3A_321 = arith.addi %scan3A_204, %scan3A_320 : i32
      %mul3A_322 = arith.constant 16 : i32
      %mul3A_323 = arith.muli %scan3A_321, %mul3A_322 : i32
      %get3A_324 = arith.constant 0 : i32
      %get3A_325 = arith.index_cast %get3A_324 : i32 to index
      %get3A_326 = arith.index_cast %mul3A_323 : i32 to index
      %get3A_327 = tpu.vector_load %arg13[%get3A_325, %get3A_326] {strides = array<i32>} : memref<16x640xf32, #tpu.memory_space<vmem>>, vector<16xf32>,
      %mul3A_328 = arith.constant 16 : i32
      %mul3A_329 = arith.muli %scan3A_321, %mul3A_328 : i32
      %get3A_330 = arith.constant 1 : i32
      %get3A_331 = arith.index_cast %get3A_330 : i32 to index
      %get3A_332 = arith.index_cast %mul3A_329 : i32 to index
      %get3A_333 = tpu.vector_load %arg13[%get3A_331, %get3A_332] {strides = array<i32>} : memref<16x640xf32, #tpu.memory_space<vmem>>, vector<16xf32>,
      %add3A_334 = arith.addf %get3A_327, %get3A_333 : vector<16xf32>
      %mul3A_335 = arith.constant 16 : i32
      %mul3A_336 = arith.muli %scan3A_321, %mul3A_335 : i32
      %get3A_337 = arith.constant 2 : i32
      %get3A_338 = arith.index_cast %get3A_337 : i32 to index
      %get3A_339 = arith.index_cast %mul3A_336 : i32 to index
      %get3A_340 = tpu.vector_load %arg13[%get3A_338, %get3A_339] {strides = array<i32>} : memref<16x640xf32, #tpu.memory_space<vmem>>, vector<16xf32>,
      %add3A_341 = arith.addf %add3A_334, %get3A_340 : vector<16xf32>
      %mul3A_342 = arith.constant 16 : i32
      %mul3A_343 = arith.muli %scan3A_321, %mul3A_342 : i32
      %get3A_344 = arith.constant 3 : i32
      %get3A_345 = arith.index_cast %get3A_344 : i32 to index
      %get3A_346 = arith.index_cast %mul3A_343 : i32 to index
      %get3A_347 = tpu.vector_load %arg13[%get3A_345, %get3A_346] {strides = array<i32>} : memref<16x640xf32, #tpu.memory_space<vmem>>, vector<16xf32>,
      %add3A_348 = arith.addf %add3A_341, %get3A_347 : vector<16xf32>
      %mul3A_349 = arith.constant 16 : i32
      %mul3A_350 = arith.muli %scan3A_321, %mul3A_349 : i32
      %get3A_351 = arith.constant 4 : i32
      %get3A_352 = arith.index_cast %get3A_351 : i32 to index
      %get3A_353 = arith.index_cast %mul3A_350 : i32 to index
      %get3A_354 = tpu.vector_load %arg13[%get3A_352, %get3A_353] {strides = array<i32>} : memref<16x640xf32, #tpu.memory_space<vmem>>, vector<16xf32>,
      %add3A_355 = arith.addf %add3A_348, %get3A_354 : vector<16xf32>
      %mul3A_356 = arith.constant 16 : i32
      %mul3A_357 = arith.muli %scan3A_321, %mul3A_356 : i32
      %get3A_358 = arith.constant 5 : i32
      %get3A_359 = arith.index_cast %get3A_358 : i32 to index
      %get3A_360 = arith.index_cast %mul3A_357 : i32 to index
      %get3A_361 = tpu.vector_load %arg13[%get3A_359, %get3A_360] {strides = array<i32>} : memref<16x640xf32, #tpu.memory_space<vmem>>, vector<16xf32>,
      %add3A_362 = arith.addf %add3A_355, %get3A_361 : vector<16xf32>
      %mul3A_363 = arith.constant 16 : i32
      %mul3A_364 = arith.muli %scan3A_321, %mul3A_363 : i32
      %get3A_365 = arith.constant 6 : i32
      %get3A_366 = arith.index_cast %get3A_365 : i32 to index
      %get3A_367 = arith.index_cast %mul3A_364 : i32 to index
      %get3A_368 = tpu.vector_load %arg13[%get3A_366, %get3A_367] {strides = array<i32>} : memref<16x640xf32, #tpu.memory_space<vmem>>, vector<16xf32>,
      %add3A_369 = arith.addf %add3A_362, %get3A_368 : vector<16xf32>
      %mul3A_370 = arith.constant 16 : i32
      %mul3A_371 = arith.muli %scan3A_321, %mul3A_370 : i32
      %get3A_372 = arith.constant 7 : i32
      %get3A_373 = arith.index_cast %get3A_372 : i32 to index
      %get3A_374 = arith.index_cast %mul3A_371 : i32 to index
      %get3A_375 = tpu.vector_load %arg13[%get3A_373, %get3A_374] {strides = array<i32>} : memref<16x640xf32, #tpu.memory_space<vmem>>, vector<16xf32>,
      %add3A_376 = arith.addf %add3A_369, %get3A_375 : vector<16xf32>
      %mul3A_377 = arith.constant 16 : i32
      %mul3A_378 = arith.muli %scan3A_321, %mul3A_377 : i32
      %get3A_379 = arith.constant 8 : i32
      %get3A_380 = arith.index_cast %get3A_379 : i32 to index
      %get3A_381 = arith.index_cast %mul3A_378 : i32 to index
      %get3A_382 = tpu.vector_load %arg13[%get3A_380, %get3A_381] {strides = array<i32>} : memref<16x640xf32, #tpu.memory_space<vmem>>, vector<16xf32>,
      %add3A_383 = arith.addf %add3A_376, %get3A_382 : vector<16xf32>
      %mul3A_384 = arith.constant 16 : i32
      %mul3A_385 = arith.muli %scan3A_321, %mul3A_384 : i32
      %get3A_386 = arith.constant 9 : i32
      %get3A_387 = arith.index_cast %get3A_386 : i32 to index
      %get3A_388 = arith.index_cast %mul3A_385 : i32 to index
      %get3A_389 = tpu.vector_load %arg13[%get3A_387, %get3A_388] {strides = array<i32>} : memref<16x640xf32, #tpu.memory_space<vmem>>, vector<16xf32>,
      %add3A_390 = arith.addf %add3A_383, %get3A_389 : vector<16xf32>
      %mul3A_391 = arith.constant 16 : i32
      %mul3A_392 = arith.muli %scan3A_321, %mul3A_391 : i32
      %get3A_393 = arith.constant 10 : i32
      %get3A_394 = arith.index_cast %get3A_393 : i32 to index
      %get3A_395 = arith.index_cast %mul3A_392 : i32 to index
      %get3A_396 = tpu.vector_load %arg13[%get3A_394, %get3A_395] {strides = array<i32>} : memref<16x640xf32, #tpu.memory_space<vmem>>, vector<16xf32>,
      %add3A_397 = arith.addf %add3A_390, %get3A_396 : vector<16xf32>
      %mul3A_398 = arith.constant 16 : i32
      %mul3A_399 = arith.muli %scan3A_321, %mul3A_398 : i32
      %get3A_400 = arith.constant 11 : i32
      %get3A_401 = arith.index_cast %get3A_400 : i32 to index
      %get3A_402 = arith.index_cast %mul3A_399 : i32 to index
      %get3A_403 = tpu.vector_load %arg13[%get3A_401, %get3A_402] {strides = array<i32>} : memref<16x640xf32, #tpu.memory_space<vmem>>, vector<16xf32>,
      %add3A_404 = arith.addf %add3A_397, %get3A_403 : vector<16xf32>
      %mul3A_405 = arith.constant 16 : i32
      %mul3A_406 = arith.muli %scan3A_321, %mul3A_405 : i32
      %get3A_407 = arith.constant 12 : i32
      %get3A_408 = arith.index_cast %get3A_407 : i32 to index
      %get3A_409 = arith.index_cast %mul3A_406 : i32 to index
      %get3A_410 = tpu.vector_load %arg13[%get3A_408, %get3A_409] {strides = array<i32>} : memref<16x640xf32, #tpu.memory_space<vmem>>, vector<16xf32>,
      %add3A_411 = arith.addf %add3A_404, %get3A_410 : vector<16xf32>
      %mul3A_412 = arith.constant 16 : i32
      %mul3A_413 = arith.muli %scan3A_321, %mul3A_412 : i32
      %get3A_414 = arith.constant 13 : i32
      %get3A_415 = arith.index_cast %get3A_414 : i32 to index
      %get3A_416 = arith.index_cast %mul3A_413 : i32 to index
      %get3A_417 = tpu.vector_load %arg13[%get3A_415, %get3A_416] {strides = array<i32>} : memref<16x640xf32, #tpu.memory_space<vmem>>, vector<16xf32>,
      %add3A_418 = arith.addf %add3A_411, %get3A_417 : vector<16xf32>
      %mul3A_419 = arith.constant 16 : i32
      %mul3A_420 = arith.muli %scan3A_321, %mul3A_419 : i32
      %get3A_421 = arith.constant 14 : i32
      %get3A_422 = arith.index_cast %get3A_421 : i32 to index
      %get3A_423 = arith.index_cast %mul3A_420 : i32 to index
      %get3A_424 = tpu.vector_load %arg13[%get3A_422, %get3A_423] {strides = array<i32>} : memref<16x640xf32, #tpu.memory_space<vmem>>, vector<16xf32>,
      %add3A_425 = arith.addf %add3A_418, %get3A_424 : vector<16xf32>
      %mul3A_426 = arith.constant 16 : i32
      %mul3A_427 = arith.muli %scan3A_321, %mul3A_426 : i32
      %get3A_428 = arith.constant 15 : i32
      %get3A_429 = arith.index_cast %get3A_428 : i32 to index
      %get3A_430 = arith.index_cast %mul3A_427 : i32 to index
      %get3A_431 = tpu.vector_load %arg13[%get3A_429, %get3A_430] {strides = array<i32>} : memref<16x640xf32, #tpu.memory_space<vmem>>, vector<16xf32>,
      %add3A_432 = arith.addf %add3A_425, %get3A_431 : vector<16xf32>
      %mul3A_433 = arith.constant 16 : i32
      %mul3A_434 = arith.muli %scan3A_321, %mul3A_433 : i32
      %swap3A_435 = arith.index_cast %mul3A_434 : i32 to index
      %swap3A_436 = tpu.vector_load %arg9[%swap3A_435] {strides = array<i32>} : memref<10256xf32, #tpu.memory_space<vmem>>, vector<16xf32>,
      tpu.vector_store %arg9[%swap3A_435], %add3A_432 {strides = array<i32>} : memref<10256xf32, #tpu.memory_space<vmem>>, vector<16xf32>,
      %scan3A_437 = arith.constant 2 : i32
      %scan3A_438 = arith.addi %scan3A_204, %scan3A_437 : i32
      %mul3A_439 = arith.constant 16 : i32
      %mul3A_440 = arith.muli %scan3A_438, %mul3A_439 : i32
      %get3A_441 = arith.constant 0 : i32
      %get3A_442 = arith.index_cast %get3A_441 : i32 to index
      %get3A_443 = arith.index_cast %mul3A_440 : i32 to index
      %get3A_444 = tpu.vector_load %arg13[%get3A_442, %get3A_443] {strides = array<i32>} : memref<16x640xf32, #tpu.memory_space<vmem>>, vector<16xf32>,
      %mul3A_445 = arith.constant 16 : i32
      %mul3A_446 = arith.muli %scan3A_438, %mul3A_445 : i32
      %get3A_447 = arith.constant 1 : i32
      %get3A_448 = arith.index_cast %get3A_447 : i32 to index
      %get3A_449 = arith.index_cast %mul3A_446 : i32 to index
      %get3A_450 = tpu.vector_load %arg13[%get3A_448, %get3A_449] {strides = array<i32>} : memref<16x640xf32, #tpu.memory_space<vmem>>, vector<16xf32>,
      %add3A_451 = arith.addf %get3A_444, %get3A_450 : vector<16xf32>
      %mul3A_452 = arith.constant 16 : i32
      %mul3A_453 = arith.muli %scan3A_438, %mul3A_452 : i32
      %get3A_454 = arith.constant 2 : i32
      %get3A_455 = arith.index_cast %get3A_454 : i32 to index
      %get3A_456 = arith.index_cast %mul3A_453 : i32 to index
      %get3A_457 = tpu.vector_load %arg13[%get3A_455, %get3A_456] {strides = array<i32>} : memref<16x640xf32, #tpu.memory_space<vmem>>, vector<16xf32>,
      %add3A_458 = arith.addf %add3A_451, %get3A_457 : vector<16xf32>
      %mul3A_459 = arith.constant 16 : i32
      %mul3A_460 = arith.muli %scan3A_438, %mul3A_459 : i32
      %get3A_461 = arith.constant 3 : i32
      %get3A_462 = arith.index_cast %get3A_461 : i32 to index
      %get3A_463 = arith.index_cast %mul3A_460 : i32 to index
      %get3A_464 = tpu.vector_load %arg13[%get3A_462, %get3A_463] {strides = array<i32>} : memref<16x640xf32, #tpu.memory_space<vmem>>, vector<16xf32>,
      %add3A_465 = arith.addf %add3A_458, %get3A_464 : vector<16xf32>
      %mul3A_466 = arith.constant 16 : i32
      %mul3A_467 = arith.muli %scan3A_438, %mul3A_466 : i32
      %get3A_468 = arith.constant 4 : i32
      %get3A_469 = arith.index_cast %get3A_468 : i32 to index
      %get3A_470 = arith.index_cast %mul3A_467 : i32 to index
      %get3A_471 = tpu.vector_load %arg13[%get3A_469, %get3A_470] {strides = array<i32>} : memref<16x640xf32, #tpu.memory_space<vmem>>, vector<16xf32>,
      %add3A_472 = arith.addf %add3A_465, %get3A_471 : vector<16xf32>
      %mul3A_473 = arith.constant 16 : i32
      %mul3A_474 = arith.muli %scan3A_438, %mul3A_473 : i32
      %get3A_475 = arith.constant 5 : i32
      %get3A_476 = arith.index_cast %get3A_475 : i32 to index
      %get3A_477 = arith.index_cast %mul3A_474 : i32 to index
      %get3A_478 = tpu.vector_load %arg13[%get3A_476, %get3A_477] {strides = array<i32>} : memref<16x640xf32, #tpu.memory_space<vmem>>, vector<16xf32>,
      %add3A_479 = arith.addf %add3A_472, %get3A_478 : vector<16xf32>
      %mul3A_480 = arith.constant 16 : i32
      %mul3A_481 = arith.muli %scan3A_438, %mul3A_480 : i32
      %get3A_482 = arith.constant 6 : i32
      %get3A_483 = arith.index_cast %get3A_482 : i32 to index
      %get3A_484 = arith.index_cast %mul3A_481 : i32 to index
      %get3A_485 = tpu.vector_load %arg13[%get3A_483, %get3A_484] {strides = array<i32>} : memref<16x640xf32, #tpu.memory_space<vmem>>, vector<16xf32>,
      %add3A_486 = arith.addf %add3A_479, %get3A_485 : vector<16xf32>
      %mul3A_487 = arith.constant 16 : i32
      %mul3A_488 = arith.muli %scan3A_438, %mul3A_487 : i32
      %get3A_489 = arith.constant 7 : i32
      %get3A_490 = arith.index_cast %get3A_489 : i32 to index
      %get3A_491 = arith.index_cast %mul3A_488 : i32 to index
      %get3A_492 = tpu.vector_load %arg13[%get3A_490, %get3A_491] {strides = array<i32>} : memref<16x640xf32, #tpu.memory_space<vmem>>, vector<16xf32>,
      %add3A_493 = arith.addf %add3A_486, %get3A_492 : vector<16xf32>
      %mul3A_494 = arith.constant 16 : i32
      %mul3A_495 = arith.muli %scan3A_438, %mul3A_494 : i32
      %get3A_496 = arith.constant 8 : i32
      %get3A_497 = arith.index_cast %get3A_496 : i32 to index
      %get3A_498 = arith.index_cast %mul3A_495 : i32 to index
      %get3A_499 = tpu.vector_load %arg13[%get3A_497, %get3A_498] {strides = array<i32>} : memref<16x640xf32, #tpu.memory_space<vmem>>, vector<16xf32>,
      %add3A_500 = arith.addf %add3A_493, %get3A_499 : vector<16xf32>
      %mul3A_501 = arith.constant 16 : i32
      %mul3A_502 = arith.muli %scan3A_438, %mul3A_501 : i32
      %get3A_503 = arith.constant 9 : i32
      %get3A_504 = arith.index_cast %get3A_503 : i32 to index
      %get3A_505 = arith.index_cast %mul3A_502 : i32 to index
      %get3A_506 = tpu.vector_load %arg13[%get3A_504, %get3A_505] {strides = array<i32>} : memref<16x640xf32, #tpu.memory_space<vmem>>, vector<16xf32>,
      %add3A_507 = arith.addf %add3A_500, %get3A_506 : vector<16xf32>
      %mul3A_508 = arith.constant 16 : i32
      %mul3A_509 = arith.muli %scan3A_438, %mul3A_508 : i32
      %get3A_510 = arith.constant 10 : i32
      %get3A_511 = arith.index_cast %get3A_510 : i32 to index
      %get3A_512 = arith.index_cast %mul3A_509 : i32 to index
      %get3A_513 = tpu.vector_load %arg13[%get3A_511, %get3A_512] {strides = array<i32>} : memref<16x640xf32, #tpu.memory_space<vmem>>, vector<16xf32>,
      %add3A_514 = arith.addf %add3A_507, %get3A_513 : vector<16xf32>
      %mul3A_515 = arith.constant 16 : i32
      %mul3A_516 = arith.muli %scan3A_438, %mul3A_515 : i32
      %get3A_517 = arith.constant 11 : i32
      %get3A_518 = arith.index_cast %get3A_517 : i32 to index
      %get3A_519 = arith.index_cast %mul3A_516 : i32 to index
      %get3A_520 = tpu.vector_load %arg13[%get3A_518, %get3A_519] {strides = array<i32>} : memref<16x640xf32, #tpu.memory_space<vmem>>, vector<16xf32>,
      %add3A_521 = arith.addf %add3A_514, %get3A_520 : vector<16xf32>
      %mul3A_522 = arith.constant 16 : i32
      %mul3A_523 = arith.muli %scan3A_438, %mul3A_522 : i32
      %get3A_524 = arith.constant 12 : i32
      %get3A_525 = arith.index_cast %get3A_524 : i32 to index
      %get3A_526 = arith.index_cast %mul3A_523 : i32 to index
      %get3A_527 = tpu.vector_load %arg13[%get3A_525, %get3A_526] {strides = array<i32>} : memref<16x640xf32, #tpu.memory_space<vmem>>, vector<16xf32>,
      %add3A_528 = arith.addf %add3A_521, %get3A_527 : vector<16xf32>
      %mul3A_529 = arith.constant 16 : i32
      %mul3A_530 = arith.muli %scan3A_438, %mul3A_529 : i32
      %get3A_531 = arith.constant 13 : i32
      %get3A_532 = arith.index_cast %get3A_531 : i32 to index
      %get3A_533 = arith.index_cast %mul3A_530 : i32 to index
      %get3A_534 = tpu.vector_load %arg13[%get3A_532, %get3A_533] {strides = array<i32>} : memref<16x640xf32, #tpu.memory_space<vmem>>, vector<16xf32>,
      %add3A_535 = arith.addf %add3A_528, %get3A_534 : vector<16xf32>
      %mul3A_536 = arith.constant 16 : i32
      %mul3A_537 = arith.muli %scan3A_438, %mul3A_536 : i32
      %get3A_538 = arith.constant 14 : i32
      %get3A_539 = arith.index_cast %get3A_538 : i32 to index
      %get3A_540 = arith.index_cast %mul3A_537 : i32 to index
      %get3A_541 = tpu.vector_load %arg13[%get3A_539, %get3A_540] {strides = array<i32>} : memref<16x640xf32, #tpu.memory_space<vmem>>, vector<16xf32>,
      %add3A_542 = arith.addf %add3A_535, %get3A_541 : vector<16xf32>
      %mul3A_543 = arith.constant 16 : i32
      %mul3A_544 = arith.muli %scan3A_438, %mul3A_543 : i32
      %get3A_545 = arith.constant 15 : i32
      %get3A_546 = arith.index_cast %get3A_545 : i32 to index
      %get3A_547 = arith.index_cast %mul3A_544 : i32 to index
      %get3A_548 = tpu.vector_load %arg13[%get3A_546, %get3A_547] {strides = array<i32>} : memref<16x640xf32, #tpu.memory_space<vmem>>, vector<16xf32>,
      %add3A_549 = arith.addf %add3A_542, %get3A_548 : vector<16xf32>
      %mul3A_550 = arith.constant 16 : i32
      %mul3A_551 = arith.muli %scan3A_438, %mul3A_550 : i32
      %swap3A_552 = arith.index_cast %mul3A_551 : i32 to index
      %swap3A_553 = tpu.vector_load %arg9[%swap3A_552] {strides = array<i32>} : memref<10256xf32, #tpu.memory_space<vmem>>, vector<16xf32>,
      tpu.vector_store %arg9[%swap3A_552], %add3A_549 {strides = array<i32>} : memref<10256xf32, #tpu.memory_space<vmem>>, vector<16xf32>,
      %scan3A_554 = arith.constant 3 : i32
      %scan3A_555 = arith.addi %scan3A_204, %scan3A_554 : i32
      %mul3A_556 = arith.constant 16 : i32
      %mul3A_557 = arith.muli %scan3A_555, %mul3A_556 : i32
      %get3A_558 = arith.constant 0 : i32
      %get3A_559 = arith.index_cast %get3A_558 : i32 to index
      %get3A_560 = arith.index_cast %mul3A_557 : i32 to index
      %get3A_561 = tpu.vector_load %arg13[%get3A_559, %get3A_560] {strides = array<i32>} : memref<16x640xf32, #tpu.memory_space<vmem>>, vector<16xf32>,
      %mul3A_562 = arith.constant 16 : i32
      %mul3A_563 = arith.muli %scan3A_555, %mul3A_562 : i32
      %get3A_564 = arith.constant 1 : i32
      %get3A_565 = arith.index_cast %get3A_564 : i32 to index
      %get3A_566 = arith.index_cast %mul3A_563 : i32 to index
      %get3A_567 = tpu.vector_load %arg13[%get3A_565, %get3A_566] {strides = array<i32>} : memref<16x640xf32, #tpu.memory_space<vmem>>, vector<16xf32>,
      %add3A_568 = arith.addf %get3A_561, %get3A_567 : vector<16xf32>
      %mul3A_569 = arith.constant 16 : i32
      %mul3A_570 = arith.muli %scan3A_555, %mul3A_569 : i32
      %get3A_571 = arith.constant 2 : i32
      %get3A_572 = arith.index_cast %get3A_571 : i32 to index
      %get3A_573 = arith.index_cast %mul3A_570 : i32 to index
      %get3A_574 = tpu.vector_load %arg13[%get3A_572, %get3A_573] {strides = array<i32>} : memref<16x640xf32, #tpu.memory_space<vmem>>, vector<16xf32>,
      %add3A_575 = arith.addf %add3A_568, %get3A_574 : vector<16xf32>
      %mul3A_576 = arith.constant 16 : i32
      %mul3A_577 = arith.muli %scan3A_555, %mul3A_576 : i32
      %get3A_578 = arith.constant 3 : i32
      %get3A_579 = arith.index_cast %get3A_578 : i32 to index
      %get3A_580 = arith.index_cast %mul3A_577 : i32 to index
      %get3A_581 = tpu.vector_load %arg13[%get3A_579, %get3A_580] {strides = array<i32>} : memref<16x640xf32, #tpu.memory_space<vmem>>, vector<16xf32>,
      %add3A_582 = arith.addf %add3A_575, %get3A_581 : vector<16xf32>
      %mul3A_583 = arith.constant 16 : i32
      %mul3A_584 = arith.muli %scan3A_555, %mul3A_583 : i32
      %get3A_585 = arith.constant 4 : i32
      %get3A_586 = arith.index_cast %get3A_585 : i32 to index
      %get3A_587 = arith.index_cast %mul3A_584 : i32 to index
      %get3A_588 = tpu.vector_load %arg13[%get3A_586, %get3A_587] {strides = array<i32>} : memref<16x640xf32, #tpu.memory_space<vmem>>, vector<16xf32>,
      %add3A_589 = arith.addf %add3A_582, %get3A_588 : vector<16xf32>
      %mul3A_590 = arith.constant 16 : i32
      %mul3A_591 = arith.muli %scan3A_555, %mul3A_590 : i32
      %get3A_592 = arith.constant 5 : i32
      %get3A_593 = arith.index_cast %get3A_592 : i32 to index
      %get3A_594 = arith.index_cast %mul3A_591 : i32 to index
      %get3A_595 = tpu.vector_load %arg13[%get3A_593, %get3A_594] {strides = array<i32>} : memref<16x640xf32, #tpu.memory_space<vmem>>, vector<16xf32>,
      %add3A_596 = arith.addf %add3A_589, %get3A_595 : vector<16xf32>
      %mul3A_597 = arith.constant 16 : i32
      %mul3A_598 = arith.muli %scan3A_555, %mul3A_597 : i32
      %get3A_599 = arith.constant 6 : i32
      %get3A_600 = arith.index_cast %get3A_599 : i32 to index
      %get3A_601 = arith.index_cast %mul3A_598 : i32 to index
      %get3A_602 = tpu.vector_load %arg13[%get3A_600, %get3A_601] {strides = array<i32>} : memref<16x640xf32, #tpu.memory_space<vmem>>, vector<16xf32>,
      %add3A_603 = arith.addf %add3A_596, %get3A_602 : vector<16xf32>
      %mul3A_604 = arith.constant 16 : i32
      %mul3A_605 = arith.muli %scan3A_555, %mul3A_604 : i32
      %get3A_606 = arith.constant 7 : i32
      %get3A_607 = arith.index_cast %get3A_606 : i32 to index
      %get3A_608 = arith.index_cast %mul3A_605 : i32 to index
      %get3A_609 = tpu.vector_load %arg13[%get3A_607, %get3A_608] {strides = array<i32>} : memref<16x640xf32, #tpu.memory_space<vmem>>, vector<16xf32>,
      %add3A_610 = arith.addf %add3A_603, %get3A_609 : vector<16xf32>
      %mul3A_611 = arith.constant 16 : i32
      %mul3A_612 = arith.muli %scan3A_555, %mul3A_611 : i32
      %get3A_613 = arith.constant 8 : i32
      %get3A_614 = arith.index_cast %get3A_613 : i32 to index
      %get3A_615 = arith.index_cast %mul3A_612 : i32 to index
      %get3A_616 = tpu.vector_load %arg13[%get3A_614, %get3A_615] {strides = array<i32>} : memref<16x640xf32, #tpu.memory_space<vmem>>, vector<16xf32>,
      %add3A_617 = arith.addf %add3A_610, %get3A_616 : vector<16xf32>
      %mul3A_618 = arith.constant 16 : i32
      %mul3A_619 = arith.muli %scan3A_555, %mul3A_618 : i32
      %get3A_620 = arith.constant 9 : i32
      %get3A_621 = arith.index_cast %get3A_620 : i32 to index
      %get3A_622 = arith.index_cast %mul3A_619 : i32 to index
      %get3A_623 = tpu.vector_load %arg13[%get3A_621, %get3A_622] {strides = array<i32>} : memref<16x640xf32, #tpu.memory_space<vmem>>, vector<16xf32>,
      %add3A_624 = arith.addf %add3A_617, %get3A_623 : vector<16xf32>
      %mul3A_625 = arith.constant 16 : i32
      %mul3A_626 = arith.muli %scan3A_555, %mul3A_625 : i32
      %get3A_627 = arith.constant 10 : i32
      %get3A_628 = arith.index_cast %get3A_627 : i32 to index
      %get3A_629 = arith.index_cast %mul3A_626 : i32 to index
      %get3A_630 = tpu.vector_load %arg13[%get3A_628, %get3A_629] {strides = array<i32>} : memref<16x640xf32, #tpu.memory_space<vmem>>, vector<16xf32>,
      %add3A_631 = arith.addf %add3A_624, %get3A_630 : vector<16xf32>
      %mul3A_632 = arith.constant 16 : i32
      %mul3A_633 = arith.muli %scan3A_555, %mul3A_632 : i32
      %get3A_634 = arith.constant 11 : i32
      %get3A_635 = arith.index_cast %get3A_634 : i32 to index
      %get3A_636 = arith.index_cast %mul3A_633 : i32 to index
      %get3A_637 = tpu.vector_load %arg13[%get3A_635, %get3A_636] {strides = array<i32>} : memref<16x640xf32, #tpu.memory_space<vmem>>, vector<16xf32>,
      %add3A_638 = arith.addf %add3A_631, %get3A_637 : vector<16xf32>
      %mul3A_639 = arith.constant 16 : i32
      %mul3A_640 = arith.muli %scan3A_555, %mul3A_639 : i32
      %get3A_641 = arith.constant 12 : i32
      %get3A_642 = arith.index_cast %get3A_641 : i32 to index
      %get3A_643 = arith.index_cast %mul3A_640 : i32 to index
      %get3A_644 = tpu.vector_load %arg13[%get3A_642, %get3A_643] {strides = array<i32>} : memref<16x640xf32, #tpu.memory_space<vmem>>, vector<16xf32>,
      %add3A_645 = arith.addf %add3A_638, %get3A_644 : vector<16xf32>
      %mul3A_646 = arith.constant 16 : i32
      %mul3A_647 = arith.muli %scan3A_555, %mul3A_646 : i32
      %get3A_648 = arith.constant 13 : i32
      %get3A_649 = arith.index_cast %get3A_648 : i32 to index
      %get3A_650 = arith.index_cast %mul3A_647 : i32 to index
      %get3A_651 = tpu.vector_load %arg13[%get3A_649, %get3A_650] {strides = array<i32>} : memref<16x640xf32, #tpu.memory_space<vmem>>, vector<16xf32>,
      %add3A_652 = arith.addf %add3A_645, %get3A_651 : vector<16xf32>
      %mul3A_653 = arith.constant 16 : i32
      %mul3A_654 = arith.muli %scan3A_555, %mul3A_653 : i32
      %get3A_655 = arith.constant 14 : i32
      %get3A_656 = arith.index_cast %get3A_655 : i32 to index
      %get3A_657 = arith.index_cast %mul3A_654 : i32 to index
      %get3A_658 = tpu.vector_load %arg13[%get3A_656, %get3A_657] {strides = array<i32>} : memref<16x640xf32, #tpu.memory_space<vmem>>, vector<16xf32>,
      %add3A_659 = arith.addf %add3A_652, %get3A_658 : vector<16xf32>
      %mul3A_660 = arith.constant 16 : i32
      %mul3A_661 = arith.muli %scan3A_555, %mul3A_660 : i32
      %get3A_662 = arith.constant 15 : i32
      %get3A_663 = arith.index_cast %get3A_662 : i32 to index
      %get3A_664 = arith.index_cast %mul3A_661 : i32 to index
      %get3A_665 = tpu.vector_load %arg13[%get3A_663, %get3A_664] {strides = array<i32>} : memref<16x640xf32, #tpu.memory_space<vmem>>, vector<16xf32>,
      %add3A_666 = arith.addf %add3A_659, %get3A_665 : vector<16xf32>
      %mul3A_667 = arith.constant 16 : i32
      %mul3A_668 = arith.muli %scan3A_555, %mul3A_667 : i32
      %swap3A_669 = arith.index_cast %mul3A_668 : i32 to index
      %swap3A_670 = tpu.vector_load %arg9[%swap3A_669] {strides = array<i32>} : memref<10256xf32, #tpu.memory_space<vmem>>, vector<16xf32>,
      tpu.vector_store %arg9[%swap3A_669], %add3A_666 {strides = array<i32>} : memref<10256xf32, #tpu.memory_space<vmem>>, vector<16xf32>,
    }
    %scan3A_192 = arith.constant 40 : i32
    "tpu.region"() ({
      %run_scoped3A = tpu.sem_alloc : memref<!tpu.dma_semaphore, #tpu.memory_space<semaphore_mem>>
      %dma_start3A_204 = arith.constant 0 : i32
      %dma_start3A_205 = tpu.memref_slice %arg12[%dma_start3A_204, %mul3A_186] : memref<16x10240xf32, #tpu.memory_space<vmem_shared>> -> memref<16x640xf32, #tpu.memory_space<vmem_shared>>
      %dma_start3A_206 = arith.constant 0 : i32
      %dma_start3A_207 = tpu.memref_slice %arg12[%dma_start3A_206, %mul3A_186] : memref<16x10240xf32, #tpu.memory_space<vmem_shared>> -> memref<16x640xf32, #tpu.memory_space<vmem_shared>>
      tpu.enqueue_dma source(%dma_start3A_207 : memref<16x640xf32, #tpu.memory_space<vmem_shared>>) target(%arg13 : memref<16x640xf32, #tpu.memory_space<vmem>>) target_semaphore(%run_scoped3A : memref<!tpu.dma_semaphore, #tpu.memory_space<semaphore_mem>>)
      %dma_wait3A_208 = arith.constant 0 : i32
      %dma_wait3A_209 = tpu.memref_slice %arg12[%dma_wait3A_208, %mul3A_186] : memref<16x10240xf32, #tpu.memory_space<vmem_shared>> -> memref<16x640xf32, #tpu.memory_space<vmem_shared>>
      %dma_wait3A_210 = arith.constant 0 : i32
      %dma_wait3A_211 = tpu.memref_slice %arg12[%dma_wait3A_210, %mul3A_186] : memref<16x10240xf32, #tpu.memory_space<vmem_shared>> -> memref<16x640xf32, #tpu.memory_space<vmem_shared>>
      tpu.wait_dma2 semaphore(%run_scoped3A : memref<!tpu.dma_semaphore, #tpu.memory_space<semaphore_mem>>) src(%dma_wait3A_211 : memref<16x640xf32, #tpu.memory_space<vmem_shared>>) dst(%arg13 : memref<16x640xf32, #tpu.memory_space<vmem>>)
      tpu.yield
    }) : () -> ()
    %scan3A_193 = arith.constant 0 : i32
    %scan3A_194 = arith.constant 0 : i32
    %scan3A_195 = arith.constant 40 : i32
    %scan3A_196 = arith.addi %scan3A_194, %scan3A_195 : i32
    %scan3A_197 = arith.constant 4 : i32
    scf.for %scan3A_204 = %scan3A_194 to %scan3A_196 step %scan3A_197  : i32 {
      %mul3A_205 = arith.constant 16 : i32
      %mul3A_206 = arith.muli %scan3A_204, %mul3A_205 : i32
      %get3A_207 = arith.constant 0 : i32
      %get3A_208 = arith.index_cast %get3A_207 : i32 to index
      %get3A_209 = arith.index_cast %mul3A_206 : i32 to index
      %get3A_210 = tpu.vector_load %arg13[%get3A_208, %get3A_209] {strides = array<i32>} : memref<16x640xf32, #tpu.memory_space<vmem>>, vector<16xf32>,
      %mul3A_211 = arith.constant 16 : i32
      %mul3A_212 = arith.muli %scan3A_204, %mul3A_211 : i32
      %get3A_213 = arith.constant 1 : i32
      %get3A_214 = arith.index_cast %get3A_213 : i32 to index
      %get3A_215 = arith.index_cast %mul3A_212 : i32 to index
      %get3A_216 = tpu.vector_load %arg13[%get3A_214, %get3A_215] {strides = array<i32>} : memref<16x640xf32, #tpu.memory_space<vmem>>, vector<16xf32>,
      %add3A_217 = arith.addf %get3A_210, %get3A_216 : vector<16xf32>
      %mul3A_218 = arith.constant 16 : i32
      %mul3A_219 = arith.muli %scan3A_204, %mul3A_218 : i32
      %get3A_220 = arith.constant 2 : i32
      %get3A_221 = arith.index_cast %get3A_220 : i32 to index
      %get3A_222 = arith.index_cast %mul3A_219 : i32 to index
      %get3A_223 = tpu.vector_load %arg13[%get3A_221, %get3A_222] {strides = array<i32>} : memref<16x640xf32, #tpu.memory_space<vmem>>, vector<16xf32>,
      %add3A_224 = arith.addf %add3A_217, %get3A_223 : vector<16xf32>
      %mul3A_225 = arith.constant 16 : i32
      %mul3A_226 = arith.muli %scan3A_204, %mul3A_225 : i32
      %get3A_227 = arith.constant 3 : i32
      %get3A_228 = arith.index_cast %get3A_227 : i32 to index
      %get3A_229 = arith.index_cast %mul3A_226 : i32 to index
      %get3A_230 = tpu.vector_load %arg13[%get3A_228, %get3A_229] {strides = array<i32>} : memref<16x640xf32, #tpu.memory_space<vmem>>, vector<16xf32>,
      %add3A_231 = arith.addf %add3A_224, %get3A_230 : vector<16xf32>
      %mul3A_232 = arith.constant 16 : i32
      %mul3A_233 = arith.muli %scan3A_204, %mul3A_232 : i32
      %get3A_234 = arith.constant 4 : i32
      %get3A_235 = arith.index_cast %get3A_234 : i32 to index
      %get3A_236 = arith.index_cast %mul3A_233 : i32 to index
      %get3A_237 = tpu.vector_load %arg13[%get3A_235, %get3A_236] {strides = array<i32>} : memref<16x640xf32, #tpu.memory_space<vmem>>, vector<16xf32>,
      %add3A_238 = arith.addf %add3A_231, %get3A_237 : vector<16xf32>
      %mul3A_239 = arith.constant 16 : i32
      %mul3A_240 = arith.muli %scan3A_204, %mul3A_239 : i32
      %get3A_241 = arith.constant 5 : i32
      %get3A_242 = arith.index_cast %get3A_241 : i32 to index
      %get3A_243 = arith.index_cast %mul3A_240 : i32 to index
      %get3A_244 = tpu.vector_load %arg13[%get3A_242, %get3A_243] {strides = array<i32>} : memref<16x640xf32, #tpu.memory_space<vmem>>, vector<16xf32>,
      %add3A_245 = arith.addf %add3A_238, %get3A_244 : vector<16xf32>
      %mul3A_246 = arith.constant 16 : i32
      %mul3A_247 = arith.muli %scan3A_204, %mul3A_246 : i32
      %get3A_248 = arith.constant 6 : i32
      %get3A_249 = arith.index_cast %get3A_248 : i32 to index
      %get3A_250 = arith.index_cast %mul3A_247 : i32 to index
      %get3A_251 = tpu.vector_load %arg13[%get3A_249, %get3A_250] {strides = array<i32>} : memref<16x640xf32, #tpu.memory_space<vmem>>, vector<16xf32>,
      %add3A_252 = arith.addf %add3A_245, %get3A_251 : vector<16xf32>
      %mul3A_253 = arith.constant 16 : i32
      %mul3A_254 = arith.muli %scan3A_204, %mul3A_253 : i32
      %get3A_255 = arith.constant 7 : i32
      %get3A_256 = arith.index_cast %get3A_255 : i32 to index
      %get3A_257 = arith.index_cast %mul3A_254 : i32 to index
      %get3A_258 = tpu.vector_load %arg13[%get3A_256, %get3A_257] {strides = array<i32>} : memref<16x640xf32, #tpu.memory_space<vmem>>, vector<16xf32>,
      %add3A_259 = arith.addf %add3A_252, %get3A_258 : vector<16xf32>
      %mul3A_260 = arith.constant 16 : i32
      %mul3A_261 = arith.muli %scan3A_204, %mul3A_260 : i32
      %get3A_262 = arith.constant 8 : i32
      %get3A_263 = arith.index_cast %get3A_262 : i32 to index
      %get3A_264 = arith.index_cast %mul3A_261 : i32 to index
      %get3A_265 = tpu.vector_load %arg13[%get3A_263, %get3A_264] {strides = array<i32>} : memref<16x640xf32, #tpu.memory_space<vmem>>, vector<16xf32>,
      %add3A_266 = arith.addf %add3A_259, %get3A_265 : vector<16xf32>
      %mul3A_267 = arith.constant 16 : i32
      %mul3A_268 = arith.muli %scan3A_204, %mul3A_267 : i32
      %get3A_269 = arith.constant 9 : i32
      %get3A_270 = arith.index_cast %get3A_269 : i32 to index
      %get3A_271 = arith.index_cast %mul3A_268 : i32 to index
      %get3A_272 = tpu.vector_load %arg13[%get3A_270, %get3A_271] {strides = array<i32>} : memref<16x640xf32, #tpu.memory_space<vmem>>, vector<16xf32>,
      %add3A_273 = arith.addf %add3A_266, %get3A_272 : vector<16xf32>
      %mul3A_274 = arith.constant 16 : i32
      %mul3A_275 = arith.muli %scan3A_204, %mul3A_274 : i32
      %get3A_276 = arith.constant 10 : i32
      %get3A_277 = arith.index_cast %get3A_276 : i32 to index
      %get3A_278 = arith.index_cast %mul3A_275 : i32 to index
      %get3A_279 = tpu.vector_load %arg13[%get3A_277, %get3A_278] {strides = array<i32>} : memref<16x640xf32, #tpu.memory_space<vmem>>, vector<16xf32>,
      %add3A_280 = arith.addf %add3A_273, %get3A_279 : vector<16xf32>
      %mul3A_281 = arith.constant 16 : i32
      %mul3A_282 = arith.muli %scan3A_204, %mul3A_281 : i32
      %get3A_283 = arith.constant 11 : i32
      %get3A_284 = arith.index_cast %get3A_283 : i32 to index
      %get3A_285 = arith.index_cast %mul3A_282 : i32 to index
      %get3A_286 = tpu.vector_load %arg13[%get3A_284, %get3A_285] {strides = array<i32>} : memref<16x640xf32, #tpu.memory_space<vmem>>, vector<16xf32>,
      %add3A_287 = arith.addf %add3A_280, %get3A_286 : vector<16xf32>
      %mul3A_288 = arith.constant 16 : i32
      %mul3A_289 = arith.muli %scan3A_204, %mul3A_288 : i32
      %get3A_290 = arith.constant 12 : i32
      %get3A_291 = arith.index_cast %get3A_290 : i32 to index
      %get3A_292 = arith.index_cast %mul3A_289 : i32 to index
      %get3A_293 = tpu.vector_load %arg13[%get3A_291, %get3A_292] {strides = array<i32>} : memref<16x640xf32, #tpu.memory_space<vmem>>, vector<16xf32>,
      %add3A_294 = arith.addf %add3A_287, %get3A_293 : vector<16xf32>
      %mul3A_295 = arith.constant 16 : i32
      %mul3A_296 = arith.muli %scan3A_204, %mul3A_295 : i32
      %get3A_297 = arith.constant 13 : i32
      %get3A_298 = arith.index_cast %get3A_297 : i32 to index
      %get3A_299 = arith.index_cast %mul3A_296 : i32 to index
      %get3A_300 = tpu.vector_load %arg13[%get3A_298, %get3A_299] {strides = array<i32>} : memref<16x640xf32, #tpu.memory_space<vmem>>, vector<16xf32>,
      %add3A_301 = arith.addf %add3A_294, %get3A_300 : vector<16xf32>
      %mul3A_302 = arith.constant 16 : i32
      %mul3A_303 = arith.muli %scan3A_204, %mul3A_302 : i32
      %get3A_304 = arith.constant 14 : i32
      %get3A_305 = arith.index_cast %get3A_304 : i32 to index
      %get3A_306 = arith.index_cast %mul3A_303 : i32 to index
      %get3A_307 = tpu.vector_load %arg13[%get3A_305, %get3A_306] {strides = array<i32>} : memref<16x640xf32, #tpu.memory_space<vmem>>, vector<16xf32>,
      %add3A_308 = arith.addf %add3A_301, %get3A_307 : vector<16xf32>
      %mul3A_309 = arith.constant 16 : i32
      %mul3A_310 = arith.muli %scan3A_204, %mul3A_309 : i32
      %get3A_311 = arith.constant 15 : i32
      %get3A_312 = arith.index_cast %get3A_311 : i32 to index
      %get3A_313 = arith.index_cast %mul3A_310 : i32 to index
      %get3A_314 = tpu.vector_load %arg13[%get3A_312, %get3A_313] {strides = array<i32>} : memref<16x640xf32, #tpu.memory_space<vmem>>, vector<16xf32>,
      %add3A_315 = arith.addf %add3A_308, %get3A_314 : vector<16xf32>
      %mul3A_316 = arith.constant 16 : i32
      %mul3A_317 = arith.muli %scan3A_204, %mul3A_316 : i32
      %swap3A_318 = arith.index_cast %mul3A_317 : i32 to index
      %swap3A_319 = tpu.vector_load %arg10[%swap3A_318] {strides = array<i32>} : memref<10256xf32, #tpu.memory_space<vmem>>, vector<16xf32>,
      tpu.vector_store %arg10[%swap3A_318], %add3A_315 {strides = array<i32>} : memref<10256xf32, #tpu.memory_space<vmem>>, vector<16xf32>,
      %scan3A_320 = arith.constant 1 : i32
      %scan3A_321 = arith.addi %scan3A_204, %scan3A_320 : i32
      %mul3A_322 = arith.constant 16 : i32
      %mul3A_323 = arith.muli %scan3A_321, %mul3A_322 : i32
      %get3A_324 = arith.constant 0 : i32
      %get3A_325 = arith.index_cast %get3A_324 : i32 to index
      %get3A_326 = arith.index_cast %mul3A_323 : i32 to index
      %get3A_327 = tpu.vector_load %arg13[%get3A_325, %get3A_326] {strides = array<i32>} : memref<16x640xf32, #tpu.memory_space<vmem>>, vector<16xf32>,
      %mul3A_328 = arith.constant 16 : i32
      %mul3A_329 = arith.muli %scan3A_321, %mul3A_328 : i32
      %get3A_330 = arith.constant 1 : i32
      %get3A_331 = arith.index_cast %get3A_330 : i32 to index
      %get3A_332 = arith.index_cast %mul3A_329 : i32 to index
      %get3A_333 = tpu.vector_load %arg13[%get3A_331, %get3A_332] {strides = array<i32>} : memref<16x640xf32, #tpu.memory_space<vmem>>, vector<16xf32>,
      %add3A_334 = arith.addf %get3A_327, %get3A_333 : vector<16xf32>
      %mul3A_335 = arith.constant 16 : i32
      %mul3A_336 = arith.muli %scan3A_321, %mul3A_335 : i32
      %get3A_337 = arith.constant 2 : i32
      %get3A_338 = arith.index_cast %get3A_337 : i32 to index
      %get3A_339 = arith.index_cast %mul3A_336 : i32 to index
      %get3A_340 = tpu.vector_load %arg13[%get3A_338, %get3A_339] {strides = array<i32>} : memref<16x640xf32, #tpu.memory_space<vmem>>, vector<16xf32>,
      %add3A_341 = arith.addf %add3A_334, %get3A_340 : vector<16xf32>
      %mul3A_342 = arith.constant 16 : i32
      %mul3A_343 = arith.muli %scan3A_321, %mul3A_342 : i32
      %get3A_344 = arith.constant 3 : i32
      %get3A_345 = arith.index_cast %get3A_344 : i32 to index
      %get3A_346 = arith.index_cast %mul3A_343 : i32 to index
      %get3A_347 = tpu.vector_load %arg13[%get3A_345, %get3A_346] {strides = array<i32>} : memref<16x640xf32, #tpu.memory_space<vmem>>, vector<16xf32>,
      %add3A_348 = arith.addf %add3A_341, %get3A_347 : vector<16xf32>
      %mul3A_349 = arith.constant 16 : i32
      %mul3A_350 = arith.muli %scan3A_321, %mul3A_349 : i32
      %get3A_351 = arith.constant 4 : i32
      %get3A_352 = arith.index_cast %get3A_351 : i32 to index
      %get3A_353 = arith.index_cast %mul3A_350 : i32 to index
      %get3A_354 = tpu.vector_load %arg13[%get3A_352, %get3A_353] {strides = array<i32>} : memref<16x640xf32, #tpu.memory_space<vmem>>, vector<16xf32>,
      %add3A_355 = arith.addf %add3A_348, %get3A_354 : vector<16xf32>
      %mul3A_356 = arith.constant 16 : i32
      %mul3A_357 = arith.muli %scan3A_321, %mul3A_356 : i32
      %get3A_358 = arith.constant 5 : i32
      %get3A_359 = arith.index_cast %get3A_358 : i32 to index
      %get3A_360 = arith.index_cast %mul3A_357 : i32 to index
      %get3A_361 = tpu.vector_load %arg13[%get3A_359, %get3A_360] {strides = array<i32>} : memref<16x640xf32, #tpu.memory_space<vmem>>, vector<16xf32>,
      %add3A_362 = arith.addf %add3A_355, %get3A_361 : vector<16xf32>
      %mul3A_363 = arith.constant 16 : i32
      %mul3A_364 = arith.muli %scan3A_321, %mul3A_363 : i32
      %get3A_365 = arith.constant 6 : i32
      %get3A_366 = arith.index_cast %get3A_365 : i32 to index
      %get3A_367 = arith.index_cast %mul3A_364 : i32 to index
      %get3A_368 = tpu.vector_load %arg13[%get3A_366, %get3A_367] {strides = array<i32>} : memref<16x640xf32, #tpu.memory_space<vmem>>, vector<16xf32>,
      %add3A_369 = arith.addf %add3A_362, %get3A_368 : vector<16xf32>
      %mul3A_370 = arith.constant 16 : i32
      %mul3A_371 = arith.muli %scan3A_321, %mul3A_370 : i32
      %get3A_372 = arith.constant 7 : i32
      %get3A_373 = arith.index_cast %get3A_372 : i32 to index
      %get3A_374 = arith.index_cast %mul3A_371 : i32 to index
      %get3A_375 = tpu.vector_load %arg13[%get3A_373, %get3A_374] {strides = array<i32>} : memref<16x640xf32, #tpu.memory_space<vmem>>, vector<16xf32>,
      %add3A_376 = arith.addf %add3A_369, %get3A_375 : vector<16xf32>
      %mul3A_377 = arith.constant 16 : i32
      %mul3A_378 = arith.muli %scan3A_321, %mul3A_377 : i32
      %get3A_379 = arith.constant 8 : i32
      %get3A_380 = arith.index_cast %get3A_379 : i32 to index
      %get3A_381 = arith.index_cast %mul3A_378 : i32 to index
      %get3A_382 = tpu.vector_load %arg13[%get3A_380, %get3A_381] {strides = array<i32>} : memref<16x640xf32, #tpu.memory_space<vmem>>, vector<16xf32>,
      %add3A_383 = arith.addf %add3A_376, %get3A_382 : vector<16xf32>
      %mul3A_384 = arith.constant 16 : i32
      %mul3A_385 = arith.muli %scan3A_321, %mul3A_384 : i32
      %get3A_386 = arith.constant 9 : i32
      %get3A_387 = arith.index_cast %get3A_386 : i32 to index
      %get3A_388 = arith.index_cast %mul3A_385 : i32 to index
      %get3A_389 = tpu.vector_load %arg13[%get3A_387, %get3A_388] {strides = array<i32>} : memref<16x640xf32, #tpu.memory_space<vmem>>, vector<16xf32>,
      %add3A_390 = arith.addf %add3A_383, %get3A_389 : vector<16xf32>
      %mul3A_391 = arith.constant 16 : i32
      %mul3A_392 = arith.muli %scan3A_321, %mul3A_391 : i32
      %get3A_393 = arith.constant 10 : i32
      %get3A_394 = arith.index_cast %get3A_393 : i32 to index
      %get3A_395 = arith.index_cast %mul3A_392 : i32 to index
      %get3A_396 = tpu.vector_load %arg13[%get3A_394, %get3A_395] {strides = array<i32>} : memref<16x640xf32, #tpu.memory_space<vmem>>, vector<16xf32>,
      %add3A_397 = arith.addf %add3A_390, %get3A_396 : vector<16xf32>
      %mul3A_398 = arith.constant 16 : i32
      %mul3A_399 = arith.muli %scan3A_321, %mul3A_398 : i32
      %get3A_400 = arith.constant 11 : i32
      %get3A_401 = arith.index_cast %get3A_400 : i32 to index
      %get3A_402 = arith.index_cast %mul3A_399 : i32 to index
      %get3A_403 = tpu.vector_load %arg13[%get3A_401, %get3A_402] {strides = array<i32>} : memref<16x640xf32, #tpu.memory_space<vmem>>, vector<16xf32>,
      %add3A_404 = arith.addf %add3A_397, %get3A_403 : vector<16xf32>
      %mul3A_405 = arith.constant 16 : i32
      %mul3A_406 = arith.muli %scan3A_321, %mul3A_405 : i32
      %get3A_407 = arith.constant 12 : i32
      %get3A_408 = arith.index_cast %get3A_407 : i32 to index
      %get3A_409 = arith.index_cast %mul3A_406 : i32 to index
      %get3A_410 = tpu.vector_load %arg13[%get3A_408, %get3A_409] {strides = array<i32>} : memref<16x640xf32, #tpu.memory_space<vmem>>, vector<16xf32>,
      %add3A_411 = arith.addf %add3A_404, %get3A_410 : vector<16xf32>
      %mul3A_412 = arith.constant 16 : i32
      %mul3A_413 = arith.muli %scan3A_321, %mul3A_412 : i32
      %get3A_414 = arith.constant 13 : i32
      %get3A_415 = arith.index_cast %get3A_414 : i32 to index
      %get3A_416 = arith.index_cast %mul3A_413 : i32 to index
      %get3A_417 = tpu.vector_load %arg13[%get3A_415, %get3A_416] {strides = array<i32>} : memref<16x640xf32, #tpu.memory_space<vmem>>, vector<16xf32>,
      %add3A_418 = arith.addf %add3A_411, %get3A_417 : vector<16xf32>
      %mul3A_419 = arith.constant 16 : i32
      %mul3A_420 = arith.muli %scan3A_321, %mul3A_419 : i32
      %get3A_421 = arith.constant 14 : i32
      %get3A_422 = arith.index_cast %get3A_421 : i32 to index
      %get3A_423 = arith.index_cast %mul3A_420 : i32 to index
      %get3A_424 = tpu.vector_load %arg13[%get3A_422, %get3A_423] {strides = array<i32>} : memref<16x640xf32, #tpu.memory_space<vmem>>, vector<16xf32>,
      %add3A_425 = arith.addf %add3A_418, %get3A_424 : vector<16xf32>
      %mul3A_426 = arith.constant 16 : i32
      %mul3A_427 = arith.muli %scan3A_321, %mul3A_426 : i32
      %get3A_428 = arith.constant 15 : i32
      %get3A_429 = arith.index_cast %get3A_428 : i32 to index
      %get3A_430 = arith.index_cast %mul3A_427 : i32 to index
      %get3A_431 = tpu.vector_load %arg13[%get3A_429, %get3A_430] {strides = array<i32>} : memref<16x640xf32, #tpu.memory_space<vmem>>, vector<16xf32>,
      %add3A_432 = arith.addf %add3A_425, %get3A_431 : vector<16xf32>
      %mul3A_433 = arith.constant 16 : i32
      %mul3A_434 = arith.muli %scan3A_321, %mul3A_433 : i32
      %swap3A_435 = arith.index_cast %mul3A_434 : i32 to index
      %swap3A_436 = tpu.vector_load %arg10[%swap3A_435] {strides = array<i32>} : memref<10256xf32, #tpu.memory_space<vmem>>, vector<16xf32>,
      tpu.vector_store %arg10[%swap3A_435], %add3A_432 {strides = array<i32>} : memref<10256xf32, #tpu.memory_space<vmem>>, vector<16xf32>,
      %scan3A_437 = arith.constant 2 : i32
      %scan3A_438 = arith.addi %scan3A_204, %scan3A_437 : i32
      %mul3A_439 = arith.constant 16 : i32
      %mul3A_440 = arith.muli %scan3A_438, %mul3A_439 : i32
      %get3A_441 = arith.constant 0 : i32
      %get3A_442 = arith.index_cast %get3A_441 : i32 to index
      %get3A_443 = arith.index_cast %mul3A_440 : i32 to index
      %get3A_444 = tpu.vector_load %arg13[%get3A_442, %get3A_443] {strides = array<i32>} : memref<16x640xf32, #tpu.memory_space<vmem>>, vector<16xf32>,
      %mul3A_445 = arith.constant 16 : i32
      %mul3A_446 = arith.muli %scan3A_438, %mul3A_445 : i32
      %get3A_447 = arith.constant 1 : i32
      %get3A_448 = arith.index_cast %get3A_447 : i32 to index
      %get3A_449 = arith.index_cast %mul3A_446 : i32 to index
      %get3A_450 = tpu.vector_load %arg13[%get3A_448, %get3A_449] {strides = array<i32>} : memref<16x640xf32, #tpu.memory_space<vmem>>, vector<16xf32>,
      %add3A_451 = arith.addf %get3A_444, %get3A_450 : vector<16xf32>
      %mul3A_452 = arith.constant 16 : i32
      %mul3A_453 = arith.muli %scan3A_438, %mul3A_452 : i32
      %get3A_454 = arith.constant 2 : i32
      %get3A_455 = arith.index_cast %get3A_454 : i32 to index
      %get3A_456 = arith.index_cast %mul3A_453 : i32 to index
      %get3A_457 = tpu.vector_load %arg13[%get3A_455, %get3A_456] {strides = array<i32>} : memref<16x640xf32, #tpu.memory_space<vmem>>, vector<16xf32>,
      %add3A_458 = arith.addf %add3A_451, %get3A_457 : vector<16xf32>
      %mul3A_459 = arith.constant 16 : i32
      %mul3A_460 = arith.muli %scan3A_438, %mul3A_459 : i32
      %get3A_461 = arith.constant 3 : i32
      %get3A_462 = arith.index_cast %get3A_461 : i32 to index
      %get3A_463 = arith.index_cast %mul3A_460 : i32 to index
      %get3A_464 = tpu.vector_load %arg13[%get3A_462, %get3A_463] {strides = array<i32>} : memref<16x640xf32, #tpu.memory_space<vmem>>, vector<16xf32>,
      %add3A_465 = arith.addf %add3A_458, %get3A_464 : vector<16xf32>
      %mul3A_466 = arith.constant 16 : i32
      %mul3A_467 = arith.muli %scan3A_438, %mul3A_466 : i32
      %get3A_468 = arith.constant 4 : i32
      %get3A_469 = arith.index_cast %get3A_468 : i32 to index
      %get3A_470 = arith.index_cast %mul3A_467 : i32 to index
      %get3A_471 = tpu.vector_load %arg13[%get3A_469, %get3A_470] {strides = array<i32>} : memref<16x640xf32, #tpu.memory_space<vmem>>, vector<16xf32>,
      %add3A_472 = arith.addf %add3A_465, %get3A_471 : vector<16xf32>
      %mul3A_473 = arith.constant 16 : i32
      %mul3A_474 = arith.muli %scan3A_438, %mul3A_473 : i32
      %get3A_475 = arith.constant 5 : i32
      %get3A_476 = arith.index_cast %get3A_475 : i32 to index
      %get3A_477 = arith.index_cast %mul3A_474 : i32 to index
      %get3A_478 = tpu.vector_load %arg13[%get3A_476, %get3A_477] {strides = array<i32>} : memref<16x640xf32, #tpu.memory_space<vmem>>, vector<16xf32>,
      %add3A_479 = arith.addf %add3A_472, %get3A_478 : vector<16xf32>
      %mul3A_480 = arith.constant 16 : i32
      %mul3A_481 = arith.muli %scan3A_438, %mul3A_480 : i32
      %get3A_482 = arith.constant 6 : i32
      %get3A_483 = arith.index_cast %get3A_482 : i32 to index
      %get3A_484 = arith.index_cast %mul3A_481 : i32 to index
      %get3A_485 = tpu.vector_load %arg13[%get3A_483, %get3A_484] {strides = array<i32>} : memref<16x640xf32, #tpu.memory_space<vmem>>, vector<16xf32>,
      %add3A_486 = arith.addf %add3A_479, %get3A_485 : vector<16xf32>
      %mul3A_487 = arith.constant 16 : i32
      %mul3A_488 = arith.muli %scan3A_438, %mul3A_487 : i32
      %get3A_489 = arith.constant 7 : i32
      %get3A_490 = arith.index_cast %get3A_489 : i32 to index
      %get3A_491 = arith.index_cast %mul3A_488 : i32 to index
      %get3A_492 = tpu.vector_load %arg13[%get3A_490, %get3A_491] {strides = array<i32>} : memref<16x640xf32, #tpu.memory_space<vmem>>, vector<16xf32>,
      %add3A_493 = arith.addf %add3A_486, %get3A_492 : vector<16xf32>
      %mul3A_494 = arith.constant 16 : i32
      %mul3A_495 = arith.muli %scan3A_438, %mul3A_494 : i32
      %get3A_496 = arith.constant 8 : i32
      %get3A_497 = arith.index_cast %get3A_496 : i32 to index
      %get3A_498 = arith.index_cast %mul3A_495 : i32 to index
      %get3A_499 = tpu.vector_load %arg13[%get3A_497, %get3A_498] {strides = array<i32>} : memref<16x640xf32, #tpu.memory_space<vmem>>, vector<16xf32>,
      %add3A_500 = arith.addf %add3A_493, %get3A_499 : vector<16xf32>
      %mul3A_501 = arith.constant 16 : i32
      %mul3A_502 = arith.muli %scan3A_438, %mul3A_501 : i32
      %get3A_503 = arith.constant 9 : i32
      %get3A_504 = arith.index_cast %get3A_503 : i32 to index
      %get3A_505 = arith.index_cast %mul3A_502 : i32 to index
      %get3A_506 = tpu.vector_load %arg13[%get3A_504, %get3A_505] {strides = array<i32>} : memref<16x640xf32, #tpu.memory_space<vmem>>, vector<16xf32>,
      %add3A_507 = arith.addf %add3A_500, %get3A_506 : vector<16xf32>
      %mul3A_508 = arith.constant 16 : i32
      %mul3A_509 = arith.muli %scan3A_438, %mul3A_508 : i32
      %get3A_510 = arith.constant 10 : i32
      %get3A_511 = arith.index_cast %get3A_510 : i32 to index
      %get3A_512 = arith.index_cast %mul3A_509 : i32 to index
      %get3A_513 = tpu.vector_load %arg13[%get3A_511, %get3A_512] {strides = array<i32>} : memref<16x640xf32, #tpu.memory_space<vmem>>, vector<16xf32>,
      %add3A_514 = arith.addf %add3A_507, %get3A_513 : vector<16xf32>
      %mul3A_515 = arith.constant 16 : i32
      %mul3A_516 = arith.muli %scan3A_438, %mul3A_515 : i32
      %get3A_517 = arith.constant 11 : i32
      %get3A_518 = arith.index_cast %get3A_517 : i32 to index
      %get3A_519 = arith.index_cast %mul3A_516 : i32 to index
      %get3A_520 = tpu.vector_load %arg13[%get3A_518, %get3A_519] {strides = array<i32>} : memref<16x640xf32, #tpu.memory_space<vmem>>, vector<16xf32>,
      %add3A_521 = arith.addf %add3A_514, %get3A_520 : vector<16xf32>
      %mul3A_522 = arith.constant 16 : i32
      %mul3A_523 = arith.muli %scan3A_438, %mul3A_522 : i32
      %get3A_524 = arith.constant 12 : i32
      %get3A_525 = arith.index_cast %get3A_524 : i32 to index
      %get3A_526 = arith.index_cast %mul3A_523 : i32 to index
      %get3A_527 = tpu.vector_load %arg13[%get3A_525, %get3A_526] {strides = array<i32>} : memref<16x640xf32, #tpu.memory_space<vmem>>, vector<16xf32>,
      %add3A_528 = arith.addf %add3A_521, %get3A_527 : vector<16xf32>
      %mul3A_529 = arith.constant 16 : i32
      %mul3A_530 = arith.muli %scan3A_438, %mul3A_529 : i32
      %get3A_531 = arith.constant 13 : i32
      %get3A_532 = arith.index_cast %get3A_531 : i32 to index
      %get3A_533 = arith.index_cast %mul3A_530 : i32 to index
      %get3A_534 = tpu.vector_load %arg13[%get3A_532, %get3A_533] {strides = array<i32>} : memref<16x640xf32, #tpu.memory_space<vmem>>, vector<16xf32>,
      %add3A_535 = arith.addf %add3A_528, %get3A_534 : vector<16xf32>
      %mul3A_536 = arith.constant 16 : i32
      %mul3A_537 = arith.muli %scan3A_438, %mul3A_536 : i32
      %get3A_538 = arith.constant 14 : i32
      %get3A_539 = arith.index_cast %get3A_538 : i32 to index
      %get3A_540 = arith.index_cast %mul3A_537 : i32 to index
      %get3A_541 = tpu.vector_load %arg13[%get3A_539, %get3A_540] {strides = array<i32>} : memref<16x640xf32, #tpu.memory_space<vmem>>, vector<16xf32>,
      %add3A_542 = arith.addf %add3A_535, %get3A_541 : vector<16xf32>
      %mul3A_543 = arith.constant 16 : i32
      %mul3A_544 = arith.muli %scan3A_438, %mul3A_543 : i32
      %get3A_545 = arith.constant 15 : i32
      %get3A_546 = arith.index_cast %get3A_545 : i32 to index
      %get3A_547 = arith.index_cast %mul3A_544 : i32 to index
      %get3A_548 = tpu.vector_load %arg13[%get3A_546, %get3A_547] {strides = array<i32>} : memref<16x640xf32, #tpu.memory_space<vmem>>, vector<16xf32>,
      %add3A_549 = arith.addf %add3A_542, %get3A_548 : vector<16xf32>
      %mul3A_550 = arith.constant 16 : i32
      %mul3A_551 = arith.muli %scan3A_438, %mul3A_550 : i32
      %swap3A_552 = arith.index_cast %mul3A_551 : i32 to index
      %swap3A_553 = tpu.vector_load %arg10[%swap3A_552] {strides = array<i32>} : memref<10256xf32, #tpu.memory_space<vmem>>, vector<16xf32>,
      tpu.vector_store %arg10[%swap3A_552], %add3A_549 {strides = array<i32>} : memref<10256xf32, #tpu.memory_space<vmem>>, vector<16xf32>,
      %scan3A_554 = arith.constant 3 : i32
      %scan3A_555 = arith.addi %scan3A_204, %scan3A_554 : i32
      %mul3A_556 = arith.constant 16 : i32
      %mul3A_557 = arith.muli %scan3A_555, %mul3A_556 : i32
      %get3A_558 = arith.constant 0 : i32
      %get3A_559 = arith.index_cast %get3A_558 : i32 to index
      %get3A_560 = arith.index_cast %mul3A_557 : i32 to index
      %get3A_561 = tpu.vector_load %arg13[%get3A_559, %get3A_560] {strides = array<i32>} : memref<16x640xf32, #tpu.memory_space<vmem>>, vector<16xf32>,
      %mul3A_562 = arith.constant 16 : i32
      %mul3A_563 = arith.muli %scan3A_555, %mul3A_562 : i32
      %get3A_564 = arith.constant 1 : i32
      %get3A_565 = arith.index_cast %get3A_564 : i32 to index
      %get3A_566 = arith.index_cast %mul3A_563 : i32 to index
      %get3A_567 = tpu.vector_load %arg13[%get3A_565, %get3A_566] {strides = array<i32>} : memref<16x640xf32, #tpu.memory_space<vmem>>, vector<16xf32>,
      %add3A_568 = arith.addf %get3A_561, %get3A_567 : vector<16xf32>
      %mul3A_569 = arith.constant 16 : i32
      %mul3A_570 = arith.muli %scan3A_555, %mul3A_569 : i32
      %get3A_571 = arith.constant 2 : i32
      %get3A_572 = arith.index_cast %get3A_571 : i32 to index
      %get3A_573 = arith.index_cast %mul3A_570 : i32 to index
      %get3A_574 = tpu.vector_load %arg13[%get3A_572, %get3A_573] {strides = array<i32>} : memref<16x640xf32, #tpu.memory_space<vmem>>, vector<16xf32>,
      %add3A_575 = arith.addf %add3A_568, %get3A_574 : vector<16xf32>
      %mul3A_576 = arith.constant 16 : i32
      %mul3A_577 = arith.muli %scan3A_555, %mul3A_576 : i32
      %get3A_578 = arith.constant 3 : i32
      %get3A_579 = arith.index_cast %get3A_578 : i32 to index
      %get3A_580 = arith.index_cast %mul3A_577 : i32 to index
      %get3A_581 = tpu.vector_load %arg13[%get3A_579, %get3A_580] {strides = array<i32>} : memref<16x640xf32, #tpu.memory_space<vmem>>, vector<16xf32>,
      %add3A_582 = arith.addf %add3A_575, %get3A_581 : vector<16xf32>
      %mul3A_583 = arith.constant 16 : i32
      %mul3A_584 = arith.muli %scan3A_555, %mul3A_583 : i32
      %get3A_585 = arith.constant 4 : i32
      %get3A_586 = arith.index_cast %get3A_585 : i32 to index
      %get3A_587 = arith.index_cast %mul3A_584 : i32 to index
      %get3A_588 = tpu.vector_load %arg13[%get3A_586, %get3A_587] {strides = array<i32>} : memref<16x640xf32, #tpu.memory_space<vmem>>, vector<16xf32>,
      %add3A_589 = arith.addf %add3A_582, %get3A_588 : vector<16xf32>
      %mul3A_590 = arith.constant 16 : i32
      %mul3A_591 = arith.muli %scan3A_555, %mul3A_590 : i32
      %get3A_592 = arith.constant 5 : i32
      %get3A_593 = arith.index_cast %get3A_592 : i32 to index
      %get3A_594 = arith.index_cast %mul3A_591 : i32 to index
      %get3A_595 = tpu.vector_load %arg13[%get3A_593, %get3A_594] {strides = array<i32>} : memref<16x640xf32, #tpu.memory_space<vmem>>, vector<16xf32>,
      %add3A_596 = arith.addf %add3A_589, %get3A_595 : vector<16xf32>
      %mul3A_597 = arith.constant 16 : i32
      %mul3A_598 = arith.muli %scan3A_555, %mul3A_597 : i32
      %get3A_599 = arith.constant 6 : i32
      %get3A_600 = arith.index_cast %get3A_599 : i32 to index
      %get3A_601 = arith.index_cast %mul3A_598 : i32 to index
      %get3A_602 = tpu.vector_load %arg13[%get3A_600, %get3A_601] {strides = array<i32>} : memref<16x640xf32, #tpu.memory_space<vmem>>, vector<16xf32>,
      %add3A_603 = arith.addf %add3A_596, %get3A_602 : vector<16xf32>
      %mul3A_604 = arith.constant 16 : i32
      %mul3A_605 = arith.muli %scan3A_555, %mul3A_604 : i32
      %get3A_606 = arith.constant 7 : i32
      %get3A_607 = arith.index_cast %get3A_606 : i32 to index
      %get3A_608 = arith.index_cast %mul3A_605 : i32 to index
      %get3A_609 = tpu.vector_load %arg13[%get3A_607, %get3A_608] {strides = array<i32>} : memref<16x640xf32, #tpu.memory_space<vmem>>, vector<16xf32>,
      %add3A_610 = arith.addf %add3A_603, %get3A_609 : vector<16xf32>
      %mul3A_611 = arith.constant 16 : i32
      %mul3A_612 = arith.muli %scan3A_555, %mul3A_611 : i32
      %get3A_613 = arith.constant 8 : i32
      %get3A_614 = arith.index_cast %get3A_613 : i32 to index
      %get3A_615 = arith.index_cast %mul3A_612 : i32 to index
      %get3A_616 = tpu.vector_load %arg13[%get3A_614, %get3A_615] {strides = array<i32>} : memref<16x640xf32, #tpu.memory_space<vmem>>, vector<16xf32>,
      %add3A_617 = arith.addf %add3A_610, %get3A_616 : vector<16xf32>
      %mul3A_618 = arith.constant 16 : i32
      %mul3A_619 = arith.muli %scan3A_555, %mul3A_618 : i32
      %get3A_620 = arith.constant 9 : i32
      %get3A_621 = arith.index_cast %get3A_620 : i32 to index
      %get3A_622 = arith.index_cast %mul3A_619 : i32 to index
      %get3A_623 = tpu.vector_load %arg13[%get3A_621, %get3A_622] {strides = array<i32>} : memref<16x640xf32, #tpu.memory_space<vmem>>, vector<16xf32>,
      %add3A_624 = arith.addf %add3A_617, %get3A_623 : vector<16xf32>
      %mul3A_625 = arith.constant 16 : i32
      %mul3A_626 = arith.muli %scan3A_555, %mul3A_625 : i32
      %get3A_627 = arith.constant 10 : i32
      %get3A_628 = arith.index_cast %get3A_627 : i32 to index
      %get3A_629 = arith.index_cast %mul3A_626 : i32 to index
      %get3A_630 = tpu.vector_load %arg13[%get3A_628, %get3A_629] {strides = array<i32>} : memref<16x640xf32, #tpu.memory_space<vmem>>, vector<16xf32>,
      %add3A_631 = arith.addf %add3A_624, %get3A_630 : vector<16xf32>
      %mul3A_632 = arith.constant 16 : i32
      %mul3A_633 = arith.muli %scan3A_555, %mul3A_632 : i32
      %get3A_634 = arith.constant 11 : i32
      %get3A_635 = arith.index_cast %get3A_634 : i32 to index
      %get3A_636 = arith.index_cast %mul3A_633 : i32 to index
      %get3A_637 = tpu.vector_load %arg13[%get3A_635, %get3A_636] {strides = array<i32>} : memref<16x640xf32, #tpu.memory_space<vmem>>, vector<16xf32>,
      %add3A_638 = arith.addf %add3A_631, %get3A_637 : vector<16xf32>
      %mul3A_639 = arith.constant 16 : i32
      %mul3A_640 = arith.muli %scan3A_555, %mul3A_639 : i32
      %get3A_641 = arith.constant 12 : i32
      %get3A_642 = arith.index_cast %get3A_641 : i32 to index
      %get3A_643 = arith.index_cast %mul3A_640 : i32 to index
      %get3A_644 = tpu.vector_load %arg13[%get3A_642, %get3A_643] {strides = array<i32>} : memref<16x640xf32, #tpu.memory_space<vmem>>, vector<16xf32>,
      %add3A_645 = arith.addf %add3A_638, %get3A_644 : vector<16xf32>
      %mul3A_646 = arith.constant 16 : i32
      %mul3A_647 = arith.muli %scan3A_555, %mul3A_646 : i32
      %get3A_648 = arith.constant 13 : i32
      %get3A_649 = arith.index_cast %get3A_648 : i32 to index
      %get3A_650 = arith.index_cast %mul3A_647 : i32 to index
      %get3A_651 = tpu.vector_load %arg13[%get3A_649, %get3A_650] {strides = array<i32>} : memref<16x640xf32, #tpu.memory_space<vmem>>, vector<16xf32>,
      %add3A_652 = arith.addf %add3A_645, %get3A_651 : vector<16xf32>
      %mul3A_653 = arith.constant 16 : i32
      %mul3A_654 = arith.muli %scan3A_555, %mul3A_653 : i32
      %get3A_655 = arith.constant 14 : i32
      %get3A_656 = arith.index_cast %get3A_655 : i32 to index
      %get3A_657 = arith.index_cast %mul3A_654 : i32 to index
      %get3A_658 = tpu.vector_load %arg13[%get3A_656, %get3A_657] {strides = array<i32>} : memref<16x640xf32, #tpu.memory_space<vmem>>, vector<16xf32>,
      %add3A_659 = arith.addf %add3A_652, %get3A_658 : vector<16xf32>
      %mul3A_660 = arith.constant 16 : i32
      %mul3A_661 = arith.muli %scan3A_555, %mul3A_660 : i32
      %get3A_662 = arith.constant 15 : i32
      %get3A_663 = arith.index_cast %get3A_662 : i32 to index
      %get3A_664 = arith.index_cast %mul3A_661 : i32 to index
      %get3A_665 = tpu.vector_load %arg13[%get3A_663, %get3A_664] {strides = array<i32>} : memref<16x640xf32, #tpu.memory_space<vmem>>, vector<16xf32>,
      %add3A_666 = arith.addf %add3A_659, %get3A_665 : vector<16xf32>
      %mul3A_667 = arith.constant 16 : i32
      %mul3A_668 = arith.muli %scan3A_555, %mul3A_667 : i32
      %swap3A_669 = arith.index_cast %mul3A_668 : i32 to index
      %swap3A_670 = tpu.vector_load %arg10[%swap3A_669] {strides = array<i32>} : memref<10256xf32, #tpu.memory_space<vmem>>, vector<16xf32>,
      tpu.vector_store %arg10[%swap3A_669], %add3A_666 {strides = array<i32>} : memref<10256xf32, #tpu.memory_space<vmem>>, vector<16xf32>,
    }
    %scan3A_198 = arith.constant 40 : i32
    %mul3A_199 = arith.constant 10240 : i32
    %mul3A_200 = arith.muli %arg0, %mul3A_199 : i32
    %add3A_201 = arith.addi %mul3A_200, %mul3A_186 : i32
    "tpu.region"() ({
      %run_scoped3A = tpu.sem_alloc : memref<!tpu.dma_semaphore, #tpu.memory_space<semaphore_mem>>
      %dma_start3A_204 = arith.constant 0 : i32
      %dma_start3A_205 = tpu.memref_slice %arg9[%dma_start3A_204] : memref<10256xf32, #tpu.memory_space<vmem>> -> memref<640xf32, #tpu.memory_space<vmem>>
      %dma_start3A_206 = tpu.memref_slice %arg4[%add3A_201] : memref<40960xf32, #tpu.memory_space<hbm>> -> memref<640xf32, #tpu.memory_space<hbm>>
      %dma_start3A_207 = tpu.memref_slice %arg4[%add3A_201] : memref<40960xf32, #tpu.memory_space<hbm>> -> memref<640xf32, #tpu.memory_space<hbm>>
      %dma_start3A_208 = arith.constant 0 : i32
      %dma_start3A_209 = tpu.memref_slice %arg9[%dma_start3A_208] : memref<10256xf32, #tpu.memory_space<vmem>> -> memref<640xf32, #tpu.memory_space<vmem>>
      tpu.enqueue_dma source(%dma_start3A_209 : memref<640xf32, #tpu.memory_space<vmem>>) target(%dma_start3A_207 : memref<640xf32, #tpu.memory_space<hbm>>) target_semaphore(%run_scoped3A : memref<!tpu.dma_semaphore, #tpu.memory_space<semaphore_mem>>)
      %dma_wait3A_210 = arith.constant 0 : i32
      %dma_wait3A_211 = tpu.memref_slice %arg9[%dma_wait3A_210] : memref<10256xf32, #tpu.memory_space<vmem>> -> memref<640xf32, #tpu.memory_space<vmem>>
      %dma_wait3A_212 = tpu.memref_slice %arg4[%add3A_201] : memref<40960xf32, #tpu.memory_space<hbm>> -> memref<640xf32, #tpu.memory_space<hbm>>
      %dma_wait3A_213 = tpu.memref_slice %arg4[%add3A_201] : memref<40960xf32, #tpu.memory_space<hbm>> -> memref<640xf32, #tpu.memory_space<hbm>>
      %dma_wait3A_214 = arith.constant 0 : i32
      %dma_wait3A_215 = tpu.memref_slice %arg9[%dma_wait3A_214] : memref<10256xf32, #tpu.memory_space<vmem>> -> memref<640xf32, #tpu.memory_space<vmem>>
      tpu.wait_dma2 semaphore(%run_scoped3A : memref<!tpu.dma_semaphore, #tpu.memory_space<semaphore_mem>>) src(%dma_wait3A_215 : memref<640xf32, #tpu.memory_space<vmem>>) dst(%dma_wait3A_213 : memref<640xf32, #tpu.memory_space<hbm>>)
      tpu.yield
    }) : () -> ()
    %add3A_202 = arith.constant 20480 : i32
    %add3A_203 = arith.addi %add3A_202, %add3A_201 : i32
    "tpu.region"() ({
      %run_scoped3A = tpu.sem_alloc : memref<!tpu.dma_semaphore, #tpu.memory_space<semaphore_mem>>
      %dma_start3A_204 = arith.constant 0 : i32
      %dma_start3A_205 = tpu.memref_slice %arg10[%dma_start3A_204] : memref<10256xf32, #tpu.memory_space<vmem>> -> memref<640xf32, #tpu.memory_space<vmem>>
      %dma_start3A_206 = tpu.memref_slice %arg4[%add3A_203] : memref<40960xf32, #tpu.memory_space<hbm>> -> memref<640xf32, #tpu.memory_space<hbm>>
      %dma_start3A_207 = tpu.memref_slice %arg4[%add3A_203] : memref<40960xf32, #tpu.memory_space<hbm>> -> memref<640xf32, #tpu.memory_space<hbm>>
      %dma_start3A_208 = arith.constant 0 : i32
      %dma_start3A_209 = tpu.memref_slice %arg10[%dma_start3A_208] : memref<10256xf32, #tpu.memory_space<vmem>> -> memref<640xf32, #tpu.memory_space<vmem>>
      tpu.enqueue_dma source(%dma_start3A_209 : memref<640xf32, #tpu.memory_space<vmem>>) target(%dma_start3A_207 : memref<640xf32, #tpu.memory_space<hbm>>) target_semaphore(%run_scoped3A : memref<!tpu.dma_semaphore, #tpu.memory_space<semaphore_mem>>)
      %dma_wait3A_210 = arith.constant 0 : i32
      %dma_wait3A_211 = tpu.memref_slice %arg10[%dma_wait3A_210] : memref<10256xf32, #tpu.memory_space<vmem>> -> memref<640xf32, #tpu.memory_space<vmem>>
      %dma_wait3A_212 = tpu.memref_slice %arg4[%add3A_203] : memref<40960xf32, #tpu.memory_space<hbm>> -> memref<640xf32, #tpu.memory_space<hbm>>
      %dma_wait3A_213 = tpu.memref_slice %arg4[%add3A_203] : memref<40960xf32, #tpu.memory_space<hbm>> -> memref<640xf32, #tpu.memory_space<hbm>>
      %dma_wait3A_214 = arith.constant 0 : i32
      %dma_wait3A_215 = tpu.memref_slice %arg10[%dma_wait3A_214] : memref<10256xf32, #tpu.memory_space<vmem>> -> memref<640xf32, #tpu.memory_space<vmem>>
      tpu.wait_dma2 semaphore(%run_scoped3A : memref<!tpu.dma_semaphore, #tpu.memory_space<semaphore_mem>>) src(%dma_wait3A_215 : memref<640xf32, #tpu.memory_space<vmem>>) dst(%dma_wait3A_213 : memref<640xf32, #tpu.memory_space<hbm>>)
      tpu.yield
    }) : () -> ()
    return
  }
}

module attributes {stable_mosaic.version = 14 : i64} {
  func.func @_merge_body(%arg0: memref<4x80x128xf32, #tpu.memory_space<vmem>>, %arg1: memref<80x128xf32, #tpu.memory_space<vmem>>) attributes {dimension_semantics = [], scalar_prefetch = 0 : i64, scratch_operands = 0 : i64, tpu.core_type = #tpu.core_type<tc>} {
    %get3A = arith.constant 0 : index
    %get3A_0 = arith.constant 0 : index
    %get3A_1 = arith.constant 0 : index
    %get3A_2 = vector.load %arg0[%get3A, %get3A_0, %get3A_1] : memref<4x80x128xf32, #tpu.memory_space<vmem>>, vector<1x80x128xf32>
    %get3A_3 = vector.shape_cast %get3A_2 : vector<1x80x128xf32> to vector<80x128xf32>
    %get3A_4 = arith.constant 1 : index
    %get3A_5 = arith.constant 0 : index
    %get3A_6 = arith.constant 0 : index
    %get3A_7 = vector.load %arg0[%get3A_4, %get3A_5, %get3A_6] : memref<4x80x128xf32, #tpu.memory_space<vmem>>, vector<1x80x128xf32>
    %get3A_8 = vector.shape_cast %get3A_7 : vector<1x80x128xf32> to vector<80x128xf32>
    %add3A = arith.addf %get3A_3, %get3A_8 : vector<80x128xf32>
    %get3A_9 = arith.constant 2 : index
    %get3A_10 = arith.constant 0 : index
    %get3A_11 = arith.constant 0 : index
    %get3A_12 = vector.load %arg0[%get3A_9, %get3A_10, %get3A_11] : memref<4x80x128xf32, #tpu.memory_space<vmem>>, vector<1x80x128xf32>
    %get3A_13 = vector.shape_cast %get3A_12 : vector<1x80x128xf32> to vector<80x128xf32>
    %get3A_14 = arith.constant 3 : index
    %get3A_15 = arith.constant 0 : index
    %get3A_16 = arith.constant 0 : index
    %get3A_17 = vector.load %arg0[%get3A_14, %get3A_15, %get3A_16] : memref<4x80x128xf32, #tpu.memory_space<vmem>>, vector<1x80x128xf32>
    %get3A_18 = vector.shape_cast %get3A_17 : vector<1x80x128xf32> to vector<80x128xf32>
    %add3A_19 = arith.addf %get3A_13, %get3A_18 : vector<80x128xf32>
    %div3A = arith.divf %add3A, %add3A_19 : vector<80x128xf32>
    %swap3A = arith.constant 0 : index
    %swap3A_20 = arith.constant 0 : index
    %swap3A_21 = vector.load %arg1[%swap3A, %swap3A_20] : memref<80x128xf32, #tpu.memory_space<vmem>>, vector<80x128xf32>
    tpu.vector_store %arg1[%swap3A, %swap3A_20], %div3A {strides = array<i32>} : memref<80x128xf32, #tpu.memory_space<vmem>>, vector<80x128xf32>,
    return
  }
}

</mosaic_0001>

<sc_bundles>
// kernel: kernel.4.cloned.1.call-start
scs
__scs_entry_jumppad:
0x0: {  	(pc) =	sbr.rel $0x88, $3  }
0x1: {  	(tag) =	ssettag $0x0;
	lr =	simm.s32 $0x1  }
0x2: {  	[smem:$0x3F9F] =	sst lr;
	_ =	strace $0xD0000000  }
0x3: {  	_ = 	snop  }
0x4: {  	_ = 	snop  }
0x5: {  	_ = 	snop  }
0x6: {  	_ = 	snop  }
0x7: {  	_ = 	snop  }
__scs_overlays_trampoline_lowered:
0x8: {  	[smem:$0x3FAE] =	sst s0  }
0x9: {  	[smem:$0x3FAF] =	sst s1  }
0xa: {  	[smem:$0x3FB0] =	sst s2  }
0xb: {  	[smem:$0x3FB1] =	sst s3  }
0xc: {  	[smem:$0x3FB2] =	sst s4  }
0xd: {  	[smem:$0x3FB3] =	sst s5  }
0xe: {  	[smem:$0x3FB4] =	sst s6  }
0xf: {  	[smem:$0x3FB5] =	sst s7  }
0x10: {  	[smem:$0x3FB6] =	sst s8  }
0x11: {  	[smem:$0x3FB7] =	sst s9;
	s0 =	simm.s32 @!p0 $0x0  }
0x12: {  	s1 =	sld [smem:$0x3F9D];
	s0 =	simm.s32 @p0 $0x1  }
0x13: {  	[smem:$0x3FB8] =	sst s0;
	s0 =	simm.s32 @!p1 $0x0  }
0x14: {  	s2 =	sld [smem:$0x3F9C];
	s0 =	simm.s32 @p1 $0x1  }
0x15: {  	[smem:$0x3FB9] =	sst s0;
	s0 =	simm.s32 @!p2 $0x0  }
0x16: {  	s3 =	sld [smem:$0x3FDB];
	s0 =	simm.s32 @p2 $0x1  }
0x17: {  	s4 =	simm.s32 $0x1BF5;
	[smem:$0x3FBB] =	sst s0  }
0x18: {  	s0 =	sld [smem:$0x3F9E];
	_ =	swait.ge [sflag:s4], $0x0  }
0x19: {  	s7 =	sld [smem:$0x3F9F]  }
0x1a: {  	s8 =	sadd.s32 $0xFFFFE003, lr  }
0x1b: {  	s9 =	sadd.s32 $0xFFFFFEF7, lr;
	s5 =	simm.s32 $0xFFFFFFFF;
	p2 =	slt.u32 s8, $0xFFFFF086  }
0x1c: {  	p1 =	slt.u32 s9, $0xF7A;
	s5 =	simm.s32 @!p2 $0x0  }
0x1d: {  	s5 =	simm.s32 @p1 $0x1;
	p0 =	seq.s32 s7, s2  }
0x1e: {  	s7 =	smul.u32 @!p0 $0xF7A, s2;
	p2 =	seq.s32 @!p0 s5, $0x0  }
0x1f: {  	s9 =	smul.u32 $0xF7A, s1;
	s8 =	simm.s32 @!p0 $0x1BF5;
	p2 =	por !p2, p0  }
0x20: {  	[sflag:s8] =	ssyncset.s32 @!p0 $0xFFFFF086;
	s6 =	sadd.s32 @!p0 s3, s7;
	s7 =	simm.s32 @!p0 $0x108  }
0x21: {  	s3 =	sadd.s32 s3, s9;
	s6 =	sadd.s32 @!p0 $0x88, s6;
	s7 =	simm.s32 @p2 $0x1082  }
0x22: {  	[simem:s7], [sflag:s8] =	dma.local @!p0 [hbm:s6], $0xF7A  }
0x23: {  	s9 =	sor.u32 $0xD0000000, s2;
	s6 =	simm.s32 $0x108;
	_ =	swait.ge @!p0 [sflag:s8], $0x0  }
0x24: {  	s3 =	sadd.s32 $0x88, s3;
	s6 =	simm.s32 @!p1 $0x1082;
	[sflag:s4] =	ssyncset.s32 $0xFFFFF086  }
0x25: {  	[simem:s6], [sflag:s4] =	dma.local [hbm:s3], $0xF7A  }
0x26: {  	[smem:$0x3F9F] =	sst s1;
	(tag) =	ssettag s2;
	_ =	strace s9  }
0x27: {  	s1 =	sld [smem:$0x3FAF]  }
0x28: {  	s2 =	sld [smem:$0x3FB0]  }
0x29: {  	s4 =	sld [smem:$0x3FB2]  }
0x2a: {  	p0 =	seq.s32 s5, $0x0;
	s5 =	sld [smem:$0x3FB3]  }
0x2b: {  	s6 =	sld [smem:$0x3FB4]  }
0x2c: {  	s7 =	sld [smem:$0x3FB5]  }
0x2d: {  	s3 =	simm.s32 $0x108;
	s8 =	sld [smem:$0x3FB6]  }
0x2e: {  	s3 =	simm.s32 @!p0 $0x1082;
	s9 =	sld [smem:$0x3FB7]  }
0x2f: {  	lr =	sadd.s32 s0, s3;
	s0 =	sld [smem:$0x3FAE]  }
0x30: {  	s3 =	sld [smem:$0x3FB1]  }
0x31: {  	[smem:$0x3FBA] =	sst s10  }
0x32: {  	s10 =	sld [smem:$0x3FB8];
	_ =	sdelay $0x3  }
0x33: {  	p0 =	seq.s32 s10, $0x1;
	s10 =	sld [smem:$0x3FBA];
	_ =	sdelay $0x3  }
0x34: {  	[smem:$0x3FBA] =	sst s10  }
0x35: {  	s10 =	sld [smem:$0x3FB9];
	_ =	sdelay $0x3  }
0x36: {  	p1 =	seq.s32 s10, $0x1;
	s10 =	sld [smem:$0x3FBA];
	_ =	sdelay $0x3  }
0x37: {  	[smem:$0x3FBA] =	sst s10  }
0x38: {  	s10 =	sld [smem:$0x3FBB]  }
0x39: {  	_ = 	snop;
	(pc) =	sbr.ind lr, $3  }
0x3a: {  	_ = 	snop  }
0x3b: {  	_ = 	snop  }
0x3c: {  	p2 =	seq.s32 s10, $0x1;
	s10 =	sld [smem:$0x3FBA]  }
0x3d: {  	_ =	shalt  }
0x3e: {  	_ =	shalt  }
0x3f: {  	_ =	shalt  }
0x40: {  	_ =	shalt  }
0x41: {  	_ =	shalt  }
0x42: {  	_ =	shalt  }
0x43: {  	_ =	shalt  }
0x44: {  	_ =	shalt  }
0x45: {  	_ =	shalt  }
0x46: {  	_ =	shalt  }
0x47: {  	_ =	shalt  }
0x48: {  	_ =	shalt  }
0x49: {  	_ =	shalt  }
0x4a: {  	_ =	shalt  }
0x4b: {  	_ =	shalt  }
0x4c: {  	_ =	shalt  }
0x4d: {  	_ =	shalt  }
0x4e: {  	_ =	shalt  }
0x4f: {  	_ =	shalt  }
0x50: {  	_ =	shalt  }
0x51: {  	_ =	shalt  }
0x52: {  	_ =	shalt  }
0x53: {  	_ =	shalt  }
0x54: {  	_ =	shalt  }
0x55: {  	_ =	shalt  }
0x56: {  	_ =	shalt  }
0x57: {  	_ =	shalt  }
0x58: {  	_ =	shalt  }
0x59: {  	_ =	shalt  }
0x5a: {  	_ =	shalt  }
0x5b: {  	_ =	shalt  }
0x5c: {  	_ =	shalt  }
0x5d: {  	_ =	shalt  }
0x5e: {  	_ =	shalt  }
0x5f: {  	_ =	shalt  }
0x60: {  	_ =	shalt  }
0x61: {  	_ =	shalt  }
0x62: {  	_ =	shalt  }
0x63: {  	_ =	shalt  }
0x64: {  	_ =	shalt  }
0x65: {  	_ =	shalt  }
0x66: {  	_ =	shalt  }
0x67: {  	_ =	shalt  }
0x68: {  	_ =	shalt  }
0x69: {  	_ =	shalt  }
0x6a: {  	_ =	shalt  }
0x6b: {  	_ =	shalt  }
0x6c: {  	_ =	shalt  }
0x6d: {  	_ =	shalt  }
0x6e: {  	_ =	shalt  }
0x6f: {  	_ =	shalt  }
0x70: {  	_ =	shalt  }
0x71: {  	_ =	shalt  }
0x72: {  	_ =	shalt  }
0x73: {  	_ =	shalt  }
0x74: {  	_ =	shalt  }
0x75: {  	_ =	shalt  }
0x76: {  	_ =	shalt  }
0x77: {  	_ =	shalt  }
0x78: {  	_ =	shalt  }
0x79: {  	_ =	shalt  }
0x7a: {  	_ =	shalt  }
0x7b: {  	_ =	shalt  }
0x7c: {  	_ =	shalt  }
0x7d: {  	_ =	shalt  }
0x7e: {  	_ =	shalt  }
0x7f: {  	_ =	shalt  }
0x80: {  	_ =	shalt  }
0x81: {  	_ =	shalt  }
0x82: {  	_ =	shalt  }
0x83: {  	_ =	shalt  }
0x84: {  	_ =	shalt  }
0x85: {  	_ =	shalt  }
0x86: {  	_ =	shalt  }
0x87: {  	_ =	shalt  }
.Lfunc_end0:
.L_simem_size_0:
called_computation_lowered:
.L_overlay_start_0:
0x88: {  	s2 =	sld [smem:$0x3FD9]  }
0x89: {  	s3 =	sld [smem:$0x3FFE];
	_ =	sdelay $0x1  }
0x8a: {  	s1 =	srdreg.scid  }
0x8b: {  	s0 =	sand.u32 $0x1, s1  }
0x8c: {  	s17 =	sshll.u32 s0, $0xA;
	s2 =	sadd.s32 s3, s2  }
0x8d: {  	s2 =	sadd.s32 s2, s17  }
0x8e: {  	[smem:$0x3FC6] =	sst s2  }
0x8f: {  	_ = 	snop  }
0x90: {  	s2 =	sld [smem:$0x3FC9]  }
0x91: {  	s18 =	sld [smem:$0x3FC8];
	(tm) =	ssettm $0x1  }
0x92: {  	s4 =	sld [smem:$0x3FFB];
	_ =	sdelay $0x3  }
0x93: {  	_ =	strace s4  }
0x94: {  	s4 =	sld [smem:$0x3FFC];
	_ =	sdelay $0x3  }
0x95: {  	_ =	strace s4  }
0x96: {  	s4 =	sld [smem:$0x3FFD];
	_ =	sdelay $0x3  }
0x97: {  	_ =	strace s4  }
0x98: {  	_ =	strace $0x8FFFFFFF  }
0x99: {  	s19 =	sld [smem:$0x3FDB];
	_ =	sdelay $0x1  }
0x9a: {  	s5 =	simm.s32 $_scs_section_size  }
0x9b: {  	s6 =	simm.s32 $_size__tile_overlayer_lowered;
	s7 =	simm.s32 $_tile_overlayer_lowered  }
0x9c: {  	s22 =	simm.s32 $0x1BFF;
	s21 =	sshll.u32 s7, $0x1;
	s4 =	sadd.s32 s5, s19  }
0x9d: {  	s8 =	simm.s32 $0x0;
	s20 =	sshll.u32 s6, $0x1;
	s6 =	sadd.s32 s21, s4  }
0x9e: {  	[timem:s8], [sflag:s22] =	dma.local [hbm:s6], s20  }
0x9f: {  	_ =	swait.ge [sflag:s22], s20  }
0xa0: {  	s5 =	ssub.s32 $0x0, s20;
	[sflag:s22] =	ssyncset.done $0x0  }
0xa1: {  	[sflag:s22] =	ssyncadd.s32 s5;
	_ =	sdelay $0x1  }
0xa2: {  	s23 =	simm.s32 $0x1B8B  }
0xa3: {  	_ =	swait.ge [sflag:s23], $0x1  }
0xa4: {  	[sflag:s23] =	ssyncset.done $0x0  }
0xa5: {  	s25 =	simm.s32 $0x1B8E;
	s24 =	sld [smem:$0x3FFE];
	[sflag:s23] =	ssyncadd.s32 $0xFFFFFFFF  }
0xa6: {  	s26 =	simm.s32 $execute0_lowered;
	[smem:$0x3FD2] =	sst s25  }
0xa7: {  	s6 =	sshll.u32 s26, $0x1;
	_ =	strace $0x80000046;
	[dreg:$0x1] =	wrdreg $0xFFFFFFFF  }
0xa8: {  	s28 =	simm.s32 $_size_execute0_lowered;
	s4 =	sadd.s32 s4, s6;
	[dreg:$0x0] =	wrdreg $0x0  }
0xa9: {  	s6 =	sshll.u32 s28, $0x1;
	[dreg:$0x2] =	wrdreg s4  }
0xaa: {  	[dreg:$0x3] =	wrdreg s6  }
0xab: {  	[dreg:$0x4] =	wrdreg $0xC0  }
0xac: {  	_ =	task [dreg:s8], $0x5FFFF  }
0xad: {  	[dreg:$0x1] =	wrdreg $0xFFFFFFFF  }
0xae: {  	[dreg:$0x0] =	wrdreg $0x60  }
0xaf: {  	[dreg:$0x2] =	wrdreg s2  }
0xb0: {  	[dreg:$0x3] =	wrdreg s18  }
0xb1: {  	[dreg:$0x4] =	wrdreg s24  }
0xb2: {  	[dreg:$0x5] =	wrdreg $0x7C800  }
0xb3: {  	[dreg:$0x6] =	wrdreg $0xA4800  }
0xb4: {  	[dreg:$0x7] =	wrdreg $0x9  }
0xb5: {  	_ =	task.clear_ibuf [dreg:s8], $0x8FFFF;
	_ =	strace $0x90000046  }
0xb6: {  	s29 =	simm.s32 $0x9;
	_ =	strace $0x80000048  }
0xb7: {  	_ =	swait.ge [sflag:s29], $0x1  }
0xb8: {  	[sflag:s29] =	ssyncadd.s32 $0xFFFFFFFF  }
0xb9: {  	_ =	strace $0x90000048  }
0xba: {  	_ =	sfence  }
0xbb: {  	s30 =	sld [smem:$0x0];
	_ =	sdelay $0x2  }
0xbc: {  	s31 =	sshll.u32 s1, $0xD;
	s1 =	sshrl.u32 s1, $0x2  }
0xbd: {  	s3 =	sand.u32 $0x4000, s31;
	s1 =	sadd.s32 s1, s30  }
0xbe: {  	s0 =	sor.u32 s3, s0;
	s1 =	sshll.u32 s1, $0x11  }
0xbf: {  	s0 =	sor.u32 s1, s0  }
0xc0: {  	s0 =	sadd.s32 $0x8F2B, s0  }
0xc1: {  	[sflag:s0] =	ssyncadd.remote.s32 $0x1  }
0xc2: {  	_ =	sfence.sel $0xFFFF  }
0xc3: {  	[dreg:$0x0] =	wrdreg $0xFFFFFFFF;
	(pc) =	sbr.abs _section_cstart, $3  }
0xc4: {  	[dreg:$0x1] =	wrdreg $0xFFFFFFFF  }
0xc5: {  	_ =	task.clear_ibuf [dreg:s8], $0x2FFFF;
	_ =	strace $0x9FFFFFFF  }
0xc6: {  	(tm) =	ssettm $0x7FFFFFFF  }
0xc7: {  	_ =	shalt  }
tec
execute0_lowered:
.L_overlay_start_1:
0x0: {  	(tag) =	ssettag $0x1  }
0x1: {  	s11 =	rddreg [dreg:$0x0]  }
0x2: {  	s0 =	rddreg [dreg:$0x1]  }
0x3: {  	s1 =	rddreg [dreg:$0x2];
	s2 =	srdreg.scid  }
0x4: {  	s10 =	stileid.u32;
	s3 =	rddreg [dreg:$0x3]  }
0x5: {  	s5 =	rddreg [dreg:$0x4];
	s12 =	simm.s32 $0x0;
	s4 =	smul.u32 $0x280, s10  }
0x6: {  	s2 =	sand.u32 $0x1, s2;
	[smem:$0x7FF] =	sst s12;
	s14 =	smul.u32 $0x1400, s10  }
0x7: {  	s31 =	sshrl.u32 s10, $0x3;
	s13 =	sshll.u32 s10, $0x7;
	s17 =	smul.u32 $0x138800, s10  }
0x8: {  	s6 =	smul.u32 $0x2800, s2;
	s7 =	sshll.u32 s2, $0x4;
	_ =	strace $0x80000047  }
0x9: {  	s29 =	ssub.s32 $0x2, s2;
	s2 =	smul.u32 $0x1388000, s2;
	s28 =	sor.u32 s10, s7  }
0xa: {  	s8 =	sshrl.u32 s29, $0x1;
	s19 =	sadd.s32 s14, s3;
	s20 =	sadd.s32 s14, s5  }
0xb: {  	s10 =	simm.s32 $0x80;
	s14 =	simm.s32 $0x1;
	s7 =	smul.u32 $0x138800, s28  }
0xc: {  	s4 =	sadd.s32 s4, s6;
	s9 =	smul.u32 $0x4E2, s28;
	[smem:$0x7F3] =	sst s19  }
0xd: {  	s6 =	smul.u32 $0x27100, s28;
	[smem:$0x7F4] =	sst s20;
	s21 =	sadd.s32 s17, s2  }
0xe: {  	s17 =	simm.s32 $0x2B80;
	s19 =	simm.s32 $0x5400;
	s20 =	simm.s32 $0x2  }
0xf: {  	s4 =	sshrl.u32 s4, $0x3;
	s23 =	sadd.s32 $0x2C000, s21;
	s24 =	sadd.s32 $0x28000, s21  }
0x10: {  	v0 =	vlaneseq.u32;
	v9 =	vimm.f32 $1.600000000e+01;
	s1 =	sadd.s32 s4, s1;
	s7 =	sshrl.u32 s7, $0x3;
	s0 =	sadd.s32 s0, s9  }
0x11: {  	vm1 =	vcmask $0x300;
	v10 =	vimm.f32 $-1.600000000e+01;
	v0 =	vmul.u32 $0x80, v0;
	s4 =	ssub.s32 s29, s8;
	s6 =	sadd.s32 s11, s6;
	[smem:$0x7E9] =	sst s0  }
0x12: {  	v9 =	vsel vm1, $0x3F800000, v9;
	v10 =	vsel vm1, $0xBF800000, v10;
	vm1 =	vcmask $0x704;
	s25 =	sshrl.u32 s23, $0x3;
	[smem:$0x7EB] =	sst s6;
	s22 =	sadd.s32 $0x600, s1  }
0x13: {  	v8 =	vimm.f32 $0.0e+00;
	vm0 =	vcmask $0x3F3C;
	v9 =	vsel vm1, $0x40000000, v9;
	s26 =	sshrl.u32 s24, $0x3;
	s1 =	sadd.s32 $0x1000, s1;
	[smem:$0x7F5] =	sst s22  }
0x14: {  	v10 =	vsel vm1, $0xC0000000, v10;
	vm1 =	vcmask $0xB08;
	v1 =	vor.u32 $0x800, v0;
	s29 =	sadd.s32 $0x24000, s21;
	s28 =	smax.u32 s4, $0x1;
	[smem:$0x7F6] =	sst s1  }
0x15: {  	v2 =	vor.u32 $0x1000, v0;
	v3 =	vor.u32 $0x1800, v0;
	v4 =	vor.u32 $0x2000, v0;
	s7 =	sadd.s32 s11, s7;
	s4 =	sadd.s32 s25, s11;
	[smem:$0x7F7] =	sst s28  }
0x16: {  	v5 =	vor.u32 $0x2800, v0;
	v6 =	vor.u32 $0x3000, v0;
	v7 =	vor.u32 $0x3800, v0;
	s23 =	simm.s32 $0x5;
	s30 =	sadd.s32 $0x27000, s7;
	[smem:$0x7F9] =	sst s4  }
0x17: {  	v9 =	vsel vm1, $0x40400000, v9;
	v10 =	vsel vm1, $0xC0400000, v10;
	vm1 =	vcmask $0xF0C;
	s0 =	smul.u32 $0x14000, s31;
	s8 =	sadd.s32 $0x800, s7;
	[smem:$0x7EA] =	sst s30  }
0x18: {  	v9 =	vsel vm1, $0x40800000, v9;
	v10 =	vsel vm1, $0xC0800000, v10;
	vm1 =	vcmask $0x1310;
	s6 =	sand.u32 $0x380, s13;
	s9 =	sadd.s32 $0x1000, s7;
	[smem:$0x7EC] =	sst s8  }
0x19: {  	v9 =	vsel vm1, $0x40A00000, v9;
	v10 =	vsel vm1, $0xC0A00000, v10;
	vm1 =	vcmask $0x1714;
	s31 =	sadd.s32 $0x1C000, s21;
	s15 =	sadd.s32 $0x1800, s7;
	[smem:$0x7ED] =	sst s9  }
0x1a: {  	v9 =	vsel vm1, $0x40C00000, v9;
	v10 =	vsel vm1, $0xC0C00000, v10;
	vm1 =	vcmask $0x1B18;
	s13 =	simm.s32 $0x2A80;
	s16 =	sadd.s32 $0x2000, s7;
	[smem:$0x7EE] =	sst s15  }
0x1b: {  	v9 =	vsel vm1, $0x40E00000, v9;
	v10 =	vsel vm1, $0xC0E00000, v10;
	vm1 =	vcmask $0x1F1C;
	s7 =	sadd.s32 $0x2800, s7;
	s1 =	sshrl.u32 s29, $0x3;
	[smem:$0x7EF] =	sst s16  }
0x1c: {  	v9 =	vsel vm1, $0x41000000, v9;
	v10 =	vsel vm1, $0xC1000000, v10;
	vm1 =	vcmask $0x2320;
	s0 =	sor.u32 s6, s0;
	[smem:$0x7F0] =	sst s7;
	s6 =	sadd.s32 s1, s11  }
0x1d: {  	s25 =	simm.s32 $0x6;
	v9 =	vsel vm1, $0x41100000, v9;
	v10 =	vsel vm1, $0xC1100000, v10;
	vm1 =	vcmask $0x2724;
	s18 =	sadd.s32 s0, s3;
	[smem:$0x7FB] =	sst s6  }
0x1e: {  	s22 =	simm.s32 $0x4;
	s0 =	sadd.s32 s0, s5;
	v9 =	vsel vm1, $0x41200000, v9;
	v10 =	vsel vm1, $0xC1200000, v10;
	vm1 =	vcmask $0x2B28;
	[smem:$0x7F1] =	sst s18  }
0x1f: {  	s30 =	sadd.s32 $0x20000, s21;
	s5 =	sadd.s32 s26, s11;
	[smem:$0x7F2] =	sst s0;
	v9 =	vsel vm1, $0x41300000, v9;
	v10 =	vsel vm1, $0xC1300000, v10;
	vm1 =	vcmask $0x2F2C  }
0x20: {  	s2 =	sshrl.u32 s30, $0x3;
	s0 =	sadd.s32 $0x18000, s21;
	[smem:$0x7FA] =	sst s5;
	v9 =	vsel vm1, $0x41400000, v9;
	v10 =	vsel vm1, $0xC1400000, v10;
	vm1 =	vcmask $0x3330  }
0x21: {  	s3 =	sshrl.u32 s31, $0x3;
	s7 =	sadd.s32 s2, s11;
	[smem:$0x7F8] =	sst s0;
	v9 =	vsel vm1, $0x41500000, v9;
	v10 =	vsel vm1, $0xC1500000, v10;
	vm1 =	vcmask $0x3734  }
0x22: {  	s8 =	simm.s32 $0x2780;
	s3 =	sadd.s32 s3, s11;
	[smem:$0x7FC] =	sst s7;
	v9 =	vsel vm1, $0x41600000, v9;
	v10 =	vsel vm1, $0xC1600000, v10;
	vm1 =	vcmask $0x3B38  }
0x23: {  	s21 =	simm.s32 $0x3;
	s2 =	simm.s32 $0x0;
	[smem:$0x7FD] =	sst s3;
	v9 =	vsel vm1, $0x41700000, v9;
	v10 =	vsel vm1, $0xC1700000, v10;
	vm1 =	vmmov $0x7fff  }
.LBB2_1:
0x24: {  	s0 =	sld [smem:$0x7E9];
	_ =	sdelay $0x2  }
0x25: {  	[tilespmem:s12], [sflag:$0x8] =	stream.linear.gather [hbm4b:s0+s12], $0x2710, $0x38;
	[tilespmem:$0xF480] =	vst v63  }
0x26: {  	[tilespmem:$0x2780] =	vst v0  }
0x27: {  	[tilespmem:$0x2790] =	vst v1  }
0x28: {  	[tilespmem:$0x27A0] =	vst v2  }
0x29: {  	[tilespmem:$0x27B0] =	vst v3  }
0x2a: {  	[tilespmem:$0x27C0] =	vst v4  }
0x2b: {  	s29 =	sld [smem:$0x7EA];
	[tilespmem:$0x27D0] =	vst v5  }
0x2c: {  	[tilespmem:$0x27E0] =	vst v6  }
0x2d: {  	s1 =	simm.s32 $0x10;
	s30 =	simm.s32 $0x2B00;
	s31 =	simm.s32 $0x2BC0;
	[tilespmem:$0x27F0] =	vst v7  }
0x2e: {  	[tilespmem:s30], [sflag:$0x7] =	stream.indirect.gather [hbm4b:s29+s1], $0x1, s8, s1, $0xb8;
	[tilespmem:$0xF480] =	vst v63  }
0x2f: {  	s0 =	simm.s32 $0x5440;
	[tilespmem:s31+$0xFFFFFFC0] =	vst v8  }
0x30: {  	[tilespmem:s0+$0xFFFFFFC0] =	vst v8  }
0x31: {  	[tilespmem:s31+$0xFFFFFFD0] =	vst v8  }
0x32: {  	[tilespmem:s0+$0xFFFFFFD0] =	vst v8  }
0x33: {  	[tilespmem:s31+$0xFFFFFFE0] =	vst v8  }
0x34: {  	[tilespmem:s0+$0xFFFFFFE0] =	vst v8  }
0x35: {  	[tilespmem:s31+$0xFFFFFFF0] =	vst v8  }
0x36: {  	[tilespmem:s0+$0xFFFFFFF0] =	vst v8  }
0x37: {  	[tilespmem:s31+$0x0] =	vst v8  }
0x38: {  	[tilespmem:s0+$0x0] =	vst v8  }
0x39: {  	[tilespmem:s31+$0x10] =	vst v8  }
0x3a: {  	[tilespmem:s0+$0x10] =	vst v8  }
0x3b: {  	[tilespmem:s31+$0x20] =	vst v8  }
0x3c: {  	[tilespmem:s0+$0x20] =	vst v8  }
0x3d: {  	[tilespmem:s31+$0x30] =	vst v8  }
0x3e: {  	[smem:$0x7E8] =	sst s2;
	s2 =	simm.s32 $0x2C40;
	s1 =	simm.s32 $0x0;
	[tilespmem:s0+$0x30] =	vst v8  }
.LBB2_2:
0x3f: {  	[tilespmem:s2+$0xFFFFFFC0] =	vst v8;
	s0 =	sadd.s32 $0x80, s0  }
0x40: {  	[tilespmem:s0+$0xFFFFFFC0] =	vst v8  }
0x41: {  	[tilespmem:s2+$0xFFFFFFD0] =	vst v8  }
0x42: {  	[tilespmem:s0+$0xFFFFFFD0] =	vst v8  }
0x43: {  	[tilespmem:s2+$0xFFFFFFE0] =	vst v8  }
0x44: {  	[tilespmem:s0+$0xFFFFFFE0] =	vst v8  }
0x45: {  	[tilespmem:s2+$0xFFFFFFF0] =	vst v8  }
0x46: {  	[tilespmem:s0+$0xFFFFFFF0] =	vst v8  }
0x47: {  	[tilespmem:s2+$0x0] =	vst v8  }
0x48: {  	s1 =	sadd.s32 $0x8, s1;
	[tilespmem:s0+$0x0] =	vst v8  }
0x49: {  	p0 =	slt.u32 s1, $0x278;
	[tilespmem:s2+$0x10] =	vst v8  }
.Ltmp0:
0x4a: {  	[tilespmem:s0+$0x10] =	vst v8;
	(pc) =	sbr.rel @p0 .LBB2_2-.Ltmp0, $4  }
0x4b: {  	[tilespmem:s2+$0x20] =	vst v8  }
0x4c: {  	[tilespmem:s0+$0x20] =	vst v8  }
0x4d: {  	[tilespmem:s2+$0x30] =	vst v8  }
0x4e: {  	s2 =	sadd.s32 $0x80, s2;
	[tilespmem:s0+$0x30] =	vst v8  }
0x4f: {  	s0 =	sld [smem:$0x7EB]  }
0x50: {  	[tilespmem:$0x5380] =	vst v8  }
0x51: {  	[tilespmem:$0x7C00] =	vst v8;
	s1 =	simm.s32 $0x2800;
	s12 =	sld [smem:$0x7EC]  }
0x52: {  	[tilespmem:s1], [sflag:$0x1] =	stream.indirect.gather [hbm4b:s0+s10], $0x1, s8, s10, $0xb8;
	[tilespmem:$0xF480] =	vst v63  }
0x53: {  	s15 =	simm.s32 $0x2880;
	s16 =	sld [smem:$0x7ED]  }
0x54: {  	[tilespmem:s15], [sflag:$0x2] =	stream.indirect.gather [hbm4b:s12+s10], $0x1, s8, s10, $0xb8;
	[tilespmem:$0xF480] =	vst v63  }
0x55: {  	s18 =	simm.s32 $0x2900;
	s24 =	sld [smem:$0x7EE]  }
0x56: {  	[tilespmem:s18], [sflag:$0x3] =	stream.indirect.gather [hbm4b:s16+s10], $0x1, s8, s10, $0xb8;
	[tilespmem:$0xF480] =	vst v63  }
0x57: {  	s26 =	simm.s32 $0x2980;
	s28 =	sld [smem:$0x7EF]  }
0x58: {  	[tilespmem:s26], [sflag:$0x4] =	stream.indirect.gather [hbm4b:s24+s10], $0x1, s8, s10, $0xb8;
	[tilespmem:$0xF480] =	vst v63  }
0x59: {  	s29 =	simm.s32 $0x2A00;
	s30 =	sld [smem:$0x7F0]  }
0x5a: {  	[tilespmem:s29], [sflag:$0x5] =	stream.indirect.gather [hbm4b:s28+s10], $0x1, s8, s10, $0xb8;
	[tilespmem:$0xF480] =	vst v63  }
0x5b: {  	s31 =	simm.s32 $0x8  }
0x5c: {  	[tilespmem:s13], [sflag:$0x6] =	stream.indirect.gather [hbm4b:s30+s10], $0x1, s8, s10, $0xb8;
	[tilespmem:$0xF480] =	vst v63  }
0x5d: {  	_ =	swait.ge [sflag:s31], $0x2710  }
0x5e: {  	s15 =	simm.s32 $0x0;
	[sflag:s31] =	ssyncset.done $0x0  }
0x5f: {  	s16 =	simm.s32 $0x180;
	s24 =	sld [smem:$0x7F8];
	[sflag:s31] =	ssyncadd.s32 $0xFFFFD8F0  }
.LBB2_4:
0x60: {  	_ =	swait.ge [sflag:s14], $0x80  }
0x61: {  	[sflag:s14] =	ssyncset.done $0x0  }
0x62: {  	[sflag:s14] =	ssyncadd.s32 $0xFFFFFF80  }
0x63: {  	v11 =	vld [tilespmem:$0x2800];
	_ =	sdelay $0x3  }
0x64: {  	v12 =	vld [tilespmem:s16+$0xFFFFFE80]  }
0x65: {  	v13 =	vld [tilespmem:s16+$0xFFFFFE81];
	(xrf2) =	vadd.scan.msk.f32 $0xffff, v11;
	_ =	sdelay $0x4  }
0x66: {  	vm2 =	vne.s32 v12, v13  }
0x67: {  	vm3 =	vmor vm2, vm0  }
0x68: {  	vm2 =	vmand vm2, vm1;
	_ =	sdelay $0x2  }
0x69: {  	v11, _, _ =	vpop (xrf2)  }
0x6a: {  	v14 =	vsub.f32 $0.0e+00, v11  }
0x6b: {  	[tilespmem:v12+s17+$0x0] =	vst.idx.add.f32.msk vm3, v11  }
0x6c: {  	[tilespmem:v13+s17+$0x0] =	vst.idx.add.f32.msk vm2, v14  }
0x6d: {  	[tilespmem:v12+s19+$0x0] =	vst.idx.add.f32.msk vm3, v9  }
0x6e: {  	[tilespmem:v13+s19+$0x0] =	vst.idx.add.f32.msk vm2, v10  }
0x6f: {  	v11 =	vld [tilespmem:$0x2810];
	_ =	sdelay $0x3  }
0x70: {  	v12 =	vld [tilespmem:s16+$0xFFFFFE90]  }
0x71: {  	v13 =	vld [tilespmem:s16+$0xFFFFFE91];
	(xrf2) =	vadd.scan.msk.f32 $0xffff, v11;
	_ =	sdelay $0x4  }
0x72: {  	vm2 =	vne.s32 v12, v13  }
0x73: {  	vm3 =	vmor vm2, vm0  }
0x74: {  	vm2 =	vmand vm2, vm1;
	_ =	sdelay $0x2  }
0x75: {  	v11, _, _ =	vpop (xrf2)  }
0x76: {  	v55 =	vsub.f32 $0.0e+00, v11  }
0x77: {  	[tilespmem:v12+s17+$0x0] =	vst.idx.add.f32.msk vm3, v11  }
0x78: {  	[tilespmem:v13+s17+$0x0] =	vst.idx.add.f32.msk vm2, v55  }
0x79: {  	[tilespmem:v12+s19+$0x0] =	vst.idx.add.f32.msk vm3, v9  }
0x7a: {  	[tilespmem:v13+s19+$0x0] =	vst.idx.add.f32.msk vm2, v10  }
0x7b: {  	v11 =	vld [tilespmem:$0x2820];
	_ =	sdelay $0x3  }
0x7c: {  	v12 =	vld [tilespmem:s16+$0xFFFFFEA0]  }
0x7d: {  	v13 =	vld [tilespmem:s16+$0xFFFFFEA1];
	(xrf2) =	vadd.scan.msk.f32 $0xffff, v11;
	_ =	sdelay $0x4  }
0x7e: {  	vm2 =	vne.s32 v12, v13  }
0x7f: {  	vm3 =	vmor vm2, vm0  }
0x80: {  	vm2 =	vmand vm2, vm1;
	_ =	sdelay $0x2  }
0x81: {  	v11, _, _ =	vpop (xrf2)  }
0x82: {  	v56 =	vsub.f32 $0.0e+00, v11  }
0x83: {  	[tilespmem:v12+s17+$0x0] =	vst.idx.add.f32.msk vm3, v11  }
0x84: {  	[tilespmem:v13+s17+$0x0] =	vst.idx.add.f32.msk vm2, v56  }
0x85: {  	[tilespmem:v12+s19+$0x0] =	vst.idx.add.f32.msk vm3, v9  }
0x86: {  	[tilespmem:v13+s19+$0x0] =	vst.idx.add.f32.msk vm2, v10  }
0x87: {  	v11 =	vld [tilespmem:$0x2830];
	_ =	sdelay $0x3  }
0x88: {  	v12 =	vld [tilespmem:s16+$0xFFFFFEB0]  }
0x89: {  	v13 =	vld [tilespmem:s16+$0xFFFFFEB1];
	(xrf2) =	vadd.scan.msk.f32 $0xffff, v11;
	_ =	sdelay $0x4  }
0x8a: {  	vm2 =	vne.s32 v12, v13  }
0x8b: {  	vm3 =	vmor vm2, vm0  }
0x8c: {  	vm2 =	vmand vm2, vm1;
	_ =	sdelay $0x2  }
0x8d: {  	v11, _, _ =	vpop (xrf2)  }
0x8e: {  	v57 =	vsub.f32 $0.0e+00, v11  }
0x8f: {  	[tilespmem:v12+s17+$0x0] =	vst.idx.add.f32.msk vm3, v11  }
0x90: {  	[tilespmem:v13+s17+$0x0] =	vst.idx.add.f32.msk vm2, v57  }
0x91: {  	[tilespmem:v12+s19+$0x0] =	vst.idx.add.f32.msk vm3, v9  }
0x92: {  	[tilespmem:v13+s19+$0x0] =	vst.idx.add.f32.msk vm2, v10  }
0x93: {  	v11 =	vld [tilespmem:$0x2840];
	_ =	sdelay $0x3  }
0x94: {  	v12 =	vld [tilespmem:s16+$0xFFFFFEC0]  }
0x95: {  	v13 =	vld [tilespmem:s16+$0xFFFFFEC1];
	(xrf2) =	vadd.scan.msk.f32 $0xffff, v11;
	_ =	sdelay $0x4  }
0x96: {  	vm2 =	vne.s32 v12, v13  }
0x97: {  	vm3 =	vmor vm2, vm0  }
0x98: {  	vm2 =	vmand vm2, vm1;
	_ =	sdelay $0x2  }
0x99: {  	v11, _, _ =	vpop (xrf2)  }
0x9a: {  	v58 =	vsub.f32 $0.0e+00, v11  }
0x9b: {  	[tilespmem:v12+s17+$0x0] =	vst.idx.add.f32.msk vm3, v11  }
0x9c: {  	[tilespmem:v13+s17+$0x0] =	vst.idx.add.f32.msk vm2, v58  }
0x9d: {  	[tilespmem:v12+s19+$0x0] =	vst.idx.add.f32.msk vm3, v9  }
0x9e: {  	[tilespmem:v13+s19+$0x0] =	vst.idx.add.f32.msk vm2, v10  }
0x9f: {  	v11 =	vld [tilespmem:$0x2850];
	_ =	sdelay $0x3  }
0xa0: {  	v12 =	vld [tilespmem:s16+$0xFFFFFED0]  }
0xa1: {  	v13 =	vld [tilespmem:s16+$0xFFFFFED1];
	(xrf2) =	vadd.scan.msk.f32 $0xffff, v11;
	_ =	sdelay $0x4  }
0xa2: {  	vm2 =	vne.s32 v12, v13  }
0xa3: {  	vm3 =	vmor vm2, vm0  }
0xa4: {  	vm2 =	vmand vm2, vm1;
	_ =	sdelay $0x2  }
0xa5: {  	v11, _, _ =	vpop (xrf2)  }
0xa6: {  	v59 =	vsub.f32 $0.0e+00, v11  }
0xa7: {  	[tilespmem:v12+s17+$0x0] =	vst.idx.add.f32.msk vm3, v11  }
0xa8: {  	[tilespmem:v13+s17+$0x0] =	vst.idx.add.f32.msk vm2, v59  }
0xa9: {  	[tilespmem:v12+s19+$0x0] =	vst.idx.add.f32.msk vm3, v9  }
0xaa: {  	[tilespmem:v13+s19+$0x0] =	vst.idx.add.f32.msk vm2, v10  }
0xab: {  	v11 =	vld [tilespmem:$0x2860];
	_ =	sdelay $0x3  }
0xac: {  	v12 =	vld [tilespmem:s16+$0xFFFFFEE0]  }
0xad: {  	v13 =	vld [tilespmem:s16+$0xFFFFFEE1];
	(xrf2) =	vadd.scan.msk.f32 $0xffff, v11;
	_ =	sdelay $0x4  }
0xae: {  	vm2 =	vne.s32 v12, v13  }
0xaf: {  	vm3 =	vmor vm2, vm0  }
0xb0: {  	vm2 =	vmand vm2, vm1;
	_ =	sdelay $0x2  }
0xb1: {  	v11, _, _ =	vpop (xrf2)  }
0xb2: {  	v60 =	vsub.f32 $0.0e+00, v11  }
0xb3: {  	[tilespmem:v12+s17+$0x0] =	vst.idx.add.f32.msk vm3, v11  }
0xb4: {  	[tilespmem:v13+s17+$0x0] =	vst.idx.add.f32.msk vm2, v60  }
0xb5: {  	[tilespmem:v12+s19+$0x0] =	vst.idx.add.f32.msk vm3, v9  }
0xb6: {  	[tilespmem:v13+s19+$0x0] =	vst.idx.add.f32.msk vm2, v10  }
0xb7: {  	v11 =	vld [tilespmem:$0x2870];
	_ =	sdelay $0x3  }
0xb8: {  	v12 =	vld [tilespmem:s16+$0xFFFFFEF0]  }
0xb9: {  	v13 =	vld [tilespmem:s16+$0xFFFFFEF1];
	(xrf2) =	vadd.scan.msk.f32 $0xffff, v11;
	_ =	sdelay $0x4  }
0xba: {  	vm2 =	vne.s32 v12, v13  }
0xbb: {  	vm3 =	vmor vm2, vm0  }
0xbc: {  	vm2 =	vmand vm2, vm1;
	_ =	sdelay $0x2  }
0xbd: {  	v11, _, _ =	vpop (xrf2)  }
0xbe: {  	v61 =	vsub.f32 $0.0e+00, v11  }
0xbf: {  	[tilespmem:v12+s17+$0x0] =	vst.idx.add.f32.msk vm3, v11  }
0xc0: {  	p0 =	seq.s32 s15, $0x24000;
	[tilespmem:v13+s17+$0x0] =	vst.idx.add.f32.msk vm2, v61  }
0xc1: {  	s18 =	simm.s32 @!p0 $0x80;
	s0 =	sshrl.u32 @!p0 s24, $0x3;
	[tilespmem:v12+s19+$0x0] =	vst.idx.add.f32.msk vm3, v9  }
0xc2: {  	s9 =	simm.s32 @!p0 $0x2780;
	s1 =	simm.s32 @!p0 $0x2800;
	s0 =	sadd.s32 @!p0 s11, s0;
	[tilespmem:v13+s19+$0x0] =	vst.idx.add.f32.msk vm2, v10  }
0xc3: {  	[tilespmem:s1], [sflag:$0x1] =	stream.indirect.gather @!p0 [hbm4b:s0+s18], $0x1, s9, s18, $0xb8;
	[tilespmem:$0xF480] =	vst v63  }
0xc4: {  	_ =	swait.ge [sflag:s20], $0x80  }
0xc5: {  	[sflag:s20] =	ssyncset.done $0x0  }
0xc6: {  	[sflag:s20] =	ssyncadd.s32 $0xFFFFFF80  }
0xc7: {  	v11 =	vld [tilespmem:$0x2880];
	_ =	sdelay $0x3  }
0xc8: {  	v62 =	vld [tilespmem:s16+$0xFFFFFF00]  }
0xc9: {  	v63 =	vld [tilespmem:s16+$0xFFFFFF01];
	(xrf2) =	vadd.scan.msk.f32 $0xffff, v11;
	_ =	sdelay $0x4  }
0xca: {  	vm2 =	vne.s32 v62, v63  }
0xcb: {  	vm3 =	vmor vm2, vm0  }
0xcc: {  	vm2 =	vmand vm2, vm1;
	_ =	sdelay $0x2  }
0xcd: {  	v11, _, _ =	vpop (xrf2)  }
0xce: {  	v16 =	vsub.f32 $0.0e+00, v11  }
0xcf: {  	[tilespmem:v62+s17+$0x0] =	vst.idx.add.f32.msk vm3, v11  }
0xd0: {  	[tilespmem:v63+s17+$0x0] =	vst.idx.add.f32.msk vm2, v16  }
0xd1: {  	[tilespmem:v62+s19+$0x0] =	vst.idx.add.f32.msk vm3, v9  }
0xd2: {  	[tilespmem:v63+s19+$0x0] =	vst.idx.add.f32.msk vm2, v10  }
0xd3: {  	v11 =	vld [tilespmem:$0x2890];
	_ =	sdelay $0x3  }
0xd4: {  	v12 =	vld [tilespmem:s16+$0xFFFFFF10]  }
0xd5: {  	v13 =	vld [tilespmem:s16+$0xFFFFFF11];
	(xrf2) =	vadd.scan.msk.f32 $0xffff, v11;
	_ =	sdelay $0x4  }
0xd6: {  	vm2 =	vne.s32 v12, v13  }
0xd7: {  	vm3 =	vmor vm2, vm0  }
0xd8: {  	vm2 =	vmand vm2, vm1;
	_ =	sdelay $0x2  }
0xd9: {  	v11, _, _ =	vpop (xrf2)  }
0xda: {  	v17 =	vsub.f32 $0.0e+00, v11  }
0xdb: {  	[tilespmem:v12+s17+$0x0] =	vst.idx.add.f32.msk vm3, v11  }
0xdc: {  	[tilespmem:v13+s17+$0x0] =	vst.idx.add.f32.msk vm2, v17  }
0xdd: {  	[tilespmem:v12+s19+$0x0] =	vst.idx.add.f32.msk vm3, v9  }
0xde: {  	[tilespmem:v13+s19+$0x0] =	vst.idx.add.f32.msk vm2, v10  }
0xdf: {  	v11 =	vld [tilespmem:$0x28A0];
	_ =	sdelay $0x3  }
0xe0: {  	v12 =	vld [tilespmem:s16+$0xFFFFFF20]  }
0xe1: {  	v13 =	vld [tilespmem:s16+$0xFFFFFF21];
	(xrf2) =	vadd.scan.msk.f32 $0xffff, v11;
	_ =	sdelay $0x4  }
0xe2: {  	vm2 =	vne.s32 v12, v13  }
0xe3: {  	vm3 =	vmor vm2, vm0  }
0xe4: {  	vm2 =	vmand vm2, vm1;
	_ =	sdelay $0x2  }
0xe5: {  	v11, _, _ =	vpop (xrf2)  }
0xe6: {  	v18 =	vsub.f32 $0.0e+00, v11  }
0xe7: {  	[tilespmem:v12+s17+$0x0] =	vst.idx.add.f32.msk vm3, v11  }
0xe8: {  	[tilespmem:v13+s17+$0x0] =	vst.idx.add.f32.msk vm2, v18  }
0xe9: {  	[tilespmem:v12+s19+$0x0] =	vst.idx.add.f32.msk vm3, v9  }
0xea: {  	[tilespmem:v13+s19+$0x0] =	vst.idx.add.f32.msk vm2, v10  }
0xeb: {  	v11 =	vld [tilespmem:$0x28B0];
	_ =	sdelay $0x3  }
0xec: {  	v12 =	vld [tilespmem:s16+$0xFFFFFF30]  }
0xed: {  	v13 =	vld [tilespmem:s16+$0xFFFFFF31];
	(xrf2) =	vadd.scan.msk.f32 $0xffff, v11;
	_ =	sdelay $0x4  }
0xee: {  	vm2 =	vne.s32 v12, v13  }
0xef: {  	vm3 =	vmor vm2, vm0  }
0xf0: {  	vm2 =	vmand vm2, vm1;
	_ =	sdelay $0x2  }
0xf1: {  	v11, _, _ =	vpop (xrf2)  }
0xf2: {  	v19 =	vsub.f32 $0.0e+00, v11  }
0xf3: {  	[tilespmem:v12+s17+$0x0] =	vst.idx.add.f32.msk vm3, v11  }
0xf4: {  	[tilespmem:v13+s17+$0x0] =	vst.idx.add.f32.msk vm2, v19  }
0xf5: {  	[tilespmem:v12+s19+$0x0] =	vst.idx.add.f32.msk vm3, v9  }
0xf6: {  	[tilespmem:v13+s19+$0x0] =	vst.idx.add.f32.msk vm2, v10  }
0xf7: {  	v11 =	vld [tilespmem:$0x28C0];
	_ =	sdelay $0x3  }
0xf8: {  	v12 =	vld [tilespmem:s16+$0xFFFFFF40]  }
0xf9: {  	v13 =	vld [tilespmem:s16+$0xFFFFFF41];
	(xrf2) =	vadd.scan.msk.f32 $0xffff, v11;
	_ =	sdelay $0x4  }
0xfa: {  	vm2 =	vne.s32 v12, v13  }
0xfb: {  	vm3 =	vmor vm2, vm0  }
0xfc: {  	vm2 =	vmand vm2, vm1;
	_ =	sdelay $0x2  }
0xfd: {  	v11, _, _ =	vpop (xrf2)  }
0xfe: {  	v20 =	vsub.f32 $0.0e+00, v11  }
0xff: {  	[tilespmem:v12+s17+$0x0] =	vst.idx.add.f32.msk vm3, v11  }
0x100: {  	[tilespmem:v13+s17+$0x0] =	vst.idx.add.f32.msk vm2, v20  }
0x101: {  	[tilespmem:v12+s19+$0x0] =	vst.idx.add.f32.msk vm3, v9  }
0x102: {  	[tilespmem:v13+s19+$0x0] =	vst.idx.add.f32.msk vm2, v10  }
0x103: {  	v11 =	vld [tilespmem:$0x28D0];
	_ =	sdelay $0x3  }
0x104: {  	v12 =	vld [tilespmem:s16+$0xFFFFFF50]  }
0x105: {  	v13 =	vld [tilespmem:s16+$0xFFFFFF51];
	(xrf2) =	vadd.scan.msk.f32 $0xffff, v11;
	_ =	sdelay $0x4  }
0x106: {  	vm2 =	vne.s32 v12, v13  }
0x107: {  	vm3 =	vmor vm2, vm0  }
0x108: {  	vm2 =	vmand vm2, vm1;
	_ =	sdelay $0x2  }
0x109: {  	v11, _, _ =	vpop (xrf2)  }
0x10a: {  	v21 =	vsub.f32 $0.0e+00, v11  }
0x10b: {  	[tilespmem:v12+s17+$0x0] =	vst.idx.add.f32.msk vm3, v11  }
0x10c: {  	[tilespmem:v13+s17+$0x0] =	vst.idx.add.f32.msk vm2, v21  }
0x10d: {  	[tilespmem:v12+s19+$0x0] =	vst.idx.add.f32.msk vm3, v9  }
0x10e: {  	[tilespmem:v13+s19+$0x0] =	vst.idx.add.f32.msk vm2, v10  }
0x10f: {  	v11 =	vld [tilespmem:$0x28E0];
	_ =	sdelay $0x3  }
0x110: {  	v12 =	vld [tilespmem:s16+$0xFFFFFF60]  }
0x111: {  	v13 =	vld [tilespmem:s16+$0xFFFFFF61];
	(xrf2) =	vadd.scan.msk.f32 $0xffff, v11;
	_ =	sdelay $0x4  }
0x112: {  	vm2 =	vne.s32 v12, v13  }
0x113: {  	vm3 =	vmor vm2, vm0  }
0x114: {  	vm2 =	vmand vm2, vm1;
	_ =	sdelay $0x2  }
0x115: {  	v11, _, _ =	vpop (xrf2)  }
0x116: {  	v22 =	vsub.f32 $0.0e+00, v11  }
0x117: {  	[tilespmem:v12+s17+$0x0] =	vst.idx.add.f32.msk vm3, v11  }
0x118: {  	[tilespmem:v13+s17+$0x0] =	vst.idx.add.f32.msk vm2, v22  }
0x119: {  	[tilespmem:v12+s19+$0x0] =	vst.idx.add.f32.msk vm3, v9  }
0x11a: {  	[tilespmem:v13+s19+$0x0] =	vst.idx.add.f32.msk vm2, v10  }
0x11b: {  	v11 =	vld [tilespmem:$0x28F0];
	_ =	sdelay $0x3  }
0x11c: {  	v12 =	vld [tilespmem:s16+$0xFFFFFF70]  }
0x11d: {  	v13 =	vld [tilespmem:s16+$0xFFFFFF71];
	(xrf2) =	vadd.scan.msk.f32 $0xffff, v11;
	_ =	sdelay $0x4  }
0x11e: {  	vm2 =	vne.s32 v12, v13  }
0x11f: {  	vm3 =	vmor vm2, vm0  }
0x120: {  	vm2 =	vmand vm2, vm1;
	_ =	sdelay $0x2  }
0x121: {  	v11, _, _ =	vpop (xrf2)  }
0x122: {  	v23 =	vsub.f32 $0.0e+00, v11  }
0x123: {  	[tilespmem:v12+s17+$0x0] =	vst.idx.add.f32.msk vm3, v11  }
0x124: {  	[tilespmem:v13+s17+$0x0] =	vst.idx.add.f32.msk vm2, v23  }
0x125: {  	[tilespmem:v12+s19+$0x0] =	vst.idx.add.f32.msk vm3, v9  }
0x126: {  	s0 =	sadd.s32 @!p0 s15, s3;
	s1 =	simm.s32 @!p0 $0x2880;
	[tilespmem:v13+s19+$0x0] =	vst.idx.add.f32.msk vm2, v10  }
0x127: {  	[tilespmem:s1], [sflag:$0x2] =	stream.indirect.gather @!p0 [hbm4b:s0+s18], $0x1, s9, s18, $0xb8;
	[tilespmem:$0xF480] =	vst v63  }
0x128: {  	_ =	swait.ge [sflag:s21], $0x80  }
0x129: {  	[sflag:s21] =	ssyncset.done $0x0  }
0x12a: {  	[sflag:s21] =	ssyncadd.s32 $0xFFFFFF80  }
0x12b: {  	v11 =	vld [tilespmem:$0x2900];
	_ =	sdelay $0x3  }
0x12c: {  	v24 =	vld [tilespmem:s16+$0xFFFFFF80]  }
0x12d: {  	v25 =	vld [tilespmem:s16+$0xFFFFFF81];
	(xrf2) =	vadd.scan.msk.f32 $0xffff, v11;
	_ =	sdelay $0x4  }
0x12e: {  	vm2 =	vne.s32 v24, v25  }
0x12f: {  	vm3 =	vmor vm2, vm0  }
0x130: {  	vm2 =	vmand vm2, vm1;
	_ =	sdelay $0x2  }
0x131: {  	v11, _, _ =	vpop (xrf2)  }
0x132: {  	v26 =	vsub.f32 $0.0e+00, v11  }
0x133: {  	[tilespmem:v24+s17+$0x0] =	vst.idx.add.f32.msk vm3, v11  }
0x134: {  	[tilespmem:v25+s17+$0x0] =	vst.idx.add.f32.msk vm2, v26  }
0x135: {  	[tilespmem:v24+s19+$0x0] =	vst.idx.add.f32.msk vm3, v9  }
0x136: {  	[tilespmem:v25+s19+$0x0] =	vst.idx.add.f32.msk vm2, v10  }
0x137: {  	v11 =	vld [tilespmem:$0x2910];
	_ =	sdelay $0x3  }
0x138: {  	v12 =	vld [tilespmem:s16+$0xFFFFFF90]  }
0x139: {  	v13 =	vld [tilespmem:s16+$0xFFFFFF91];
	(xrf2) =	vadd.scan.msk.f32 $0xffff, v11;
	_ =	sdelay $0x4  }
0x13a: {  	vm2 =	vne.s32 v12, v13  }
0x13b: {  	vm3 =	vmor vm2, vm0  }
0x13c: {  	vm2 =	vmand vm2, vm1;
	_ =	sdelay $0x2  }
0x13d: {  	v11, _, _ =	vpop (xrf2)  }
0x13e: {  	v27 =	vsub.f32 $0.0e+00, v11  }
0x13f: {  	[tilespmem:v12+s17+$0x0] =	vst.idx.add.f32.msk vm3, v11  }
0x140: {  	[tilespmem:v13+s17+$0x0] =	vst.idx.add.f32.msk vm2, v27  }
0x141: {  	[tilespmem:v12+s19+$0x0] =	vst.idx.add.f32.msk vm3, v9  }
0x142: {  	[tilespmem:v13+s19+$0x0] =	vst.idx.add.f32.msk vm2, v10  }
0x143: {  	v11 =	vld [tilespmem:$0x2920];
	_ =	sdelay $0x3  }
0x144: {  	v12 =	vld [tilespmem:s16+$0xFFFFFFA0]  }
0x145: {  	v13 =	vld [tilespmem:s16+$0xFFFFFFA1];
	(xrf2) =	vadd.scan.msk.f32 $0xffff, v11;
	_ =	sdelay $0x4  }
0x146: {  	vm2 =	vne.s32 v12, v13  }
0x147: {  	vm3 =	vmor vm2, vm0  }
0x148: {  	vm2 =	vmand vm2, vm1;
	_ =	sdelay $0x2  }
0x149: {  	v11, _, _ =	vpop (xrf2)  }
0x14a: {  	v28 =	vsub.f32 $0.0e+00, v11  }
0x14b: {  	[tilespmem:v12+s17+$0x0] =	vst.idx.add.f32.msk vm3, v11  }
0x14c: {  	[tilespmem:v13+s17+$0x0] =	vst.idx.add.f32.msk vm2, v28  }
0x14d: {  	[tilespmem:v12+s19+$0x0] =	vst.idx.add.f32.msk vm3, v9  }
0x14e: {  	[tilespmem:v13+s19+$0x0] =	vst.idx.add.f32.msk vm2, v10  }
0x14f: {  	v11 =	vld [tilespmem:$0x2930];
	_ =	sdelay $0x3  }
0x150: {  	v12 =	vld [tilespmem:s16+$0xFFFFFFB0]  }
0x151: {  	v13 =	vld [tilespmem:s16+$0xFFFFFFB1];
	(xrf2) =	vadd.scan.msk.f32 $0xffff, v11;
	_ =	sdelay $0x4  }
0x152: {  	vm2 =	vne.s32 v12, v13  }
0x153: {  	vm3 =	vmor vm2, vm0  }
0x154: {  	vm2 =	vmand vm2, vm1;
	_ =	sdelay $0x2  }
0x155: {  	v11, _, _ =	vpop (xrf2)  }
0x156: {  	v29 =	vsub.f32 $0.0e+00, v11  }
0x157: {  	[tilespmem:v12+s17+$0x0] =	vst.idx.add.f32.msk vm3, v11  }
0x158: {  	[tilespmem:v13+s17+$0x0] =	vst.idx.add.f32.msk vm2, v29  }
0x159: {  	[tilespmem:v12+s19+$0x0] =	vst.idx.add.f32.msk vm3, v9  }
0x15a: {  	[tilespmem:v13+s19+$0x0] =	vst.idx.add.f32.msk vm2, v10  }
0x15b: {  	v11 =	vld [tilespmem:$0x2940];
	_ =	sdelay $0x3  }
0x15c: {  	v12 =	vld [tilespmem:s16+$0xFFFFFFC0]  }
0x15d: {  	v13 =	vld [tilespmem:s16+$0xFFFFFFC1];
	(xrf2) =	vadd.scan.msk.f32 $0xffff, v11;
	_ =	sdelay $0x4  }
0x15e: {  	vm2 =	vne.s32 v12, v13  }
0x15f: {  	vm3 =	vmor vm2, vm0  }
0x160: {  	vm2 =	vmand vm2, vm1;
	_ =	sdelay $0x2  }
0x161: {  	v11, _, _ =	vpop (xrf2)  }
0x162: {  	v30 =	vsub.f32 $0.0e+00, v11  }
0x163: {  	[tilespmem:v12+s17+$0x0] =	vst.idx.add.f32.msk vm3, v11  }
0x164: {  	[tilespmem:v13+s17+$0x0] =	vst.idx.add.f32.msk vm2, v30  }
0x165: {  	[tilespmem:v12+s19+$0x0] =	vst.idx.add.f32.msk vm3, v9  }
0x166: {  	[tilespmem:v13+s19+$0x0] =	vst.idx.add.f32.msk vm2, v10  }
0x167: {  	v11 =	vld [tilespmem:$0x2950];
	_ =	sdelay $0x3  }
0x168: {  	v12 =	vld [tilespmem:s16+$0xFFFFFFD0]  }
0x169: {  	v13 =	vld [tilespmem:s16+$0xFFFFFFD1];
	(xrf2) =	vadd.scan.msk.f32 $0xffff, v11;
	_ =	sdelay $0x4  }
0x16a: {  	vm2 =	vne.s32 v12, v13  }
0x16b: {  	vm3 =	vmor vm2, vm0  }
0x16c: {  	vm2 =	vmand vm2, vm1;
	_ =	sdelay $0x2  }
0x16d: {  	v11, _, _ =	vpop (xrf2)  }
0x16e: {  	v31 =	vsub.f32 $0.0e+00, v11  }
0x16f: {  	[tilespmem:v12+s17+$0x0] =	vst.idx.add.f32.msk vm3, v11  }
0x170: {  	[tilespmem:v13+s17+$0x0] =	vst.idx.add.f32.msk vm2, v31  }
0x171: {  	[tilespmem:v12+s19+$0x0] =	vst.idx.add.f32.msk vm3, v9  }
0x172: {  	[tilespmem:v13+s19+$0x0] =	vst.idx.add.f32.msk vm2, v10  }
0x173: {  	v11 =	vld [tilespmem:$0x2960];
	_ =	sdelay $0x3  }
0x174: {  	v12 =	vld [tilespmem:s16+$0xFFFFFFE0]  }
0x175: {  	v13 =	vld [tilespmem:s16+$0xFFFFFFE1];
	(xrf2) =	vadd.scan.msk.f32 $0xffff, v11;
	_ =	sdelay $0x4  }
0x176: {  	vm2 =	vne.s32 v12, v13  }
0x177: {  	vm3 =	vmor vm2, vm0  }
0x178: {  	vm2 =	vmand vm2, vm1;
	_ =	sdelay $0x2  }
0x179: {  	v11, _, _ =	vpop (xrf2)  }
0x17a: {  	v32 =	vsub.f32 $0.0e+00, v11  }
0x17b: {  	[tilespmem:v12+s17+$0x0] =	vst.idx.add.f32.msk vm3, v11  }
0x17c: {  	[tilespmem:v13+s17+$0x0] =	vst.idx.add.f32.msk vm2, v32  }
0x17d: {  	[tilespmem:v12+s19+$0x0] =	vst.idx.add.f32.msk vm3, v9  }
0x17e: {  	[tilespmem:v13+s19+$0x0] =	vst.idx.add.f32.msk vm2, v10  }
0x17f: {  	v11 =	vld [tilespmem:$0x2970];
	_ =	sdelay $0x3  }
0x180: {  	v12 =	vld [tilespmem:s16+$0xFFFFFFF0]  }
0x181: {  	v13 =	vld [tilespmem:s16+$0xFFFFFFF1];
	(xrf2) =	vadd.scan.msk.f32 $0xffff, v11;
	_ =	sdelay $0x4  }
0x182: {  	vm2 =	vne.s32 v12, v13  }
0x183: {  	vm3 =	vmor vm2, vm0  }
0x184: {  	vm2 =	vmand vm2, vm1;
	_ =	sdelay $0x2  }
0x185: {  	v11, _, _ =	vpop (xrf2)  }
0x186: {  	v33 =	vsub.f32 $0.0e+00, v11  }
0x187: {  	[tilespmem:v12+s17+$0x0] =	vst.idx.add.f32.msk vm3, v11  }
0x188: {  	[tilespmem:v13+s17+$0x0] =	vst.idx.add.f32.msk vm2, v33  }
0x189: {  	[tilespmem:v12+s19+$0x0] =	vst.idx.add.f32.msk vm3, v9  }
0x18a: {  	s0 =	sadd.s32 @!p0 s15, s7;
	s1 =	simm.s32 @!p0 $0x2900;
	[tilespmem:v13+s19+$0x0] =	vst.idx.add.f32.msk vm2, v10  }
0x18b: {  	[tilespmem:s1], [sflag:$0x3] =	stream.indirect.gather @!p0 [hbm4b:s0+s18], $0x1, s9, s18, $0xb8;
	[tilespmem:$0xF480] =	vst v63  }
0x18c: {  	_ =	swait.ge [sflag:s22], $0x80  }
0x18d: {  	[sflag:s22] =	ssyncset.done $0x0  }
0x18e: {  	[sflag:s22] =	ssyncadd.s32 $0xFFFFFF80  }
0x18f: {  	v11 =	vld [tilespmem:$0x2980];
	_ =	sdelay $0x3  }
0x190: {  	v34 =	vld [tilespmem:s16+$0x0]  }
0x191: {  	v35 =	vld [tilespmem:s16+$0x1];
	(xrf2) =	vadd.scan.msk.f32 $0xffff, v11;
	_ =	sdelay $0x4  }
0x192: {  	vm2 =	vne.s32 v34, v35  }
0x193: {  	vm3 =	vmor vm2, vm0  }
0x194: {  	vm2 =	vmand vm2, vm1;
	_ =	sdelay $0x2  }
0x195: {  	v11, _, _ =	vpop (xrf2)  }
0x196: {  	v36 =	vsub.f32 $0.0e+00, v11  }
0x197: {  	[tilespmem:v34+s17+$0x0] =	vst.idx.add.f32.msk vm3, v11  }
0x198: {  	[tilespmem:v35+s17+$0x0] =	vst.idx.add.f32.msk vm2, v36  }
0x199: {  	[tilespmem:v34+s19+$0x0] =	vst.idx.add.f32.msk vm3, v9  }
0x19a: {  	[tilespmem:v35+s19+$0x0] =	vst.idx.add.f32.msk vm2, v10  }
0x19b: {  	v11 =	vld [tilespmem:$0x2990];
	_ =	sdelay $0x3  }
0x19c: {  	v12 =	vld [tilespmem:s16+$0x10]  }
0x19d: {  	v13 =	vld [tilespmem:s16+$0x11];
	(xrf2) =	vadd.scan.msk.f32 $0xffff, v11;
	_ =	sdelay $0x4  }
0x19e: {  	vm2 =	vne.s32 v12, v13  }
0x19f: {  	vm3 =	vmor vm2, vm0  }
0x1a0: {  	vm2 =	vmand vm2, vm1;
	_ =	sdelay $0x2  }
0x1a1: {  	v11, _, _ =	vpop (xrf2)  }
0x1a2: {  	v37 =	vsub.f32 $0.0e+00, v11  }
0x1a3: {  	[tilespmem:v12+s17+$0x0] =	vst.idx.add.f32.msk vm3, v11  }
0x1a4: {  	[tilespmem:v13+s17+$0x0] =	vst.idx.add.f32.msk vm2, v37  }
0x1a5: {  	[tilespmem:v12+s19+$0x0] =	vst.idx.add.f32.msk vm3, v9  }
0x1a6: {  	[tilespmem:v13+s19+$0x0] =	vst.idx.add.f32.msk vm2, v10  }
0x1a7: {  	v11 =	vld [tilespmem:$0x29A0];
	_ =	sdelay $0x3  }
0x1a8: {  	v12 =	vld [tilespmem:s16+$0x20]  }
0x1a9: {  	v13 =	vld [tilespmem:s16+$0x21];
	(xrf2) =	vadd.scan.msk.f32 $0xffff, v11;
	_ =	sdelay $0x4  }
0x1aa: {  	vm2 =	vne.s32 v12, v13  }
0x1ab: {  	vm3 =	vmor vm2, vm0  }
0x1ac: {  	vm2 =	vmand vm2, vm1;
	_ =	sdelay $0x2  }
0x1ad: {  	v11, _, _ =	vpop (xrf2)  }
0x1ae: {  	v38 =	vsub.f32 $0.0e+00, v11  }
0x1af: {  	[tilespmem:v12+s17+$0x0] =	vst.idx.add.f32.msk vm3, v11  }
0x1b0: {  	[tilespmem:v13+s17+$0x0] =	vst.idx.add.f32.msk vm2, v38  }
0x1b1: {  	[tilespmem:v12+s19+$0x0] =	vst.idx.add.f32.msk vm3, v9  }
0x1b2: {  	[tilespmem:v13+s19+$0x0] =	vst.idx.add.f32.msk vm2, v10  }
0x1b3: {  	v11 =	vld [tilespmem:$0x29B0];
	_ =	sdelay $0x3  }
0x1b4: {  	v12 =	vld [tilespmem:s16+$0x30]  }
0x1b5: {  	v13 =	vld [tilespmem:s16+$0x31];
	(xrf2) =	vadd.scan.msk.f32 $0xffff, v11;
	_ =	sdelay $0x4  }
0x1b6: {  	vm2 =	vne.s32 v12, v13  }
0x1b7: {  	vm3 =	vmor vm2, vm0  }
0x1b8: {  	vm2 =	vmand vm2, vm1;
	_ =	sdelay $0x2  }
0x1b9: {  	v11, _, _ =	vpop (xrf2)  }
0x1ba: {  	v39 =	vsub.f32 $0.0e+00, v11  }
0x1bb: {  	[tilespmem:v12+s17+$0x0] =	vst.idx.add.f32.msk vm3, v11  }
0x1bc: {  	[tilespmem:v13+s17+$0x0] =	vst.idx.add.f32.msk vm2, v39  }
0x1bd: {  	[tilespmem:v12+s19+$0x0] =	vst.idx.add.f32.msk vm3, v9  }
0x1be: {  	[tilespmem:v13+s19+$0x0] =	vst.idx.add.f32.msk vm2, v10  }
0x1bf: {  	v11 =	vld [tilespmem:$0x29C0];
	_ =	sdelay $0x3  }
0x1c0: {  	v12 =	vld [tilespmem:s16+$0x40]  }
0x1c1: {  	v13 =	vld [tilespmem:s16+$0x41];
	(xrf2) =	vadd.scan.msk.f32 $0xffff, v11;
	_ =	sdelay $0x4  }
0x1c2: {  	vm2 =	vne.s32 v12, v13  }
0x1c3: {  	vm3 =	vmor vm2, vm0  }
0x1c4: {  	vm2 =	vmand vm2, vm1;
	_ =	sdelay $0x2  }
0x1c5: {  	v11, _, _ =	vpop (xrf2)  }
0x1c6: {  	v40 =	vsub.f32 $0.0e+00, v11  }
0x1c7: {  	[tilespmem:v12+s17+$0x0] =	vst.idx.add.f32.msk vm3, v11  }
0x1c8: {  	[tilespmem:v13+s17+$0x0] =	vst.idx.add.f32.msk vm2, v40  }
0x1c9: {  	[tilespmem:v12+s19+$0x0] =	vst.idx.add.f32.msk vm3, v9  }
0x1ca: {  	[tilespmem:v13+s19+$0x0] =	vst.idx.add.f32.msk vm2, v10  }
0x1cb: {  	v11 =	vld [tilespmem:$0x29D0];
	_ =	sdelay $0x3  }
0x1cc: {  	v12 =	vld [tilespmem:s16+$0x50]  }
0x1cd: {  	v13 =	vld [tilespmem:s16+$0x51];
	(xrf2) =	vadd.scan.msk.f32 $0xffff, v11;
	_ =	sdelay $0x4  }
0x1ce: {  	vm2 =	vne.s32 v12, v13  }
0x1cf: {  	vm3 =	vmor vm2, vm0  }
0x1d0: {  	vm2 =	vmand vm2, vm1;
	_ =	sdelay $0x2  }
0x1d1: {  	v11, _, _ =	vpop (xrf2)  }
0x1d2: {  	v41 =	vsub.f32 $0.0e+00, v11  }
0x1d3: {  	[tilespmem:v12+s17+$0x0] =	vst.idx.add.f32.msk vm3, v11  }
0x1d4: {  	[tilespmem:v13+s17+$0x0] =	vst.idx.add.f32.msk vm2, v41  }
0x1d5: {  	[tilespmem:v12+s19+$0x0] =	vst.idx.add.f32.msk vm3, v9  }
0x1d6: {  	[tilespmem:v13+s19+$0x0] =	vst.idx.add.f32.msk vm2, v10  }
0x1d7: {  	v11 =	vld [tilespmem:$0x29E0];
	_ =	sdelay $0x3  }
0x1d8: {  	v12 =	vld [tilespmem:s16+$0x60]  }
0x1d9: {  	v13 =	vld [tilespmem:s16+$0x61];
	(xrf2) =	vadd.scan.msk.f32 $0xffff, v11;
	_ =	sdelay $0x4  }
0x1da: {  	vm2 =	vne.s32 v12, v13  }
0x1db: {  	vm3 =	vmor vm2, vm0  }
0x1dc: {  	vm2 =	vmand vm2, vm1;
	_ =	sdelay $0x2  }
0x1dd: {  	v11, _, _ =	vpop (xrf2)  }
0x1de: {  	v42 =	vsub.f32 $0.0e+00, v11  }
0x1df: {  	[tilespmem:v12+s17+$0x0] =	vst.idx.add.f32.msk vm3, v11  }
0x1e0: {  	[tilespmem:v13+s17+$0x0] =	vst.idx.add.f32.msk vm2, v42  }
0x1e1: {  	[tilespmem:v12+s19+$0x0] =	vst.idx.add.f32.msk vm3, v9  }
0x1e2: {  	[tilespmem:v13+s19+$0x0] =	vst.idx.add.f32.msk vm2, v10  }
0x1e3: {  	v11 =	vld [tilespmem:$0x29F0];
	_ =	sdelay $0x3  }
0x1e4: {  	v12 =	vld [tilespmem:s16+$0x70]  }
0x1e5: {  	v13 =	vld [tilespmem:s16+$0x71];
	(xrf2) =	vadd.scan.msk.f32 $0xffff, v11;
	_ =	sdelay $0x4  }
0x1e6: {  	vm2 =	vne.s32 v12, v13  }
0x1e7: {  	vm3 =	vmor vm2, vm0  }
0x1e8: {  	vm2 =	vmand vm2, vm1;
	_ =	sdelay $0x2  }
0x1e9: {  	v11, _, _ =	vpop (xrf2)  }
0x1ea: {  	v43 =	vsub.f32 $0.0e+00, v11  }
0x1eb: {  	[tilespmem:v12+s17+$0x0] =	vst.idx.add.f32.msk vm3, v11  }
0x1ec: {  	[tilespmem:v13+s17+$0x0] =	vst.idx.add.f32.msk vm2, v43  }
0x1ed: {  	[tilespmem:v12+s19+$0x0] =	vst.idx.add.f32.msk vm3, v9  }
0x1ee: {  	s0 =	sadd.s32 @!p0 s15, s6;
	s1 =	simm.s32 @!p0 $0x2980;
	[tilespmem:v13+s19+$0x0] =	vst.idx.add.f32.msk vm2, v10  }
0x1ef: {  	[tilespmem:s1], [sflag:$0x4] =	stream.indirect.gather @!p0 [hbm4b:s0+s18], $0x1, s9, s18, $0xb8;
	[tilespmem:$0xF480] =	vst v63  }
0x1f0: {  	_ =	swait.ge [sflag:s23], $0x80  }
0x1f1: {  	[sflag:s23] =	ssyncset.done $0x0  }
0x1f2: {  	[sflag:s23] =	ssyncadd.s32 $0xFFFFFF80  }
0x1f3: {  	v11 =	vld [tilespmem:$0x2A00];
	_ =	sdelay $0x3  }
0x1f4: {  	v44 =	vld [tilespmem:s16+$0x80]  }
0x1f5: {  	v45 =	vld [tilespmem:s16+$0x81];
	(xrf2) =	vadd.scan.msk.f32 $0xffff, v11;
	_ =	sdelay $0x4  }
0x1f6: {  	vm2 =	vne.s32 v44, v45  }
0x1f7: {  	vm3 =	vmor vm2, vm0  }
0x1f8: {  	vm2 =	vmand vm2, vm1;
	_ =	sdelay $0x2  }
0x1f9: {  	v11, _, _ =	vpop (xrf2)  }
0x1fa: {  	v46 =	vsub.f32 $0.0e+00, v11  }
0x1fb: {  	[tilespmem:v44+s17+$0x0] =	vst.idx.add.f32.msk vm3, v11  }
0x1fc: {  	[tilespmem:v45+s17+$0x0] =	vst.idx.add.f32.msk vm2, v46  }
0x1fd: {  	[tilespmem:v44+s19+$0x0] =	vst.idx.add.f32.msk vm3, v9  }
0x1fe: {  	[tilespmem:v45+s19+$0x0] =	vst.idx.add.f32.msk vm2, v10  }
0x1ff: {  	v11 =	vld [tilespmem:$0x2A10];
	_ =	sdelay $0x3  }
0x200: {  	v12 =	vld [tilespmem:s16+$0x90]  }
0x201: {  	v13 =	vld [tilespmem:s16+$0x91];
	(xrf2) =	vadd.scan.msk.f32 $0xffff, v11;
	_ =	sdelay $0x4  }
0x202: {  	vm2 =	vne.s32 v12, v13  }
0x203: {  	vm3 =	vmor vm2, vm0  }
0x204: {  	vm2 =	vmand vm2, vm1;
	_ =	sdelay $0x2  }
0x205: {  	v11, _, _ =	vpop (xrf2)  }
0x206: {  	v47 =	vsub.f32 $0.0e+00, v11  }
0x207: {  	[tilespmem:v12+s17+$0x0] =	vst.idx.add.f32.msk vm3, v11  }
0x208: {  	[tilespmem:v13+s17+$0x0] =	vst.idx.add.f32.msk vm2, v47  }
0x209: {  	[tilespmem:v12+s19+$0x0] =	vst.idx.add.f32.msk vm3, v9  }
0x20a: {  	[tilespmem:v13+s19+$0x0] =	vst.idx.add.f32.msk vm2, v10  }
0x20b: {  	v11 =	vld [tilespmem:$0x2A20];
	_ =	sdelay $0x3  }
0x20c: {  	v12 =	vld [tilespmem:s16+$0xA0]  }
0x20d: {  	v13 =	vld [tilespmem:s16+$0xA1];
	(xrf2) =	vadd.scan.msk.f32 $0xffff, v11;
	_ =	sdelay $0x4  }
0x20e: {  	vm2 =	vne.s32 v12, v13  }
0x20f: {  	vm3 =	vmor vm2, vm0  }
0x210: {  	vm2 =	vmand vm2, vm1;
	_ =	sdelay $0x2  }
0x211: {  	v11, _, _ =	vpop (xrf2)  }
0x212: {  	v48 =	vsub.f32 $0.0e+00, v11  }
0x213: {  	[tilespmem:v12+s17+$0x0] =	vst.idx.add.f32.msk vm3, v11  }
0x214: {  	[tilespmem:v13+s17+$0x0] =	vst.idx.add.f32.msk vm2, v48  }
0x215: {  	[tilespmem:v12+s19+$0x0] =	vst.idx.add.f32.msk vm3, v9  }
0x216: {  	[tilespmem:v13+s19+$0x0] =	vst.idx.add.f32.msk vm2, v10  }
0x217: {  	v11 =	vld [tilespmem:$0x2A30];
	_ =	sdelay $0x3  }
0x218: {  	v12 =	vld [tilespmem:s16+$0xB0]  }
0x219: {  	v13 =	vld [tilespmem:s16+$0xB1];
	(xrf2) =	vadd.scan.msk.f32 $0xffff, v11;
	_ =	sdelay $0x4  }
0x21a: {  	vm2 =	vne.s32 v12, v13  }
0x21b: {  	vm3 =	vmor vm2, vm0  }
0x21c: {  	vm2 =	vmand vm2, vm1;
	_ =	sdelay $0x2  }
0x21d: {  	v11, _, _ =	vpop (xrf2)  }
0x21e: {  	v49 =	vsub.f32 $0.0e+00, v11  }
0x21f: {  	[tilespmem:v12+s17+$0x0] =	vst.idx.add.f32.msk vm3, v11  }
0x220: {  	[tilespmem:v13+s17+$0x0] =	vst.idx.add.f32.msk vm2, v49  }
0x221: {  	[tilespmem:v12+s19+$0x0] =	vst.idx.add.f32.msk vm3, v9  }
0x222: {  	[tilespmem:v13+s19+$0x0] =	vst.idx.add.f32.msk vm2, v10  }
0x223: {  	v11 =	vld [tilespmem:$0x2A40];
	_ =	sdelay $0x3  }
0x224: {  	v12 =	vld [tilespmem:s16+$0xC0]  }
0x225: {  	v13 =	vld [tilespmem:s16+$0xC1];
	(xrf2) =	vadd.scan.msk.f32 $0xffff, v11;
	_ =	sdelay $0x4  }
0x226: {  	vm2 =	vne.s32 v12, v13  }
0x227: {  	vm3 =	vmor vm2, vm0  }
0x228: {  	vm2 =	vmand vm2, vm1;
	_ =	sdelay $0x2  }
0x229: {  	v11, _, _ =	vpop (xrf2)  }
0x22a: {  	v50 =	vsub.f32 $0.0e+00, v11  }
0x22b: {  	[tilespmem:v12+s17+$0x0] =	vst.idx.add.f32.msk vm3, v11  }
0x22c: {  	[tilespmem:v13+s17+$0x0] =	vst.idx.add.f32.msk vm2, v50  }
0x22d: {  	[tilespmem:v12+s19+$0x0] =	vst.idx.add.f32.msk vm3, v9  }
0x22e: {  	[tilespmem:v13+s19+$0x0] =	vst.idx.add.f32.msk vm2, v10  }
0x22f: {  	v11 =	vld [tilespmem:$0x2A50];
	_ =	sdelay $0x3  }
0x230: {  	v12 =	vld [tilespmem:s16+$0xD0]  }
0x231: {  	v13 =	vld [tilespmem:s16+$0xD1];
	(xrf2) =	vadd.scan.msk.f32 $0xffff, v11;
	_ =	sdelay $0x4  }
0x232: {  	vm2 =	vne.s32 v12, v13  }
0x233: {  	vm3 =	vmor vm2, vm0  }
0x234: {  	vm2 =	vmand vm2, vm1;
	_ =	sdelay $0x2  }
0x235: {  	v11, _, _ =	vpop (xrf2)  }
0x236: {  	v51 =	vsub.f32 $0.0e+00, v11  }
0x237: {  	[tilespmem:v12+s17+$0x0] =	vst.idx.add.f32.msk vm3, v11  }
0x238: {  	[tilespmem:v13+s17+$0x0] =	vst.idx.add.f32.msk vm2, v51  }
0x239: {  	[tilespmem:v12+s19+$0x0] =	vst.idx.add.f32.msk vm3, v9  }
0x23a: {  	[tilespmem:v13+s19+$0x0] =	vst.idx.add.f32.msk vm2, v10  }
0x23b: {  	v11 =	vld [tilespmem:$0x2A60];
	_ =	sdelay $0x3  }
0x23c: {  	v12 =	vld [tilespmem:s16+$0xE0]  }
0x23d: {  	v13 =	vld [tilespmem:s16+$0xE1];
	(xrf2) =	vadd.scan.msk.f32 $0xffff, v11;
	_ =	sdelay $0x4  }
0x23e: {  	vm2 =	vne.s32 v12, v13  }
0x23f: {  	vm3 =	vmor vm2, vm0  }
0x240: {  	vm2 =	vmand vm2, vm1;
	_ =	sdelay $0x2  }
0x241: {  	v11, _, _ =	vpop (xrf2)  }
0x242: {  	v52 =	vsub.f32 $0.0e+00, v11  }
0x243: {  	[tilespmem:v12+s17+$0x0] =	vst.idx.add.f32.msk vm3, v11  }
0x244: {  	[tilespmem:v13+s17+$0x0] =	vst.idx.add.f32.msk vm2, v52  }
0x245: {  	[tilespmem:v12+s19+$0x0] =	vst.idx.add.f32.msk vm3, v9  }
0x246: {  	[tilespmem:v13+s19+$0x0] =	vst.idx.add.f32.msk vm2, v10  }
0x247: {  	v11 =	vld [tilespmem:$0x2A70];
	_ =	sdelay $0x3  }
0x248: {  	v12 =	vld [tilespmem:s16+$0xF0]  }
0x249: {  	v13 =	vld [tilespmem:s16+$0xF1];
	(xrf2) =	vadd.scan.msk.f32 $0xffff, v11;
	_ =	sdelay $0x4  }
0x24a: {  	vm2 =	vne.s32 v12, v13  }
0x24b: {  	vm3 =	vmor vm2, vm0  }
0x24c: {  	vm2 =	vmand vm2, vm1;
	_ =	sdelay $0x2  }
0x24d: {  	v11, _, _ =	vpop (xrf2)  }
0x24e: {  	v53 =	vsub.f32 $0.0e+00, v11  }
0x24f: {  	[tilespmem:v12+s17+$0x0] =	vst.idx.add.f32.msk vm3, v11  }
0x250: {  	[tilespmem:v13+s17+$0x0] =	vst.idx.add.f32.msk vm2, v53  }
0x251: {  	[tilespmem:v12+s19+$0x0] =	vst.idx.add.f32.msk vm3, v9  }
0x252: {  	s0 =	sadd.s32 @!p0 s15, s5;
	s1 =	simm.s32 @!p0 $0x2A00;
	[tilespmem:v13+s19+$0x0] =	vst.idx.add.f32.msk vm2, v10  }
0x253: {  	[tilespmem:s1], [sflag:$0x5] =	stream.indirect.gather @!p0 [hbm4b:s0+s18], $0x1, s9, s18, $0xb8;
	[tilespmem:$0xF480] =	vst v63  }
0x254: {  	_ =	swait.ge [sflag:s25], $0x80  }
0x255: {  	[sflag:s25] =	ssyncset.done $0x0  }
0x256: {  	[sflag:s25] =	ssyncadd.s32 $0xFFFFFF80  }
0x257: {  	v11 =	vld [tilespmem:$0x2A80];
	_ =	sdelay $0x3  }
0x258: {  	v54 =	vld [tilespmem:s16+$0x100]  }
0x259: {  	v55 =	vld [tilespmem:s16+$0x101];
	(xrf2) =	vadd.scan.msk.f32 $0xffff, v11;
	_ =	sdelay $0x4  }
0x25a: {  	vm2 =	vne.s32 v54, v55  }
0x25b: {  	vm3 =	vmor vm2, vm0  }
0x25c: {  	vm2 =	vmand vm2, vm1;
	_ =	sdelay $0x2  }
0x25d: {  	v11, _, _ =	vpop (xrf2)  }
0x25e: {  	v56 =	vsub.f32 $0.0e+00, v11  }
0x25f: {  	[tilespmem:v54+s17+$0x0] =	vst.idx.add.f32.msk vm3, v11  }
0x260: {  	[tilespmem:v55+s17+$0x0] =	vst.idx.add.f32.msk vm2, v56  }
0x261: {  	[tilespmem:v54+s19+$0x0] =	vst.idx.add.f32.msk vm3, v9  }
0x262: {  	[tilespmem:v55+s19+$0x0] =	vst.idx.add.f32.msk vm2, v10  }
0x263: {  	v11 =	vld [tilespmem:$0x2A90];
	_ =	sdelay $0x3  }
0x264: {  	v12 =	vld [tilespmem:s16+$0x110]  }
0x265: {  	v13 =	vld [tilespmem:s16+$0x111];
	(xrf2) =	vadd.scan.msk.f32 $0xffff, v11;
	_ =	sdelay $0x4  }
0x266: {  	vm2 =	vne.s32 v12, v13  }
0x267: {  	vm3 =	vmor vm2, vm0  }
0x268: {  	vm2 =	vmand vm2, vm1;
	_ =	sdelay $0x2  }
0x269: {  	v11, _, _ =	vpop (xrf2)  }
0x26a: {  	v57 =	vsub.f32 $0.0e+00, v11  }
0x26b: {  	[tilespmem:v12+s17+$0x0] =	vst.idx.add.f32.msk vm3, v11  }
0x26c: {  	[tilespmem:v13+s17+$0x0] =	vst.idx.add.f32.msk vm2, v57  }
0x26d: {  	[tilespmem:v12+s19+$0x0] =	vst.idx.add.f32.msk vm3, v9  }
0x26e: {  	[tilespmem:v13+s19+$0x0] =	vst.idx.add.f32.msk vm2, v10  }
0x26f: {  	v11 =	vld [tilespmem:$0x2AA0];
	_ =	sdelay $0x3  }
0x270: {  	v12 =	vld [tilespmem:s16+$0x120]  }
0x271: {  	v13 =	vld [tilespmem:s16+$0x121];
	(xrf2) =	vadd.scan.msk.f32 $0xffff, v11;
	_ =	sdelay $0x4  }
0x272: {  	vm2 =	vne.s32 v12, v13  }
0x273: {  	vm3 =	vmor vm2, vm0  }
0x274: {  	vm2 =	vmand vm2, vm1;
	_ =	sdelay $0x2  }
0x275: {  	v11, _, _ =	vpop (xrf2)  }
0x276: {  	v58 =	vsub.f32 $0.0e+00, v11  }
0x277: {  	[tilespmem:v12+s17+$0x0] =	vst.idx.add.f32.msk vm3, v11  }
0x278: {  	[tilespmem:v13+s17+$0x0] =	vst.idx.add.f32.msk vm2, v58  }
0x279: {  	[tilespmem:v12+s19+$0x0] =	vst.idx.add.f32.msk vm3, v9  }
0x27a: {  	[tilespmem:v13+s19+$0x0] =	vst.idx.add.f32.msk vm2, v10  }
0x27b: {  	v11 =	vld [tilespmem:$0x2AB0];
	_ =	sdelay $0x3  }
0x27c: {  	v12 =	vld [tilespmem:s16+$0x130]  }
0x27d: {  	v13 =	vld [tilespmem:s16+$0x131];
	(xrf2) =	vadd.scan.msk.f32 $0xffff, v11;
	_ =	sdelay $0x4  }
0x27e: {  	vm2 =	vne.s32 v12, v13  }
0x27f: {  	vm3 =	vmor vm2, vm0  }
0x280: {  	vm2 =	vmand vm2, vm1;
	_ =	sdelay $0x2  }
0x281: {  	v11, _, _ =	vpop (xrf2)  }
0x282: {  	v59 =	vsub.f32 $0.0e+00, v11  }
0x283: {  	[tilespmem:v12+s17+$0x0] =	vst.idx.add.f32.msk vm3, v11  }
0x284: {  	[tilespmem:v13+s17+$0x0] =	vst.idx.add.f32.msk vm2, v59  }
0x285: {  	[tilespmem:v12+s19+$0x0] =	vst.idx.add.f32.msk vm3, v9  }
0x286: {  	[tilespmem:v13+s19+$0x0] =	vst.idx.add.f32.msk vm2, v10  }
0x287: {  	v11 =	vld [tilespmem:$0x2AC0];
	_ =	sdelay $0x3  }
0x288: {  	v12 =	vld [tilespmem:s16+$0x140]  }
0x289: {  	v13 =	vld [tilespmem:s16+$0x141];
	(xrf2) =	vadd.scan.msk.f32 $0xffff, v11;
	_ =	sdelay $0x4  }
0x28a: {  	vm2 =	vne.s32 v12, v13  }
0x28b: {  	vm3 =	vmor vm2, vm0  }
0x28c: {  	vm2 =	vmand vm2, vm1;
	_ =	sdelay $0x2  }
0x28d: {  	v11, _, _ =	vpop (xrf2)  }
0x28e: {  	v60 =	vsub.f32 $0.0e+00, v11  }
0x28f: {  	[tilespmem:v12+s17+$0x0] =	vst.idx.add.f32.msk vm3, v11  }
0x290: {  	[tilespmem:v13+s17+$0x0] =	vst.idx.add.f32.msk vm2, v60  }
0x291: {  	[tilespmem:v12+s19+$0x0] =	vst.idx.add.f32.msk vm3, v9  }
0x292: {  	[tilespmem:v13+s19+$0x0] =	vst.idx.add.f32.msk vm2, v10  }
0x293: {  	v11 =	vld [tilespmem:$0x2AD0];
	_ =	sdelay $0x3  }
0x294: {  	v12 =	vld [tilespmem:s16+$0x150]  }
0x295: {  	v13 =	vld [tilespmem:s16+$0x151];
	(xrf2) =	vadd.scan.msk.f32 $0xffff, v11;
	_ =	sdelay $0x4  }
0x296: {  	vm2 =	vne.s32 v12, v13  }
0x297: {  	vm3 =	vmor vm2, vm0  }
0x298: {  	vm2 =	vmand vm2, vm1;
	_ =	sdelay $0x2  }
0x299: {  	v11, _, _ =	vpop (xrf2)  }
0x29a: {  	v61 =	vsub.f32 $0.0e+00, v11  }
0x29b: {  	[tilespmem:v12+s17+$0x0] =	vst.idx.add.f32.msk vm3, v11  }
0x29c: {  	[tilespmem:v13+s17+$0x0] =	vst.idx.add.f32.msk vm2, v61  }
0x29d: {  	[tilespmem:v12+s19+$0x0] =	vst.idx.add.f32.msk vm3, v9  }
0x29e: {  	[tilespmem:v13+s19+$0x0] =	vst.idx.add.f32.msk vm2, v10  }
0x29f: {  	v11 =	vld [tilespmem:$0x2AE0];
	_ =	sdelay $0x3  }
0x2a0: {  	v12 =	vld [tilespmem:s16+$0x160]  }
0x2a1: {  	v13 =	vld [tilespmem:s16+$0x161];
	(xrf2) =	vadd.scan.msk.f32 $0xffff, v11;
	_ =	sdelay $0x4  }
0x2a2: {  	vm2 =	vne.s32 v12, v13  }
0x2a3: {  	vm3 =	vmor vm2, vm0  }
0x2a4: {  	vm2 =	vmand vm2, vm1;
	_ =	sdelay $0x2  }
0x2a5: {  	v11, _, _ =	vpop (xrf2)  }
0x2a6: {  	v62 =	vsub.f32 $0.0e+00, v11  }
0x2a7: {  	[tilespmem:v12+s17+$0x0] =	vst.idx.add.f32.msk vm3, v11  }
0x2a8: {  	[tilespmem:v13+s17+$0x0] =	vst.idx.add.f32.msk vm2, v62  }
0x2a9: {  	[tilespmem:v12+s19+$0x0] =	vst.idx.add.f32.msk vm3, v9  }
0x2aa: {  	[tilespmem:v13+s19+$0x0] =	vst.idx.add.f32.msk vm2, v10  }
0x2ab: {  	v11 =	vld [tilespmem:$0x2AF0];
	_ =	sdelay $0x3  }
0x2ac: {  	v12 =	vld [tilespmem:s16+$0x170]  }
0x2ad: {  	v13 =	vld [tilespmem:s16+$0x171];
	(xrf2) =	vadd.scan.msk.f32 $0xffff, v11;
	_ =	sdelay $0x4  }
0x2ae: {  	vm2 =	vne.s32 v12, v13  }
0x2af: {  	vm3 =	vmor vm2, vm0  }
0x2b0: {  	vm2 =	vmand vm2, vm1;
	_ =	sdelay $0x2  }
0x2b1: {  	v11, _, _ =	vpop (xrf2)  }
.Ltmp1:
0x2b2: {  	v63 =	vsub.f32 $0.0e+00, v11;
	(pc) =	sbr.rel @p0 .LBB2_6-.Ltmp1, $4  }
0x2b3: {  	[tilespmem:v12+s17+$0x0] =	vst.idx.add.f32.msk vm3, v11  }
0x2b4: {  	[tilespmem:v13+s17+$0x0] =	vst.idx.add.f32.msk vm2, v63  }
0x2b5: {  	[tilespmem:v12+s19+$0x0] =	vst.idx.add.f32.msk vm3, v9  }
0x2b6: {  	[tilespmem:v13+s19+$0x0] =	vst.idx.add.f32.msk vm2, v10  }
.Ltmp2:
0x2b7: {  	(pc) =	sbr.rel .LBB2_4-.Ltmp2, $4  }
0x2b8: {  	_ = 	snop  }
0x2b9: {  	s0 =	sadd.s32 s15, s4  }
0x2ba: {  	s15 =	sadd.s32 $0x3000, s15;
	s24 =	sadd.s32 $0x18000, s24;
	s16 =	sadd.s32 $0x300, s16  }
0x2bb: {  	[tilespmem:s13], [sflag:$0x6] =	stream.indirect.gather [hbm4b:s0+s10], $0x1, s8, s10, $0xb8;
	[tilespmem:$0xF480] =	vst v63  }
.LBB2_6:
0x2bc: {  	s0 =	simm.s32 $0x7  }
0x2bd: {  	_ =	swait.ge [sflag:s0], $0x10  }
0x2be: {  	[sflag:s0] =	ssyncset.done $0x0  }
0x2bf: {  	[sflag:s0] =	ssyncadd.s32 $0xFFFFFFF0  }
0x2c0: {  	v11 =	vld [tilespmem:$0x2B00];
	_ =	sdelay $0x3  }
0x2c1: {  	v12 =	vld [tilespmem:$0x2700]  }
0x2c2: {  	v13 =	vld [tilespmem:$0x2701];
	(xrf2) =	vadd.scan.msk.f32 $0xffff, v11;
	_ =	sdelay $0x4  }
0x2c3: {  	vm2 =	vne.s32 v12, v13  }
0x2c4: {  	vm3 =	vmor vm2, vm0  }
0x2c5: {  	vm2 =	vmand vm2, vm1;
	_ =	sdelay $0x2  }
0x2c6: {  	v11, _, _ =	vpop (xrf2)  }
0x2c7: {  	s2 =	simm.s32 $0x2B80;
	v14 =	vsub.f32 $0.0e+00, v11  }
0x2c8: {  	[tilespmem:v12+s2+$0x0] =	vst.idx.add.f32.msk vm3, v11  }
0x2c9: {  	s26 =	sld [smem:$0x7F1];
	[tilespmem:v13+s2+$0x0] =	vst.idx.add.f32.msk vm2, v14  }
0x2ca: {  	[tilespmem:v12+s19+$0x0] =	vst.idx.add.f32.msk vm3, v9  }
0x2cb: {  	s1 =	simm.s32 $0x400;
	s4 =	simm.s32 $0x9;
	[tilespmem:v13+s19+$0x0] =	vst.idx.add.f32.msk vm2, v10  }
0x2cc: {  	[spmem:s26] =	stream.strided.scatter [tilespmem:s2], [sflag:$0x9], $0x2800, s1, s10, $0x38;
	[tilespmem:$0xF480] =	vst v63  }
0x2cd: {  	_ =	swait.ge [sflag:s4], $0x2800  }
0x2ce: {  	s28 =	sld [smem:$0x7F2]  }
0x2cf: {  	[sflag:s4] =	ssyncset.done $0x0  }
0x2d0: {  	[sflag:s4] =	ssyncadd.s32 $0xFFFFD800  }
0x2d1: {  	[spmem:s28] =	stream.strided.scatter [tilespmem:s19], [sflag:$0x9], $0x2800, s1, s10, $0x38;
	[tilespmem:$0xF480] =	vst v63  }
0x2d2: {  	_ =	swait.ge [sflag:s4], $0x2800  }
0x2d3: {  	[sflag:s4] =	ssyncset.done $0x0  }
0x2d4: {  	[sflag:s4] =	ssyncadd.s32 $0xFFFFD800  }
0x2d5: {  	[bflag:$0x0] =	sbarrier.arrive $0xFFFF  }
0x2d6: {  	s29 =	sld [smem:$0x7F3]  }
0x2d7: {  	s30 =	simm.s32 $0x1400  }
0x2d8: {  	s3 =	simm.s32 $0x14000;
	s5 =	simm.s32 $0xCC80;
	s12 =	simm.s32 $0x0  }
0x2d9: {  	[tilespmem:s5], [sflag:$0x9] =	stream.strided.gather [spmem:s29], $0x2800, s3, s30, $0x38;
	[tilespmem:$0xF480] =	vst v63  }
0x2da: {  	s31 =	sand.u32 $0x1C00, s12;
	_ =	swait.ge [sflag:s4], $0x2800  }
0x2db: {  	s8 =	sadd.s32 $0xCC80, s31;
	s3 =	sand.u32 $0x40, s12;
	[sflag:s4] =	ssyncset.done $0x0  }
0x2dc: {  	s9 =	sor.u32 s3, s8;
	[sflag:s4] =	ssyncadd.s32 $0xFFFFD800  }
0x2dd: {  	v11 =	vld [tilespmem:s9+$0x0]  }
0x2de: {  	v12 =	vld [tilespmem:s9+$0x80];
	_ =	sdelay $0x1  }
0x2df: {  	v13 =	vld [tilespmem:s9+$0x100];
	_ =	sdelay $0x1  }
0x2e0: {  	v14 =	vld [tilespmem:s9+$0x180]  }
0x2e1: {  	v11 =	vadd.f32 v12, v11  }
0x2e2: {  	v12 =	vld [tilespmem:s9+$0x200]  }
0x2e3: {  	v11 =	vadd.f32 v13, v11  }
0x2e4: {  	v13 =	vld [tilespmem:s9+$0x280]  }
0x2e5: {  	v11 =	vadd.f32 v14, v11  }
0x2e6: {  	v14 =	vld [tilespmem:s9+$0x300]  }
0x2e7: {  	v11 =	vadd.f32 v12, v11  }
0x2e8: {  	s6 =	sor.u32 $0xE080, s31;
	v12 =	vld [tilespmem:s9+$0x380]  }
0x2e9: {  	s10 =	sor.u32 s3, s6;
	v11 =	vadd.f32 v13, v11  }
0x2ea: {  	s9 =	sor.u32 $0xE100, s31;
	v13 =	vld [tilespmem:s10+$0x0]  }
0x2eb: {  	s11 =	sor.u32 s3, s9;
	v11 =	vadd.f32 v14, v11  }
0x2ec: {  	s10 =	sor.u32 $0xE180, s31;
	v14 =	vld [tilespmem:s11+$0x0]  }
0x2ed: {  	s13 =	sor.u32 s3, s10;
	v11 =	vadd.f32 v12, v11  }
0x2ee: {  	s0 =	sor.u32 $0xE200, s31;
	v12 =	vld [tilespmem:s13+$0x0]  }
0x2ef: {  	s14 =	sor.u32 s3, s0;
	v11 =	vadd.f32 v13, v11  }
0x2f0: {  	s4 =	sor.u32 $0xE280, s31;
	v13 =	vld [tilespmem:s14+$0x0]  }
0x2f1: {  	s7 =	sor.u32 s3, s4;
	v11 =	vadd.f32 v14, v11  }
0x2f2: {  	s5 =	sor.u32 $0xE300, s31;
	v14 =	vld [tilespmem:s7+$0x0]  }
0x2f3: {  	s11 =	sor.u32 s3, s5;
	v11 =	vadd.f32 v12, v11  }
0x2f4: {  	s7 =	sor.u32 $0xE380, s31;
	v12 =	vld [tilespmem:s11+$0x0]  }
0x2f5: {  	s15 =	sor.u32 s3, s7;
	v11 =	vadd.f32 v13, v11  }
0x2f6: {  	s16 =	sadd.s32 $0xE400, s31;
	v13 =	vld [tilespmem:s15+$0x0]  }
0x2f7: {  	s1 =	sor.u32 s3, s16;
	v11 =	vadd.f32 v14, v11  }
0x2f8: {  	v14 =	vld [tilespmem:s1+$0x0]  }
0x2f9: {  	v11 =	vadd.f32 v12, v11;
	_ =	sdelay $0x1  }
0x2fa: {  	v11 =	vadd.f32 v13, v11;
	_ =	sdelay $0x1  }
0x2fb: {  	v11 =	vadd.f32 v14, v11  }
0x2fc: {  	s17 =	sor.u32 $0x10, s3  }
0x2fd: {  	s18 =	sor.u32 s17, s8;
	[tilespmem:s2+$0x0] =	vst v11  }
0x2fe: {  	v11 =	vld [tilespmem:s18+$0x0]  }
0x2ff: {  	v12 =	vld [tilespmem:s18+$0x80];
	_ =	sdelay $0x1  }
0x300: {  	v13 =	vld [tilespmem:s18+$0x100];
	_ =	sdelay $0x1  }
0x301: {  	v14 =	vld [tilespmem:s18+$0x180]  }
0x302: {  	v11 =	vadd.f32 v12, v11  }
0x303: {  	v12 =	vld [tilespmem:s18+$0x200]  }
0x304: {  	v11 =	vadd.f32 v13, v11  }
0x305: {  	v13 =	vld [tilespmem:s18+$0x280]  }
0x306: {  	v11 =	vadd.f32 v14, v11  }
0x307: {  	v14 =	vld [tilespmem:s18+$0x300]  }
0x308: {  	v11 =	vadd.f32 v12, v11  }
0x309: {  	v12 =	vld [tilespmem:s18+$0x380]  }
0x30a: {  	s19 =	sor.u32 s17, s6;
	v11 =	vadd.f32 v13, v11  }
0x30b: {  	v13 =	vld [tilespmem:s19+$0x0]  }
0x30c: {  	s20 =	sor.u32 s17, s9;
	v11 =	vadd.f32 v14, v11  }
0x30d: {  	v14 =	vld [tilespmem:s20+$0x0]  }
0x30e: {  	s21 =	sor.u32 s17, s10;
	v11 =	vadd.f32 v12, v11  }
0x30f: {  	v12 =	vld [tilespmem:s21+$0x0]  }
0x310: {  	s22 =	sor.u32 s17, s0;
	v11 =	vadd.f32 v13, v11  }
0x311: {  	v13 =	vld [tilespmem:s22+$0x0]  }
0x312: {  	s23 =	sor.u32 s17, s4;
	v11 =	vadd.f32 v14, v11  }
0x313: {  	v14 =	vld [tilespmem:s23+$0x0]  }
0x314: {  	s24 =	sor.u32 s17, s5;
	v11 =	vadd.f32 v12, v11  }
0x315: {  	v12 =	vld [tilespmem:s24+$0x0]  }
0x316: {  	s25 =	sor.u32 s17, s7;
	v11 =	vadd.f32 v13, v11  }
0x317: {  	v13 =	vld [tilespmem:s25+$0x0]  }
0x318: {  	s26 =	sor.u32 s17, s16;
	v11 =	vadd.f32 v14, v11  }
0x319: {  	v14 =	vld [tilespmem:s26+$0x0]  }
0x31a: {  	v11 =	vadd.f32 v12, v11;
	_ =	sdelay $0x1  }
0x31b: {  	v11 =	vadd.f32 v13, v11  }
0x31c: {  	s28 =	sand.u32 $0x380, s12  }
0x31d: {  	s2 =	sadd.s32 $0x2B80, s28;
	v11 =	vadd.f32 v14, v11  }
0x31e: {  	s29 =	sor.u32 $0x20, s3;
	s1 =	sor.u32 s17, s2  }
0x31f: {  	s30 =	sor.u32 s29, s8;
	[tilespmem:s1+$0x0] =	vst v11  }
0x320: {  	v11 =	vld [tilespmem:s30+$0x0]  }
0x321: {  	v12 =	vld [tilespmem:s30+$0x80];
	_ =	sdelay $0x1  }
0x322: {  	v13 =	vld [tilespmem:s30+$0x100];
	_ =	sdelay $0x1  }
0x323: {  	v14 =	vld [tilespmem:s30+$0x180]  }
0x324: {  	v11 =	vadd.f32 v12, v11  }
0x325: {  	v12 =	vld [tilespmem:s30+$0x200]  }
0x326: {  	v11 =	vadd.f32 v13, v11  }
0x327: {  	v13 =	vld [tilespmem:s30+$0x280]  }
0x328: {  	v11 =	vadd.f32 v14, v11  }
0x329: {  	v14 =	vld [tilespmem:s30+$0x300]  }
0x32a: {  	v11 =	vadd.f32 v12, v11  }
0x32b: {  	v12 =	vld [tilespmem:s30+$0x380]  }
0x32c: {  	s31 =	sor.u32 s29, s6;
	v11 =	vadd.f32 v13, v11  }
0x32d: {  	v13 =	vld [tilespmem:s31+$0x0]  }
0x32e: {  	s13 =	sor.u32 s29, s9;
	v11 =	vadd.f32 v14, v11  }
0x32f: {  	v14 =	vld [tilespmem:s13+$0x0]  }
0x330: {  	s14 =	sor.u32 s29, s10;
	v11 =	vadd.f32 v12, v11  }
0x331: {  	v12 =	vld [tilespmem:s14+$0x0]  }
0x332: {  	s15 =	sor.u32 s29, s0;
	v11 =	vadd.f32 v13, v11  }
0x333: {  	v13 =	vld [tilespmem:s15+$0x0]  }
0x334: {  	s17 =	sor.u32 s29, s4;
	v11 =	vadd.f32 v14, v11  }
0x335: {  	v14 =	vld [tilespmem:s17+$0x0]  }
0x336: {  	s18 =	sor.u32 s29, s5;
	v11 =	vadd.f32 v12, v11  }
0x337: {  	v12 =	vld [tilespmem:s18+$0x0]  }
0x338: {  	s19 =	sor.u32 s29, s7;
	v11 =	vadd.f32 v13, v11  }
0x339: {  	v13 =	vld [tilespmem:s19+$0x0]  }
0x33a: {  	s20 =	sor.u32 s29, s16;
	v11 =	vadd.f32 v14, v11  }
0x33b: {  	v14 =	vld [tilespmem:s20+$0x0]  }
0x33c: {  	v11 =	vadd.f32 v12, v11;
	_ =	sdelay $0x1  }
0x33d: {  	v11 =	vadd.f32 v13, v11;
	_ =	sdelay $0x1  }
0x33e: {  	v11 =	vadd.f32 v14, v11  }
0x33f: {  	s21 =	sor.u32 $0x30, s3;
	s22 =	sor.u32 s29, s2  }
0x340: {  	s23 =	sor.u32 s21, s8;
	[tilespmem:s22+$0x0] =	vst v11  }
0x341: {  	v11 =	vld [tilespmem:s23+$0x0]  }
0x342: {  	v12 =	vld [tilespmem:s23+$0x80];
	_ =	sdelay $0x1  }
0x343: {  	v13 =	vld [tilespmem:s23+$0x100];
	_ =	sdelay $0x1  }
0x344: {  	v14 =	vld [tilespmem:s23+$0x180]  }
0x345: {  	v11 =	vadd.f32 v12, v11  }
0x346: {  	v12 =	vld [tilespmem:s23+$0x200]  }
0x347: {  	v11 =	vadd.f32 v13, v11  }
0x348: {  	v13 =	vld [tilespmem:s23+$0x280]  }
0x349: {  	v11 =	vadd.f32 v14, v11  }
0x34a: {  	v14 =	vld [tilespmem:s23+$0x300]  }
0x34b: {  	v11 =	vadd.f32 v12, v11  }
0x34c: {  	v12 =	vld [tilespmem:s23+$0x380]  }
0x34d: {  	s24 =	sor.u32 s21, s6;
	v11 =	vadd.f32 v13, v11  }
0x34e: {  	v13 =	vld [tilespmem:s24+$0x0]  }
0x34f: {  	s25 =	sor.u32 s21, s9;
	v11 =	vadd.f32 v14, v11  }
0x350: {  	v14 =	vld [tilespmem:s25+$0x0]  }
0x351: {  	s26 =	sor.u32 s21, s10;
	v11 =	vadd.f32 v12, v11  }
0x352: {  	v12 =	vld [tilespmem:s26+$0x0]  }
0x353: {  	s0 =	sor.u32 s21, s0;
	v11 =	vadd.f32 v13, v11  }
0x354: {  	v13 =	vld [tilespmem:s0+$0x0]  }
0x355: {  	s28 =	sor.u32 s21, s4;
	v11 =	vadd.f32 v14, v11  }
0x356: {  	v14 =	vld [tilespmem:s28+$0x0]  }
0x357: {  	s29 =	sor.u32 s21, s5;
	v11 =	vadd.f32 v12, v11  }
0x358: {  	v15 =	vld [tilespmem:s29+$0x0]  }
0x359: {  	v11 =	vadd.f32 v13, v11;
	_ =	sdelay $0x1  }
0x35a: {  	s30 =	sor.u32 s21, s7;
	v13 =	vadd.f32 v14, v11  }
0x35b: {  	s9 =	simm.s32 $0x0;
	s31 =	sor.u32 s21, s16;
	v12 =	vld [tilespmem:s30+$0x0]  }
0x35c: {  	s16 =	simm.s32 $0x2BC0;
	s18 =	simm.s32 $0x0;
	s23 =	sor.u32 s21, s2;
	v11 =	vld [tilespmem:s31+$0x0];
	v13 =	vadd.f32 v15, v13  }
.LBB2_7:
0x35d: {  	_ =	sdelay $0x2  }
0x35e: {  	v12 =	vadd.f32 v12, v13  }
0x35f: {  	s12 =	sadd.s32 $0x200, s12  }
0x360: {  	s18 =	sadd.s32 $0x40, s18;
	s0 =	sand.u32 $0x1C00, s12;
	v11 =	vadd.f32 v11, v12  }
0x361: {  	s10 =	sand.u32 $0x40, s18;
	s24 =	sadd.s32 $0xCC80, s0  }
0x362: {  	s1 =	sor.u32 s10, s24;
	[tilespmem:s23+$0x0] =	vst v11  }
0x363: {  	v11 =	vld [tilespmem:s1+$0x0]  }
0x364: {  	v12 =	vld [tilespmem:s1+$0x80];
	_ =	sdelay $0x1  }
0x365: {  	v13 =	vld [tilespmem:s1+$0x100];
	_ =	sdelay $0x1  }
0x366: {  	v14 =	vld [tilespmem:s1+$0x180]  }
0x367: {  	v11 =	vadd.f32 v12, v11  }
0x368: {  	v12 =	vld [tilespmem:s1+$0x200]  }
0x369: {  	v11 =	vadd.f32 v13, v11  }
0x36a: {  	v13 =	vld [tilespmem:s1+$0x280]  }
0x36b: {  	v11 =	vadd.f32 v14, v11  }
0x36c: {  	v14 =	vld [tilespmem:s1+$0x300]  }
0x36d: {  	v11 =	vadd.f32 v12, v11  }
0x36e: {  	s28 =	sor.u32 $0xE080, s0;
	v12 =	vld [tilespmem:s1+$0x380]  }
0x36f: {  	s8 =	sor.u32 s10, s28;
	v11 =	vadd.f32 v13, v11  }
0x370: {  	s26 =	sor.u32 $0xE100, s0;
	v13 =	vld [tilespmem:s8+$0x0]  }
0x371: {  	s30 =	sor.u32 s10, s26;
	v11 =	vadd.f32 v14, v11  }
0x372: {  	s29 =	sor.u32 $0xE180, s0;
	v14 =	vld [tilespmem:s30+$0x0]  }
0x373: {  	s14 =	sor.u32 s10, s29;
	v11 =	vadd.f32 v12, v11  }
0x374: {  	s19 =	sor.u32 $0xE200, s0;
	v12 =	vld [tilespmem:s14+$0x0]  }
0x375: {  	s17 =	sor.u32 s10, s19;
	v11 =	vadd.f32 v13, v11  }
0x376: {  	s20 =	sor.u32 $0xE280, s0;
	v13 =	vld [tilespmem:s17+$0x0]  }
0x377: {  	s13 =	sor.u32 s10, s20;
	v11 =	vadd.f32 v14, v11  }
0x378: {  	s21 =	sor.u32 $0xE300, s0;
	v14 =	vld [tilespmem:s13+$0x0]  }
0x379: {  	s22 =	sor.u32 $0xE380, s0;
	s3 =	sor.u32 s10, s21;
	s23 =	sor.u32 $0x10, s10;
	v11 =	vadd.f32 v12, v11  }
0x37a: {  	s25 =	sadd.s32 $0xE400, s0;
	s31 =	sor.u32 $0x20, s10;
	s5 =	sor.u32 s23, s21;
	v12 =	vld [tilespmem:s3+$0x0]  }
0x37b: {  	s11 =	sor.u32 s10, s22;
	[dreg:$0x1e] =	wrdreg s5;
	s5 =	sor.u32 s23, s22;
	v11 =	vadd.f32 v13, v11  }
0x37c: {  	s0 =	sor.u32 s10, s25;
	[dreg:$0x1c] =	wrdreg s5;
	s5 =	sor.u32 s23, s25;
	v13 =	vld [tilespmem:s11+$0x0]  }
0x37d: {  	s10 =	sor.u32 $0x30, s10;
	[dreg:$0x1a] =	wrdreg s5;
	s5 =	sor.u32 s31, s28;
	v11 =	vadd.f32 v14, v11  }
0x37e: {  	s15 =	sor.u32 s23, s28;
	s28 =	sor.u32 s10, s28;
	[dreg:$0x18] =	wrdreg s5;
	v14 =	vld [tilespmem:s0+$0x0]  }
0x37f: {  	s5 =	sor.u32 s31, s26;
	[dreg:$0x8] =	wrdreg s28;
	v11 =	vadd.f32 v12, v11  }
0x380: {  	s4 =	sor.u32 s23, s29;
	[dreg:$0x16] =	wrdreg s5;
	s5 =	sor.u32 s31, s29  }
0x381: {  	s7 =	sor.u32 s23, s19;
	[dreg:$0x14] =	wrdreg s5;
	s5 =	sor.u32 s31, s19;
	v11 =	vadd.f32 v13, v11  }
0x382: {  	s28 =	sor.u32 s10, s29;
	[dreg:$0x12] =	wrdreg s5;
	s5 =	sor.u32 s31, s20  }
0x383: {  	s29 =	sor.u32 s10, s19;
	[dreg:$0x10] =	wrdreg s5;
	s5 =	sor.u32 s31, s21;
	v11 =	vadd.f32 v14, v11  }
0x384: {  	s19 =	sor.u32 s10, s25;
	[dreg:$0xe] =	wrdreg s5;
	s5 =	sor.u32 s31, s22  }
0x385: {  	[dreg:$0xc] =	wrdreg s5;
	s5 =	sor.u32 s31, s25;
	s25 =	sor.u32 s23, s24;
	[tilespmem:s16+$0x0] =	vst v11  }
0x386: {  	v11 =	vld [tilespmem:s25+$0x0]  }
0x387: {  	v12 =	vld [tilespmem:s25+$0x80];
	_ =	sdelay $0x1  }
0x388: {  	v13 =	vld [tilespmem:s25+$0x100];
	_ =	sdelay $0x1  }
0x389: {  	v14 =	vld [tilespmem:s25+$0x180]  }
0x38a: {  	v11 =	vadd.f32 v12, v11  }
0x38b: {  	v12 =	vld [tilespmem:s25+$0x200]  }
0x38c: {  	v11 =	vadd.f32 v13, v11  }
0x38d: {  	v13 =	vld [tilespmem:s25+$0x280]  }
0x38e: {  	v11 =	vadd.f32 v14, v11  }
0x38f: {  	v14 =	vld [tilespmem:s25+$0x300]  }
0x390: {  	v11 =	vadd.f32 v12, v11  }
0x391: {  	v12 =	vld [tilespmem:s25+$0x380]  }
0x392: {  	v11 =	vadd.f32 v13, v11  }
0x393: {  	v13 =	vld [tilespmem:s15+$0x0]  }
0x394: {  	s2 =	sor.u32 s23, s26;
	v11 =	vadd.f32 v14, v11  }
0x395: {  	v14 =	vld [tilespmem:s2+$0x0]  }
0x396: {  	v11 =	vadd.f32 v12, v11  }
0x397: {  	v12 =	vld [tilespmem:s4+$0x0]  }
0x398: {  	v11 =	vadd.f32 v13, v11  }
0x399: {  	v13 =	vld [tilespmem:s7+$0x0]  }
0x39a: {  	s6 =	sor.u32 s23, s20;
	v11 =	vadd.f32 v14, v11  }
0x39b: {  	v14 =	vld [tilespmem:s6+$0x0]  }
0x39c: {  	s30 =	rddreg [dreg:$0x1e];
	v11 =	vadd.f32 v12, v11  }
0x39d: {  	v12 =	vld [tilespmem:s30+$0x0]  }
0x39e: {  	s1 =	rddreg [dreg:$0x1c];
	v11 =	vadd.f32 v13, v11  }
0x39f: {  	v13 =	vld [tilespmem:s1+$0x0]  }
0x3a0: {  	s2 =	rddreg [dreg:$0x1a];
	v11 =	vadd.f32 v14, v11  }
0x3a1: {  	v14 =	vld [tilespmem:s2+$0x0]  }
0x3a2: {  	v11 =	vadd.f32 v12, v11;
	_ =	sdelay $0x1  }
0x3a3: {  	v11 =	vadd.f32 v13, v11  }
0x3a4: {  	s3 =	sand.u32 $0x380, s18  }
0x3a5: {  	s4 =	sadd.s32 $0x2B80, s3;
	v11 =	vadd.f32 v14, v11  }
0x3a6: {  	[dreg:$0xa] =	wrdreg s5;
	s5 =	sor.u32 s23, s4  }
0x3a7: {  	s6 =	sor.u32 s31, s24;
	[tilespmem:s5+$0x0] =	vst v11  }
0x3a8: {  	v11 =	vld [tilespmem:s6+$0x0]  }
0x3a9: {  	v12 =	vld [tilespmem:s6+$0x80];
	_ =	sdelay $0x1  }
0x3aa: {  	v13 =	vld [tilespmem:s6+$0x100];
	_ =	sdelay $0x1  }
0x3ab: {  	v14 =	vld [tilespmem:s6+$0x180]  }
0x3ac: {  	v11 =	vadd.f32 v12, v11  }
0x3ad: {  	v12 =	vld [tilespmem:s6+$0x200]  }
0x3ae: {  	v11 =	vadd.f32 v13, v11  }
0x3af: {  	v13 =	vld [tilespmem:s6+$0x280]  }
0x3b0: {  	v11 =	vadd.f32 v14, v11  }
0x3b1: {  	v14 =	vld [tilespmem:s6+$0x300]  }
0x3b2: {  	v11 =	vadd.f32 v12, v11  }
0x3b3: {  	v12 =	vld [tilespmem:s6+$0x380]  }
0x3b4: {  	s7 =	rddreg [dreg:$0x18];
	v11 =	vadd.f32 v13, v11  }
0x3b5: {  	v13 =	vld [tilespmem:s7+$0x0]  }
0x3b6: {  	s8 =	rddreg [dreg:$0x16];
	v11 =	vadd.f32 v14, v11  }
0x3b7: {  	v14 =	vld [tilespmem:s8+$0x0]  }
0x3b8: {  	s11 =	rddreg [dreg:$0x14];
	v11 =	vadd.f32 v12, v11  }
0x3b9: {  	v12 =	vld [tilespmem:s11+$0x0]  }
0x3ba: {  	s13 =	rddreg [dreg:$0x12];
	v11 =	vadd.f32 v13, v11  }
0x3bb: {  	v13 =	vld [tilespmem:s13+$0x0]  }
0x3bc: {  	s14 =	rddreg [dreg:$0x10];
	v11 =	vadd.f32 v14, v11  }
0x3bd: {  	v14 =	vld [tilespmem:s14+$0x0]  }
0x3be: {  	s15 =	rddreg [dreg:$0xe];
	v11 =	vadd.f32 v12, v11  }
0x3bf: {  	v12 =	vld [tilespmem:s15+$0x0]  }
0x3c0: {  	s26 =	sor.u32 s10, s26;
	s17 =	rddreg [dreg:$0xc];
	v11 =	vadd.f32 v13, v11  }
0x3c1: {  	[dreg:$0x6] =	wrdreg s26;
	s26 =	sor.u32 s10, s20;
	v13 =	vld [tilespmem:s17+$0x0]  }
0x3c2: {  	s20 =	sor.u32 s10, s21;
	s21 =	sor.u32 s10, s22;
	s22 =	rddreg [dreg:$0xa];
	v11 =	vadd.f32 v14, v11  }
0x3c3: {  	v14 =	vld [tilespmem:s22+$0x0]  }
0x3c4: {  	v11 =	vadd.f32 v12, v11;
	_ =	sdelay $0x1  }
0x3c5: {  	v11 =	vadd.f32 v13, v11;
	_ =	sdelay $0x1  }
0x3c6: {  	v11 =	vadd.f32 v14, v11  }
0x3c7: {  	s0 =	sor.u32 s31, s4  }
0x3c8: {  	s25 =	sor.u32 s10, s24;
	[tilespmem:s0+$0x0] =	vst v11  }
0x3c9: {  	v11 =	vld [tilespmem:s25+$0x0]  }
0x3ca: {  	v12 =	vld [tilespmem:s25+$0x80];
	_ =	sdelay $0x1  }
0x3cb: {  	v13 =	vld [tilespmem:s25+$0x100];
	_ =	sdelay $0x1  }
0x3cc: {  	v14 =	vld [tilespmem:s25+$0x180]  }
0x3cd: {  	v11 =	vadd.f32 v12, v11  }
0x3ce: {  	v15 =	vld [tilespmem:s25+$0x200]  }
0x3cf: {  	v11 =	vadd.f32 v13, v11  }
0x3d0: {  	v16 =	vld [tilespmem:s25+$0x280]  }
0x3d1: {  	v11 =	vadd.f32 v14, v11  }
0x3d2: {  	v17 =	vld [tilespmem:s25+$0x300]  }
0x3d3: {  	v11 =	vadd.f32 v15, v11  }
0x3d4: {  	v18 =	vld [tilespmem:s25+$0x380]  }
0x3d5: {  	s30 =	rddreg [dreg:$0x8];
	v16 =	vadd.f32 v16, v11  }
0x3d6: {  	v13 =	vld [tilespmem:s30+$0x0]  }
0x3d7: {  	s31 =	rddreg [dreg:$0x6];
	v16 =	vadd.f32 v17, v16  }
0x3d8: {  	v19 =	vld [tilespmem:s31+$0x0]  }
0x3d9: {  	v16 =	vadd.f32 v18, v16  }
0x3da: {  	v14 =	vld [tilespmem:s28+$0x0]  }
0x3db: {  	v13 =	vadd.f32 v13, v16  }
0x3dc: {  	v20 =	vld [tilespmem:s29+$0x0]  }
0x3dd: {  	v13 =	vadd.f32 v19, v13  }
0x3de: {  	v15 =	vld [tilespmem:s26+$0x0]  }
0x3df: {  	s9 =	sadd.s32 $0x4, s9;
	v13 =	vadd.f32 v14, v13  }
0x3e0: {  	p0 =	slt.u32 s9, $0x24;
	v21 =	vld [tilespmem:s20+$0x0]  }
.Ltmp3:
0x3e1: {  	v13 =	vadd.f32 v20, v13;
	(pc) =	sbr.rel @p0 .LBB2_7-.Ltmp3, $4  }
0x3e2: {  	_ = 	snop  }
0x3e3: {  	v13 =	vadd.f32 v15, v13  }
0x3e4: {  	v12 =	vld [tilespmem:s21+$0x0]  }
0x3e5: {  	s16 =	sadd.s32 $0x40, s16;
	s23 =	sor.u32 s10, s4;
	v11 =	vld [tilespmem:s19+$0x0];
	v13 =	vadd.f32 v21, v13  }
0x3e6: {  	_ =	sdelay $0x2  }
0x3e7: {  	v12 =	vadd.f32 v12, v13;
	_ =	sdelay $0x1  }
0x3e8: {  	s0 =	sld [smem:$0x7F4];
	v11 =	vadd.f32 v11, v12  }
0x3e9: {  	s1 =	simm.s32 $0x1400;
	s2 =	simm.s32 $0x14000  }
0x3ea: {  	s3 =	simm.s32 $0xCC80;
	s12 =	simm.s32 $0x0;
	s30 =	simm.s32 $0x9;
	[tilespmem:s23+$0x0] =	vst v11  }
0x3eb: {  	[tilespmem:s3], [sflag:$0x9] =	stream.strided.gather [spmem:s0], $0x2800, s2, s1, $0x38;
	[tilespmem:$0xF480] =	vst v63  }
0x3ec: {  	s31 =	sand.u32 $0x1C00, s12;
	_ =	swait.ge [sflag:s30], $0x2800  }
0x3ed: {  	s8 =	sadd.s32 $0xCC80, s31;
	s3 =	sand.u32 $0x40, s12;
	[sflag:s30] =	ssyncset.done $0x0  }
0x3ee: {  	s10 =	sor.u32 s3, s8;
	[sflag:s30] =	ssyncadd.s32 $0xFFFFD800  }
0x3ef: {  	v11 =	vld [tilespmem:s10+$0x0]  }
0x3f0: {  	v12 =	vld [tilespmem:s10+$0x80];
	_ =	sdelay $0x1  }
0x3f1: {  	v13 =	vld [tilespmem:s10+$0x100];
	_ =	sdelay $0x1  }
0x3f2: {  	v14 =	vld [tilespmem:s10+$0x180]  }
0x3f3: {  	v11 =	vadd.f32 v12, v11  }
0x3f4: {  	v12 =	vld [tilespmem:s10+$0x200]  }
0x3f5: {  	v11 =	vadd.f32 v13, v11  }
0x3f6: {  	v13 =	vld [tilespmem:s10+$0x280]  }
0x3f7: {  	v11 =	vadd.f32 v14, v11  }
0x3f8: {  	v14 =	vld [tilespmem:s10+$0x300]  }
0x3f9: {  	v11 =	vadd.f32 v12, v11  }
0x3fa: {  	s6 =	sor.u32 $0xE080, s31;
	v12 =	vld [tilespmem:s10+$0x380]  }
0x3fb: {  	s11 =	sor.u32 s3, s6;
	v11 =	vadd.f32 v13, v11  }
0x3fc: {  	s9 =	sor.u32 $0xE100, s31;
	v13 =	vld [tilespmem:s11+$0x0]  }
0x3fd: {  	s13 =	sor.u32 s3, s9;
	v11 =	vadd.f32 v14, v11  }
0x3fe: {  	s10 =	sor.u32 $0xE180, s31;
	v14 =	vld [tilespmem:s13+$0x0]  }
0x3ff: {  	s14 =	sor.u32 s3, s10;
	v11 =	vadd.f32 v12, v11  }
0x400: {  	s0 =	sor.u32 $0xE200, s31;
	v12 =	vld [tilespmem:s14+$0x0]  }
0x401: {  	s15 =	sor.u32 s3, s0;
	v11 =	vadd.f32 v13, v11  }
0x402: {  	s4 =	sor.u32 $0xE280, s31;
	v13 =	vld [tilespmem:s15+$0x0]  }
0x403: {  	s16 =	sor.u32 s3, s4;
	v11 =	vadd.f32 v14, v11  }
0x404: {  	s5 =	sor.u32 $0xE300, s31;
	v14 =	vld [tilespmem:s16+$0x0]  }
0x405: {  	s17 =	sor.u32 s3, s5;
	v11 =	vadd.f32 v12, v11  }
0x406: {  	s7 =	sor.u32 $0xE380, s31;
	v12 =	vld [tilespmem:s17+$0x0]  }
0x407: {  	s18 =	sor.u32 s3, s7;
	v11 =	vadd.f32 v13, v11  }
0x408: {  	s16 =	sadd.s32 $0xE400, s31;
	v13 =	vld [tilespmem:s18+$0x0]  }
0x409: {  	s1 =	sor.u32 s3, s16;
	v11 =	vadd.f32 v14, v11  }
0x40a: {  	v14 =	vld [tilespmem:s1+$0x0]  }
0x40b: {  	v11 =	vadd.f32 v12, v11;
	_ =	sdelay $0x1  }
0x40c: {  	v11 =	vadd.f32 v13, v11;
	_ =	sdelay $0x1  }
0x40d: {  	v11 =	vadd.f32 v14, v11  }
0x40e: {  	s19 =	simm.s32 $0x5400;
	s11 =	sor.u32 $0x10, s3  }
0x40f: {  	s20 =	sor.u32 s11, s8;
	[tilespmem:s19+$0x0] =	vst v11  }
0x410: {  	v11 =	vld [tilespmem:s20+$0x0]  }
0x411: {  	v12 =	vld [tilespmem:s20+$0x80];
	_ =	sdelay $0x1  }
0x412: {  	v13 =	vld [tilespmem:s20+$0x100];
	_ =	sdelay $0x1  }
0x413: {  	v14 =	vld [tilespmem:s20+$0x180]  }
0x414: {  	v11 =	vadd.f32 v12, v11  }
0x415: {  	v12 =	vld [tilespmem:s20+$0x200]  }
0x416: {  	v11 =	vadd.f32 v13, v11  }
0x417: {  	v13 =	vld [tilespmem:s20+$0x280]  }
0x418: {  	v11 =	vadd.f32 v14, v11  }
0x419: {  	v14 =	vld [tilespmem:s20+$0x300]  }
0x41a: {  	v11 =	vadd.f32 v12, v11  }
0x41b: {  	v12 =	vld [tilespmem:s20+$0x380]  }
0x41c: {  	s21 =	sor.u32 s11, s6;
	v11 =	vadd.f32 v13, v11  }
0x41d: {  	v13 =	vld [tilespmem:s21+$0x0]  }
0x41e: {  	s22 =	sor.u32 s11, s9;
	v11 =	vadd.f32 v14, v11  }
0x41f: {  	v14 =	vld [tilespmem:s22+$0x0]  }
0x420: {  	s23 =	sor.u32 s11, s10;
	v11 =	vadd.f32 v12, v11  }
0x421: {  	v12 =	vld [tilespmem:s23+$0x0]  }
0x422: {  	s24 =	sor.u32 s11, s0;
	v11 =	vadd.f32 v13, v11  }
0x423: {  	v13 =	vld [tilespmem:s24+$0x0]  }
0x424: {  	s25 =	sor.u32 s11, s4;
	v11 =	vadd.f32 v14, v11  }
0x425: {  	v14 =	vld [tilespmem:s25+$0x0]  }
0x426: {  	s26 =	sor.u32 s11, s5;
	v11 =	vadd.f32 v12, v11  }
0x427: {  	v12 =	vld [tilespmem:s26+$0x0]  }
0x428: {  	s28 =	sor.u32 s11, s7;
	v11 =	vadd.f32 v13, v11  }
0x429: {  	v13 =	vld [tilespmem:s28+$0x0]  }
0x42a: {  	s29 =	sor.u32 s11, s16;
	v11 =	vadd.f32 v14, v11  }
0x42b: {  	v14 =	vld [tilespmem:s29+$0x0]  }
0x42c: {  	v11 =	vadd.f32 v12, v11;
	_ =	sdelay $0x1  }
0x42d: {  	v11 =	vadd.f32 v13, v11  }
0x42e: {  	s30 =	sand.u32 $0x380, s12  }
0x42f: {  	s2 =	sor.u32 $0x5400, s30;
	v11 =	vadd.f32 v14, v11  }
0x430: {  	s31 =	sor.u32 $0x20, s3;
	s11 =	sor.u32 s11, s2  }
0x431: {  	s13 =	sor.u32 s31, s8;
	[tilespmem:s11+$0x0] =	vst v11  }
0x432: {  	v11 =	vld [tilespmem:s13+$0x0]  }
0x433: {  	v12 =	vld [tilespmem:s13+$0x80];
	_ =	sdelay $0x1  }
0x434: {  	v13 =	vld [tilespmem:s13+$0x100];
	_ =	sdelay $0x1  }
0x435: {  	v14 =	vld [tilespmem:s13+$0x180]  }
0x436: {  	v11 =	vadd.f32 v12, v11  }
0x437: {  	v12 =	vld [tilespmem:s13+$0x200]  }
0x438: {  	v11 =	vadd.f32 v13, v11  }
0x439: {  	v13 =	vld [tilespmem:s13+$0x280]  }
0x43a: {  	v11 =	vadd.f32 v14, v11  }
0x43b: {  	v14 =	vld [tilespmem:s13+$0x300]  }
0x43c: {  	v11 =	vadd.f32 v12, v11  }
0x43d: {  	v12 =	vld [tilespmem:s13+$0x380]  }
0x43e: {  	s14 =	sor.u32 s31, s6;
	v11 =	vadd.f32 v13, v11  }
0x43f: {  	v13 =	vld [tilespmem:s14+$0x0]  }
0x440: {  	s15 =	sor.u32 s31, s9;
	v11 =	vadd.f32 v14, v11  }
0x441: {  	v14 =	vld [tilespmem:s15+$0x0]  }
0x442: {  	s17 =	sor.u32 s31, s10;
	v11 =	vadd.f32 v12, v11  }
0x443: {  	v12 =	vld [tilespmem:s17+$0x0]  }
0x444: {  	s18 =	sor.u32 s31, s0;
	v11 =	vadd.f32 v13, v11  }
0x445: {  	v13 =	vld [tilespmem:s18+$0x0]  }
0x446: {  	s19 =	sor.u32 s31, s4;
	v11 =	vadd.f32 v14, v11  }
0x447: {  	v14 =	vld [tilespmem:s19+$0x0]  }
0x448: {  	s20 =	sor.u32 s31, s5;
	v11 =	vadd.f32 v12, v11  }
0x449: {  	v12 =	vld [tilespmem:s20+$0x0]  }
0x44a: {  	s21 =	sor.u32 s31, s7;
	v11 =	vadd.f32 v13, v11  }
0x44b: {  	v13 =	vld [tilespmem:s21+$0x0]  }
0x44c: {  	s22 =	sor.u32 s31, s16;
	v11 =	vadd.f32 v14, v11  }
0x44d: {  	v14 =	vld [tilespmem:s22+$0x0]  }
0x44e: {  	v11 =	vadd.f32 v12, v11;
	_ =	sdelay $0x1  }
0x44f: {  	v11 =	vadd.f32 v13, v11;
	_ =	sdelay $0x1  }
0x450: {  	v11 =	vadd.f32 v14, v11  }
0x451: {  	s3 =	sor.u32 $0x30, s3;
	s1 =	sor.u32 s31, s2  }
0x452: {  	s23 =	sor.u32 s3, s8;
	[tilespmem:s1+$0x0] =	vst v11  }
0x453: {  	v11 =	vld [tilespmem:s23+$0x0]  }
0x454: {  	v12 =	vld [tilespmem:s23+$0x80];
	_ =	sdelay $0x1  }
0x455: {  	v13 =	vld [tilespmem:s23+$0x100];
	_ =	sdelay $0x1  }
0x456: {  	v14 =	vld [tilespmem:s23+$0x180]  }
0x457: {  	v11 =	vadd.f32 v12, v11  }
0x458: {  	v12 =	vld [tilespmem:s23+$0x200]  }
0x459: {  	v11 =	vadd.f32 v13, v11  }
0x45a: {  	v13 =	vld [tilespmem:s23+$0x280]  }
0x45b: {  	v11 =	vadd.f32 v14, v11  }
0x45c: {  	v14 =	vld [tilespmem:s23+$0x300]  }
0x45d: {  	v11 =	vadd.f32 v12, v11  }
0x45e: {  	v12 =	vld [tilespmem:s23+$0x380]  }
0x45f: {  	s24 =	sor.u32 s3, s6;
	v11 =	vadd.f32 v13, v11  }
0x460: {  	v13 =	vld [tilespmem:s24+$0x0]  }
0x461: {  	s25 =	sor.u32 s3, s9;
	v11 =	vadd.f32 v14, v11  }
0x462: {  	v14 =	vld [tilespmem:s25+$0x0]  }
0x463: {  	s26 =	sor.u32 s3, s10;
	v11 =	vadd.f32 v12, v11  }
0x464: {  	v12 =	vld [tilespmem:s26+$0x0]  }
0x465: {  	s0 =	sor.u32 s3, s0;
	v11 =	vadd.f32 v13, v11  }
0x466: {  	v13 =	vld [tilespmem:s0+$0x0]  }
0x467: {  	s28 =	sor.u32 s3, s4;
	v11 =	vadd.f32 v14, v11  }
0x468: {  	v14 =	vld [tilespmem:s28+$0x0]  }
0x469: {  	s29 =	sor.u32 s3, s5;
	v11 =	vadd.f32 v12, v11  }
0x46a: {  	v15 =	vld [tilespmem:s29+$0x0]  }
0x46b: {  	v11 =	vadd.f32 v13, v11;
	_ =	sdelay $0x1  }
0x46c: {  	s30 =	sor.u32 s3, s7;
	v13 =	vadd.f32 v14, v11  }
0x46d: {  	s31 =	sor.u32 s3, s16;
	s16 =	simm.s32 $0x5440;
	v12 =	vld [tilespmem:s30+$0x0]  }
0x46e: {  	s9 =	simm.s32 $0x0;
	s18 =	simm.s32 $0x0;
	s23 =	sor.u32 s3, s2;
	v11 =	vld [tilespmem:s31+$0x0];
	v13 =	vadd.f32 v15, v13  }
.LBB2_9:
0x46f: {  	_ =	sdelay $0x2  }
0x470: {  	v12 =	vadd.f32 v12, v13  }
0x471: {  	s12 =	sadd.s32 $0x200, s12  }
0x472: {  	s18 =	sadd.s32 $0x40, s18;
	s0 =	sand.u32 $0x1C00, s12;
	v11 =	vadd.f32 v11, v12  }
0x473: {  	s10 =	sand.u32 $0x40, s18;
	s24 =	sadd.s32 $0xCC80, s0  }
0x474: {  	s1 =	sor.u32 s10, s24;
	[tilespmem:s23+$0x0] =	vst v11  }
0x475: {  	v11 =	vld [tilespmem:s1+$0x0]  }
0x476: {  	v12 =	vld [tilespmem:s1+$0x80];
	_ =	sdelay $0x1  }
0x477: {  	v13 =	vld [tilespmem:s1+$0x100];
	_ =	sdelay $0x1  }
0x478: {  	v14 =	vld [tilespmem:s1+$0x180]  }
0x479: {  	v11 =	vadd.f32 v12, v11  }
0x47a: {  	v12 =	vld [tilespmem:s1+$0x200]  }
0x47b: {  	v11 =	vadd.f32 v13, v11  }
0x47c: {  	v13 =	vld [tilespmem:s1+$0x280]  }
0x47d: {  	v11 =	vadd.f32 v14, v11  }
0x47e: {  	v14 =	vld [tilespmem:s1+$0x300]  }
0x47f: {  	v11 =	vadd.f32 v12, v11  }
0x480: {  	s28 =	sor.u32 $0xE080, s0;
	v12 =	vld [tilespmem:s1+$0x380]  }
0x481: {  	s8 =	sor.u32 s10, s28;
	v11 =	vadd.f32 v13, v11  }
0x482: {  	s26 =	sor.u32 $0xE100, s0;
	v13 =	vld [tilespmem:s8+$0x0]  }
0x483: {  	s30 =	sor.u32 s10, s26;
	v11 =	vadd.f32 v14, v11  }
0x484: {  	s29 =	sor.u32 $0xE180, s0;
	v14 =	vld [tilespmem:s30+$0x0]  }
0x485: {  	s14 =	sor.u32 s10, s29;
	v11 =	vadd.f32 v12, v11  }
0x486: {  	s19 =	sor.u32 $0xE200, s0;
	v12 =	vld [tilespmem:s14+$0x0]  }
0x487: {  	s17 =	sor.u32 s10, s19;
	v11 =	vadd.f32 v13, v11  }
0x488: {  	s20 =	sor.u32 $0xE280, s0;
	v13 =	vld [tilespmem:s17+$0x0]  }
0x489: {  	s13 =	sor.u32 s10, s20;
	v11 =	vadd.f32 v14, v11  }
0x48a: {  	s21 =	sor.u32 $0xE300, s0;
	v14 =	vld [tilespmem:s13+$0x0]  }
0x48b: {  	s22 =	sor.u32 $0xE380, s0;
	s3 =	sor.u32 s10, s21;
	s23 =	sor.u32 $0x10, s10;
	v11 =	vadd.f32 v12, v11  }
0x48c: {  	s25 =	sadd.s32 $0xE400, s0;
	s31 =	sor.u32 $0x20, s10;
	s5 =	sor.u32 s23, s21;
	v12 =	vld [tilespmem:s3+$0x0]  }
0x48d: {  	s11 =	sor.u32 s10, s22;
	[dreg:$0x1f] =	wrdreg s5;
	s5 =	sor.u32 s23, s22;
	v11 =	vadd.f32 v13, v11  }
0x48e: {  	s0 =	sor.u32 s10, s25;
	[dreg:$0x1d] =	wrdreg s5;
	s5 =	sor.u32 s23, s25;
	v13 =	vld [tilespmem:s11+$0x0]  }
0x48f: {  	s10 =	sor.u32 $0x30, s10;
	[dreg:$0x1b] =	wrdreg s5;
	s5 =	sor.u32 s31, s28;
	v11 =	vadd.f32 v14, v11  }
0x490: {  	s15 =	sor.u32 s23, s28;
	s28 =	sor.u32 s10, s28;
	[dreg:$0x19] =	wrdreg s5;
	v14 =	vld [tilespmem:s0+$0x0]  }
0x491: {  	s5 =	sor.u32 s31, s26;
	[dreg:$0x9] =	wrdreg s28;
	v11 =	vadd.f32 v12, v11  }
0x492: {  	s4 =	sor.u32 s23, s29;
	[dreg:$0x17] =	wrdreg s5;
	s5 =	sor.u32 s31, s29  }
0x493: {  	s7 =	sor.u32 s23, s19;
	[dreg:$0x15] =	wrdreg s5;
	s5 =	sor.u32 s31, s19;
	v11 =	vadd.f32 v13, v11  }
0x494: {  	s28 =	sor.u32 s10, s29;
	[dreg:$0x13] =	wrdreg s5;
	s5 =	sor.u32 s31, s20  }
0x495: {  	s29 =	sor.u32 s10, s19;
	[dreg:$0x11] =	wrdreg s5;
	s5 =	sor.u32 s31, s21;
	v11 =	vadd.f32 v14, v11  }
0x496: {  	s19 =	sor.u32 s10, s25;
	[dreg:$0xf] =	wrdreg s5;
	s5 =	sor.u32 s31, s22  }
0x497: {  	[dreg:$0xd] =	wrdreg s5;
	s5 =	sor.u32 s31, s25;
	s25 =	sor.u32 s23, s24;
	[tilespmem:s16+$0x0] =	vst v11  }
0x498: {  	v11 =	vld [tilespmem:s25+$0x0]  }
0x499: {  	v12 =	vld [tilespmem:s25+$0x80];
	_ =	sdelay $0x1  }
0x49a: {  	v13 =	vld [tilespmem:s25+$0x100];
	_ =	sdelay $0x1  }
0x49b: {  	v14 =	vld [tilespmem:s25+$0x180]  }
0x49c: {  	v11 =	vadd.f32 v12, v11  }
0x49d: {  	v12 =	vld [tilespmem:s25+$0x200]  }
0x49e: {  	v11 =	vadd.f32 v13, v11  }
0x49f: {  	v13 =	vld [tilespmem:s25+$0x280]  }
0x4a0: {  	v11 =	vadd.f32 v14, v11  }
0x4a1: {  	v14 =	vld [tilespmem:s25+$0x300]  }
0x4a2: {  	v11 =	vadd.f32 v12, v11  }
0x4a3: {  	v12 =	vld [tilespmem:s25+$0x380]  }
0x4a4: {  	v11 =	vadd.f32 v13, v11  }
0x4a5: {  	v13 =	vld [tilespmem:s15+$0x0]  }
0x4a6: {  	s2 =	sor.u32 s23, s26;
	v11 =	vadd.f32 v14, v11  }
0x4a7: {  	v14 =	vld [tilespmem:s2+$0x0]  }
0x4a8: {  	v11 =	vadd.f32 v12, v11  }
0x4a9: {  	v12 =	vld [tilespmem:s4+$0x0]  }
0x4aa: {  	v11 =	vadd.f32 v13, v11  }
0x4ab: {  	v13 =	vld [tilespmem:s7+$0x0]  }
0x4ac: {  	s6 =	sor.u32 s23, s20;
	v11 =	vadd.f32 v14, v11  }
0x4ad: {  	v14 =	vld [tilespmem:s6+$0x0]  }
0x4ae: {  	s30 =	rddreg [dreg:$0x1f];
	v11 =	vadd.f32 v12, v11  }
0x4af: {  	v12 =	vld [tilespmem:s30+$0x0]  }
0x4b0: {  	s1 =	rddreg [dreg:$0x1d];
	v11 =	vadd.f32 v13, v11  }
0x4b1: {  	v13 =	vld [tilespmem:s1+$0x0]  }
0x4b2: {  	s2 =	rddreg [dreg:$0x1b];
	v11 =	vadd.f32 v14, v11  }
0x4b3: {  	v14 =	vld [tilespmem:s2+$0x0]  }
0x4b4: {  	v11 =	vadd.f32 v12, v11;
	_ =	sdelay $0x1  }
0x4b5: {  	v11 =	vadd.f32 v13, v11  }
0x4b6: {  	s3 =	sand.u32 $0x380, s18  }
0x4b7: {  	s4 =	sor.u32 $0x5400, s3;
	v11 =	vadd.f32 v14, v11  }
0x4b8: {  	[dreg:$0xb] =	wrdreg s5;
	s5 =	sor.u32 s23, s4  }
0x4b9: {  	s6 =	sor.u32 s31, s24;
	[tilespmem:s5+$0x0] =	vst v11  }
0x4ba: {  	v11 =	vld [tilespmem:s6+$0x0]  }
0x4bb: {  	v12 =	vld [tilespmem:s6+$0x80];
	_ =	sdelay $0x1  }
0x4bc: {  	v13 =	vld [tilespmem:s6+$0x100];
	_ =	sdelay $0x1  }
0x4bd: {  	v14 =	vld [tilespmem:s6+$0x180]  }
0x4be: {  	v11 =	vadd.f32 v12, v11  }
0x4bf: {  	v12 =	vld [tilespmem:s6+$0x200]  }
0x4c0: {  	v11 =	vadd.f32 v13, v11  }
0x4c1: {  	v13 =	vld [tilespmem:s6+$0x280]  }
0x4c2: {  	v11 =	vadd.f32 v14, v11  }
0x4c3: {  	v14 =	vld [tilespmem:s6+$0x300]  }
0x4c4: {  	v11 =	vadd.f32 v12, v11  }
0x4c5: {  	v12 =	vld [tilespmem:s6+$0x380]  }
0x4c6: {  	s7 =	rddreg [dreg:$0x19];
	v11 =	vadd.f32 v13, v11  }
0x4c7: {  	v13 =	vld [tilespmem:s7+$0x0]  }
0x4c8: {  	s8 =	rddreg [dreg:$0x17];
	v11 =	vadd.f32 v14, v11  }
0x4c9: {  	v14 =	vld [tilespmem:s8+$0x0]  }
0x4ca: {  	s11 =	rddreg [dreg:$0x15];
	v11 =	vadd.f32 v12, v11  }
0x4cb: {  	v12 =	vld [tilespmem:s11+$0x0]  }
0x4cc: {  	s13 =	rddreg [dreg:$0x13];
	v11 =	vadd.f32 v13, v11  }
0x4cd: {  	v13 =	vld [tilespmem:s13+$0x0]  }
0x4ce: {  	s14 =	rddreg [dreg:$0x11];
	v11 =	vadd.f32 v14, v11  }
0x4cf: {  	v14 =	vld [tilespmem:s14+$0x0]  }
0x4d0: {  	s15 =	rddreg [dreg:$0xf];
	v11 =	vadd.f32 v12, v11  }
0x4d1: {  	v12 =	vld [tilespmem:s15+$0x0]  }
0x4d2: {  	s26 =	sor.u32 s10, s26;
	s17 =	rddreg [dreg:$0xd];
	v11 =	vadd.f32 v13, v11  }
0x4d3: {  	[dreg:$0x7] =	wrdreg s26;
	s26 =	sor.u32 s10, s20;
	v13 =	vld [tilespmem:s17+$0x0]  }
0x4d4: {  	s20 =	sor.u32 s10, s21;
	s21 =	sor.u32 s10, s22;
	s22 =	rddreg [dreg:$0xb];
	v11 =	vadd.f32 v14, v11  }
0x4d5: {  	v14 =	vld [tilespmem:s22+$0x0]  }
0x4d6: {  	v11 =	vadd.f32 v12, v11;
	_ =	sdelay $0x1  }
0x4d7: {  	v11 =	vadd.f32 v13, v11;
	_ =	sdelay $0x1  }
0x4d8: {  	v11 =	vadd.f32 v14, v11  }
0x4d9: {  	s0 =	sor.u32 s31, s4  }
0x4da: {  	s25 =	sor.u32 s10, s24;
	[tilespmem:s0+$0x0] =	vst v11  }
0x4db: {  	v11 =	vld [tilespmem:s25+$0x0]  }
0x4dc: {  	v12 =	vld [tilespmem:s25+$0x80];
	_ =	sdelay $0x1  }
0x4dd: {  	v13 =	vld [tilespmem:s25+$0x100];
	_ =	sdelay $0x1  }
0x4de: {  	v14 =	vld [tilespmem:s25+$0x180]  }
0x4df: {  	v11 =	vadd.f32 v12, v11  }
0x4e0: {  	v15 =	vld [tilespmem:s25+$0x200]  }
0x4e1: {  	v11 =	vadd.f32 v13, v11  }
0x4e2: {  	v16 =	vld [tilespmem:s25+$0x280]  }
0x4e3: {  	v11 =	vadd.f32 v14, v11  }
0x4e4: {  	v17 =	vld [tilespmem:s25+$0x300]  }
0x4e5: {  	v11 =	vadd.f32 v15, v11  }
0x4e6: {  	v18 =	vld [tilespmem:s25+$0x380]  }
0x4e7: {  	s30 =	rddreg [dreg:$0x9];
	v16 =	vadd.f32 v16, v11  }
0x4e8: {  	v13 =	vld [tilespmem:s30+$0x0]  }
0x4e9: {  	s31 =	rddreg [dreg:$0x7];
	v16 =	vadd.f32 v17, v16  }
0x4ea: {  	v19 =	vld [tilespmem:s31+$0x0]  }
0x4eb: {  	v16 =	vadd.f32 v18, v16  }
0x4ec: {  	v14 =	vld [tilespmem:s28+$0x0]  }
0x4ed: {  	v13 =	vadd.f32 v13, v16  }
0x4ee: {  	v20 =	vld [tilespmem:s29+$0x0]  }
0x4ef: {  	v13 =	vadd.f32 v19, v13  }
0x4f0: {  	v15 =	vld [tilespmem:s26+$0x0]  }
0x4f1: {  	s9 =	sadd.s32 $0x4, s9;
	v13 =	vadd.f32 v14, v13  }
0x4f2: {  	p0 =	slt.u32 s9, $0x24;
	v21 =	vld [tilespmem:s20+$0x0]  }
.Ltmp4:
0x4f3: {  	v13 =	vadd.f32 v20, v13;
	(pc) =	sbr.rel @p0 .LBB2_9-.Ltmp4, $4  }
0x4f4: {  	_ = 	snop  }
0x4f5: {  	v13 =	vadd.f32 v15, v13  }
0x4f6: {  	v12 =	vld [tilespmem:s21+$0x0]  }
0x4f7: {  	s16 =	sadd.s32 $0x40, s16;
	s23 =	sor.u32 s10, s4;
	v11 =	vld [tilespmem:s19+$0x0];
	v13 =	vadd.f32 v21, v13  }
0x4f8: {  	_ =	sdelay $0x2  }
0x4f9: {  	v12 =	vadd.f32 v12, v13;
	_ =	sdelay $0x1  }
0x4fa: {  	s0 =	sld [smem:$0x7F5];
	v11 =	vadd.f32 v11, v12;
	_ =	sdelay $0x1  }
0x4fb: {  	s12 =	simm.s32 $0x0;
	s17 =	simm.s32 $0x2B80;
	s1 =	simm.s32 $0x9;
	[tilespmem:s23+$0x0] =	vst v11  }
0x4fc: {  	[hbm4b:s0+s12] =	stream.linear.scatter [tilespmem:s17], [sflag:$0x9], $0x280, $0x38;
	[tilespmem:$0xF480] =	vst v63  }
0x4fd: {  	_ =	swait.ge [sflag:s1], $0x280  }
0x4fe: {  	s30 =	sld [smem:$0x7F6]  }
0x4ff: {  	[sflag:s1] =	ssyncset.done $0x0  }
0x500: {  	s19 =	simm.s32 $0x5400;
	[sflag:s1] =	ssyncadd.s32 $0xFFFFFD80  }
0x501: {  	[hbm4b:s30+s12] =	stream.linear.scatter [tilespmem:s19], [sflag:$0x9], $0x280, $0x38;
	[tilespmem:$0xF480] =	vst v63  }
0x502: {  	_ =	swait.ge [sflag:s1], $0x280  }
0x503: {  	s2 =	sld [smem:$0x7E8]  }
0x504: {  	s31 =	sld [smem:$0x7F7];
	_ =	sdelay $0x1  }
0x505: {  	s8 =	simm.s32 $0x2780;
	s2 =	sadd.s32 $0x1, s2  }
0x506: {  	s10 =	simm.s32 $0x80;
	s4 =	sld [smem:$0x7F9];
	p0 =	sne.s32 s2, s31  }
.Ltmp5:
0x507: {  	s13 =	simm.s32 $0x2A80;
	s5 =	sld [smem:$0x7FA];
	(pc) =	sbr.rel @p0 .LBB2_1-.Ltmp5, $4  }
0x508: {  	s14 =	simm.s32 $0x1;
	s20 =	simm.s32 $0x2;
	s6 =	sld [smem:$0x7FB]  }
0x509: {  	s21 =	simm.s32 $0x3;
	[sflag:s1] =	ssyncset.done $0x0;
	s7 =	sld [smem:$0x7FC]  }
0x50a: {  	s22 =	simm.s32 $0x4;
	s3 =	sld [smem:$0x7FD];
	[sflag:s1] =	ssyncadd.s32 $0xFFFFFD80  }
0x50b: {  	s25 =	simm.s32 $0x6;
	s23 =	simm.s32 $0x5;
	s11 =	rddreg [dreg:$0x0]  }
0x50c: {  	_ =	sfence.sel $0x180000  }
0x50d: {  	[bflag:$0x0] =	sbarrier.arrive $0xFFFF  }
0x50e: {  	_ =	strace $0x90000047  }
0x50f: {  	s0 =	stileid.u32;
	[bflag:$0x2] =	sbarrier.arrive $0xFFFF  }
0x510: {  	p0 =	sne.s32 s0, $0x0;
	s0 =	rddreg [dreg:$0x5]  }
0x511: {  	s0 =	sadd.s32 @!p0 $0x100000, s0  }
0x512: {  	[sflag:s0] =	ssyncadd.tile.s32 @!p0 $0x1;
	_ =	shalt  }
.Lfunc_end2:
_tile_overlayer_lowered:
.L_overlay_start_2:
0x513: {  	(tag) =	ssettag $0x2  }
0x514: {  	s0 =	rddreg [dreg:$0x0];
	s2 =	stileid.u32  }
0x515: {  	s1 =	rddreg [dreg:$0x1];
	p0 =	sne.s32 s2, $0x0  }
0x516: {  	s3 =	rddreg [dreg:$0x2];
	[bflag:$0x3] =	sbarrier.arrive $0xFFFF;
	s2 =	simm.s32 @!p0 $0x1C09  }
0x517: {  	[timem:s3], [sflag:s2] =	dma.local @!p0 [hbm:s0], s1  }
0x518: {  	s0 =	simm.s32 @!p0 $0x9  }
0x519: {  	_ =	swait.ge @!p0 [sflag:s0], s1  }
0x51a: {  	s1 =	ssub.s32 @!p0 $0x0, s1;
	[sflag:s0] =	ssyncset.done @!p0 $0x0  }
0x51b: {  	[sflag:s0] =	ssyncadd.s32 @!p0 s1  }
0x51c: {  	[bflag:$0x3] =	sbarrier.arrive $0xFFFF  }
0x51d: {  	_ =	shalt  }

</sc_bundles>
